<compile_context>
chip_gen: v7x
topology: tpu7x:2x2x1
jax: 0.10.2.dev20260603
libtpu: 0.0.44.dev20260713+nightly
codegen_flags: <defaults>
</compile_context>

<pallas_src>
import jax
import jax.numpy as jnp
from jax import lax
from jax.experimental import pallas as pl
from jax.experimental.pallas import tpu as pltpu
from jax.experimental.pallas import tpu_sc as plsc

_CT_COLS = 128
_IND_CHUNK = 128

_NW = 32
_SLOTS_PER_W = 4
_PARTS = 4
_PART_ROWS = 16
_NBUF = 3
_IND_WORKERS = 25
_IND_PER_W = 4000


def _tc_body(s_ref, ct_ref, ind_ref, t_ref, ct_out, chunk_smem, sem):
    idx = s_ref[0]

    base = pl.multiple_of((idx // _IND_CHUNK) * _IND_CHUNK, _IND_CHUNK)
    cur_cp = pltpu.make_async_copy(
        ind_ref.at[pl.ds(base, _IND_CHUNK)], chunk_smem, sem)
    cur_cp.start()
    cur_cp.wait()
    cursor = chunk_smem[idx - base]

    cc = idx - (idx // _CT_COLS) * _CT_COLS
    row_i = jax.lax.broadcasted_iota(jnp.int32, ct_ref.shape, 0)
    col_i = jax.lax.broadcasted_iota(jnp.int32, ct_ref.shape, 1)
    ct_out[...] = jnp.where((row_i == cursor) & (col_i == cc),
                            t_ref[0], ct_ref[...])


def _sc_body(idx16_ref, si16_ref, ind_ref, saved_ref, new_ref,
             ind_out, saved_out, bufs, indbuf, sbuf, in_sems, out_sems):
    wid = lax.axis_index("s") * 2 + lax.axis_index("c")

    pltpu.sync_copy(idx16_ref, sbuf)
    idx = jnp.max(sbuf[...])
    pltpu.sync_copy(si16_ref, sbuf)
    si = jnp.max(sbuf[...])

    n_chunks = _SLOTS_PER_W * _PARTS

    def chunk_coords(j):
        slot = wid * _SLOTS_PER_W + (j // _PARTS)
        part = (j % _PARTS) * _PART_ROWS
        return slot, part

    def start_in(j):
        slot, part = chunk_coords(j)
        buf = bufs.at[j % _NBUF]
        sem = in_sems.at[j % _NBUF]

        @pl.when(slot == si)
        def _():
            pltpu.make_async_copy(
                new_ref.at[slot, pl.ds(part, _PART_ROWS), :], buf, sem
            ).start()

        @pl.when(slot != si)
        def _():
            pltpu.make_async_copy(
                saved_ref.at[slot, pl.ds(part, _PART_ROWS), :], buf, sem
            ).start()

    def wait_in(j):
        slot, part = chunk_coords(j)
        pltpu.make_async_copy(
            saved_ref.at[slot, pl.ds(part, _PART_ROWS), :],
            bufs.at[j % _NBUF], in_sems.at[j % _NBUF]).wait()

    def out_cp(j):
        slot, part = chunk_coords(j)
        return pltpu.make_async_copy(
            bufs.at[j % _NBUF],
            saved_out.at[slot, pl.ds(part, _PART_ROWS), :],
            out_sems.at[j % _NBUF])

    for j in range(_NBUF):
        start_in(j)
    for k in range(n_chunks):
        wait_in(k)
        out_cp(k).start()
        if k >= 1:
            out_cp(k - 1).wait()
            j = k - 1 + _NBUF
            if j < n_chunks:
                start_in(j)
    out_cp(n_chunks - 1).wait()

    @pl.when(wid < _IND_WORKERS)
    def _():
        base = wid * _IND_PER_W
        pltpu.sync_copy(ind_ref.at[pl.ds(base, _IND_PER_W)], indbuf)

        @pl.when(wid == idx // _IND_PER_W)
        def _():
            g = pl.multiple_of((idx // 16) * 16 - base, 8)
            v = indbuf[pl.ds(g, 16)]
            lane = idx - (idx // 16) * 16
            indbuf[pl.ds(g, 16)] = jnp.where(
                lax.iota(jnp.int32, 16) == lane, v + 1, v)

        pltpu.sync_copy(indbuf, ind_out.at[pl.ds(base, _IND_PER_W)])


def kernel(clicktimes, indices, idx, t, saved, new, save_index):
    idx32 = jnp.asarray(idx, jnp.int32)
    si32 = jnp.asarray(save_index, jnp.int32)
    t_arr = jnp.asarray(t, jnp.float32).reshape(1)
    idx16 = jnp.full((16,), idx32, jnp.int32)
    si16 = jnp.full((16,), si32, jnp.int32)

    ct_t = clicktimes.T
    saved_t = saved.transpose(0, 2, 1)
    new_t = new.transpose(0, 2, 1)

    mesh = plsc.VectorSubcoreMesh(core_axis_name="c", subcore_axis_name="s")
    sc_fn = pl.kernel(
        _sc_body,
        out_type=[
            jax.ShapeDtypeStruct(indices.shape, indices.dtype),
            jax.ShapeDtypeStruct(saved_t.shape, saved_t.dtype),
        ],
        mesh=mesh,
        scratch_types=[
            pltpu.VMEM((_NBUF, _PART_ROWS, saved_t.shape[2]), saved_t.dtype),
            pltpu.VMEM((_IND_PER_W,), indices.dtype),
            pltpu.VMEM((16,), jnp.int32),
            pltpu.SemaphoreType.DMA((_NBUF,)),
            pltpu.SemaphoreType.DMA((_NBUF,)),
        ],
        compiler_params=pltpu.CompilerParams(needs_layout_passes=False,
                                             skip_device_barrier=True),
    )
    ind_out, saved_out_t = sc_fn(idx16, si16, indices, saved_t, new_t)

    n_clicks = ct_t.shape[0]
    grid_spec = pltpu.PrefetchScalarGridSpec(
        num_scalar_prefetch=1,
        grid=(1,),
        in_specs=[
            pl.BlockSpec((n_clicks, _CT_COLS),
                         lambda i, s: (0, s[0] // _CT_COLS)),
            pl.BlockSpec(memory_space=pltpu.HBM),
            pl.BlockSpec(memory_space=pltpu.SMEM),
        ],
        out_specs=[
            pl.BlockSpec((n_clicks, _CT_COLS),
                         lambda i, s: (0, s[0] // _CT_COLS)),
        ],
        scratch_shapes=[
            pltpu.SMEM((_IND_CHUNK,), indices.dtype),
            pltpu.SemaphoreType.DMA,
        ],
    )
    (ct_out_t,) = pl.pallas_call(
        _tc_body,
        grid_spec=grid_spec,
        out_shape=[jax.ShapeDtypeStruct(ct_t.shape, ct_t.dtype)],
        input_output_aliases={1: 0},
        compiler_params=pltpu.CompilerParams(skip_device_barrier=True),
    )(jnp.stack([idx32]), ct_t, indices, t_arr)

    return (ct_out_t.T, ind_out, saved_out_t.transpose(0, 2, 1),
            save_index + 1)

# --- scband reference (transcript-rebuilt; emitter-appended) ---
"""Pipeline reference for scband-jump-state-17781164605924 (READ-ONLY COPY).

The authoritative reference and input builder live on the scoring server;
editing this copy changes nothing except your own understanding.
"""

import jax, jax.numpy as jnp
import numpy as np

N_DET = 100000
MAX_CLICKS = 200
N_SAVE = 128
BATCH = 2048
DIM = 64

def setup_inputs(seed: int = 0) -> dict:
    key = jax.random.key(seed)
    k1, k2, k3, k4, k5 = jax.random.split(key, 5)
    clicktimes = jax.random.normal(k1, (N_DET, MAX_CLICKS), dtype=jnp.float32)
    indices = jax.random.randint(k2, (N_DET,), 0, MAX_CLICKS, dtype=jnp.int64) if jax.config.jax_enable_x64 else jax.random.randint(k2, (N_DET,), 0, MAX_CLICKS, dtype=jnp.int32)
    idx = 12345  # detector that clicked (python int, < N_DET)
    t = jax.random.uniform(k3, (), dtype=jnp.float32)  # click time
    saved = jax.random.normal(k4, (N_SAVE, BATCH, DIM), dtype=jnp.float32)
    new = jax.random.normal(k5, (N_SAVE, BATCH, DIM), dtype=jnp.float32)
    save_index = 64  # current save slot (python int, < N_SAVE)
    return {"clicktimes": clicktimes, "indices": indices, "idx": idx, "t": t, "saved": saved, "new": new, "save_index": save_index}

def reference(clicktimes, indices, idx, t, saved, new, save_index):
    # JumpState.new_click: record click time at cursor position, bump cursor
    cursor = indices[idx]
    clicktimes_out = clicktimes.at[idx, cursor].set(t)
    indices_out = indices.at[idx].add(1)
    # JumpState.new_save: jax.tree.map(lambda _new, _saved: _saved.at[i].set(_new[i]), new, saved)
    # SolveSaved modeled as a single dense buffer leaf
    saved_out = jax.tree.map(lambda _new, _saved: _saved.at[save_index].set(_new[save_index]), new, saved)
    save_index_out = save_index + 1
    return (clicktimes_out, indices_out, saved_out, save_index_out)

if __name__ == "__main__":
    import jax
    _d = setup_inputs()
    print(jax.jit(kernel)(*tuple(_d.values())))

</pallas_src>

<mosaic_0001>
#map = affine_map<(d0, d1) -> (0)>
#map1 = affine_map<(d0, d1) -> (0, 0, 0)>
module attributes {stable_mosaic.version = 14 : i64} {
  func.func @_sc_body(%arg0: i32, %arg1: i32, %arg2: memref<16xi32, #tpu.memory_space<hbm>>, %arg3: memref<16xi32, #tpu.memory_space<hbm>>, %arg4: memref<100000xi32, #tpu.memory_space<hbm>>, %arg5: memref<128x64x2048xf32, #tpu.memory_space<hbm>>, %arg6: memref<128x64x2048xf32, #tpu.memory_space<hbm>>, %arg7: memref<100000xi32, #tpu.memory_space<hbm>>, %arg8: memref<128x64x2048xf32, #tpu.memory_space<hbm>>, %arg9: memref<3x16x2048xf32, #tpu.memory_space<vmem>>, %arg10: memref<4000xi32, #tpu.memory_space<vmem>>, %arg11: memref<16xi32, #tpu.memory_space<vmem>>, %arg12: memref<3x!tpu.dma_semaphore, #tpu.memory_space<semaphore_mem>>, %arg13: memref<3x!tpu.dma_semaphore, #tpu.memory_space<semaphore_mem>>) attributes {dimension_semantics = [#tpu.dimension_semantics<core_parallel>, #tpu.dimension_semantics<subcore_parallel>], iteration_bounds = array<i64: 2, 16>, scalar_prefetch = 0 : i64, scratch_operands = 5 : i64, tpu.core_type = #tpu.core_type<sc_vector_subcore>, window_params = [{transform_indices = #map}, {transform_indices = #map}, {transform_indices = #map}, {transform_indices = #map1}, {transform_indices = #map1}, {transform_indices = #map}, {transform_indices = #map1}]} {
    %mul3A = arith.constant 2 : i32
    %mul3A_0 = arith.muli %arg1, %mul3A : i32
    %add3A = arith.addi %mul3A_0, %arg0 : i32
    "tpu.region"() ({
      %run_scoped3A = tpu.sem_alloc : memref<!tpu.dma_semaphore, #tpu.memory_space<semaphore_mem>>
      tpu.enqueue_dma source(%arg2 : memref<16xi32, #tpu.memory_space<hbm>>) target(%arg11 : memref<16xi32, #tpu.memory_space<vmem>>) target_semaphore(%run_scoped3A : memref<!tpu.dma_semaphore, #tpu.memory_space<semaphore_mem>>)
      tpu.wait_dma2 semaphore(%run_scoped3A : memref<!tpu.dma_semaphore, #tpu.memory_space<semaphore_mem>>) src(%arg2 : memref<16xi32, #tpu.memory_space<hbm>>) dst(%arg11 : memref<16xi32, #tpu.memory_space<vmem>>)
      tpu.yield
    }) : () -> ()
    %get3A = arith.constant 0 : index
    %get3A_1 = tpu.vector_load %arg11[%get3A] {strides = array<i32>} : memref<16xi32, #tpu.memory_space<vmem>>, vector<16xi32>,
    %reduce_max3A = arith.constant true
    %reduce_max3A_2 = vector.broadcast %reduce_max3A : i1 to vector<16xi1>
    %reduce_max3A_3 = arith.constant -2147483648 : i32
    %reduce_max3A_4 = vector.broadcast %reduce_max3A_3 : i32 to vector<16xi32>
    %reduce_max3A_5 = arith.xori %get3A_1, %reduce_max3A_4 : vector<16xi32>
    %reduce_max3A_6 = tpu.scan <max>, %reduce_max3A_5 masked %reduce_max3A_2 : vector<16xi32>, vector<16xi1> -> vector<16xi32>
    %reduce_max3A_7 = arith.xori %reduce_max3A_6, %reduce_max3A_4 : vector<16xi32>
    %reduce_max3A_8 = vector.extract %reduce_max3A_7[15] : i32 from vector<16xi32>
    "tpu.region"() ({
      %run_scoped3A = tpu.sem_alloc : memref<!tpu.dma_semaphore, #tpu.memory_space<semaphore_mem>>
      tpu.enqueue_dma source(%arg3 : memref<16xi32, #tpu.memory_space<hbm>>) target(%arg11 : memref<16xi32, #tpu.memory_space<vmem>>) target_semaphore(%run_scoped3A : memref<!tpu.dma_semaphore, #tpu.memory_space<semaphore_mem>>)
      tpu.wait_dma2 semaphore(%run_scoped3A : memref<!tpu.dma_semaphore, #tpu.memory_space<semaphore_mem>>) src(%arg3 : memref<16xi32, #tpu.memory_space<hbm>>) dst(%arg11 : memref<16xi32, #tpu.memory_space<vmem>>)
      tpu.yield
    }) : () -> ()
    %get3A_9 = arith.constant 0 : index
    %get3A_10 = tpu.vector_load %arg11[%get3A_9] {strides = array<i32>} : memref<16xi32, #tpu.memory_space<vmem>>, vector<16xi32>,
    %reduce_max3A_11 = arith.constant true
    %reduce_max3A_12 = vector.broadcast %reduce_max3A_11 : i1 to vector<16xi1>
    %reduce_max3A_13 = arith.constant -2147483648 : i32
    %reduce_max3A_14 = vector.broadcast %reduce_max3A_13 : i32 to vector<16xi32>
    %reduce_max3A_15 = arith.xori %get3A_10, %reduce_max3A_14 : vector<16xi32>
    %reduce_max3A_16 = tpu.scan <max>, %reduce_max3A_15 masked %reduce_max3A_12 : vector<16xi32>, vector<16xi1> -> vector<16xi32>
    %reduce_max3A_17 = arith.xori %reduce_max3A_16, %reduce_max3A_14 : vector<16xi32>
    %reduce_max3A_18 = vector.extract %reduce_max3A_17[15] : i32 from vector<16xi32>
    %mul3A_19 = arith.constant 4 : i32
    %mul3A_20 = arith.muli %add3A, %mul3A_19 : i32
    %add3A_21 = arith.constant 0 : i32
    %add3A_22 = arith.addi %mul3A_20, %add3A_21 : i32
    %eq3A = arith.cmpi eq, %add3A_22, %reduce_max3A_18 : i32
    %convert_element_type3A = arith.extui %eq3A : i1 to i32
    %cond3A = arith.constant 0 : i32
    %cond3A_23 = arith.constant 0 : i32
    %cond3A_24 = arith.constant 0 : i32
    %cond3A_25 = arith.cmpi ne, %convert_element_type3A, %cond3A_24 : i32
    scf.if %cond3A_25 {
      %dma_start3A_1425 = arith.constant 0 : i32
      %dma_start3A_1426 = arith.constant 0 : i32
      %dma_start3A_1427 = tpu.memref_slice %arg9[%cond3A, %dma_start3A_1425, %dma_start3A_1426] : memref<3x16x2048xf32, #tpu.memory_space<vmem>> -> memref<1x16x2048xf32, #tpu.memory_space<vmem>>
      %dma_start3A_1428 = tpu.memref_squeeze %dma_start3A_1427 : memref<1x16x2048xf32, #tpu.memory_space<vmem>> -> memref<16x2048xf32, #tpu.memory_space<vmem>>
      %dma_start3A_1429 = arith.constant 0 : i32
      %dma_start3A_1430 = arith.constant 0 : i32
      %dma_start3A_1431 = tpu.memref_slice %arg6[%add3A_22, %dma_start3A_1429, %dma_start3A_1430] : memref<128x64x2048xf32, #tpu.memory_space<hbm>> -> memref<1x16x2048xf32, #tpu.memory_space<hbm>>
      %dma_start3A_1432 = tpu.memref_squeeze %dma_start3A_1431 : memref<1x16x2048xf32, #tpu.memory_space<hbm>> -> memref<16x2048xf32, #tpu.memory_space<hbm>>
      %dma_start3A_1433 = tpu.memref_slice %arg12[%cond3A_23] : memref<3x!tpu.dma_semaphore, #tpu.memory_space<semaphore_mem>> -> memref<1x!tpu.dma_semaphore, #tpu.memory_space<semaphore_mem>>
      %dma_start3A_1434 = tpu.memref_squeeze %dma_start3A_1433 : memref<1x!tpu.dma_semaphore, #tpu.memory_space<semaphore_mem>> -> memref<!tpu.dma_semaphore, #tpu.memory_space<semaphore_mem>>
      %dma_start3A_1435 = arith.constant 0 : i32
      %dma_start3A_1436 = arith.constant 0 : i32
      %dma_start3A_1437 = tpu.memref_slice %arg9[%cond3A, %dma_start3A_1435, %dma_start3A_1436] : memref<3x16x2048xf32, #tpu.memory_space<vmem>> -> memref<1x16x2048xf32, #tpu.memory_space<vmem>>
      %dma_start3A_1438 = tpu.memref_squeeze %dma_start3A_1437 : memref<1x16x2048xf32, #tpu.memory_space<vmem>> -> memref<16x2048xf32, #tpu.memory_space<vmem>>
      %dma_start3A_1439 = arith.constant 0 : i32
      %dma_start3A_1440 = arith.constant 0 : i32
      %dma_start3A_1441 = tpu.memref_slice %arg6[%add3A_22, %dma_start3A_1439, %dma_start3A_1440] : memref<128x64x2048xf32, #tpu.memory_space<hbm>> -> memref<1x16x2048xf32, #tpu.memory_space<hbm>>
      %dma_start3A_1442 = tpu.memref_squeeze %dma_start3A_1441 : memref<1x16x2048xf32, #tpu.memory_space<hbm>> -> memref<16x2048xf32, #tpu.memory_space<hbm>>
      tpu.enqueue_dma source(%dma_start3A_1442 : memref<16x2048xf32, #tpu.memory_space<hbm>>) target(%dma_start3A_1438 : memref<16x2048xf32, #tpu.memory_space<vmem>>) target_semaphore(%dma_start3A_1434 : memref<!tpu.dma_semaphore, #tpu.memory_space<semaphore_mem>>)
    } else {
    }
    %ne3A = arith.cmpi ne, %add3A_22, %reduce_max3A_18 : i32
    %convert_element_type3A_26 = arith.extui %ne3A : i1 to i32
    %cond3A_27 = arith.constant 0 : i32
    %cond3A_28 = arith.constant 0 : i32
    %cond3A_29 = arith.constant 0 : i32
    %cond3A_30 = arith.cmpi ne, %convert_element_type3A_26, %cond3A_29 : i32
    scf.if %cond3A_30 {
      %dma_start3A_1425 = arith.constant 0 : i32
      %dma_start3A_1426 = arith.constant 0 : i32
      %dma_start3A_1427 = tpu.memref_slice %arg9[%cond3A_27, %dma_start3A_1425, %dma_start3A_1426] : memref<3x16x2048xf32, #tpu.memory_space<vmem>> -> memref<1x16x2048xf32, #tpu.memory_space<vmem>>
      %dma_start3A_1428 = tpu.memref_squeeze %dma_start3A_1427 : memref<1x16x2048xf32, #tpu.memory_space<vmem>> -> memref<16x2048xf32, #tpu.memory_space<vmem>>
      %dma_start3A_1429 = arith.constant 0 : i32
      %dma_start3A_1430 = arith.constant 0 : i32
      %dma_start3A_1431 = tpu.memref_slice %arg5[%add3A_22, %dma_start3A_1429, %dma_start3A_1430] : memref<128x64x2048xf32, #tpu.memory_space<hbm>> -> memref<1x16x2048xf32, #tpu.memory_space<hbm>>
      %dma_start3A_1432 = tpu.memref_squeeze %dma_start3A_1431 : memref<1x16x2048xf32, #tpu.memory_space<hbm>> -> memref<16x2048xf32, #tpu.memory_space<hbm>>
      %dma_start3A_1433 = tpu.memref_slice %arg12[%cond3A_28] : memref<3x!tpu.dma_semaphore, #tpu.memory_space<semaphore_mem>> -> memref<1x!tpu.dma_semaphore, #tpu.memory_space<semaphore_mem>>
      %dma_start3A_1434 = tpu.memref_squeeze %dma_start3A_1433 : memref<1x!tpu.dma_semaphore, #tpu.memory_space<semaphore_mem>> -> memref<!tpu.dma_semaphore, #tpu.memory_space<semaphore_mem>>
      %dma_start3A_1435 = arith.constant 0 : i32
      %dma_start3A_1436 = arith.constant 0 : i32
      %dma_start3A_1437 = tpu.memref_slice %arg9[%cond3A_27, %dma_start3A_1435, %dma_start3A_1436] : memref<3x16x2048xf32, #tpu.memory_space<vmem>> -> memref<1x16x2048xf32, #tpu.memory_space<vmem>>
      %dma_start3A_1438 = tpu.memref_squeeze %dma_start3A_1437 : memref<1x16x2048xf32, #tpu.memory_space<vmem>> -> memref<16x2048xf32, #tpu.memory_space<vmem>>
      %dma_start3A_1439 = arith.constant 0 : i32
      %dma_start3A_1440 = arith.constant 0 : i32
      %dma_start3A_1441 = tpu.memref_slice %arg5[%add3A_22, %dma_start3A_1439, %dma_start3A_1440] : memref<128x64x2048xf32, #tpu.memory_space<hbm>> -> memref<1x16x2048xf32, #tpu.memory_space<hbm>>
      %dma_start3A_1442 = tpu.memref_squeeze %dma_start3A_1441 : memref<1x16x2048xf32, #tpu.memory_space<hbm>> -> memref<16x2048xf32, #tpu.memory_space<hbm>>
      tpu.enqueue_dma source(%dma_start3A_1442 : memref<16x2048xf32, #tpu.memory_space<hbm>>) target(%dma_start3A_1438 : memref<16x2048xf32, #tpu.memory_space<vmem>>) target_semaphore(%dma_start3A_1434 : memref<!tpu.dma_semaphore, #tpu.memory_space<semaphore_mem>>)
    } else {
    }
    %mul3A_31 = arith.constant 4 : i32
    %mul3A_32 = arith.muli %add3A, %mul3A_31 : i32
    %add3A_33 = arith.constant 0 : i32
    %add3A_34 = arith.addi %mul3A_32, %add3A_33 : i32
    %eq3A_35 = arith.cmpi eq, %add3A_34, %reduce_max3A_18 : i32
    %convert_element_type3A_36 = arith.extui %eq3A_35 : i1 to i32
    %cond3A_37 = arith.constant 1 : i32
    %cond3A_38 = arith.constant 1 : i32
    %cond3A_39 = arith.constant 0 : i32
    %cond3A_40 = arith.cmpi ne, %convert_element_type3A_36, %cond3A_39 : i32
    scf.if %cond3A_40 {
      %dma_start3A_1425 = arith.constant 0 : i32
      %dma_start3A_1426 = arith.constant 0 : i32
      %dma_start3A_1427 = tpu.memref_slice %arg9[%cond3A_37, %dma_start3A_1425, %dma_start3A_1426] : memref<3x16x2048xf32, #tpu.memory_space<vmem>> -> memref<1x16x2048xf32, #tpu.memory_space<vmem>>
      %dma_start3A_1428 = tpu.memref_squeeze %dma_start3A_1427 : memref<1x16x2048xf32, #tpu.memory_space<vmem>> -> memref<16x2048xf32, #tpu.memory_space<vmem>>
      %dma_start3A_1429 = arith.constant 16 : i32
      %dma_start3A_1430 = arith.constant 0 : i32
      %dma_start3A_1431 = tpu.memref_slice %arg6[%add3A_34, %dma_start3A_1429, %dma_start3A_1430] : memref<128x64x2048xf32, #tpu.memory_space<hbm>> -> memref<1x16x2048xf32, #tpu.memory_space<hbm>>
      %dma_start3A_1432 = tpu.memref_squeeze %dma_start3A_1431 : memref<1x16x2048xf32, #tpu.memory_space<hbm>> -> memref<16x2048xf32, #tpu.memory_space<hbm>>
      %dma_start3A_1433 = tpu.memref_slice %arg12[%cond3A_38] : memref<3x!tpu.dma_semaphore, #tpu.memory_space<semaphore_mem>> -> memref<1x!tpu.dma_semaphore, #tpu.memory_space<semaphore_mem>>
      %dma_start3A_1434 = tpu.memref_squeeze %dma_start3A_1433 : memref<1x!tpu.dma_semaphore, #tpu.memory_space<semaphore_mem>> -> memref<!tpu.dma_semaphore, #tpu.memory_space<semaphore_mem>>
      %dma_start3A_1435 = arith.constant 0 : i32
      %dma_start3A_1436 = arith.constant 0 : i32
      %dma_start3A_1437 = tpu.memref_slice %arg9[%cond3A_37, %dma_start3A_1435, %dma_start3A_1436] : memref<3x16x2048xf32, #tpu.memory_space<vmem>> -> memref<1x16x2048xf32, #tpu.memory_space<vmem>>
      %dma_start3A_1438 = tpu.memref_squeeze %dma_start3A_1437 : memref<1x16x2048xf32, #tpu.memory_space<vmem>> -> memref<16x2048xf32, #tpu.memory_space<vmem>>
      %dma_start3A_1439 = arith.constant 16 : i32
      %dma_start3A_1440 = arith.constant 0 : i32
      %dma_start3A_1441 = tpu.memref_slice %arg6[%add3A_34, %dma_start3A_1439, %dma_start3A_1440] : memref<128x64x2048xf32, #tpu.memory_space<hbm>> -> memref<1x16x2048xf32, #tpu.memory_space<hbm>>
      %dma_start3A_1442 = tpu.memref_squeeze %dma_start3A_1441 : memref<1x16x2048xf32, #tpu.memory_space<hbm>> -> memref<16x2048xf32, #tpu.memory_space<hbm>>
      tpu.enqueue_dma source(%dma_start3A_1442 : memref<16x2048xf32, #tpu.memory_space<hbm>>) target(%dma_start3A_1438 : memref<16x2048xf32, #tpu.memory_space<vmem>>) target_semaphore(%dma_start3A_1434 : memref<!tpu.dma_semaphore, #tpu.memory_space<semaphore_mem>>)
    } else {
    }
    %ne3A_41 = arith.cmpi ne, %add3A_34, %reduce_max3A_18 : i32
    %convert_element_type3A_42 = arith.extui %ne3A_41 : i1 to i32
    %cond3A_43 = arith.constant 1 : i32
    %cond3A_44 = arith.constant 1 : i32
    %cond3A_45 = arith.constant 0 : i32
    %cond3A_46 = arith.cmpi ne, %convert_element_type3A_42, %cond3A_45 : i32
    scf.if %cond3A_46 {
      %dma_start3A_1425 = arith.constant 0 : i32
      %dma_start3A_1426 = arith.constant 0 : i32
      %dma_start3A_1427 = tpu.memref_slice %arg9[%cond3A_43, %dma_start3A_1425, %dma_start3A_1426] : memref<3x16x2048xf32, #tpu.memory_space<vmem>> -> memref<1x16x2048xf32, #tpu.memory_space<vmem>>
      %dma_start3A_1428 = tpu.memref_squeeze %dma_start3A_1427 : memref<1x16x2048xf32, #tpu.memory_space<vmem>> -> memref<16x2048xf32, #tpu.memory_space<vmem>>
      %dma_start3A_1429 = arith.constant 16 : i32
      %dma_start3A_1430 = arith.constant 0 : i32
      %dma_start3A_1431 = tpu.memref_slice %arg5[%add3A_34, %dma_start3A_1429, %dma_start3A_1430] : memref<128x64x2048xf32, #tpu.memory_space<hbm>> -> memref<1x16x2048xf32, #tpu.memory_space<hbm>>
      %dma_start3A_1432 = tpu.memref_squeeze %dma_start3A_1431 : memref<1x16x2048xf32, #tpu.memory_space<hbm>> -> memref<16x2048xf32, #tpu.memory_space<hbm>>
      %dma_start3A_1433 = tpu.memref_slice %arg12[%cond3A_44] : memref<3x!tpu.dma_semaphore, #tpu.memory_space<semaphore_mem>> -> memref<1x!tpu.dma_semaphore, #tpu.memory_space<semaphore_mem>>
      %dma_start3A_1434 = tpu.memref_squeeze %dma_start3A_1433 : memref<1x!tpu.dma_semaphore, #tpu.memory_space<semaphore_mem>> -> memref<!tpu.dma_semaphore, #tpu.memory_space<semaphore_mem>>
      %dma_start3A_1435 = arith.constant 0 : i32
      %dma_start3A_1436 = arith.constant 0 : i32
      %dma_start3A_1437 = tpu.memref_slice %arg9[%cond3A_43, %dma_start3A_1435, %dma_start3A_1436] : memref<3x16x2048xf32, #tpu.memory_space<vmem>> -> memref<1x16x2048xf32, #tpu.memory_space<vmem>>
      %dma_start3A_1438 = tpu.memref_squeeze %dma_start3A_1437 : memref<1x16x2048xf32, #tpu.memory_space<vmem>> -> memref<16x2048xf32, #tpu.memory_space<vmem>>
      %dma_start3A_1439 = arith.constant 16 : i32
      %dma_start3A_1440 = arith.constant 0 : i32
      %dma_start3A_1441 = tpu.memref_slice %arg5[%add3A_34, %dma_start3A_1439, %dma_start3A_1440] : memref<128x64x2048xf32, #tpu.memory_space<hbm>> -> memref<1x16x2048xf32, #tpu.memory_space<hbm>>
      %dma_start3A_1442 = tpu.memref_squeeze %dma_start3A_1441 : memref<1x16x2048xf32, #tpu.memory_space<hbm>> -> memref<16x2048xf32, #tpu.memory_space<hbm>>
      tpu.enqueue_dma source(%dma_start3A_1442 : memref<16x2048xf32, #tpu.memory_space<hbm>>) target(%dma_start3A_1438 : memref<16x2048xf32, #tpu.memory_space<vmem>>) target_semaphore(%dma_start3A_1434 : memref<!tpu.dma_semaphore, #tpu.memory_space<semaphore_mem>>)
    } else {
    }
    %mul3A_47 = arith.constant 4 : i32
    %mul3A_48 = arith.muli %add3A, %mul3A_47 : i32
    %add3A_49 = arith.constant 0 : i32
    %add3A_50 = arith.addi %mul3A_48, %add3A_49 : i32
    %eq3A_51 = arith.cmpi eq, %add3A_50, %reduce_max3A_18 : i32
    %convert_element_type3A_52 = arith.extui %eq3A_51 : i1 to i32
    %cond3A_53 = arith.constant 2 : i32
    %cond3A_54 = arith.constant 2 : i32
    %cond3A_55 = arith.constant 0 : i32
    %cond3A_56 = arith.cmpi ne, %convert_element_type3A_52, %cond3A_55 : i32
    scf.if %cond3A_56 {
      %dma_start3A_1425 = arith.constant 0 : i32
      %dma_start3A_1426 = arith.constant 0 : i32
      %dma_start3A_1427 = tpu.memref_slice %arg9[%cond3A_53, %dma_start3A_1425, %dma_start3A_1426] : memref<3x16x2048xf32, #tpu.memory_space<vmem>> -> memref<1x16x2048xf32, #tpu.memory_space<vmem>>
      %dma_start3A_1428 = tpu.memref_squeeze %dma_start3A_1427 : memref<1x16x2048xf32, #tpu.memory_space<vmem>> -> memref<16x2048xf32, #tpu.memory_space<vmem>>
      %dma_start3A_1429 = arith.constant 32 : i32
      %dma_start3A_1430 = arith.constant 0 : i32
      %dma_start3A_1431 = tpu.memref_slice %arg6[%add3A_50, %dma_start3A_1429, %dma_start3A_1430] : memref<128x64x2048xf32, #tpu.memory_space<hbm>> -> memref<1x16x2048xf32, #tpu.memory_space<hbm>>
      %dma_start3A_1432 = tpu.memref_squeeze %dma_start3A_1431 : memref<1x16x2048xf32, #tpu.memory_space<hbm>> -> memref<16x2048xf32, #tpu.memory_space<hbm>>
      %dma_start3A_1433 = tpu.memref_slice %arg12[%cond3A_54] : memref<3x!tpu.dma_semaphore, #tpu.memory_space<semaphore_mem>> -> memref<1x!tpu.dma_semaphore, #tpu.memory_space<semaphore_mem>>
      %dma_start3A_1434 = tpu.memref_squeeze %dma_start3A_1433 : memref<1x!tpu.dma_semaphore, #tpu.memory_space<semaphore_mem>> -> memref<!tpu.dma_semaphore, #tpu.memory_space<semaphore_mem>>
      %dma_start3A_1435 = arith.constant 0 : i32
      %dma_start3A_1436 = arith.constant 0 : i32
      %dma_start3A_1437 = tpu.memref_slice %arg9[%cond3A_53, %dma_start3A_1435, %dma_start3A_1436] : memref<3x16x2048xf32, #tpu.memory_space<vmem>> -> memref<1x16x2048xf32, #tpu.memory_space<vmem>>
      %dma_start3A_1438 = tpu.memref_squeeze %dma_start3A_1437 : memref<1x16x2048xf32, #tpu.memory_space<vmem>> -> memref<16x2048xf32, #tpu.memory_space<vmem>>
      %dma_start3A_1439 = arith.constant 32 : i32
      %dma_start3A_1440 = arith.constant 0 : i32
      %dma_start3A_1441 = tpu.memref_slice %arg6[%add3A_50, %dma_start3A_1439, %dma_start3A_1440] : memref<128x64x2048xf32, #tpu.memory_space<hbm>> -> memref<1x16x2048xf32, #tpu.memory_space<hbm>>
      %dma_start3A_1442 = tpu.memref_squeeze %dma_start3A_1441 : memref<1x16x2048xf32, #tpu.memory_space<hbm>> -> memref<16x2048xf32, #tpu.memory_space<hbm>>
      tpu.enqueue_dma source(%dma_start3A_1442 : memref<16x2048xf32, #tpu.memory_space<hbm>>) target(%dma_start3A_1438 : memref<16x2048xf32, #tpu.memory_space<vmem>>) target_semaphore(%dma_start3A_1434 : memref<!tpu.dma_semaphore, #tpu.memory_space<semaphore_mem>>)
    } else {
    }
    %ne3A_57 = arith.cmpi ne, %add3A_50, %reduce_max3A_18 : i32
    %convert_element_type3A_58 = arith.extui %ne3A_57 : i1 to i32
    %cond3A_59 = arith.constant 2 : i32
    %cond3A_60 = arith.constant 2 : i32
    %cond3A_61 = arith.constant 0 : i32
    %cond3A_62 = arith.cmpi ne, %convert_element_type3A_58, %cond3A_61 : i32
    scf.if %cond3A_62 {
      %dma_start3A_1425 = arith.constant 0 : i32
      %dma_start3A_1426 = arith.constant 0 : i32
      %dma_start3A_1427 = tpu.memref_slice %arg9[%cond3A_59, %dma_start3A_1425, %dma_start3A_1426] : memref<3x16x2048xf32, #tpu.memory_space<vmem>> -> memref<1x16x2048xf32, #tpu.memory_space<vmem>>
      %dma_start3A_1428 = tpu.memref_squeeze %dma_start3A_1427 : memref<1x16x2048xf32, #tpu.memory_space<vmem>> -> memref<16x2048xf32, #tpu.memory_space<vmem>>
      %dma_start3A_1429 = arith.constant 32 : i32
      %dma_start3A_1430 = arith.constant 0 : i32
      %dma_start3A_1431 = tpu.memref_slice %arg5[%add3A_50, %dma_start3A_1429, %dma_start3A_1430] : memref<128x64x2048xf32, #tpu.memory_space<hbm>> -> memref<1x16x2048xf32, #tpu.memory_space<hbm>>
      %dma_start3A_1432 = tpu.memref_squeeze %dma_start3A_1431 : memref<1x16x2048xf32, #tpu.memory_space<hbm>> -> memref<16x2048xf32, #tpu.memory_space<hbm>>
      %dma_start3A_1433 = tpu.memref_slice %arg12[%cond3A_60] : memref<3x!tpu.dma_semaphore, #tpu.memory_space<semaphore_mem>> -> memref<1x!tpu.dma_semaphore, #tpu.memory_space<semaphore_mem>>
      %dma_start3A_1434 = tpu.memref_squeeze %dma_start3A_1433 : memref<1x!tpu.dma_semaphore, #tpu.memory_space<semaphore_mem>> -> memref<!tpu.dma_semaphore, #tpu.memory_space<semaphore_mem>>
      %dma_start3A_1435 = arith.constant 0 : i32
      %dma_start3A_1436 = arith.constant 0 : i32
      %dma_start3A_1437 = tpu.memref_slice %arg9[%cond3A_59, %dma_start3A_1435, %dma_start3A_1436] : memref<3x16x2048xf32, #tpu.memory_space<vmem>> -> memref<1x16x2048xf32, #tpu.memory_space<vmem>>
      %dma_start3A_1438 = tpu.memref_squeeze %dma_start3A_1437 : memref<1x16x2048xf32, #tpu.memory_space<vmem>> -> memref<16x2048xf32, #tpu.memory_space<vmem>>
      %dma_start3A_1439 = arith.constant 32 : i32
      %dma_start3A_1440 = arith.constant 0 : i32
      %dma_start3A_1441 = tpu.memref_slice %arg5[%add3A_50, %dma_start3A_1439, %dma_start3A_1440] : memref<128x64x2048xf32, #tpu.memory_space<hbm>> -> memref<1x16x2048xf32, #tpu.memory_space<hbm>>
      %dma_start3A_1442 = tpu.memref_squeeze %dma_start3A_1441 : memref<1x16x2048xf32, #tpu.memory_space<hbm>> -> memref<16x2048xf32, #tpu.memory_space<hbm>>
      tpu.enqueue_dma source(%dma_start3A_1442 : memref<16x2048xf32, #tpu.memory_space<hbm>>) target(%dma_start3A_1438 : memref<16x2048xf32, #tpu.memory_space<vmem>>) target_semaphore(%dma_start3A_1434 : memref<!tpu.dma_semaphore, #tpu.memory_space<semaphore_mem>>)
    } else {
    }
    %mul3A_63 = arith.constant 4 : i32
    %mul3A_64 = arith.muli %add3A, %mul3A_63 : i32
    %add3A_65 = arith.constant 0 : i32
    %add3A_66 = arith.addi %mul3A_64, %add3A_65 : i32
    %dma_wait3A = arith.constant 0 : i32
    %dma_wait3A_67 = arith.constant 0 : i32
    %dma_wait3A_68 = arith.constant 0 : i32
    %dma_wait3A_69 = arith.constant 0 : i32
    %dma_wait3A_70 = tpu.memref_slice %arg9[%dma_wait3A, %dma_wait3A_68, %dma_wait3A_69] : memref<3x16x2048xf32, #tpu.memory_space<vmem>> -> memref<1x16x2048xf32, #tpu.memory_space<vmem>>
    %dma_wait3A_71 = tpu.memref_squeeze %dma_wait3A_70 : memref<1x16x2048xf32, #tpu.memory_space<vmem>> -> memref<16x2048xf32, #tpu.memory_space<vmem>>
    %dma_wait3A_72 = arith.constant 0 : i32
    %dma_wait3A_73 = arith.constant 0 : i32
    %dma_wait3A_74 = tpu.memref_slice %arg5[%add3A_66, %dma_wait3A_72, %dma_wait3A_73] : memref<128x64x2048xf32, #tpu.memory_space<hbm>> -> memref<1x16x2048xf32, #tpu.memory_space<hbm>>
    %dma_wait3A_75 = tpu.memref_squeeze %dma_wait3A_74 : memref<1x16x2048xf32, #tpu.memory_space<hbm>> -> memref<16x2048xf32, #tpu.memory_space<hbm>>
    %dma_wait3A_76 = tpu.memref_slice %arg12[%dma_wait3A_67] : memref<3x!tpu.dma_semaphore, #tpu.memory_space<semaphore_mem>> -> memref<1x!tpu.dma_semaphore, #tpu.memory_space<semaphore_mem>>
    %dma_wait3A_77 = tpu.memref_squeeze %dma_wait3A_76 : memref<1x!tpu.dma_semaphore, #tpu.memory_space<semaphore_mem>> -> memref<!tpu.dma_semaphore, #tpu.memory_space<semaphore_mem>>
    %dma_wait3A_78 = arith.constant 0 : i32
    %dma_wait3A_79 = arith.constant 0 : i32
    %dma_wait3A_80 = tpu.memref_slice %arg9[%dma_wait3A, %dma_wait3A_78, %dma_wait3A_79] : memref<3x16x2048xf32, #tpu.memory_space<vmem>> -> memref<1x16x2048xf32, #tpu.memory_space<vmem>>
    %dma_wait3A_81 = tpu.memref_squeeze %dma_wait3A_80 : memref<1x16x2048xf32, #tpu.memory_space<vmem>> -> memref<16x2048xf32, #tpu.memory_space<vmem>>
    %dma_wait3A_82 = arith.constant 0 : i32
    %dma_wait3A_83 = arith.constant 0 : i32
    %dma_wait3A_84 = tpu.memref_slice %arg5[%add3A_66, %dma_wait3A_82, %dma_wait3A_83] : memref<128x64x2048xf32, #tpu.memory_space<hbm>> -> memref<1x16x2048xf32, #tpu.memory_space<hbm>>
    %dma_wait3A_85 = tpu.memref_squeeze %dma_wait3A_84 : memref<1x16x2048xf32, #tpu.memory_space<hbm>> -> memref<16x2048xf32, #tpu.memory_space<hbm>>
    tpu.wait_dma2 semaphore(%dma_wait3A_77 : memref<!tpu.dma_semaphore, #tpu.memory_space<semaphore_mem>>) src(%dma_wait3A_85 : memref<16x2048xf32, #tpu.memory_space<hbm>>) dst(%dma_wait3A_81 : memref<16x2048xf32, #tpu.memory_space<vmem>>)
    %mul3A_86 = arith.constant 4 : i32
    %mul3A_87 = arith.muli %add3A, %mul3A_86 : i32
    %add3A_88 = arith.constant 0 : i32
    %add3A_89 = arith.addi %mul3A_87, %add3A_88 : i32
    %dma_start3A = arith.constant 0 : i32
    %dma_start3A_90 = arith.constant 0 : i32
    %dma_start3A_91 = arith.constant 0 : i32
    %dma_start3A_92 = arith.constant 0 : i32
    %dma_start3A_93 = tpu.memref_slice %arg9[%dma_start3A, %dma_start3A_91, %dma_start3A_92] : memref<3x16x2048xf32, #tpu.memory_space<vmem>> -> memref<1x16x2048xf32, #tpu.memory_space<vmem>>
    %dma_start3A_94 = tpu.memref_squeeze %dma_start3A_93 : memref<1x16x2048xf32, #tpu.memory_space<vmem>> -> memref<16x2048xf32, #tpu.memory_space<vmem>>
    %dma_start3A_95 = arith.constant 0 : i32
    %dma_start3A_96 = arith.constant 0 : i32
    %dma_start3A_97 = tpu.memref_slice %arg8[%add3A_89, %dma_start3A_95, %dma_start3A_96] : memref<128x64x2048xf32, #tpu.memory_space<hbm>> -> memref<1x16x2048xf32, #tpu.memory_space<hbm>>
    %dma_start3A_98 = tpu.memref_squeeze %dma_start3A_97 : memref<1x16x2048xf32, #tpu.memory_space<hbm>> -> memref<16x2048xf32, #tpu.memory_space<hbm>>
    %dma_start3A_99 = tpu.memref_slice %arg13[%dma_start3A_90] : memref<3x!tpu.dma_semaphore, #tpu.memory_space<semaphore_mem>> -> memref<1x!tpu.dma_semaphore, #tpu.memory_space<semaphore_mem>>
    %dma_start3A_100 = tpu.memref_squeeze %dma_start3A_99 : memref<1x!tpu.dma_semaphore, #tpu.memory_space<semaphore_mem>> -> memref<!tpu.dma_semaphore, #tpu.memory_space<semaphore_mem>>
    %dma_start3A_101 = arith.constant 0 : i32
    %dma_start3A_102 = arith.constant 0 : i32
    %dma_start3A_103 = tpu.memref_slice %arg8[%add3A_89, %dma_start3A_101, %dma_start3A_102] : memref<128x64x2048xf32, #tpu.memory_space<hbm>> -> memref<1x16x2048xf32, #tpu.memory_space<hbm>>
    %dma_start3A_104 = tpu.memref_squeeze %dma_start3A_103 : memref<1x16x2048xf32, #tpu.memory_space<hbm>> -> memref<16x2048xf32, #tpu.memory_space<hbm>>
    %dma_start3A_105 = arith.constant 0 : i32
    %dma_start3A_106 = arith.constant 0 : i32
    %dma_start3A_107 = tpu.memref_slice %arg9[%dma_start3A, %dma_start3A_105, %dma_start3A_106] : memref<3x16x2048xf32, #tpu.memory_space<vmem>> -> memref<1x16x2048xf32, #tpu.memory_space<vmem>>
    %dma_start3A_108 = tpu.memref_squeeze %dma_start3A_107 : memref<1x16x2048xf32, #tpu.memory_space<vmem>> -> memref<16x2048xf32, #tpu.memory_space<vmem>>
    tpu.enqueue_dma source(%dma_start3A_108 : memref<16x2048xf32, #tpu.memory_space<vmem>>) target(%dma_start3A_104 : memref<16x2048xf32, #tpu.memory_space<hbm>>) target_semaphore(%dma_start3A_100 : memref<!tpu.dma_semaphore, #tpu.memory_space<semaphore_mem>>)
    %mul3A_109 = arith.constant 4 : i32
    %mul3A_110 = arith.muli %add3A, %mul3A_109 : i32
    %add3A_111 = arith.constant 0 : i32
    %add3A_112 = arith.addi %mul3A_110, %add3A_111 : i32
    %dma_wait3A_113 = arith.constant 1 : i32
    %dma_wait3A_114 = arith.constant 1 : i32
    %dma_wait3A_115 = arith.constant 0 : i32
    %dma_wait3A_116 = arith.constant 0 : i32
    %dma_wait3A_117 = tpu.memref_slice %arg9[%dma_wait3A_113, %dma_wait3A_115, %dma_wait3A_116] : memref<3x16x2048xf32, #tpu.memory_space<vmem>> -> memref<1x16x2048xf32, #tpu.memory_space<vmem>>
    %dma_wait3A_118 = tpu.memref_squeeze %dma_wait3A_117 : memref<1x16x2048xf32, #tpu.memory_space<vmem>> -> memref<16x2048xf32, #tpu.memory_space<vmem>>
    %dma_wait3A_119 = arith.constant 16 : i32
    %dma_wait3A_120 = arith.constant 0 : i32
    %dma_wait3A_121 = tpu.memref_slice %arg5[%add3A_112, %dma_wait3A_119, %dma_wait3A_120] : memref<128x64x2048xf32, #tpu.memory_space<hbm>> -> memref<1x16x2048xf32, #tpu.memory_space<hbm>>
    %dma_wait3A_122 = tpu.memref_squeeze %dma_wait3A_121 : memref<1x16x2048xf32, #tpu.memory_space<hbm>> -> memref<16x2048xf32, #tpu.memory_space<hbm>>
    %dma_wait3A_123 = tpu.memref_slice %arg12[%dma_wait3A_114] : memref<3x!tpu.dma_semaphore, #tpu.memory_space<semaphore_mem>> -> memref<1x!tpu.dma_semaphore, #tpu.memory_space<semaphore_mem>>
    %dma_wait3A_124 = tpu.memref_squeeze %dma_wait3A_123 : memref<1x!tpu.dma_semaphore, #tpu.memory_space<semaphore_mem>> -> memref<!tpu.dma_semaphore, #tpu.memory_space<semaphore_mem>>
    %dma_wait3A_125 = arith.constant 0 : i32
    %dma_wait3A_126 = arith.constant 0 : i32
    %dma_wait3A_127 = tpu.memref_slice %arg9[%dma_wait3A_113, %dma_wait3A_125, %dma_wait3A_126] : memref<3x16x2048xf32, #tpu.memory_space<vmem>> -> memref<1x16x2048xf32, #tpu.memory_space<vmem>>
    %dma_wait3A_128 = tpu.memref_squeeze %dma_wait3A_127 : memref<1x16x2048xf32, #tpu.memory_space<vmem>> -> memref<16x2048xf32, #tpu.memory_space<vmem>>
    %dma_wait3A_129 = arith.constant 16 : i32
    %dma_wait3A_130 = arith.constant 0 : i32
    %dma_wait3A_131 = tpu.memref_slice %arg5[%add3A_112, %dma_wait3A_129, %dma_wait3A_130] : memref<128x64x2048xf32, #tpu.memory_space<hbm>> -> memref<1x16x2048xf32, #tpu.memory_space<hbm>>
    %dma_wait3A_132 = tpu.memref_squeeze %dma_wait3A_131 : memref<1x16x2048xf32, #tpu.memory_space<hbm>> -> memref<16x2048xf32, #tpu.memory_space<hbm>>
    tpu.wait_dma2 semaphore(%dma_wait3A_124 : memref<!tpu.dma_semaphore, #tpu.memory_space<semaphore_mem>>) src(%dma_wait3A_132 : memref<16x2048xf32, #tpu.memory_space<hbm>>) dst(%dma_wait3A_128 : memref<16x2048xf32, #tpu.memory_space<vmem>>)
    %mul3A_133 = arith.constant 4 : i32
    %mul3A_134 = arith.muli %add3A, %mul3A_133 : i32
    %add3A_135 = arith.constant 0 : i32
    %add3A_136 = arith.addi %mul3A_134, %add3A_135 : i32
    %dma_start3A_137 = arith.constant 1 : i32
    %dma_start3A_138 = arith.constant 1 : i32
    %dma_start3A_139 = arith.constant 0 : i32
    %dma_start3A_140 = arith.constant 0 : i32
    %dma_start3A_141 = tpu.memref_slice %arg9[%dma_start3A_137, %dma_start3A_139, %dma_start3A_140] : memref<3x16x2048xf32, #tpu.memory_space<vmem>> -> memref<1x16x2048xf32, #tpu.memory_space<vmem>>
    %dma_start3A_142 = tpu.memref_squeeze %dma_start3A_141 : memref<1x16x2048xf32, #tpu.memory_space<vmem>> -> memref<16x2048xf32, #tpu.memory_space<vmem>>
    %dma_start3A_143 = arith.constant 16 : i32
    %dma_start3A_144 = arith.constant 0 : i32
    %dma_start3A_145 = tpu.memref_slice %arg8[%add3A_136, %dma_start3A_143, %dma_start3A_144] : memref<128x64x2048xf32, #tpu.memory_space<hbm>> -> memref<1x16x2048xf32, #tpu.memory_space<hbm>>
    %dma_start3A_146 = tpu.memref_squeeze %dma_start3A_145 : memref<1x16x2048xf32, #tpu.memory_space<hbm>> -> memref<16x2048xf32, #tpu.memory_space<hbm>>
    %dma_start3A_147 = tpu.memref_slice %arg13[%dma_start3A_138] : memref<3x!tpu.dma_semaphore, #tpu.memory_space<semaphore_mem>> -> memref<1x!tpu.dma_semaphore, #tpu.memory_space<semaphore_mem>>
    %dma_start3A_148 = tpu.memref_squeeze %dma_start3A_147 : memref<1x!tpu.dma_semaphore, #tpu.memory_space<semaphore_mem>> -> memref<!tpu.dma_semaphore, #tpu.memory_space<semaphore_mem>>
    %dma_start3A_149 = arith.constant 16 : i32
    %dma_start3A_150 = arith.constant 0 : i32
    %dma_start3A_151 = tpu.memref_slice %arg8[%add3A_136, %dma_start3A_149, %dma_start3A_150] : memref<128x64x2048xf32, #tpu.memory_space<hbm>> -> memref<1x16x2048xf32, #tpu.memory_space<hbm>>
    %dma_start3A_152 = tpu.memref_squeeze %dma_start3A_151 : memref<1x16x2048xf32, #tpu.memory_space<hbm>> -> memref<16x2048xf32, #tpu.memory_space<hbm>>
    %dma_start3A_153 = arith.constant 0 : i32
    %dma_start3A_154 = arith.constant 0 : i32
    %dma_start3A_155 = tpu.memref_slice %arg9[%dma_start3A_137, %dma_start3A_153, %dma_start3A_154] : memref<3x16x2048xf32, #tpu.memory_space<vmem>> -> memref<1x16x2048xf32, #tpu.memory_space<vmem>>
    %dma_start3A_156 = tpu.memref_squeeze %dma_start3A_155 : memref<1x16x2048xf32, #tpu.memory_space<vmem>> -> memref<16x2048xf32, #tpu.memory_space<vmem>>
    tpu.enqueue_dma source(%dma_start3A_156 : memref<16x2048xf32, #tpu.memory_space<vmem>>) target(%dma_start3A_152 : memref<16x2048xf32, #tpu.memory_space<hbm>>) target_semaphore(%dma_start3A_148 : memref<!tpu.dma_semaphore, #tpu.memory_space<semaphore_mem>>)
    %mul3A_157 = arith.constant 4 : i32
    %mul3A_158 = arith.muli %add3A, %mul3A_157 : i32
    %add3A_159 = arith.constant 0 : i32
    %add3A_160 = arith.addi %mul3A_158, %add3A_159 : i32
    %dma_wait3A_161 = arith.constant 0 : i32
    %dma_wait3A_162 = arith.constant 0 : i32
    %dma_wait3A_163 = arith.constant 0 : i32
    %dma_wait3A_164 = arith.constant 0 : i32
    %dma_wait3A_165 = tpu.memref_slice %arg9[%dma_wait3A_161, %dma_wait3A_163, %dma_wait3A_164] : memref<3x16x2048xf32, #tpu.memory_space<vmem>> -> memref<1x16x2048xf32, #tpu.memory_space<vmem>>
    %dma_wait3A_166 = tpu.memref_squeeze %dma_wait3A_165 : memref<1x16x2048xf32, #tpu.memory_space<vmem>> -> memref<16x2048xf32, #tpu.memory_space<vmem>>
    %dma_wait3A_167 = arith.constant 0 : i32
    %dma_wait3A_168 = arith.constant 0 : i32
    %dma_wait3A_169 = tpu.memref_slice %arg8[%add3A_160, %dma_wait3A_167, %dma_wait3A_168] : memref<128x64x2048xf32, #tpu.memory_space<hbm>> -> memref<1x16x2048xf32, #tpu.memory_space<hbm>>
    %dma_wait3A_170 = tpu.memref_squeeze %dma_wait3A_169 : memref<1x16x2048xf32, #tpu.memory_space<hbm>> -> memref<16x2048xf32, #tpu.memory_space<hbm>>
    %dma_wait3A_171 = tpu.memref_slice %arg13[%dma_wait3A_162] : memref<3x!tpu.dma_semaphore, #tpu.memory_space<semaphore_mem>> -> memref<1x!tpu.dma_semaphore, #tpu.memory_space<semaphore_mem>>
    %dma_wait3A_172 = tpu.memref_squeeze %dma_wait3A_171 : memref<1x!tpu.dma_semaphore, #tpu.memory_space<semaphore_mem>> -> memref<!tpu.dma_semaphore, #tpu.memory_space<semaphore_mem>>
    %dma_wait3A_173 = arith.constant 0 : i32
    %dma_wait3A_174 = arith.constant 0 : i32
    %dma_wait3A_175 = tpu.memref_slice %arg8[%add3A_160, %dma_wait3A_173, %dma_wait3A_174] : memref<128x64x2048xf32, #tpu.memory_space<hbm>> -> memref<1x16x2048xf32, #tpu.memory_space<hbm>>
    %dma_wait3A_176 = tpu.memref_squeeze %dma_wait3A_175 : memref<1x16x2048xf32, #tpu.memory_space<hbm>> -> memref<16x2048xf32, #tpu.memory_space<hbm>>
    %dma_wait3A_177 = arith.constant 0 : i32
    %dma_wait3A_178 = arith.constant 0 : i32
    %dma_wait3A_179 = tpu.memref_slice %arg9[%dma_wait3A_161, %dma_wait3A_177, %dma_wait3A_178] : memref<3x16x2048xf32, #tpu.memory_space<vmem>> -> memref<1x16x2048xf32, #tpu.memory_space<vmem>>
    %dma_wait3A_180 = tpu.memref_squeeze %dma_wait3A_179 : memref<1x16x2048xf32, #tpu.memory_space<vmem>> -> memref<16x2048xf32, #tpu.memory_space<vmem>>
    tpu.wait_dma2 semaphore(%dma_wait3A_172 : memref<!tpu.dma_semaphore, #tpu.memory_space<semaphore_mem>>) src(%dma_wait3A_180 : memref<16x2048xf32, #tpu.memory_space<vmem>>) dst(%dma_wait3A_176 : memref<16x2048xf32, #tpu.memory_space<hbm>>)
    %mul3A_181 = arith.constant 4 : i32
    %mul3A_182 = arith.muli %add3A, %mul3A_181 : i32
    %add3A_183 = arith.constant 0 : i32
    %add3A_184 = arith.addi %mul3A_182, %add3A_183 : i32
    %eq3A_185 = arith.cmpi eq, %add3A_184, %reduce_max3A_18 : i32
    %convert_element_type3A_186 = arith.extui %eq3A_185 : i1 to i32
    %cond3A_187 = arith.constant 0 : i32
    %cond3A_188 = arith.constant 0 : i32
    %cond3A_189 = arith.constant 0 : i32
    %cond3A_190 = arith.cmpi ne, %convert_element_type3A_186, %cond3A_189 : i32
    scf.if %cond3A_190 {
      %dma_start3A_1425 = arith.constant 0 : i32
      %dma_start3A_1426 = arith.constant 0 : i32
      %dma_start3A_1427 = tpu.memref_slice %arg9[%cond3A_187, %dma_start3A_1425, %dma_start3A_1426] : memref<3x16x2048xf32, #tpu.memory_space<vmem>> -> memref<1x16x2048xf32, #tpu.memory_space<vmem>>
      %dma_start3A_1428 = tpu.memref_squeeze %dma_start3A_1427 : memref<1x16x2048xf32, #tpu.memory_space<vmem>> -> memref<16x2048xf32, #tpu.memory_space<vmem>>
      %dma_start3A_1429 = arith.constant 48 : i32
      %dma_start3A_1430 = arith.constant 0 : i32
      %dma_start3A_1431 = tpu.memref_slice %arg6[%add3A_184, %dma_start3A_1429, %dma_start3A_1430] : memref<128x64x2048xf32, #tpu.memory_space<hbm>> -> memref<1x16x2048xf32, #tpu.memory_space<hbm>>
      %dma_start3A_1432 = tpu.memref_squeeze %dma_start3A_1431 : memref<1x16x2048xf32, #tpu.memory_space<hbm>> -> memref<16x2048xf32, #tpu.memory_space<hbm>>
      %dma_start3A_1433 = tpu.memref_slice %arg12[%cond3A_188] : memref<3x!tpu.dma_semaphore, #tpu.memory_space<semaphore_mem>> -> memref<1x!tpu.dma_semaphore, #tpu.memory_space<semaphore_mem>>
      %dma_start3A_1434 = tpu.memref_squeeze %dma_start3A_1433 : memref<1x!tpu.dma_semaphore, #tpu.memory_space<semaphore_mem>> -> memref<!tpu.dma_semaphore, #tpu.memory_space<semaphore_mem>>
      %dma_start3A_1435 = arith.constant 0 : i32
      %dma_start3A_1436 = arith.constant 0 : i32
      %dma_start3A_1437 = tpu.memref_slice %arg9[%cond3A_187, %dma_start3A_1435, %dma_start3A_1436] : memref<3x16x2048xf32, #tpu.memory_space<vmem>> -> memref<1x16x2048xf32, #tpu.memory_space<vmem>>
      %dma_start3A_1438 = tpu.memref_squeeze %dma_start3A_1437 : memref<1x16x2048xf32, #tpu.memory_space<vmem>> -> memref<16x2048xf32, #tpu.memory_space<vmem>>
      %dma_start3A_1439 = arith.constant 48 : i32
      %dma_start3A_1440 = arith.constant 0 : i32
      %dma_start3A_1441 = tpu.memref_slice %arg6[%add3A_184, %dma_start3A_1439, %dma_start3A_1440] : memref<128x64x2048xf32, #tpu.memory_space<hbm>> -> memref<1x16x2048xf32, #tpu.memory_space<hbm>>
      %dma_start3A_1442 = tpu.memref_squeeze %dma_start3A_1441 : memref<1x16x2048xf32, #tpu.memory_space<hbm>> -> memref<16x2048xf32, #tpu.memory_space<hbm>>
      tpu.enqueue_dma source(%dma_start3A_1442 : memref<16x2048xf32, #tpu.memory_space<hbm>>) target(%dma_start3A_1438 : memref<16x2048xf32, #tpu.memory_space<vmem>>) target_semaphore(%dma_start3A_1434 : memref<!tpu.dma_semaphore, #tpu.memory_space<semaphore_mem>>)
    } else {
    }
    %ne3A_191 = arith.cmpi ne, %add3A_184, %reduce_max3A_18 : i32
    %convert_element_type3A_192 = arith.extui %ne3A_191 : i1 to i32
    %cond3A_193 = arith.constant 0 : i32
    %cond3A_194 = arith.constant 0 : i32
    %cond3A_195 = arith.constant 0 : i32
    %cond3A_196 = arith.cmpi ne, %convert_element_type3A_192, %cond3A_195 : i32
    scf.if %cond3A_196 {
      %dma_start3A_1425 = arith.constant 0 : i32
      %dma_start3A_1426 = arith.constant 0 : i32
      %dma_start3A_1427 = tpu.memref_slice %arg9[%cond3A_193, %dma_start3A_1425, %dma_start3A_1426] : memref<3x16x2048xf32, #tpu.memory_space<vmem>> -> memref<1x16x2048xf32, #tpu.memory_space<vmem>>
      %dma_start3A_1428 = tpu.memref_squeeze %dma_start3A_1427 : memref<1x16x2048xf32, #tpu.memory_space<vmem>> -> memref<16x2048xf32, #tpu.memory_space<vmem>>
      %dma_start3A_1429 = arith.constant 48 : i32
      %dma_start3A_1430 = arith.constant 0 : i32
      %dma_start3A_1431 = tpu.memref_slice %arg5[%add3A_184, %dma_start3A_1429, %dma_start3A_1430] : memref<128x64x2048xf32, #tpu.memory_space<hbm>> -> memref<1x16x2048xf32, #tpu.memory_space<hbm>>
      %dma_start3A_1432 = tpu.memref_squeeze %dma_start3A_1431 : memref<1x16x2048xf32, #tpu.memory_space<hbm>> -> memref<16x2048xf32, #tpu.memory_space<hbm>>
      %dma_start3A_1433 = tpu.memref_slice %arg12[%cond3A_194] : memref<3x!tpu.dma_semaphore, #tpu.memory_space<semaphore_mem>> -> memref<1x!tpu.dma_semaphore, #tpu.memory_space<semaphore_mem>>
      %dma_start3A_1434 = tpu.memref_squeeze %dma_start3A_1433 : memref<1x!tpu.dma_semaphore, #tpu.memory_space<semaphore_mem>> -> memref<!tpu.dma_semaphore, #tpu.memory_space<semaphore_mem>>
      %dma_start3A_1435 = arith.constant 0 : i32
      %dma_start3A_1436 = arith.constant 0 : i32
      %dma_start3A_1437 = tpu.memref_slice %arg9[%cond3A_193, %dma_start3A_1435, %dma_start3A_1436] : memref<3x16x2048xf32, #tpu.memory_space<vmem>> -> memref<1x16x2048xf32, #tpu.memory_space<vmem>>
      %dma_start3A_1438 = tpu.memref_squeeze %dma_start3A_1437 : memref<1x16x2048xf32, #tpu.memory_space<vmem>> -> memref<16x2048xf32, #tpu.memory_space<vmem>>
      %dma_start3A_1439 = arith.constant 48 : i32
      %dma_start3A_1440 = arith.constant 0 : i32
      %dma_start3A_1441 = tpu.memref_slice %arg5[%add3A_184, %dma_start3A_1439, %dma_start3A_1440] : memref<128x64x2048xf32, #tpu.memory_space<hbm>> -> memref<1x16x2048xf32, #tpu.memory_space<hbm>>
      %dma_start3A_1442 = tpu.memref_squeeze %dma_start3A_1441 : memref<1x16x2048xf32, #tpu.memory_space<hbm>> -> memref<16x2048xf32, #tpu.memory_space<hbm>>
      tpu.enqueue_dma source(%dma_start3A_1442 : memref<16x2048xf32, #tpu.memory_space<hbm>>) target(%dma_start3A_1438 : memref<16x2048xf32, #tpu.memory_space<vmem>>) target_semaphore(%dma_start3A_1434 : memref<!tpu.dma_semaphore, #tpu.memory_space<semaphore_mem>>)
    } else {
    }
    %mul3A_197 = arith.constant 4 : i32
    %mul3A_198 = arith.muli %add3A, %mul3A_197 : i32
    %add3A_199 = arith.constant 0 : i32
    %add3A_200 = arith.addi %mul3A_198, %add3A_199 : i32
    %dma_wait3A_201 = arith.constant 2 : i32
    %dma_wait3A_202 = arith.constant 2 : i32
    %dma_wait3A_203 = arith.constant 0 : i32
    %dma_wait3A_204 = arith.constant 0 : i32
    %dma_wait3A_205 = tpu.memref_slice %arg9[%dma_wait3A_201, %dma_wait3A_203, %dma_wait3A_204] : memref<3x16x2048xf32, #tpu.memory_space<vmem>> -> memref<1x16x2048xf32, #tpu.memory_space<vmem>>
    %dma_wait3A_206 = tpu.memref_squeeze %dma_wait3A_205 : memref<1x16x2048xf32, #tpu.memory_space<vmem>> -> memref<16x2048xf32, #tpu.memory_space<vmem>>
    %dma_wait3A_207 = arith.constant 32 : i32
    %dma_wait3A_208 = arith.constant 0 : i32
    %dma_wait3A_209 = tpu.memref_slice %arg5[%add3A_200, %dma_wait3A_207, %dma_wait3A_208] : memref<128x64x2048xf32, #tpu.memory_space<hbm>> -> memref<1x16x2048xf32, #tpu.memory_space<hbm>>
    %dma_wait3A_210 = tpu.memref_squeeze %dma_wait3A_209 : memref<1x16x2048xf32, #tpu.memory_space<hbm>> -> memref<16x2048xf32, #tpu.memory_space<hbm>>
    %dma_wait3A_211 = tpu.memref_slice %arg12[%dma_wait3A_202] : memref<3x!tpu.dma_semaphore, #tpu.memory_space<semaphore_mem>> -> memref<1x!tpu.dma_semaphore, #tpu.memory_space<semaphore_mem>>
    %dma_wait3A_212 = tpu.memref_squeeze %dma_wait3A_211 : memref<1x!tpu.dma_semaphore, #tpu.memory_space<semaphore_mem>> -> memref<!tpu.dma_semaphore, #tpu.memory_space<semaphore_mem>>
    %dma_wait3A_213 = arith.constant 0 : i32
    %dma_wait3A_214 = arith.constant 0 : i32
    %dma_wait3A_215 = tpu.memref_slice %arg9[%dma_wait3A_201, %dma_wait3A_213, %dma_wait3A_214] : memref<3x16x2048xf32, #tpu.memory_space<vmem>> -> memref<1x16x2048xf32, #tpu.memory_space<vmem>>
    %dma_wait3A_216 = tpu.memref_squeeze %dma_wait3A_215 : memref<1x16x2048xf32, #tpu.memory_space<vmem>> -> memref<16x2048xf32, #tpu.memory_space<vmem>>
    %dma_wait3A_217 = arith.constant 32 : i32
    %dma_wait3A_218 = arith.constant 0 : i32
    %dma_wait3A_219 = tpu.memref_slice %arg5[%add3A_200, %dma_wait3A_217, %dma_wait3A_218] : memref<128x64x2048xf32, #tpu.memory_space<hbm>> -> memref<1x16x2048xf32, #tpu.memory_space<hbm>>
    %dma_wait3A_220 = tpu.memref_squeeze %dma_wait3A_219 : memref<1x16x2048xf32, #tpu.memory_space<hbm>> -> memref<16x2048xf32, #tpu.memory_space<hbm>>
    tpu.wait_dma2 semaphore(%dma_wait3A_212 : memref<!tpu.dma_semaphore, #tpu.memory_space<semaphore_mem>>) src(%dma_wait3A_220 : memref<16x2048xf32, #tpu.memory_space<hbm>>) dst(%dma_wait3A_216 : memref<16x2048xf32, #tpu.memory_space<vmem>>)
    %mul3A_221 = arith.constant 4 : i32
    %mul3A_222 = arith.muli %add3A, %mul3A_221 : i32
    %add3A_223 = arith.constant 0 : i32
    %add3A_224 = arith.addi %mul3A_222, %add3A_223 : i32
    %dma_start3A_225 = arith.constant 2 : i32
    %dma_start3A_226 = arith.constant 2 : i32
    %dma_start3A_227 = arith.constant 0 : i32
    %dma_start3A_228 = arith.constant 0 : i32
    %dma_start3A_229 = tpu.memref_slice %arg9[%dma_start3A_225, %dma_start3A_227, %dma_start3A_228] : memref<3x16x2048xf32, #tpu.memory_space<vmem>> -> memref<1x16x2048xf32, #tpu.memory_space<vmem>>
    %dma_start3A_230 = tpu.memref_squeeze %dma_start3A_229 : memref<1x16x2048xf32, #tpu.memory_space<vmem>> -> memref<16x2048xf32, #tpu.memory_space<vmem>>
    %dma_start3A_231 = arith.constant 32 : i32
    %dma_start3A_232 = arith.constant 0 : i32
    %dma_start3A_233 = tpu.memref_slice %arg8[%add3A_224, %dma_start3A_231, %dma_start3A_232] : memref<128x64x2048xf32, #tpu.memory_space<hbm>> -> memref<1x16x2048xf32, #tpu.memory_space<hbm>>
    %dma_start3A_234 = tpu.memref_squeeze %dma_start3A_233 : memref<1x16x2048xf32, #tpu.memory_space<hbm>> -> memref<16x2048xf32, #tpu.memory_space<hbm>>
    %dma_start3A_235 = tpu.memref_slice %arg13[%dma_start3A_226] : memref<3x!tpu.dma_semaphore, #tpu.memory_space<semaphore_mem>> -> memref<1x!tpu.dma_semaphore, #tpu.memory_space<semaphore_mem>>
    %dma_start3A_236 = tpu.memref_squeeze %dma_start3A_235 : memref<1x!tpu.dma_semaphore, #tpu.memory_space<semaphore_mem>> -> memref<!tpu.dma_semaphore, #tpu.memory_space<semaphore_mem>>
    %dma_start3A_237 = arith.constant 32 : i32
    %dma_start3A_238 = arith.constant 0 : i32
    %dma_start3A_239 = tpu.memref_slice %arg8[%add3A_224, %dma_start3A_237, %dma_start3A_238] : memref<128x64x2048xf32, #tpu.memory_space<hbm>> -> memref<1x16x2048xf32, #tpu.memory_space<hbm>>
    %dma_start3A_240 = tpu.memref_squeeze %dma_start3A_239 : memref<1x16x2048xf32, #tpu.memory_space<hbm>> -> memref<16x2048xf32, #tpu.memory_space<hbm>>
    %dma_start3A_241 = arith.constant 0 : i32
    %dma_start3A_242 = arith.constant 0 : i32
    %dma_start3A_243 = tpu.memref_slice %arg9[%dma_start3A_225, %dma_start3A_241, %dma_start3A_242] : memref<3x16x2048xf32, #tpu.memory_space<vmem>> -> memref<1x16x2048xf32, #tpu.memory_space<vmem>>
    %dma_start3A_244 = tpu.memref_squeeze %dma_start3A_243 : memref<1x16x2048xf32, #tpu.memory_space<vmem>> -> memref<16x2048xf32, #tpu.memory_space<vmem>>
    tpu.enqueue_dma source(%dma_start3A_244 : memref<16x2048xf32, #tpu.memory_space<vmem>>) target(%dma_start3A_240 : memref<16x2048xf32, #tpu.memory_space<hbm>>) target_semaphore(%dma_start3A_236 : memref<!tpu.dma_semaphore, #tpu.memory_space<semaphore_mem>>)
    %mul3A_245 = arith.constant 4 : i32
    %mul3A_246 = arith.muli %add3A, %mul3A_245 : i32
    %add3A_247 = arith.constant 0 : i32
    %add3A_248 = arith.addi %mul3A_246, %add3A_247 : i32
    %dma_wait3A_249 = arith.constant 1 : i32
    %dma_wait3A_250 = arith.constant 1 : i32
    %dma_wait3A_251 = arith.constant 0 : i32
    %dma_wait3A_252 = arith.constant 0 : i32
    %dma_wait3A_253 = tpu.memref_slice %arg9[%dma_wait3A_249, %dma_wait3A_251, %dma_wait3A_252] : memref<3x16x2048xf32, #tpu.memory_space<vmem>> -> memref<1x16x2048xf32, #tpu.memory_space<vmem>>
    %dma_wait3A_254 = tpu.memref_squeeze %dma_wait3A_253 : memref<1x16x2048xf32, #tpu.memory_space<vmem>> -> memref<16x2048xf32, #tpu.memory_space<vmem>>
    %dma_wait3A_255 = arith.constant 16 : i32
    %dma_wait3A_256 = arith.constant 0 : i32
    %dma_wait3A_257 = tpu.memref_slice %arg8[%add3A_248, %dma_wait3A_255, %dma_wait3A_256] : memref<128x64x2048xf32, #tpu.memory_space<hbm>> -> memref<1x16x2048xf32, #tpu.memory_space<hbm>>
    %dma_wait3A_258 = tpu.memref_squeeze %dma_wait3A_257 : memref<1x16x2048xf32, #tpu.memory_space<hbm>> -> memref<16x2048xf32, #tpu.memory_space<hbm>>
    %dma_wait3A_259 = tpu.memref_slice %arg13[%dma_wait3A_250] : memref<3x!tpu.dma_semaphore, #tpu.memory_space<semaphore_mem>> -> memref<1x!tpu.dma_semaphore, #tpu.memory_space<semaphore_mem>>
    %dma_wait3A_260 = tpu.memref_squeeze %dma_wait3A_259 : memref<1x!tpu.dma_semaphore, #tpu.memory_space<semaphore_mem>> -> memref<!tpu.dma_semaphore, #tpu.memory_space<semaphore_mem>>
    %dma_wait3A_261 = arith.constant 16 : i32
    %dma_wait3A_262 = arith.constant 0 : i32
    %dma_wait3A_263 = tpu.memref_slice %arg8[%add3A_248, %dma_wait3A_261, %dma_wait3A_262] : memref<128x64x2048xf32, #tpu.memory_space<hbm>> -> memref<1x16x2048xf32, #tpu.memory_space<hbm>>
    %dma_wait3A_264 = tpu.memref_squeeze %dma_wait3A_263 : memref<1x16x2048xf32, #tpu.memory_space<hbm>> -> memref<16x2048xf32, #tpu.memory_space<hbm>>
    %dma_wait3A_265 = arith.constant 0 : i32
    %dma_wait3A_266 = arith.constant 0 : i32
    %dma_wait3A_267 = tpu.memref_slice %arg9[%dma_wait3A_249, %dma_wait3A_265, %dma_wait3A_266] : memref<3x16x2048xf32, #tpu.memory_space<vmem>> -> memref<1x16x2048xf32, #tpu.memory_space<vmem>>
    %dma_wait3A_268 = tpu.memref_squeeze %dma_wait3A_267 : memref<1x16x2048xf32, #tpu.memory_space<vmem>> -> memref<16x2048xf32, #tpu.memory_space<vmem>>
    tpu.wait_dma2 semaphore(%dma_wait3A_260 : memref<!tpu.dma_semaphore, #tpu.memory_space<semaphore_mem>>) src(%dma_wait3A_268 : memref<16x2048xf32, #tpu.memory_space<vmem>>) dst(%dma_wait3A_264 : memref<16x2048xf32, #tpu.memory_space<hbm>>)
    %mul3A_269 = arith.constant 4 : i32
    %mul3A_270 = arith.muli %add3A, %mul3A_269 : i32
    %add3A_271 = arith.constant 1 : i32
    %add3A_272 = arith.addi %mul3A_270, %add3A_271 : i32
    %eq3A_273 = arith.cmpi eq, %add3A_272, %reduce_max3A_18 : i32
    %convert_element_type3A_274 = arith.extui %eq3A_273 : i1 to i32
    %cond3A_275 = arith.constant 1 : i32
    %cond3A_276 = arith.constant 1 : i32
    %cond3A_277 = arith.constant 0 : i32
    %cond3A_278 = arith.cmpi ne, %convert_element_type3A_274, %cond3A_277 : i32
    scf.if %cond3A_278 {
      %dma_start3A_1425 = arith.constant 0 : i32
      %dma_start3A_1426 = arith.constant 0 : i32
      %dma_start3A_1427 = tpu.memref_slice %arg9[%cond3A_275, %dma_start3A_1425, %dma_start3A_1426] : memref<3x16x2048xf32, #tpu.memory_space<vmem>> -> memref<1x16x2048xf32, #tpu.memory_space<vmem>>
      %dma_start3A_1428 = tpu.memref_squeeze %dma_start3A_1427 : memref<1x16x2048xf32, #tpu.memory_space<vmem>> -> memref<16x2048xf32, #tpu.memory_space<vmem>>
      %dma_start3A_1429 = arith.constant 0 : i32
      %dma_start3A_1430 = arith.constant 0 : i32
      %dma_start3A_1431 = tpu.memref_slice %arg6[%add3A_272, %dma_start3A_1429, %dma_start3A_1430] : memref<128x64x2048xf32, #tpu.memory_space<hbm>> -> memref<1x16x2048xf32, #tpu.memory_space<hbm>>
      %dma_start3A_1432 = tpu.memref_squeeze %dma_start3A_1431 : memref<1x16x2048xf32, #tpu.memory_space<hbm>> -> memref<16x2048xf32, #tpu.memory_space<hbm>>
      %dma_start3A_1433 = tpu.memref_slice %arg12[%cond3A_276] : memref<3x!tpu.dma_semaphore, #tpu.memory_space<semaphore_mem>> -> memref<1x!tpu.dma_semaphore, #tpu.memory_space<semaphore_mem>>
      %dma_start3A_1434 = tpu.memref_squeeze %dma_start3A_1433 : memref<1x!tpu.dma_semaphore, #tpu.memory_space<semaphore_mem>> -> memref<!tpu.dma_semaphore, #tpu.memory_space<semaphore_mem>>
      %dma_start3A_1435 = arith.constant 0 : i32
      %dma_start3A_1436 = arith.constant 0 : i32
      %dma_start3A_1437 = tpu.memref_slice %arg9[%cond3A_275, %dma_start3A_1435, %dma_start3A_1436] : memref<3x16x2048xf32, #tpu.memory_space<vmem>> -> memref<1x16x2048xf32, #tpu.memory_space<vmem>>
      %dma_start3A_1438 = tpu.memref_squeeze %dma_start3A_1437 : memref<1x16x2048xf32, #tpu.memory_space<vmem>> -> memref<16x2048xf32, #tpu.memory_space<vmem>>
      %dma_start3A_1439 = arith.constant 0 : i32
      %dma_start3A_1440 = arith.constant 0 : i32
      %dma_start3A_1441 = tpu.memref_slice %arg6[%add3A_272, %dma_start3A_1439, %dma_start3A_1440] : memref<128x64x2048xf32, #tpu.memory_space<hbm>> -> memref<1x16x2048xf32, #tpu.memory_space<hbm>>
      %dma_start3A_1442 = tpu.memref_squeeze %dma_start3A_1441 : memref<1x16x2048xf32, #tpu.memory_space<hbm>> -> memref<16x2048xf32, #tpu.memory_space<hbm>>
      tpu.enqueue_dma source(%dma_start3A_1442 : memref<16x2048xf32, #tpu.memory_space<hbm>>) target(%dma_start3A_1438 : memref<16x2048xf32, #tpu.memory_space<vmem>>) target_semaphore(%dma_start3A_1434 : memref<!tpu.dma_semaphore, #tpu.memory_space<semaphore_mem>>)
    } else {
    }
    %ne3A_279 = arith.cmpi ne, %add3A_272, %reduce_max3A_18 : i32
    %convert_element_type3A_280 = arith.extui %ne3A_279 : i1 to i32
    %cond3A_281 = arith.constant 1 : i32
    %cond3A_282 = arith.constant 1 : i32
    %cond3A_283 = arith.constant 0 : i32
    %cond3A_284 = arith.cmpi ne, %convert_element_type3A_280, %cond3A_283 : i32
    scf.if %cond3A_284 {
      %dma_start3A_1425 = arith.constant 0 : i32
      %dma_start3A_1426 = arith.constant 0 : i32
      %dma_start3A_1427 = tpu.memref_slice %arg9[%cond3A_281, %dma_start3A_1425, %dma_start3A_1426] : memref<3x16x2048xf32, #tpu.memory_space<vmem>> -> memref<1x16x2048xf32, #tpu.memory_space<vmem>>
      %dma_start3A_1428 = tpu.memref_squeeze %dma_start3A_1427 : memref<1x16x2048xf32, #tpu.memory_space<vmem>> -> memref<16x2048xf32, #tpu.memory_space<vmem>>
      %dma_start3A_1429 = arith.constant 0 : i32
      %dma_start3A_1430 = arith.constant 0 : i32
      %dma_start3A_1431 = tpu.memref_slice %arg5[%add3A_272, %dma_start3A_1429, %dma_start3A_1430] : memref<128x64x2048xf32, #tpu.memory_space<hbm>> -> memref<1x16x2048xf32, #tpu.memory_space<hbm>>
      %dma_start3A_1432 = tpu.memref_squeeze %dma_start3A_1431 : memref<1x16x2048xf32, #tpu.memory_space<hbm>> -> memref<16x2048xf32, #tpu.memory_space<hbm>>
      %dma_start3A_1433 = tpu.memref_slice %arg12[%cond3A_282] : memref<3x!tpu.dma_semaphore, #tpu.memory_space<semaphore_mem>> -> memref<1x!tpu.dma_semaphore, #tpu.memory_space<semaphore_mem>>
      %dma_start3A_1434 = tpu.memref_squeeze %dma_start3A_1433 : memref<1x!tpu.dma_semaphore, #tpu.memory_space<semaphore_mem>> -> memref<!tpu.dma_semaphore, #tpu.memory_space<semaphore_mem>>
      %dma_start3A_1435 = arith.constant 0 : i32
      %dma_start3A_1436 = arith.constant 0 : i32
      %dma_start3A_1437 = tpu.memref_slice %arg9[%cond3A_281, %dma_start3A_1435, %dma_start3A_1436] : memref<3x16x2048xf32, #tpu.memory_space<vmem>> -> memref<1x16x2048xf32, #tpu.memory_space<vmem>>
      %dma_start3A_1438 = tpu.memref_squeeze %dma_start3A_1437 : memref<1x16x2048xf32, #tpu.memory_space<vmem>> -> memref<16x2048xf32, #tpu.memory_space<vmem>>
      %dma_start3A_1439 = arith.constant 0 : i32
      %dma_start3A_1440 = arith.constant 0 : i32
      %dma_start3A_1441 = tpu.memref_slice %arg5[%add3A_272, %dma_start3A_1439, %dma_start3A_1440] : memref<128x64x2048xf32, #tpu.memory_space<hbm>> -> memref<1x16x2048xf32, #tpu.memory_space<hbm>>
      %dma_start3A_1442 = tpu.memref_squeeze %dma_start3A_1441 : memref<1x16x2048xf32, #tpu.memory_space<hbm>> -> memref<16x2048xf32, #tpu.memory_space<hbm>>
      tpu.enqueue_dma source(%dma_start3A_1442 : memref<16x2048xf32, #tpu.memory_space<hbm>>) target(%dma_start3A_1438 : memref<16x2048xf32, #tpu.memory_space<vmem>>) target_semaphore(%dma_start3A_1434 : memref<!tpu.dma_semaphore, #tpu.memory_space<semaphore_mem>>)
    } else {
    }
    %mul3A_285 = arith.constant 4 : i32
    %mul3A_286 = arith.muli %add3A, %mul3A_285 : i32
    %add3A_287 = arith.constant 0 : i32
    %add3A_288 = arith.addi %mul3A_286, %add3A_287 : i32
    %dma_wait3A_289 = arith.constant 0 : i32
    %dma_wait3A_290 = arith.constant 0 : i32
    %dma_wait3A_291 = arith.constant 0 : i32
    %dma_wait3A_292 = arith.constant 0 : i32
    %dma_wait3A_293 = tpu.memref_slice %arg9[%dma_wait3A_289, %dma_wait3A_291, %dma_wait3A_292] : memref<3x16x2048xf32, #tpu.memory_space<vmem>> -> memref<1x16x2048xf32, #tpu.memory_space<vmem>>
    %dma_wait3A_294 = tpu.memref_squeeze %dma_wait3A_293 : memref<1x16x2048xf32, #tpu.memory_space<vmem>> -> memref<16x2048xf32, #tpu.memory_space<vmem>>
    %dma_wait3A_295 = arith.constant 48 : i32
    %dma_wait3A_296 = arith.constant 0 : i32
    %dma_wait3A_297 = tpu.memref_slice %arg5[%add3A_288, %dma_wait3A_295, %dma_wait3A_296] : memref<128x64x2048xf32, #tpu.memory_space<hbm>> -> memref<1x16x2048xf32, #tpu.memory_space<hbm>>
    %dma_wait3A_298 = tpu.memref_squeeze %dma_wait3A_297 : memref<1x16x2048xf32, #tpu.memory_space<hbm>> -> memref<16x2048xf32, #tpu.memory_space<hbm>>
    %dma_wait3A_299 = tpu.memref_slice %arg12[%dma_wait3A_290] : memref<3x!tpu.dma_semaphore, #tpu.memory_space<semaphore_mem>> -> memref<1x!tpu.dma_semaphore, #tpu.memory_space<semaphore_mem>>
    %dma_wait3A_300 = tpu.memref_squeeze %dma_wait3A_299 : memref<1x!tpu.dma_semaphore, #tpu.memory_space<semaphore_mem>> -> memref<!tpu.dma_semaphore, #tpu.memory_space<semaphore_mem>>
    %dma_wait3A_301 = arith.constant 0 : i32
    %dma_wait3A_302 = arith.constant 0 : i32
    %dma_wait3A_303 = tpu.memref_slice %arg9[%dma_wait3A_289, %dma_wait3A_301, %dma_wait3A_302] : memref<3x16x2048xf32, #tpu.memory_space<vmem>> -> memref<1x16x2048xf32, #tpu.memory_space<vmem>>
    %dma_wait3A_304 = tpu.memref_squeeze %dma_wait3A_303 : memref<1x16x2048xf32, #tpu.memory_space<vmem>> -> memref<16x2048xf32, #tpu.memory_space<vmem>>
    %dma_wait3A_305 = arith.constant 48 : i32
    %dma_wait3A_306 = arith.constant 0 : i32
    %dma_wait3A_307 = tpu.memref_slice %arg5[%add3A_288, %dma_wait3A_305, %dma_wait3A_306] : memref<128x64x2048xf32, #tpu.memory_space<hbm>> -> memref<1x16x2048xf32, #tpu.memory_space<hbm>>
    %dma_wait3A_308 = tpu.memref_squeeze %dma_wait3A_307 : memref<1x16x2048xf32, #tpu.memory_space<hbm>> -> memref<16x2048xf32, #tpu.memory_space<hbm>>
    tpu.wait_dma2 semaphore(%dma_wait3A_300 : memref<!tpu.dma_semaphore, #tpu.memory_space<semaphore_mem>>) src(%dma_wait3A_308 : memref<16x2048xf32, #tpu.memory_space<hbm>>) dst(%dma_wait3A_304 : memref<16x2048xf32, #tpu.memory_space<vmem>>)
    %mul3A_309 = arith.constant 4 : i32
    %mul3A_310 = arith.muli %add3A, %mul3A_309 : i32
    %add3A_311 = arith.constant 0 : i32
    %add3A_312 = arith.addi %mul3A_310, %add3A_311 : i32
    %dma_start3A_313 = arith.constant 0 : i32
    %dma_start3A_314 = arith.constant 0 : i32
    %dma_start3A_315 = arith.constant 0 : i32
    %dma_start3A_316 = arith.constant 0 : i32
    %dma_start3A_317 = tpu.memref_slice %arg9[%dma_start3A_313, %dma_start3A_315, %dma_start3A_316] : memref<3x16x2048xf32, #tpu.memory_space<vmem>> -> memref<1x16x2048xf32, #tpu.memory_space<vmem>>
    %dma_start3A_318 = tpu.memref_squeeze %dma_start3A_317 : memref<1x16x2048xf32, #tpu.memory_space<vmem>> -> memref<16x2048xf32, #tpu.memory_space<vmem>>
    %dma_start3A_319 = arith.constant 48 : i32
    %dma_start3A_320 = arith.constant 0 : i32
    %dma_start3A_321 = tpu.memref_slice %arg8[%add3A_312, %dma_start3A_319, %dma_start3A_320] : memref<128x64x2048xf32, #tpu.memory_space<hbm>> -> memref<1x16x2048xf32, #tpu.memory_space<hbm>>
    %dma_start3A_322 = tpu.memref_squeeze %dma_start3A_321 : memref<1x16x2048xf32, #tpu.memory_space<hbm>> -> memref<16x2048xf32, #tpu.memory_space<hbm>>
    %dma_start3A_323 = tpu.memref_slice %arg13[%dma_start3A_314] : memref<3x!tpu.dma_semaphore, #tpu.memory_space<semaphore_mem>> -> memref<1x!tpu.dma_semaphore, #tpu.memory_space<semaphore_mem>>
    %dma_start3A_324 = tpu.memref_squeeze %dma_start3A_323 : memref<1x!tpu.dma_semaphore, #tpu.memory_space<semaphore_mem>> -> memref<!tpu.dma_semaphore, #tpu.memory_space<semaphore_mem>>
    %dma_start3A_325 = arith.constant 48 : i32
    %dma_start3A_326 = arith.constant 0 : i32
    %dma_start3A_327 = tpu.memref_slice %arg8[%add3A_312, %dma_start3A_325, %dma_start3A_326] : memref<128x64x2048xf32, #tpu.memory_space<hbm>> -> memref<1x16x2048xf32, #tpu.memory_space<hbm>>
    %dma_start3A_328 = tpu.memref_squeeze %dma_start3A_327 : memref<1x16x2048xf32, #tpu.memory_space<hbm>> -> memref<16x2048xf32, #tpu.memory_space<hbm>>
    %dma_start3A_329 = arith.constant 0 : i32
    %dma_start3A_330 = arith.constant 0 : i32
    %dma_start3A_331 = tpu.memref_slice %arg9[%dma_start3A_313, %dma_start3A_329, %dma_start3A_330] : memref<3x16x2048xf32, #tpu.memory_space<vmem>> -> memref<1x16x2048xf32, #tpu.memory_space<vmem>>
    %dma_start3A_332 = tpu.memref_squeeze %dma_start3A_331 : memref<1x16x2048xf32, #tpu.memory_space<vmem>> -> memref<16x2048xf32, #tpu.memory_space<vmem>>
    tpu.enqueue_dma source(%dma_start3A_332 : memref<16x2048xf32, #tpu.memory_space<vmem>>) target(%dma_start3A_328 : memref<16x2048xf32, #tpu.memory_space<hbm>>) target_semaphore(%dma_start3A_324 : memref<!tpu.dma_semaphore, #tpu.memory_space<semaphore_mem>>)
    %mul3A_333 = arith.constant 4 : i32
    %mul3A_334 = arith.muli %add3A, %mul3A_333 : i32
    %add3A_335 = arith.constant 0 : i32
    %add3A_336 = arith.addi %mul3A_334, %add3A_335 : i32
    %dma_wait3A_337 = arith.constant 2 : i32
    %dma_wait3A_338 = arith.constant 2 : i32
    %dma_wait3A_339 = arith.constant 0 : i32
    %dma_wait3A_340 = arith.constant 0 : i32
    %dma_wait3A_341 = tpu.memref_slice %arg9[%dma_wait3A_337, %dma_wait3A_339, %dma_wait3A_340] : memref<3x16x2048xf32, #tpu.memory_space<vmem>> -> memref<1x16x2048xf32, #tpu.memory_space<vmem>>
    %dma_wait3A_342 = tpu.memref_squeeze %dma_wait3A_341 : memref<1x16x2048xf32, #tpu.memory_space<vmem>> -> memref<16x2048xf32, #tpu.memory_space<vmem>>
    %dma_wait3A_343 = arith.constant 32 : i32
    %dma_wait3A_344 = arith.constant 0 : i32
    %dma_wait3A_345 = tpu.memref_slice %arg8[%add3A_336, %dma_wait3A_343, %dma_wait3A_344] : memref<128x64x2048xf32, #tpu.memory_space<hbm>> -> memref<1x16x2048xf32, #tpu.memory_space<hbm>>
    %dma_wait3A_346 = tpu.memref_squeeze %dma_wait3A_345 : memref<1x16x2048xf32, #tpu.memory_space<hbm>> -> memref<16x2048xf32, #tpu.memory_space<hbm>>
    %dma_wait3A_347 = tpu.memref_slice %arg13[%dma_wait3A_338] : memref<3x!tpu.dma_semaphore, #tpu.memory_space<semaphore_mem>> -> memref<1x!tpu.dma_semaphore, #tpu.memory_space<semaphore_mem>>
    %dma_wait3A_348 = tpu.memref_squeeze %dma_wait3A_347 : memref<1x!tpu.dma_semaphore, #tpu.memory_space<semaphore_mem>> -> memref<!tpu.dma_semaphore, #tpu.memory_space<semaphore_mem>>
    %dma_wait3A_349 = arith.constant 32 : i32
    %dma_wait3A_350 = arith.constant 0 : i32
    %dma_wait3A_351 = tpu.memref_slice %arg8[%add3A_336, %dma_wait3A_349, %dma_wait3A_350] : memref<128x64x2048xf32, #tpu.memory_space<hbm>> -> memref<1x16x2048xf32, #tpu.memory_space<hbm>>
    %dma_wait3A_352 = tpu.memref_squeeze %dma_wait3A_351 : memref<1x16x2048xf32, #tpu.memory_space<hbm>> -> memref<16x2048xf32, #tpu.memory_space<hbm>>
    %dma_wait3A_353 = arith.constant 0 : i32
    %dma_wait3A_354 = arith.constant 0 : i32
    %dma_wait3A_355 = tpu.memref_slice %arg9[%dma_wait3A_337, %dma_wait3A_353, %dma_wait3A_354] : memref<3x16x2048xf32, #tpu.memory_space<vmem>> -> memref<1x16x2048xf32, #tpu.memory_space<vmem>>
    %dma_wait3A_356 = tpu.memref_squeeze %dma_wait3A_355 : memref<1x16x2048xf32, #tpu.memory_space<vmem>> -> memref<16x2048xf32, #tpu.memory_space<vmem>>
    tpu.wait_dma2 semaphore(%dma_wait3A_348 : memref<!tpu.dma_semaphore, #tpu.memory_space<semaphore_mem>>) src(%dma_wait3A_356 : memref<16x2048xf32, #tpu.memory_space<vmem>>) dst(%dma_wait3A_352 : memref<16x2048xf32, #tpu.memory_space<hbm>>)
    %mul3A_357 = arith.constant 4 : i32
    %mul3A_358 = arith.muli %add3A, %mul3A_357 : i32
    %add3A_359 = arith.constant 1 : i32
    %add3A_360 = arith.addi %mul3A_358, %add3A_359 : i32
    %eq3A_361 = arith.cmpi eq, %add3A_360, %reduce_max3A_18 : i32
    %convert_element_type3A_362 = arith.extui %eq3A_361 : i1 to i32
    %cond3A_363 = arith.constant 2 : i32
    %cond3A_364 = arith.constant 2 : i32
    %cond3A_365 = arith.constant 0 : i32
    %cond3A_366 = arith.cmpi ne, %convert_element_type3A_362, %cond3A_365 : i32
    scf.if %cond3A_366 {
      %dma_start3A_1425 = arith.constant 0 : i32
      %dma_start3A_1426 = arith.constant 0 : i32
      %dma_start3A_1427 = tpu.memref_slice %arg9[%cond3A_363, %dma_start3A_1425, %dma_start3A_1426] : memref<3x16x2048xf32, #tpu.memory_space<vmem>> -> memref<1x16x2048xf32, #tpu.memory_space<vmem>>
      %dma_start3A_1428 = tpu.memref_squeeze %dma_start3A_1427 : memref<1x16x2048xf32, #tpu.memory_space<vmem>> -> memref<16x2048xf32, #tpu.memory_space<vmem>>
      %dma_start3A_1429 = arith.constant 16 : i32
      %dma_start3A_1430 = arith.constant 0 : i32
      %dma_start3A_1431 = tpu.memref_slice %arg6[%add3A_360, %dma_start3A_1429, %dma_start3A_1430] : memref<128x64x2048xf32, #tpu.memory_space<hbm>> -> memref<1x16x2048xf32, #tpu.memory_space<hbm>>
      %dma_start3A_1432 = tpu.memref_squeeze %dma_start3A_1431 : memref<1x16x2048xf32, #tpu.memory_space<hbm>> -> memref<16x2048xf32, #tpu.memory_space<hbm>>
      %dma_start3A_1433 = tpu.memref_slice %arg12[%cond3A_364] : memref<3x!tpu.dma_semaphore, #tpu.memory_space<semaphore_mem>> -> memref<1x!tpu.dma_semaphore, #tpu.memory_space<semaphore_mem>>
      %dma_start3A_1434 = tpu.memref_squeeze %dma_start3A_1433 : memref<1x!tpu.dma_semaphore, #tpu.memory_space<semaphore_mem>> -> memref<!tpu.dma_semaphore, #tpu.memory_space<semaphore_mem>>
      %dma_start3A_1435 = arith.constant 0 : i32
      %dma_start3A_1436 = arith.constant 0 : i32
      %dma_start3A_1437 = tpu.memref_slice %arg9[%cond3A_363, %dma_start3A_1435, %dma_start3A_1436] : memref<3x16x2048xf32, #tpu.memory_space<vmem>> -> memref<1x16x2048xf32, #tpu.memory_space<vmem>>
      %dma_start3A_1438 = tpu.memref_squeeze %dma_start3A_1437 : memref<1x16x2048xf32, #tpu.memory_space<vmem>> -> memref<16x2048xf32, #tpu.memory_space<vmem>>
      %dma_start3A_1439 = arith.constant 16 : i32
      %dma_start3A_1440 = arith.constant 0 : i32
      %dma_start3A_1441 = tpu.memref_slice %arg6[%add3A_360, %dma_start3A_1439, %dma_start3A_1440] : memref<128x64x2048xf32, #tpu.memory_space<hbm>> -> memref<1x16x2048xf32, #tpu.memory_space<hbm>>
      %dma_start3A_1442 = tpu.memref_squeeze %dma_start3A_1441 : memref<1x16x2048xf32, #tpu.memory_space<hbm>> -> memref<16x2048xf32, #tpu.memory_space<hbm>>
      tpu.enqueue_dma source(%dma_start3A_1442 : memref<16x2048xf32, #tpu.memory_space<hbm>>) target(%dma_start3A_1438 : memref<16x2048xf32, #tpu.memory_space<vmem>>) target_semaphore(%dma_start3A_1434 : memref<!tpu.dma_semaphore, #tpu.memory_space<semaphore_mem>>)
    } else {
    }
    %ne3A_367 = arith.cmpi ne, %add3A_360, %reduce_max3A_18 : i32
    %convert_element_type3A_368 = arith.extui %ne3A_367 : i1 to i32
    %cond3A_369 = arith.constant 2 : i32
    %cond3A_370 = arith.constant 2 : i32
    %cond3A_371 = arith.constant 0 : i32
    %cond3A_372 = arith.cmpi ne, %convert_element_type3A_368, %cond3A_371 : i32
    scf.if %cond3A_372 {
      %dma_start3A_1425 = arith.constant 0 : i32
      %dma_start3A_1426 = arith.constant 0 : i32
      %dma_start3A_1427 = tpu.memref_slice %arg9[%cond3A_369, %dma_start3A_1425, %dma_start3A_1426] : memref<3x16x2048xf32, #tpu.memory_space<vmem>> -> memref<1x16x2048xf32, #tpu.memory_space<vmem>>
      %dma_start3A_1428 = tpu.memref_squeeze %dma_start3A_1427 : memref<1x16x2048xf32, #tpu.memory_space<vmem>> -> memref<16x2048xf32, #tpu.memory_space<vmem>>
      %dma_start3A_1429 = arith.constant 16 : i32
      %dma_start3A_1430 = arith.constant 0 : i32
      %dma_start3A_1431 = tpu.memref_slice %arg5[%add3A_360, %dma_start3A_1429, %dma_start3A_1430] : memref<128x64x2048xf32, #tpu.memory_space<hbm>> -> memref<1x16x2048xf32, #tpu.memory_space<hbm>>
      %dma_start3A_1432 = tpu.memref_squeeze %dma_start3A_1431 : memref<1x16x2048xf32, #tpu.memory_space<hbm>> -> memref<16x2048xf32, #tpu.memory_space<hbm>>
      %dma_start3A_1433 = tpu.memref_slice %arg12[%cond3A_370] : memref<3x!tpu.dma_semaphore, #tpu.memory_space<semaphore_mem>> -> memref<1x!tpu.dma_semaphore, #tpu.memory_space<semaphore_mem>>
      %dma_start3A_1434 = tpu.memref_squeeze %dma_start3A_1433 : memref<1x!tpu.dma_semaphore, #tpu.memory_space<semaphore_mem>> -> memref<!tpu.dma_semaphore, #tpu.memory_space<semaphore_mem>>
      %dma_start3A_1435 = arith.constant 0 : i32
      %dma_start3A_1436 = arith.constant 0 : i32
      %dma_start3A_1437 = tpu.memref_slice %arg9[%cond3A_369, %dma_start3A_1435, %dma_start3A_1436] : memref<3x16x2048xf32, #tpu.memory_space<vmem>> -> memref<1x16x2048xf32, #tpu.memory_space<vmem>>
      %dma_start3A_1438 = tpu.memref_squeeze %dma_start3A_1437 : memref<1x16x2048xf32, #tpu.memory_space<vmem>> -> memref<16x2048xf32, #tpu.memory_space<vmem>>
      %dma_start3A_1439 = arith.constant 16 : i32
      %dma_start3A_1440 = arith.constant 0 : i32
      %dma_start3A_1441 = tpu.memref_slice %arg5[%add3A_360, %dma_start3A_1439, %dma_start3A_1440] : memref<128x64x2048xf32, #tpu.memory_space<hbm>> -> memref<1x16x2048xf32, #tpu.memory_space<hbm>>
      %dma_start3A_1442 = tpu.memref_squeeze %dma_start3A_1441 : memref<1x16x2048xf32, #tpu.memory_space<hbm>> -> memref<16x2048xf32, #tpu.memory_space<hbm>>
      tpu.enqueue_dma source(%dma_start3A_1442 : memref<16x2048xf32, #tpu.memory_space<hbm>>) target(%dma_start3A_1438 : memref<16x2048xf32, #tpu.memory_space<vmem>>) target_semaphore(%dma_start3A_1434 : memref<!tpu.dma_semaphore, #tpu.memory_space<semaphore_mem>>)
    } else {
    }
    %mul3A_373 = arith.constant 4 : i32
    %mul3A_374 = arith.muli %add3A, %mul3A_373 : i32
    %add3A_375 = arith.constant 1 : i32
    %add3A_376 = arith.addi %mul3A_374, %add3A_375 : i32
    %dma_wait3A_377 = arith.constant 1 : i32
    %dma_wait3A_378 = arith.constant 1 : i32
    %dma_wait3A_379 = arith.constant 0 : i32
    %dma_wait3A_380 = arith.constant 0 : i32
    %dma_wait3A_381 = tpu.memref_slice %arg9[%dma_wait3A_377, %dma_wait3A_379, %dma_wait3A_380] : memref<3x16x2048xf32, #tpu.memory_space<vmem>> -> memref<1x16x2048xf32, #tpu.memory_space<vmem>>
    %dma_wait3A_382 = tpu.memref_squeeze %dma_wait3A_381 : memref<1x16x2048xf32, #tpu.memory_space<vmem>> -> memref<16x2048xf32, #tpu.memory_space<vmem>>
    %dma_wait3A_383 = arith.constant 0 : i32
    %dma_wait3A_384 = arith.constant 0 : i32
    %dma_wait3A_385 = tpu.memref_slice %arg5[%add3A_376, %dma_wait3A_383, %dma_wait3A_384] : memref<128x64x2048xf32, #tpu.memory_space<hbm>> -> memref<1x16x2048xf32, #tpu.memory_space<hbm>>
    %dma_wait3A_386 = tpu.memref_squeeze %dma_wait3A_385 : memref<1x16x2048xf32, #tpu.memory_space<hbm>> -> memref<16x2048xf32, #tpu.memory_space<hbm>>
    %dma_wait3A_387 = tpu.memref_slice %arg12[%dma_wait3A_378] : memref<3x!tpu.dma_semaphore, #tpu.memory_space<semaphore_mem>> -> memref<1x!tpu.dma_semaphore, #tpu.memory_space<semaphore_mem>>
    %dma_wait3A_388 = tpu.memref_squeeze %dma_wait3A_387 : memref<1x!tpu.dma_semaphore, #tpu.memory_space<semaphore_mem>> -> memref<!tpu.dma_semaphore, #tpu.memory_space<semaphore_mem>>
    %dma_wait3A_389 = arith.constant 0 : i32
    %dma_wait3A_390 = arith.constant 0 : i32
    %dma_wait3A_391 = tpu.memref_slice %arg9[%dma_wait3A_377, %dma_wait3A_389, %dma_wait3A_390] : memref<3x16x2048xf32, #tpu.memory_space<vmem>> -> memref<1x16x2048xf32, #tpu.memory_space<vmem>>
    %dma_wait3A_392 = tpu.memref_squeeze %dma_wait3A_391 : memref<1x16x2048xf32, #tpu.memory_space<vmem>> -> memref<16x2048xf32, #tpu.memory_space<vmem>>
    %dma_wait3A_393 = arith.constant 0 : i32
    %dma_wait3A_394 = arith.constant 0 : i32
    %dma_wait3A_395 = tpu.memref_slice %arg5[%add3A_376, %dma_wait3A_393, %dma_wait3A_394] : memref<128x64x2048xf32, #tpu.memory_space<hbm>> -> memref<1x16x2048xf32, #tpu.memory_space<hbm>>
    %dma_wait3A_396 = tpu.memref_squeeze %dma_wait3A_395 : memref<1x16x2048xf32, #tpu.memory_space<hbm>> -> memref<16x2048xf32, #tpu.memory_space<hbm>>
    tpu.wait_dma2 semaphore(%dma_wait3A_388 : memref<!tpu.dma_semaphore, #tpu.memory_space<semaphore_mem>>) src(%dma_wait3A_396 : memref<16x2048xf32, #tpu.memory_space<hbm>>) dst(%dma_wait3A_392 : memref<16x2048xf32, #tpu.memory_space<vmem>>)
    %mul3A_397 = arith.constant 4 : i32
    %mul3A_398 = arith.muli %add3A, %mul3A_397 : i32
    %add3A_399 = arith.constant 1 : i32
    %add3A_400 = arith.addi %mul3A_398, %add3A_399 : i32
    %dma_start3A_401 = arith.constant 1 : i32
    %dma_start3A_402 = arith.constant 1 : i32
    %dma_start3A_403 = arith.constant 0 : i32
    %dma_start3A_404 = arith.constant 0 : i32
    %dma_start3A_405 = tpu.memref_slice %arg9[%dma_start3A_401, %dma_start3A_403, %dma_start3A_404] : memref<3x16x2048xf32, #tpu.memory_space<vmem>> -> memref<1x16x2048xf32, #tpu.memory_space<vmem>>
    %dma_start3A_406 = tpu.memref_squeeze %dma_start3A_405 : memref<1x16x2048xf32, #tpu.memory_space<vmem>> -> memref<16x2048xf32, #tpu.memory_space<vmem>>
    %dma_start3A_407 = arith.constant 0 : i32
    %dma_start3A_408 = arith.constant 0 : i32
    %dma_start3A_409 = tpu.memref_slice %arg8[%add3A_400, %dma_start3A_407, %dma_start3A_408] : memref<128x64x2048xf32, #tpu.memory_space<hbm>> -> memref<1x16x2048xf32, #tpu.memory_space<hbm>>
    %dma_start3A_410 = tpu.memref_squeeze %dma_start3A_409 : memref<1x16x2048xf32, #tpu.memory_space<hbm>> -> memref<16x2048xf32, #tpu.memory_space<hbm>>
    %dma_start3A_411 = tpu.memref_slice %arg13[%dma_start3A_402] : memref<3x!tpu.dma_semaphore, #tpu.memory_space<semaphore_mem>> -> memref<1x!tpu.dma_semaphore, #tpu.memory_space<semaphore_mem>>
    %dma_start3A_412 = tpu.memref_squeeze %dma_start3A_411 : memref<1x!tpu.dma_semaphore, #tpu.memory_space<semaphore_mem>> -> memref<!tpu.dma_semaphore, #tpu.memory_space<semaphore_mem>>
    %dma_start3A_413 = arith.constant 0 : i32
    %dma_start3A_414 = arith.constant 0 : i32
    %dma_start3A_415 = tpu.memref_slice %arg8[%add3A_400, %dma_start3A_413, %dma_start3A_414] : memref<128x64x2048xf32, #tpu.memory_space<hbm>> -> memref<1x16x2048xf32, #tpu.memory_space<hbm>>
    %dma_start3A_416 = tpu.memref_squeeze %dma_start3A_415 : memref<1x16x2048xf32, #tpu.memory_space<hbm>> -> memref<16x2048xf32, #tpu.memory_space<hbm>>
    %dma_start3A_417 = arith.constant 0 : i32
    %dma_start3A_418 = arith.constant 0 : i32
    %dma_start3A_419 = tpu.memref_slice %arg9[%dma_start3A_401, %dma_start3A_417, %dma_start3A_418] : memref<3x16x2048xf32, #tpu.memory_space<vmem>> -> memref<1x16x2048xf32, #tpu.memory_space<vmem>>
    %dma_start3A_420 = tpu.memref_squeeze %dma_start3A_419 : memref<1x16x2048xf32, #tpu.memory_space<vmem>> -> memref<16x2048xf32, #tpu.memory_space<vmem>>
    tpu.enqueue_dma source(%dma_start3A_420 : memref<16x2048xf32, #tpu.memory_space<vmem>>) target(%dma_start3A_416 : memref<16x2048xf32, #tpu.memory_space<hbm>>) target_semaphore(%dma_start3A_412 : memref<!tpu.dma_semaphore, #tpu.memory_space<semaphore_mem>>)
    %mul3A_421 = arith.constant 4 : i32
    %mul3A_422 = arith.muli %add3A, %mul3A_421 : i32
    %add3A_423 = arith.constant 0 : i32
    %add3A_424 = arith.addi %mul3A_422, %add3A_423 : i32
    %dma_wait3A_425 = arith.constant 0 : i32
    %dma_wait3A_426 = arith.constant 0 : i32
    %dma_wait3A_427 = arith.constant 0 : i32
    %dma_wait3A_428 = arith.constant 0 : i32
    %dma_wait3A_429 = tpu.memref_slice %arg9[%dma_wait3A_425, %dma_wait3A_427, %dma_wait3A_428] : memref<3x16x2048xf32, #tpu.memory_space<vmem>> -> memref<1x16x2048xf32, #tpu.memory_space<vmem>>
    %dma_wait3A_430 = tpu.memref_squeeze %dma_wait3A_429 : memref<1x16x2048xf32, #tpu.memory_space<vmem>> -> memref<16x2048xf32, #tpu.memory_space<vmem>>
    %dma_wait3A_431 = arith.constant 48 : i32
    %dma_wait3A_432 = arith.constant 0 : i32
    %dma_wait3A_433 = tpu.memref_slice %arg8[%add3A_424, %dma_wait3A_431, %dma_wait3A_432] : memref<128x64x2048xf32, #tpu.memory_space<hbm>> -> memref<1x16x2048xf32, #tpu.memory_space<hbm>>
    %dma_wait3A_434 = tpu.memref_squeeze %dma_wait3A_433 : memref<1x16x2048xf32, #tpu.memory_space<hbm>> -> memref<16x2048xf32, #tpu.memory_space<hbm>>
    %dma_wait3A_435 = tpu.memref_slice %arg13[%dma_wait3A_426] : memref<3x!tpu.dma_semaphore, #tpu.memory_space<semaphore_mem>> -> memref<1x!tpu.dma_semaphore, #tpu.memory_space<semaphore_mem>>
    %dma_wait3A_436 = tpu.memref_squeeze %dma_wait3A_435 : memref<1x!tpu.dma_semaphore, #tpu.memory_space<semaphore_mem>> -> memref<!tpu.dma_semaphore, #tpu.memory_space<semaphore_mem>>
    %dma_wait3A_437 = arith.constant 48 : i32
    %dma_wait3A_438 = arith.constant 0 : i32
    %dma_wait3A_439 = tpu.memref_slice %arg8[%add3A_424, %dma_wait3A_437, %dma_wait3A_438] : memref<128x64x2048xf32, #tpu.memory_space<hbm>> -> memref<1x16x2048xf32, #tpu.memory_space<hbm>>
    %dma_wait3A_440 = tpu.memref_squeeze %dma_wait3A_439 : memref<1x16x2048xf32, #tpu.memory_space<hbm>> -> memref<16x2048xf32, #tpu.memory_space<hbm>>
    %dma_wait3A_441 = arith.constant 0 : i32
    %dma_wait3A_442 = arith.constant 0 : i32
    %dma_wait3A_443 = tpu.memref_slice %arg9[%dma_wait3A_425, %dma_wait3A_441, %dma_wait3A_442] : memref<3x16x2048xf32, #tpu.memory_space<vmem>> -> memref<1x16x2048xf32, #tpu.memory_space<vmem>>
    %dma_wait3A_444 = tpu.memref_squeeze %dma_wait3A_443 : memref<1x16x2048xf32, #tpu.memory_space<vmem>> -> memref<16x2048xf32, #tpu.memory_space<vmem>>
    tpu.wait_dma2 semaphore(%dma_wait3A_436 : memref<!tpu.dma_semaphore, #tpu.memory_space<semaphore_mem>>) src(%dma_wait3A_444 : memref<16x2048xf32, #tpu.memory_space<vmem>>) dst(%dma_wait3A_440 : memref<16x2048xf32, #tpu.memory_space<hbm>>)
    %mul3A_445 = arith.constant 4 : i32
    %mul3A_446 = arith.muli %add3A, %mul3A_445 : i32
    %add3A_447 = arith.constant 1 : i32
    %add3A_448 = arith.addi %mul3A_446, %add3A_447 : i32
    %eq3A_449 = arith.cmpi eq, %add3A_448, %reduce_max3A_18 : i32
    %convert_element_type3A_450 = arith.extui %eq3A_449 : i1 to i32
    %cond3A_451 = arith.constant 0 : i32
    %cond3A_452 = arith.constant 0 : i32
    %cond3A_453 = arith.constant 0 : i32
    %cond3A_454 = arith.cmpi ne, %convert_element_type3A_450, %cond3A_453 : i32
    scf.if %cond3A_454 {
      %dma_start3A_1425 = arith.constant 0 : i32
      %dma_start3A_1426 = arith.constant 0 : i32
      %dma_start3A_1427 = tpu.memref_slice %arg9[%cond3A_451, %dma_start3A_1425, %dma_start3A_1426] : memref<3x16x2048xf32, #tpu.memory_space<vmem>> -> memref<1x16x2048xf32, #tpu.memory_space<vmem>>
      %dma_start3A_1428 = tpu.memref_squeeze %dma_start3A_1427 : memref<1x16x2048xf32, #tpu.memory_space<vmem>> -> memref<16x2048xf32, #tpu.memory_space<vmem>>
      %dma_start3A_1429 = arith.constant 32 : i32
      %dma_start3A_1430 = arith.constant 0 : i32
      %dma_start3A_1431 = tpu.memref_slice %arg6[%add3A_448, %dma_start3A_1429, %dma_start3A_1430] : memref<128x64x2048xf32, #tpu.memory_space<hbm>> -> memref<1x16x2048xf32, #tpu.memory_space<hbm>>
      %dma_start3A_1432 = tpu.memref_squeeze %dma_start3A_1431 : memref<1x16x2048xf32, #tpu.memory_space<hbm>> -> memref<16x2048xf32, #tpu.memory_space<hbm>>
      %dma_start3A_1433 = tpu.memref_slice %arg12[%cond3A_452] : memref<3x!tpu.dma_semaphore, #tpu.memory_space<semaphore_mem>> -> memref<1x!tpu.dma_semaphore, #tpu.memory_space<semaphore_mem>>
      %dma_start3A_1434 = tpu.memref_squeeze %dma_start3A_1433 : memref<1x!tpu.dma_semaphore, #tpu.memory_space<semaphore_mem>> -> memref<!tpu.dma_semaphore, #tpu.memory_space<semaphore_mem>>
      %dma_start3A_1435 = arith.constant 0 : i32
      %dma_start3A_1436 = arith.constant 0 : i32
      %dma_start3A_1437 = tpu.memref_slice %arg9[%cond3A_451, %dma_start3A_1435, %dma_start3A_1436] : memref<3x16x2048xf32, #tpu.memory_space<vmem>> -> memref<1x16x2048xf32, #tpu.memory_space<vmem>>
      %dma_start3A_1438 = tpu.memref_squeeze %dma_start3A_1437 : memref<1x16x2048xf32, #tpu.memory_space<vmem>> -> memref<16x2048xf32, #tpu.memory_space<vmem>>
      %dma_start3A_1439 = arith.constant 32 : i32
      %dma_start3A_1440 = arith.constant 0 : i32
      %dma_start3A_1441 = tpu.memref_slice %arg6[%add3A_448, %dma_start3A_1439, %dma_start3A_1440] : memref<128x64x2048xf32, #tpu.memory_space<hbm>> -> memref<1x16x2048xf32, #tpu.memory_space<hbm>>
      %dma_start3A_1442 = tpu.memref_squeeze %dma_start3A_1441 : memref<1x16x2048xf32, #tpu.memory_space<hbm>> -> memref<16x2048xf32, #tpu.memory_space<hbm>>
      tpu.enqueue_dma source(%dma_start3A_1442 : memref<16x2048xf32, #tpu.memory_space<hbm>>) target(%dma_start3A_1438 : memref<16x2048xf32, #tpu.memory_space<vmem>>) target_semaphore(%dma_start3A_1434 : memref<!tpu.dma_semaphore, #tpu.memory_space<semaphore_mem>>)
    } else {
    }
    %ne3A_455 = arith.cmpi ne, %add3A_448, %reduce_max3A_18 : i32
    %convert_element_type3A_456 = arith.extui %ne3A_455 : i1 to i32
    %cond3A_457 = arith.constant 0 : i32
    %cond3A_458 = arith.constant 0 : i32
    %cond3A_459 = arith.constant 0 : i32
    %cond3A_460 = arith.cmpi ne, %convert_element_type3A_456, %cond3A_459 : i32
    scf.if %cond3A_460 {
      %dma_start3A_1425 = arith.constant 0 : i32
      %dma_start3A_1426 = arith.constant 0 : i32
      %dma_start3A_1427 = tpu.memref_slice %arg9[%cond3A_457, %dma_start3A_1425, %dma_start3A_1426] : memref<3x16x2048xf32, #tpu.memory_space<vmem>> -> memref<1x16x2048xf32, #tpu.memory_space<vmem>>
      %dma_start3A_1428 = tpu.memref_squeeze %dma_start3A_1427 : memref<1x16x2048xf32, #tpu.memory_space<vmem>> -> memref<16x2048xf32, #tpu.memory_space<vmem>>
      %dma_start3A_1429 = arith.constant 32 : i32
      %dma_start3A_1430 = arith.constant 0 : i32
      %dma_start3A_1431 = tpu.memref_slice %arg5[%add3A_448, %dma_start3A_1429, %dma_start3A_1430] : memref<128x64x2048xf32, #tpu.memory_space<hbm>> -> memref<1x16x2048xf32, #tpu.memory_space<hbm>>
      %dma_start3A_1432 = tpu.memref_squeeze %dma_start3A_1431 : memref<1x16x2048xf32, #tpu.memory_space<hbm>> -> memref<16x2048xf32, #tpu.memory_space<hbm>>
      %dma_start3A_1433 = tpu.memref_slice %arg12[%cond3A_458] : memref<3x!tpu.dma_semaphore, #tpu.memory_space<semaphore_mem>> -> memref<1x!tpu.dma_semaphore, #tpu.memory_space<semaphore_mem>>
      %dma_start3A_1434 = tpu.memref_squeeze %dma_start3A_1433 : memref<1x!tpu.dma_semaphore, #tpu.memory_space<semaphore_mem>> -> memref<!tpu.dma_semaphore, #tpu.memory_space<semaphore_mem>>
      %dma_start3A_1435 = arith.constant 0 : i32
      %dma_start3A_1436 = arith.constant 0 : i32
      %dma_start3A_1437 = tpu.memref_slice %arg9[%cond3A_457, %dma_start3A_1435, %dma_start3A_1436] : memref<3x16x2048xf32, #tpu.memory_space<vmem>> -> memref<1x16x2048xf32, #tpu.memory_space<vmem>>
      %dma_start3A_1438 = tpu.memref_squeeze %dma_start3A_1437 : memref<1x16x2048xf32, #tpu.memory_space<vmem>> -> memref<16x2048xf32, #tpu.memory_space<vmem>>
      %dma_start3A_1439 = arith.constant 32 : i32
      %dma_start3A_1440 = arith.constant 0 : i32
      %dma_start3A_1441 = tpu.memref_slice %arg5[%add3A_448, %dma_start3A_1439, %dma_start3A_1440] : memref<128x64x2048xf32, #tpu.memory_space<hbm>> -> memref<1x16x2048xf32, #tpu.memory_space<hbm>>
      %dma_start3A_1442 = tpu.memref_squeeze %dma_start3A_1441 : memref<1x16x2048xf32, #tpu.memory_space<hbm>> -> memref<16x2048xf32, #tpu.memory_space<hbm>>
      tpu.enqueue_dma source(%dma_start3A_1442 : memref<16x2048xf32, #tpu.memory_space<hbm>>) target(%dma_start3A_1438 : memref<16x2048xf32, #tpu.memory_space<vmem>>) target_semaphore(%dma_start3A_1434 : memref<!tpu.dma_semaphore, #tpu.memory_space<semaphore_mem>>)
    } else {
    }
    %mul3A_461 = arith.constant 4 : i32
    %mul3A_462 = arith.muli %add3A, %mul3A_461 : i32
    %add3A_463 = arith.constant 1 : i32
    %add3A_464 = arith.addi %mul3A_462, %add3A_463 : i32
    %dma_wait3A_465 = arith.constant 2 : i32
    %dma_wait3A_466 = arith.constant 2 : i32
    %dma_wait3A_467 = arith.constant 0 : i32
    %dma_wait3A_468 = arith.constant 0 : i32
    %dma_wait3A_469 = tpu.memref_slice %arg9[%dma_wait3A_465, %dma_wait3A_467, %dma_wait3A_468] : memref<3x16x2048xf32, #tpu.memory_space<vmem>> -> memref<1x16x2048xf32, #tpu.memory_space<vmem>>
    %dma_wait3A_470 = tpu.memref_squeeze %dma_wait3A_469 : memref<1x16x2048xf32, #tpu.memory_space<vmem>> -> memref<16x2048xf32, #tpu.memory_space<vmem>>
    %dma_wait3A_471 = arith.constant 16 : i32
    %dma_wait3A_472 = arith.constant 0 : i32
    %dma_wait3A_473 = tpu.memref_slice %arg5[%add3A_464, %dma_wait3A_471, %dma_wait3A_472] : memref<128x64x2048xf32, #tpu.memory_space<hbm>> -> memref<1x16x2048xf32, #tpu.memory_space<hbm>>
    %dma_wait3A_474 = tpu.memref_squeeze %dma_wait3A_473 : memref<1x16x2048xf32, #tpu.memory_space<hbm>> -> memref<16x2048xf32, #tpu.memory_space<hbm>>
    %dma_wait3A_475 = tpu.memref_slice %arg12[%dma_wait3A_466] : memref<3x!tpu.dma_semaphore, #tpu.memory_space<semaphore_mem>> -> memref<1x!tpu.dma_semaphore, #tpu.memory_space<semaphore_mem>>
    %dma_wait3A_476 = tpu.memref_squeeze %dma_wait3A_475 : memref<1x!tpu.dma_semaphore, #tpu.memory_space<semaphore_mem>> -> memref<!tpu.dma_semaphore, #tpu.memory_space<semaphore_mem>>
    %dma_wait3A_477 = arith.constant 0 : i32
    %dma_wait3A_478 = arith.constant 0 : i32
    %dma_wait3A_479 = tpu.memref_slice %arg9[%dma_wait3A_465, %dma_wait3A_477, %dma_wait3A_478] : memref<3x16x2048xf32, #tpu.memory_space<vmem>> -> memref<1x16x2048xf32, #tpu.memory_space<vmem>>
    %dma_wait3A_480 = tpu.memref_squeeze %dma_wait3A_479 : memref<1x16x2048xf32, #tpu.memory_space<vmem>> -> memref<16x2048xf32, #tpu.memory_space<vmem>>
    %dma_wait3A_481 = arith.constant 16 : i32
    %dma_wait3A_482 = arith.constant 0 : i32
    %dma_wait3A_483 = tpu.memref_slice %arg5[%add3A_464, %dma_wait3A_481, %dma_wait3A_482] : memref<128x64x2048xf32, #tpu.memory_space<hbm>> -> memref<1x16x2048xf32, #tpu.memory_space<hbm>>
    %dma_wait3A_484 = tpu.memref_squeeze %dma_wait3A_483 : memref<1x16x2048xf32, #tpu.memory_space<hbm>> -> memref<16x2048xf32, #tpu.memory_space<hbm>>
    tpu.wait_dma2 semaphore(%dma_wait3A_476 : memref<!tpu.dma_semaphore, #tpu.memory_space<semaphore_mem>>) src(%dma_wait3A_484 : memref<16x2048xf32, #tpu.memory_space<hbm>>) dst(%dma_wait3A_480 : memref<16x2048xf32, #tpu.memory_space<vmem>>)
    %mul3A_485 = arith.constant 4 : i32
    %mul3A_486 = arith.muli %add3A, %mul3A_485 : i32
    %add3A_487 = arith.constant 1 : i32
    %add3A_488 = arith.addi %mul3A_486, %add3A_487 : i32
    %dma_start3A_489 = arith.constant 2 : i32
    %dma_start3A_490 = arith.constant 2 : i32
    %dma_start3A_491 = arith.constant 0 : i32
    %dma_start3A_492 = arith.constant 0 : i32
    %dma_start3A_493 = tpu.memref_slice %arg9[%dma_start3A_489, %dma_start3A_491, %dma_start3A_492] : memref<3x16x2048xf32, #tpu.memory_space<vmem>> -> memref<1x16x2048xf32, #tpu.memory_space<vmem>>
    %dma_start3A_494 = tpu.memref_squeeze %dma_start3A_493 : memref<1x16x2048xf32, #tpu.memory_space<vmem>> -> memref<16x2048xf32, #tpu.memory_space<vmem>>
    %dma_start3A_495 = arith.constant 16 : i32
    %dma_start3A_496 = arith.constant 0 : i32
    %dma_start3A_497 = tpu.memref_slice %arg8[%add3A_488, %dma_start3A_495, %dma_start3A_496] : memref<128x64x2048xf32, #tpu.memory_space<hbm>> -> memref<1x16x2048xf32, #tpu.memory_space<hbm>>
    %dma_start3A_498 = tpu.memref_squeeze %dma_start3A_497 : memref<1x16x2048xf32, #tpu.memory_space<hbm>> -> memref<16x2048xf32, #tpu.memory_space<hbm>>
    %dma_start3A_499 = tpu.memref_slice %arg13[%dma_start3A_490] : memref<3x!tpu.dma_semaphore, #tpu.memory_space<semaphore_mem>> -> memref<1x!tpu.dma_semaphore, #tpu.memory_space<semaphore_mem>>
    %dma_start3A_500 = tpu.memref_squeeze %dma_start3A_499 : memref<1x!tpu.dma_semaphore, #tpu.memory_space<semaphore_mem>> -> memref<!tpu.dma_semaphore, #tpu.memory_space<semaphore_mem>>
    %dma_start3A_501 = arith.constant 16 : i32
    %dma_start3A_502 = arith.constant 0 : i32
    %dma_start3A_503 = tpu.memref_slice %arg8[%add3A_488, %dma_start3A_501, %dma_start3A_502] : memref<128x64x2048xf32, #tpu.memory_space<hbm>> -> memref<1x16x2048xf32, #tpu.memory_space<hbm>>
    %dma_start3A_504 = tpu.memref_squeeze %dma_start3A_503 : memref<1x16x2048xf32, #tpu.memory_space<hbm>> -> memref<16x2048xf32, #tpu.memory_space<hbm>>
    %dma_start3A_505 = arith.constant 0 : i32
    %dma_start3A_506 = arith.constant 0 : i32
    %dma_start3A_507 = tpu.memref_slice %arg9[%dma_start3A_489, %dma_start3A_505, %dma_start3A_506] : memref<3x16x2048xf32, #tpu.memory_space<vmem>> -> memref<1x16x2048xf32, #tpu.memory_space<vmem>>
    %dma_start3A_508 = tpu.memref_squeeze %dma_start3A_507 : memref<1x16x2048xf32, #tpu.memory_space<vmem>> -> memref<16x2048xf32, #tpu.memory_space<vmem>>
    tpu.enqueue_dma source(%dma_start3A_508 : memref<16x2048xf32, #tpu.memory_space<vmem>>) target(%dma_start3A_504 : memref<16x2048xf32, #tpu.memory_space<hbm>>) target_semaphore(%dma_start3A_500 : memref<!tpu.dma_semaphore, #tpu.memory_space<semaphore_mem>>)
    %mul3A_509 = arith.constant 4 : i32
    %mul3A_510 = arith.muli %add3A, %mul3A_509 : i32
    %add3A_511 = arith.constant 1 : i32
    %add3A_512 = arith.addi %mul3A_510, %add3A_511 : i32
    %dma_wait3A_513 = arith.constant 1 : i32
    %dma_wait3A_514 = arith.constant 1 : i32
    %dma_wait3A_515 = arith.constant 0 : i32
    %dma_wait3A_516 = arith.constant 0 : i32
    %dma_wait3A_517 = tpu.memref_slice %arg9[%dma_wait3A_513, %dma_wait3A_515, %dma_wait3A_516] : memref<3x16x2048xf32, #tpu.memory_space<vmem>> -> memref<1x16x2048xf32, #tpu.memory_space<vmem>>
    %dma_wait3A_518 = tpu.memref_squeeze %dma_wait3A_517 : memref<1x16x2048xf32, #tpu.memory_space<vmem>> -> memref<16x2048xf32, #tpu.memory_space<vmem>>
    %dma_wait3A_519 = arith.constant 0 : i32
    %dma_wait3A_520 = arith.constant 0 : i32
    %dma_wait3A_521 = tpu.memref_slice %arg8[%add3A_512, %dma_wait3A_519, %dma_wait3A_520] : memref<128x64x2048xf32, #tpu.memory_space<hbm>> -> memref<1x16x2048xf32, #tpu.memory_space<hbm>>
    %dma_wait3A_522 = tpu.memref_squeeze %dma_wait3A_521 : memref<1x16x2048xf32, #tpu.memory_space<hbm>> -> memref<16x2048xf32, #tpu.memory_space<hbm>>
    %dma_wait3A_523 = tpu.memref_slice %arg13[%dma_wait3A_514] : memref<3x!tpu.dma_semaphore, #tpu.memory_space<semaphore_mem>> -> memref<1x!tpu.dma_semaphore, #tpu.memory_space<semaphore_mem>>
    %dma_wait3A_524 = tpu.memref_squeeze %dma_wait3A_523 : memref<1x!tpu.dma_semaphore, #tpu.memory_space<semaphore_mem>> -> memref<!tpu.dma_semaphore, #tpu.memory_space<semaphore_mem>>
    %dma_wait3A_525 = arith.constant 0 : i32
    %dma_wait3A_526 = arith.constant 0 : i32
    %dma_wait3A_527 = tpu.memref_slice %arg8[%add3A_512, %dma_wait3A_525, %dma_wait3A_526] : memref<128x64x2048xf32, #tpu.memory_space<hbm>> -> memref<1x16x2048xf32, #tpu.memory_space<hbm>>
    %dma_wait3A_528 = tpu.memref_squeeze %dma_wait3A_527 : memref<1x16x2048xf32, #tpu.memory_space<hbm>> -> memref<16x2048xf32, #tpu.memory_space<hbm>>
    %dma_wait3A_529 = arith.constant 0 : i32
    %dma_wait3A_530 = arith.constant 0 : i32
    %dma_wait3A_531 = tpu.memref_slice %arg9[%dma_wait3A_513, %dma_wait3A_529, %dma_wait3A_530] : memref<3x16x2048xf32, #tpu.memory_space<vmem>> -> memref<1x16x2048xf32, #tpu.memory_space<vmem>>
    %dma_wait3A_532 = tpu.memref_squeeze %dma_wait3A_531 : memref<1x16x2048xf32, #tpu.memory_space<vmem>> -> memref<16x2048xf32, #tpu.memory_space<vmem>>
    tpu.wait_dma2 semaphore(%dma_wait3A_524 : memref<!tpu.dma_semaphore, #tpu.memory_space<semaphore_mem>>) src(%dma_wait3A_532 : memref<16x2048xf32, #tpu.memory_space<vmem>>) dst(%dma_wait3A_528 : memref<16x2048xf32, #tpu.memory_space<hbm>>)
    %mul3A_533 = arith.constant 4 : i32
    %mul3A_534 = arith.muli %add3A, %mul3A_533 : i32
    %add3A_535 = arith.constant 1 : i32
    %add3A_536 = arith.addi %mul3A_534, %add3A_535 : i32
    %eq3A_537 = arith.cmpi eq, %add3A_536, %reduce_max3A_18 : i32
    %convert_element_type3A_538 = arith.extui %eq3A_537 : i1 to i32
    %cond3A_539 = arith.constant 1 : i32
    %cond3A_540 = arith.constant 1 : i32
    %cond3A_541 = arith.constant 0 : i32
    %cond3A_542 = arith.cmpi ne, %convert_element_type3A_538, %cond3A_541 : i32
    scf.if %cond3A_542 {
      %dma_start3A_1425 = arith.constant 0 : i32
      %dma_start3A_1426 = arith.constant 0 : i32
      %dma_start3A_1427 = tpu.memref_slice %arg9[%cond3A_539, %dma_start3A_1425, %dma_start3A_1426] : memref<3x16x2048xf32, #tpu.memory_space<vmem>> -> memref<1x16x2048xf32, #tpu.memory_space<vmem>>
      %dma_start3A_1428 = tpu.memref_squeeze %dma_start3A_1427 : memref<1x16x2048xf32, #tpu.memory_space<vmem>> -> memref<16x2048xf32, #tpu.memory_space<vmem>>
      %dma_start3A_1429 = arith.constant 48 : i32
      %dma_start3A_1430 = arith.constant 0 : i32
      %dma_start3A_1431 = tpu.memref_slice %arg6[%add3A_536, %dma_start3A_1429, %dma_start3A_1430] : memref<128x64x2048xf32, #tpu.memory_space<hbm>> -> memref<1x16x2048xf32, #tpu.memory_space<hbm>>
      %dma_start3A_1432 = tpu.memref_squeeze %dma_start3A_1431 : memref<1x16x2048xf32, #tpu.memory_space<hbm>> -> memref<16x2048xf32, #tpu.memory_space<hbm>>
      %dma_start3A_1433 = tpu.memref_slice %arg12[%cond3A_540] : memref<3x!tpu.dma_semaphore, #tpu.memory_space<semaphore_mem>> -> memref<1x!tpu.dma_semaphore, #tpu.memory_space<semaphore_mem>>
      %dma_start3A_1434 = tpu.memref_squeeze %dma_start3A_1433 : memref<1x!tpu.dma_semaphore, #tpu.memory_space<semaphore_mem>> -> memref<!tpu.dma_semaphore, #tpu.memory_space<semaphore_mem>>
      %dma_start3A_1435 = arith.constant 0 : i32
      %dma_start3A_1436 = arith.constant 0 : i32
      %dma_start3A_1437 = tpu.memref_slice %arg9[%cond3A_539, %dma_start3A_1435, %dma_start3A_1436] : memref<3x16x2048xf32, #tpu.memory_space<vmem>> -> memref<1x16x2048xf32, #tpu.memory_space<vmem>>
      %dma_start3A_1438 = tpu.memref_squeeze %dma_start3A_1437 : memref<1x16x2048xf32, #tpu.memory_space<vmem>> -> memref<16x2048xf32, #tpu.memory_space<vmem>>
      %dma_start3A_1439 = arith.constant 48 : i32
      %dma_start3A_1440 = arith.constant 0 : i32
      %dma_start3A_1441 = tpu.memref_slice %arg6[%add3A_536, %dma_start3A_1439, %dma_start3A_1440] : memref<128x64x2048xf32, #tpu.memory_space<hbm>> -> memref<1x16x2048xf32, #tpu.memory_space<hbm>>
      %dma_start3A_1442 = tpu.memref_squeeze %dma_start3A_1441 : memref<1x16x2048xf32, #tpu.memory_space<hbm>> -> memref<16x2048xf32, #tpu.memory_space<hbm>>
      tpu.enqueue_dma source(%dma_start3A_1442 : memref<16x2048xf32, #tpu.memory_space<hbm>>) target(%dma_start3A_1438 : memref<16x2048xf32, #tpu.memory_space<vmem>>) target_semaphore(%dma_start3A_1434 : memref<!tpu.dma_semaphore, #tpu.memory_space<semaphore_mem>>)
    } else {
    }
    %ne3A_543 = arith.cmpi ne, %add3A_536, %reduce_max3A_18 : i32
    %convert_element_type3A_544 = arith.extui %ne3A_543 : i1 to i32
    %cond3A_545 = arith.constant 1 : i32
    %cond3A_546 = arith.constant 1 : i32
    %cond3A_547 = arith.constant 0 : i32
    %cond3A_548 = arith.cmpi ne, %convert_element_type3A_544, %cond3A_547 : i32
    scf.if %cond3A_548 {
      %dma_start3A_1425 = arith.constant 0 : i32
      %dma_start3A_1426 = arith.constant 0 : i32
      %dma_start3A_1427 = tpu.memref_slice %arg9[%cond3A_545, %dma_start3A_1425, %dma_start3A_1426] : memref<3x16x2048xf32, #tpu.memory_space<vmem>> -> memref<1x16x2048xf32, #tpu.memory_space<vmem>>
      %dma_start3A_1428 = tpu.memref_squeeze %dma_start3A_1427 : memref<1x16x2048xf32, #tpu.memory_space<vmem>> -> memref<16x2048xf32, #tpu.memory_space<vmem>>
      %dma_start3A_1429 = arith.constant 48 : i32
      %dma_start3A_1430 = arith.constant 0 : i32
      %dma_start3A_1431 = tpu.memref_slice %arg5[%add3A_536, %dma_start3A_1429, %dma_start3A_1430] : memref<128x64x2048xf32, #tpu.memory_space<hbm>> -> memref<1x16x2048xf32, #tpu.memory_space<hbm>>
      %dma_start3A_1432 = tpu.memref_squeeze %dma_start3A_1431 : memref<1x16x2048xf32, #tpu.memory_space<hbm>> -> memref<16x2048xf32, #tpu.memory_space<hbm>>
      %dma_start3A_1433 = tpu.memref_slice %arg12[%cond3A_546] : memref<3x!tpu.dma_semaphore, #tpu.memory_space<semaphore_mem>> -> memref<1x!tpu.dma_semaphore, #tpu.memory_space<semaphore_mem>>
      %dma_start3A_1434 = tpu.memref_squeeze %dma_start3A_1433 : memref<1x!tpu.dma_semaphore, #tpu.memory_space<semaphore_mem>> -> memref<!tpu.dma_semaphore, #tpu.memory_space<semaphore_mem>>
      %dma_start3A_1435 = arith.constant 0 : i32
      %dma_start3A_1436 = arith.constant 0 : i32
      %dma_start3A_1437 = tpu.memref_slice %arg9[%cond3A_545, %dma_start3A_1435, %dma_start3A_1436] : memref<3x16x2048xf32, #tpu.memory_space<vmem>> -> memref<1x16x2048xf32, #tpu.memory_space<vmem>>
      %dma_start3A_1438 = tpu.memref_squeeze %dma_start3A_1437 : memref<1x16x2048xf32, #tpu.memory_space<vmem>> -> memref<16x2048xf32, #tpu.memory_space<vmem>>
      %dma_start3A_1439 = arith.constant 48 : i32
      %dma_start3A_1440 = arith.constant 0 : i32
      %dma_start3A_1441 = tpu.memref_slice %arg5[%add3A_536, %dma_start3A_1439, %dma_start3A_1440] : memref<128x64x2048xf32, #tpu.memory_space<hbm>> -> memref<1x16x2048xf32, #tpu.memory_space<hbm>>
      %dma_start3A_1442 = tpu.memref_squeeze %dma_start3A_1441 : memref<1x16x2048xf32, #tpu.memory_space<hbm>> -> memref<16x2048xf32, #tpu.memory_space<hbm>>
      tpu.enqueue_dma source(%dma_start3A_1442 : memref<16x2048xf32, #tpu.memory_space<hbm>>) target(%dma_start3A_1438 : memref<16x2048xf32, #tpu.memory_space<vmem>>) target_semaphore(%dma_start3A_1434 : memref<!tpu.dma_semaphore, #tpu.memory_space<semaphore_mem>>)
    } else {
    }
    %mul3A_549 = arith.constant 4 : i32
    %mul3A_550 = arith.muli %add3A, %mul3A_549 : i32
    %add3A_551 = arith.constant 1 : i32
    %add3A_552 = arith.addi %mul3A_550, %add3A_551 : i32
    %dma_wait3A_553 = arith.constant 0 : i32
    %dma_wait3A_554 = arith.constant 0 : i32
    %dma_wait3A_555 = arith.constant 0 : i32
    %dma_wait3A_556 = arith.constant 0 : i32
    %dma_wait3A_557 = tpu.memref_slice %arg9[%dma_wait3A_553, %dma_wait3A_555, %dma_wait3A_556] : memref<3x16x2048xf32, #tpu.memory_space<vmem>> -> memref<1x16x2048xf32, #tpu.memory_space<vmem>>
    %dma_wait3A_558 = tpu.memref_squeeze %dma_wait3A_557 : memref<1x16x2048xf32, #tpu.memory_space<vmem>> -> memref<16x2048xf32, #tpu.memory_space<vmem>>
    %dma_wait3A_559 = arith.constant 32 : i32
    %dma_wait3A_560 = arith.constant 0 : i32
    %dma_wait3A_561 = tpu.memref_slice %arg5[%add3A_552, %dma_wait3A_559, %dma_wait3A_560] : memref<128x64x2048xf32, #tpu.memory_space<hbm>> -> memref<1x16x2048xf32, #tpu.memory_space<hbm>>
    %dma_wait3A_562 = tpu.memref_squeeze %dma_wait3A_561 : memref<1x16x2048xf32, #tpu.memory_space<hbm>> -> memref<16x2048xf32, #tpu.memory_space<hbm>>
    %dma_wait3A_563 = tpu.memref_slice %arg12[%dma_wait3A_554] : memref<3x!tpu.dma_semaphore, #tpu.memory_space<semaphore_mem>> -> memref<1x!tpu.dma_semaphore, #tpu.memory_space<semaphore_mem>>
    %dma_wait3A_564 = tpu.memref_squeeze %dma_wait3A_563 : memref<1x!tpu.dma_semaphore, #tpu.memory_space<semaphore_mem>> -> memref<!tpu.dma_semaphore, #tpu.memory_space<semaphore_mem>>
    %dma_wait3A_565 = arith.constant 0 : i32
    %dma_wait3A_566 = arith.constant 0 : i32
    %dma_wait3A_567 = tpu.memref_slice %arg9[%dma_wait3A_553, %dma_wait3A_565, %dma_wait3A_566] : memref<3x16x2048xf32, #tpu.memory_space<vmem>> -> memref<1x16x2048xf32, #tpu.memory_space<vmem>>
    %dma_wait3A_568 = tpu.memref_squeeze %dma_wait3A_567 : memref<1x16x2048xf32, #tpu.memory_space<vmem>> -> memref<16x2048xf32, #tpu.memory_space<vmem>>
    %dma_wait3A_569 = arith.constant 32 : i32
    %dma_wait3A_570 = arith.constant 0 : i32
    %dma_wait3A_571 = tpu.memref_slice %arg5[%add3A_552, %dma_wait3A_569, %dma_wait3A_570] : memref<128x64x2048xf32, #tpu.memory_space<hbm>> -> memref<1x16x2048xf32, #tpu.memory_space<hbm>>
    %dma_wait3A_572 = tpu.memref_squeeze %dma_wait3A_571 : memref<1x16x2048xf32, #tpu.memory_space<hbm>> -> memref<16x2048xf32, #tpu.memory_space<hbm>>
    tpu.wait_dma2 semaphore(%dma_wait3A_564 : memref<!tpu.dma_semaphore, #tpu.memory_space<semaphore_mem>>) src(%dma_wait3A_572 : memref<16x2048xf32, #tpu.memory_space<hbm>>) dst(%dma_wait3A_568 : memref<16x2048xf32, #tpu.memory_space<vmem>>)
    %mul3A_573 = arith.constant 4 : i32
    %mul3A_574 = arith.muli %add3A, %mul3A_573 : i32
    %add3A_575 = arith.constant 1 : i32
    %add3A_576 = arith.addi %mul3A_574, %add3A_575 : i32
    %dma_start3A_577 = arith.constant 0 : i32
    %dma_start3A_578 = arith.constant 0 : i32
    %dma_start3A_579 = arith.constant 0 : i32
    %dma_start3A_580 = arith.constant 0 : i32
    %dma_start3A_581 = tpu.memref_slice %arg9[%dma_start3A_577, %dma_start3A_579, %dma_start3A_580] : memref<3x16x2048xf32, #tpu.memory_space<vmem>> -> memref<1x16x2048xf32, #tpu.memory_space<vmem>>
    %dma_start3A_582 = tpu.memref_squeeze %dma_start3A_581 : memref<1x16x2048xf32, #tpu.memory_space<vmem>> -> memref<16x2048xf32, #tpu.memory_space<vmem>>
    %dma_start3A_583 = arith.constant 32 : i32
    %dma_start3A_584 = arith.constant 0 : i32
    %dma_start3A_585 = tpu.memref_slice %arg8[%add3A_576, %dma_start3A_583, %dma_start3A_584] : memref<128x64x2048xf32, #tpu.memory_space<hbm>> -> memref<1x16x2048xf32, #tpu.memory_space<hbm>>
    %dma_start3A_586 = tpu.memref_squeeze %dma_start3A_585 : memref<1x16x2048xf32, #tpu.memory_space<hbm>> -> memref<16x2048xf32, #tpu.memory_space<hbm>>
    %dma_start3A_587 = tpu.memref_slice %arg13[%dma_start3A_578] : memref<3x!tpu.dma_semaphore, #tpu.memory_space<semaphore_mem>> -> memref<1x!tpu.dma_semaphore, #tpu.memory_space<semaphore_mem>>
    %dma_start3A_588 = tpu.memref_squeeze %dma_start3A_587 : memref<1x!tpu.dma_semaphore, #tpu.memory_space<semaphore_mem>> -> memref<!tpu.dma_semaphore, #tpu.memory_space<semaphore_mem>>
    %dma_start3A_589 = arith.constant 32 : i32
    %dma_start3A_590 = arith.constant 0 : i32
    %dma_start3A_591 = tpu.memref_slice %arg8[%add3A_576, %dma_start3A_589, %dma_start3A_590] : memref<128x64x2048xf32, #tpu.memory_space<hbm>> -> memref<1x16x2048xf32, #tpu.memory_space<hbm>>
    %dma_start3A_592 = tpu.memref_squeeze %dma_start3A_591 : memref<1x16x2048xf32, #tpu.memory_space<hbm>> -> memref<16x2048xf32, #tpu.memory_space<hbm>>
    %dma_start3A_593 = arith.constant 0 : i32
    %dma_start3A_594 = arith.constant 0 : i32
    %dma_start3A_595 = tpu.memref_slice %arg9[%dma_start3A_577, %dma_start3A_593, %dma_start3A_594] : memref<3x16x2048xf32, #tpu.memory_space<vmem>> -> memref<1x16x2048xf32, #tpu.memory_space<vmem>>
    %dma_start3A_596 = tpu.memref_squeeze %dma_start3A_595 : memref<1x16x2048xf32, #tpu.memory_space<vmem>> -> memref<16x2048xf32, #tpu.memory_space<vmem>>
    tpu.enqueue_dma source(%dma_start3A_596 : memref<16x2048xf32, #tpu.memory_space<vmem>>) target(%dma_start3A_592 : memref<16x2048xf32, #tpu.memory_space<hbm>>) target_semaphore(%dma_start3A_588 : memref<!tpu.dma_semaphore, #tpu.memory_space<semaphore_mem>>)
    %mul3A_597 = arith.constant 4 : i32
    %mul3A_598 = arith.muli %add3A, %mul3A_597 : i32
    %add3A_599 = arith.constant 1 : i32
    %add3A_600 = arith.addi %mul3A_598, %add3A_599 : i32
    %dma_wait3A_601 = arith.constant 2 : i32
    %dma_wait3A_602 = arith.constant 2 : i32
    %dma_wait3A_603 = arith.constant 0 : i32
    %dma_wait3A_604 = arith.constant 0 : i32
    %dma_wait3A_605 = tpu.memref_slice %arg9[%dma_wait3A_601, %dma_wait3A_603, %dma_wait3A_604] : memref<3x16x2048xf32, #tpu.memory_space<vmem>> -> memref<1x16x2048xf32, #tpu.memory_space<vmem>>
    %dma_wait3A_606 = tpu.memref_squeeze %dma_wait3A_605 : memref<1x16x2048xf32, #tpu.memory_space<vmem>> -> memref<16x2048xf32, #tpu.memory_space<vmem>>
    %dma_wait3A_607 = arith.constant 16 : i32
    %dma_wait3A_608 = arith.constant 0 : i32
    %dma_wait3A_609 = tpu.memref_slice %arg8[%add3A_600, %dma_wait3A_607, %dma_wait3A_608] : memref<128x64x2048xf32, #tpu.memory_space<hbm>> -> memref<1x16x2048xf32, #tpu.memory_space<hbm>>
    %dma_wait3A_610 = tpu.memref_squeeze %dma_wait3A_609 : memref<1x16x2048xf32, #tpu.memory_space<hbm>> -> memref<16x2048xf32, #tpu.memory_space<hbm>>
    %dma_wait3A_611 = tpu.memref_slice %arg13[%dma_wait3A_602] : memref<3x!tpu.dma_semaphore, #tpu.memory_space<semaphore_mem>> -> memref<1x!tpu.dma_semaphore, #tpu.memory_space<semaphore_mem>>
    %dma_wait3A_612 = tpu.memref_squeeze %dma_wait3A_611 : memref<1x!tpu.dma_semaphore, #tpu.memory_space<semaphore_mem>> -> memref<!tpu.dma_semaphore, #tpu.memory_space<semaphore_mem>>
    %dma_wait3A_613 = arith.constant 16 : i32
    %dma_wait3A_614 = arith.constant 0 : i32
    %dma_wait3A_615 = tpu.memref_slice %arg8[%add3A_600, %dma_wait3A_613, %dma_wait3A_614] : memref<128x64x2048xf32, #tpu.memory_space<hbm>> -> memref<1x16x2048xf32, #tpu.memory_space<hbm>>
    %dma_wait3A_616 = tpu.memref_squeeze %dma_wait3A_615 : memref<1x16x2048xf32, #tpu.memory_space<hbm>> -> memref<16x2048xf32, #tpu.memory_space<hbm>>
    %dma_wait3A_617 = arith.constant 0 : i32
    %dma_wait3A_618 = arith.constant 0 : i32
    %dma_wait3A_619 = tpu.memref_slice %arg9[%dma_wait3A_601, %dma_wait3A_617, %dma_wait3A_618] : memref<3x16x2048xf32, #tpu.memory_space<vmem>> -> memref<1x16x2048xf32, #tpu.memory_space<vmem>>
    %dma_wait3A_620 = tpu.memref_squeeze %dma_wait3A_619 : memref<1x16x2048xf32, #tpu.memory_space<vmem>> -> memref<16x2048xf32, #tpu.memory_space<vmem>>
    tpu.wait_dma2 semaphore(%dma_wait3A_612 : memref<!tpu.dma_semaphore, #tpu.memory_space<semaphore_mem>>) src(%dma_wait3A_620 : memref<16x2048xf32, #tpu.memory_space<vmem>>) dst(%dma_wait3A_616 : memref<16x2048xf32, #tpu.memory_space<hbm>>)
    %mul3A_621 = arith.constant 4 : i32
    %mul3A_622 = arith.muli %add3A, %mul3A_621 : i32
    %add3A_623 = arith.constant 2 : i32
    %add3A_624 = arith.addi %mul3A_622, %add3A_623 : i32
    %eq3A_625 = arith.cmpi eq, %add3A_624, %reduce_max3A_18 : i32
    %convert_element_type3A_626 = arith.extui %eq3A_625 : i1 to i32
    %cond3A_627 = arith.constant 2 : i32
    %cond3A_628 = arith.constant 2 : i32
    %cond3A_629 = arith.constant 0 : i32
    %cond3A_630 = arith.cmpi ne, %convert_element_type3A_626, %cond3A_629 : i32
    scf.if %cond3A_630 {
      %dma_start3A_1425 = arith.constant 0 : i32
      %dma_start3A_1426 = arith.constant 0 : i32
      %dma_start3A_1427 = tpu.memref_slice %arg9[%cond3A_627, %dma_start3A_1425, %dma_start3A_1426] : memref<3x16x2048xf32, #tpu.memory_space<vmem>> -> memref<1x16x2048xf32, #tpu.memory_space<vmem>>
      %dma_start3A_1428 = tpu.memref_squeeze %dma_start3A_1427 : memref<1x16x2048xf32, #tpu.memory_space<vmem>> -> memref<16x2048xf32, #tpu.memory_space<vmem>>
      %dma_start3A_1429 = arith.constant 0 : i32
      %dma_start3A_1430 = arith.constant 0 : i32
      %dma_start3A_1431 = tpu.memref_slice %arg6[%add3A_624, %dma_start3A_1429, %dma_start3A_1430] : memref<128x64x2048xf32, #tpu.memory_space<hbm>> -> memref<1x16x2048xf32, #tpu.memory_space<hbm>>
      %dma_start3A_1432 = tpu.memref_squeeze %dma_start3A_1431 : memref<1x16x2048xf32, #tpu.memory_space<hbm>> -> memref<16x2048xf32, #tpu.memory_space<hbm>>
      %dma_start3A_1433 = tpu.memref_slice %arg12[%cond3A_628] : memref<3x!tpu.dma_semaphore, #tpu.memory_space<semaphore_mem>> -> memref<1x!tpu.dma_semaphore, #tpu.memory_space<semaphore_mem>>
      %dma_start3A_1434 = tpu.memref_squeeze %dma_start3A_1433 : memref<1x!tpu.dma_semaphore, #tpu.memory_space<semaphore_mem>> -> memref<!tpu.dma_semaphore, #tpu.memory_space<semaphore_mem>>
      %dma_start3A_1435 = arith.constant 0 : i32
      %dma_start3A_1436 = arith.constant 0 : i32
      %dma_start3A_1437 = tpu.memref_slice %arg9[%cond3A_627, %dma_start3A_1435, %dma_start3A_1436] : memref<3x16x2048xf32, #tpu.memory_space<vmem>> -> memref<1x16x2048xf32, #tpu.memory_space<vmem>>
      %dma_start3A_1438 = tpu.memref_squeeze %dma_start3A_1437 : memref<1x16x2048xf32, #tpu.memory_space<vmem>> -> memref<16x2048xf32, #tpu.memory_space<vmem>>
      %dma_start3A_1439 = arith.constant 0 : i32
      %dma_start3A_1440 = arith.constant 0 : i32
      %dma_start3A_1441 = tpu.memref_slice %arg6[%add3A_624, %dma_start3A_1439, %dma_start3A_1440] : memref<128x64x2048xf32, #tpu.memory_space<hbm>> -> memref<1x16x2048xf32, #tpu.memory_space<hbm>>
      %dma_start3A_1442 = tpu.memref_squeeze %dma_start3A_1441 : memref<1x16x2048xf32, #tpu.memory_space<hbm>> -> memref<16x2048xf32, #tpu.memory_space<hbm>>
      tpu.enqueue_dma source(%dma_start3A_1442 : memref<16x2048xf32, #tpu.memory_space<hbm>>) target(%dma_start3A_1438 : memref<16x2048xf32, #tpu.memory_space<vmem>>) target_semaphore(%dma_start3A_1434 : memref<!tpu.dma_semaphore, #tpu.memory_space<semaphore_mem>>)
    } else {
    }
    %ne3A_631 = arith.cmpi ne, %add3A_624, %reduce_max3A_18 : i32
    %convert_element_type3A_632 = arith.extui %ne3A_631 : i1 to i32
    %cond3A_633 = arith.constant 2 : i32
    %cond3A_634 = arith.constant 2 : i32
    %cond3A_635 = arith.constant 0 : i32
    %cond3A_636 = arith.cmpi ne, %convert_element_type3A_632, %cond3A_635 : i32
    scf.if %cond3A_636 {
      %dma_start3A_1425 = arith.constant 0 : i32
      %dma_start3A_1426 = arith.constant 0 : i32
      %dma_start3A_1427 = tpu.memref_slice %arg9[%cond3A_633, %dma_start3A_1425, %dma_start3A_1426] : memref<3x16x2048xf32, #tpu.memory_space<vmem>> -> memref<1x16x2048xf32, #tpu.memory_space<vmem>>
      %dma_start3A_1428 = tpu.memref_squeeze %dma_start3A_1427 : memref<1x16x2048xf32, #tpu.memory_space<vmem>> -> memref<16x2048xf32, #tpu.memory_space<vmem>>
      %dma_start3A_1429 = arith.constant 0 : i32
      %dma_start3A_1430 = arith.constant 0 : i32
      %dma_start3A_1431 = tpu.memref_slice %arg5[%add3A_624, %dma_start3A_1429, %dma_start3A_1430] : memref<128x64x2048xf32, #tpu.memory_space<hbm>> -> memref<1x16x2048xf32, #tpu.memory_space<hbm>>
      %dma_start3A_1432 = tpu.memref_squeeze %dma_start3A_1431 : memref<1x16x2048xf32, #tpu.memory_space<hbm>> -> memref<16x2048xf32, #tpu.memory_space<hbm>>
      %dma_start3A_1433 = tpu.memref_slice %arg12[%cond3A_634] : memref<3x!tpu.dma_semaphore, #tpu.memory_space<semaphore_mem>> -> memref<1x!tpu.dma_semaphore, #tpu.memory_space<semaphore_mem>>
      %dma_start3A_1434 = tpu.memref_squeeze %dma_start3A_1433 : memref<1x!tpu.dma_semaphore, #tpu.memory_space<semaphore_mem>> -> memref<!tpu.dma_semaphore, #tpu.memory_space<semaphore_mem>>
      %dma_start3A_1435 = arith.constant 0 : i32
      %dma_start3A_1436 = arith.constant 0 : i32
      %dma_start3A_1437 = tpu.memref_slice %arg9[%cond3A_633, %dma_start3A_1435, %dma_start3A_1436] : memref<3x16x2048xf32, #tpu.memory_space<vmem>> -> memref<1x16x2048xf32, #tpu.memory_space<vmem>>
      %dma_start3A_1438 = tpu.memref_squeeze %dma_start3A_1437 : memref<1x16x2048xf32, #tpu.memory_space<vmem>> -> memref<16x2048xf32, #tpu.memory_space<vmem>>
      %dma_start3A_1439 = arith.constant 0 : i32
      %dma_start3A_1440 = arith.constant 0 : i32
      %dma_start3A_1441 = tpu.memref_slice %arg5[%add3A_624, %dma_start3A_1439, %dma_start3A_1440] : memref<128x64x2048xf32, #tpu.memory_space<hbm>> -> memref<1x16x2048xf32, #tpu.memory_space<hbm>>
      %dma_start3A_1442 = tpu.memref_squeeze %dma_start3A_1441 : memref<1x16x2048xf32, #tpu.memory_space<hbm>> -> memref<16x2048xf32, #tpu.memory_space<hbm>>
      tpu.enqueue_dma source(%dma_start3A_1442 : memref<16x2048xf32, #tpu.memory_space<hbm>>) target(%dma_start3A_1438 : memref<16x2048xf32, #tpu.memory_space<vmem>>) target_semaphore(%dma_start3A_1434 : memref<!tpu.dma_semaphore, #tpu.memory_space<semaphore_mem>>)
    } else {
    }
    %mul3A_637 = arith.constant 4 : i32
    %mul3A_638 = arith.muli %add3A, %mul3A_637 : i32
    %add3A_639 = arith.constant 1 : i32
    %add3A_640 = arith.addi %mul3A_638, %add3A_639 : i32
    %dma_wait3A_641 = arith.constant 1 : i32
    %dma_wait3A_642 = arith.constant 1 : i32
    %dma_wait3A_643 = arith.constant 0 : i32
    %dma_wait3A_644 = arith.constant 0 : i32
    %dma_wait3A_645 = tpu.memref_slice %arg9[%dma_wait3A_641, %dma_wait3A_643, %dma_wait3A_644] : memref<3x16x2048xf32, #tpu.memory_space<vmem>> -> memref<1x16x2048xf32, #tpu.memory_space<vmem>>
    %dma_wait3A_646 = tpu.memref_squeeze %dma_wait3A_645 : memref<1x16x2048xf32, #tpu.memory_space<vmem>> -> memref<16x2048xf32, #tpu.memory_space<vmem>>
    %dma_wait3A_647 = arith.constant 48 : i32
    %dma_wait3A_648 = arith.constant 0 : i32
    %dma_wait3A_649 = tpu.memref_slice %arg5[%add3A_640, %dma_wait3A_647, %dma_wait3A_648] : memref<128x64x2048xf32, #tpu.memory_space<hbm>> -> memref<1x16x2048xf32, #tpu.memory_space<hbm>>
    %dma_wait3A_650 = tpu.memref_squeeze %dma_wait3A_649 : memref<1x16x2048xf32, #tpu.memory_space<hbm>> -> memref<16x2048xf32, #tpu.memory_space<hbm>>
    %dma_wait3A_651 = tpu.memref_slice %arg12[%dma_wait3A_642] : memref<3x!tpu.dma_semaphore, #tpu.memory_space<semaphore_mem>> -> memref<1x!tpu.dma_semaphore, #tpu.memory_space<semaphore_mem>>
    %dma_wait3A_652 = tpu.memref_squeeze %dma_wait3A_651 : memref<1x!tpu.dma_semaphore, #tpu.memory_space<semaphore_mem>> -> memref<!tpu.dma_semaphore, #tpu.memory_space<semaphore_mem>>
    %dma_wait3A_653 = arith.constant 0 : i32
    %dma_wait3A_654 = arith.constant 0 : i32
    %dma_wait3A_655 = tpu.memref_slice %arg9[%dma_wait3A_641, %dma_wait3A_653, %dma_wait3A_654] : memref<3x16x2048xf32, #tpu.memory_space<vmem>> -> memref<1x16x2048xf32, #tpu.memory_space<vmem>>
    %dma_wait3A_656 = tpu.memref_squeeze %dma_wait3A_655 : memref<1x16x2048xf32, #tpu.memory_space<vmem>> -> memref<16x2048xf32, #tpu.memory_space<vmem>>
    %dma_wait3A_657 = arith.constant 48 : i32
    %dma_wait3A_658 = arith.constant 0 : i32
    %dma_wait3A_659 = tpu.memref_slice %arg5[%add3A_640, %dma_wait3A_657, %dma_wait3A_658] : memref<128x64x2048xf32, #tpu.memory_space<hbm>> -> memref<1x16x2048xf32, #tpu.memory_space<hbm>>
    %dma_wait3A_660 = tpu.memref_squeeze %dma_wait3A_659 : memref<1x16x2048xf32, #tpu.memory_space<hbm>> -> memref<16x2048xf32, #tpu.memory_space<hbm>>
    tpu.wait_dma2 semaphore(%dma_wait3A_652 : memref<!tpu.dma_semaphore, #tpu.memory_space<semaphore_mem>>) src(%dma_wait3A_660 : memref<16x2048xf32, #tpu.memory_space<hbm>>) dst(%dma_wait3A_656 : memref<16x2048xf32, #tpu.memory_space<vmem>>)
    %mul3A_661 = arith.constant 4 : i32
    %mul3A_662 = arith.muli %add3A, %mul3A_661 : i32
    %add3A_663 = arith.constant 1 : i32
    %add3A_664 = arith.addi %mul3A_662, %add3A_663 : i32
    %dma_start3A_665 = arith.constant 1 : i32
    %dma_start3A_666 = arith.constant 1 : i32
    %dma_start3A_667 = arith.constant 0 : i32
    %dma_start3A_668 = arith.constant 0 : i32
    %dma_start3A_669 = tpu.memref_slice %arg9[%dma_start3A_665, %dma_start3A_667, %dma_start3A_668] : memref<3x16x2048xf32, #tpu.memory_space<vmem>> -> memref<1x16x2048xf32, #tpu.memory_space<vmem>>
    %dma_start3A_670 = tpu.memref_squeeze %dma_start3A_669 : memref<1x16x2048xf32, #tpu.memory_space<vmem>> -> memref<16x2048xf32, #tpu.memory_space<vmem>>
    %dma_start3A_671 = arith.constant 48 : i32
    %dma_start3A_672 = arith.constant 0 : i32
    %dma_start3A_673 = tpu.memref_slice %arg8[%add3A_664, %dma_start3A_671, %dma_start3A_672] : memref<128x64x2048xf32, #tpu.memory_space<hbm>> -> memref<1x16x2048xf32, #tpu.memory_space<hbm>>
    %dma_start3A_674 = tpu.memref_squeeze %dma_start3A_673 : memref<1x16x2048xf32, #tpu.memory_space<hbm>> -> memref<16x2048xf32, #tpu.memory_space<hbm>>
    %dma_start3A_675 = tpu.memref_slice %arg13[%dma_start3A_666] : memref<3x!tpu.dma_semaphore, #tpu.memory_space<semaphore_mem>> -> memref<1x!tpu.dma_semaphore, #tpu.memory_space<semaphore_mem>>
    %dma_start3A_676 = tpu.memref_squeeze %dma_start3A_675 : memref<1x!tpu.dma_semaphore, #tpu.memory_space<semaphore_mem>> -> memref<!tpu.dma_semaphore, #tpu.memory_space<semaphore_mem>>
    %dma_start3A_677 = arith.constant 48 : i32
    %dma_start3A_678 = arith.constant 0 : i32
    %dma_start3A_679 = tpu.memref_slice %arg8[%add3A_664, %dma_start3A_677, %dma_start3A_678] : memref<128x64x2048xf32, #tpu.memory_space<hbm>> -> memref<1x16x2048xf32, #tpu.memory_space<hbm>>
    %dma_start3A_680 = tpu.memref_squeeze %dma_start3A_679 : memref<1x16x2048xf32, #tpu.memory_space<hbm>> -> memref<16x2048xf32, #tpu.memory_space<hbm>>
    %dma_start3A_681 = arith.constant 0 : i32
    %dma_start3A_682 = arith.constant 0 : i32
    %dma_start3A_683 = tpu.memref_slice %arg9[%dma_start3A_665, %dma_start3A_681, %dma_start3A_682] : memref<3x16x2048xf32, #tpu.memory_space<vmem>> -> memref<1x16x2048xf32, #tpu.memory_space<vmem>>
    %dma_start3A_684 = tpu.memref_squeeze %dma_start3A_683 : memref<1x16x2048xf32, #tpu.memory_space<vmem>> -> memref<16x2048xf32, #tpu.memory_space<vmem>>
    tpu.enqueue_dma source(%dma_start3A_684 : memref<16x2048xf32, #tpu.memory_space<vmem>>) target(%dma_start3A_680 : memref<16x2048xf32, #tpu.memory_space<hbm>>) target_semaphore(%dma_start3A_676 : memref<!tpu.dma_semaphore, #tpu.memory_space<semaphore_mem>>)
    %mul3A_685 = arith.constant 4 : i32
    %mul3A_686 = arith.muli %add3A, %mul3A_685 : i32
    %add3A_687 = arith.constant 1 : i32
    %add3A_688 = arith.addi %mul3A_686, %add3A_687 : i32
    %dma_wait3A_689 = arith.constant 0 : i32
    %dma_wait3A_690 = arith.constant 0 : i32
    %dma_wait3A_691 = arith.constant 0 : i32
    %dma_wait3A_692 = arith.constant 0 : i32
    %dma_wait3A_693 = tpu.memref_slice %arg9[%dma_wait3A_689, %dma_wait3A_691, %dma_wait3A_692] : memref<3x16x2048xf32, #tpu.memory_space<vmem>> -> memref<1x16x2048xf32, #tpu.memory_space<vmem>>
    %dma_wait3A_694 = tpu.memref_squeeze %dma_wait3A_693 : memref<1x16x2048xf32, #tpu.memory_space<vmem>> -> memref<16x2048xf32, #tpu.memory_space<vmem>>
    %dma_wait3A_695 = arith.constant 32 : i32
    %dma_wait3A_696 = arith.constant 0 : i32
    %dma_wait3A_697 = tpu.memref_slice %arg8[%add3A_688, %dma_wait3A_695, %dma_wait3A_696] : memref<128x64x2048xf32, #tpu.memory_space<hbm>> -> memref<1x16x2048xf32, #tpu.memory_space<hbm>>
    %dma_wait3A_698 = tpu.memref_squeeze %dma_wait3A_697 : memref<1x16x2048xf32, #tpu.memory_space<hbm>> -> memref<16x2048xf32, #tpu.memory_space<hbm>>
    %dma_wait3A_699 = tpu.memref_slice %arg13[%dma_wait3A_690] : memref<3x!tpu.dma_semaphore, #tpu.memory_space<semaphore_mem>> -> memref<1x!tpu.dma_semaphore, #tpu.memory_space<semaphore_mem>>
    %dma_wait3A_700 = tpu.memref_squeeze %dma_wait3A_699 : memref<1x!tpu.dma_semaphore, #tpu.memory_space<semaphore_mem>> -> memref<!tpu.dma_semaphore, #tpu.memory_space<semaphore_mem>>
    %dma_wait3A_701 = arith.constant 32 : i32
    %dma_wait3A_702 = arith.constant 0 : i32
    %dma_wait3A_703 = tpu.memref_slice %arg8[%add3A_688, %dma_wait3A_701, %dma_wait3A_702] : memref<128x64x2048xf32, #tpu.memory_space<hbm>> -> memref<1x16x2048xf32, #tpu.memory_space<hbm>>
    %dma_wait3A_704 = tpu.memref_squeeze %dma_wait3A_703 : memref<1x16x2048xf32, #tpu.memory_space<hbm>> -> memref<16x2048xf32, #tpu.memory_space<hbm>>
    %dma_wait3A_705 = arith.constant 0 : i32
    %dma_wait3A_706 = arith.constant 0 : i32
    %dma_wait3A_707 = tpu.memref_slice %arg9[%dma_wait3A_689, %dma_wait3A_705, %dma_wait3A_706] : memref<3x16x2048xf32, #tpu.memory_space<vmem>> -> memref<1x16x2048xf32, #tpu.memory_space<vmem>>
    %dma_wait3A_708 = tpu.memref_squeeze %dma_wait3A_707 : memref<1x16x2048xf32, #tpu.memory_space<vmem>> -> memref<16x2048xf32, #tpu.memory_space<vmem>>
    tpu.wait_dma2 semaphore(%dma_wait3A_700 : memref<!tpu.dma_semaphore, #tpu.memory_space<semaphore_mem>>) src(%dma_wait3A_708 : memref<16x2048xf32, #tpu.memory_space<vmem>>) dst(%dma_wait3A_704 : memref<16x2048xf32, #tpu.memory_space<hbm>>)
    %mul3A_709 = arith.constant 4 : i32
    %mul3A_710 = arith.muli %add3A, %mul3A_709 : i32
    %add3A_711 = arith.constant 2 : i32
    %add3A_712 = arith.addi %mul3A_710, %add3A_711 : i32
    %eq3A_713 = arith.cmpi eq, %add3A_712, %reduce_max3A_18 : i32
    %convert_element_type3A_714 = arith.extui %eq3A_713 : i1 to i32
    %cond3A_715 = arith.constant 0 : i32
    %cond3A_716 = arith.constant 0 : i32
    %cond3A_717 = arith.constant 0 : i32
    %cond3A_718 = arith.cmpi ne, %convert_element_type3A_714, %cond3A_717 : i32
    scf.if %cond3A_718 {
      %dma_start3A_1425 = arith.constant 0 : i32
      %dma_start3A_1426 = arith.constant 0 : i32
      %dma_start3A_1427 = tpu.memref_slice %arg9[%cond3A_715, %dma_start3A_1425, %dma_start3A_1426] : memref<3x16x2048xf32, #tpu.memory_space<vmem>> -> memref<1x16x2048xf32, #tpu.memory_space<vmem>>
      %dma_start3A_1428 = tpu.memref_squeeze %dma_start3A_1427 : memref<1x16x2048xf32, #tpu.memory_space<vmem>> -> memref<16x2048xf32, #tpu.memory_space<vmem>>
      %dma_start3A_1429 = arith.constant 16 : i32
      %dma_start3A_1430 = arith.constant 0 : i32
      %dma_start3A_1431 = tpu.memref_slice %arg6[%add3A_712, %dma_start3A_1429, %dma_start3A_1430] : memref<128x64x2048xf32, #tpu.memory_space<hbm>> -> memref<1x16x2048xf32, #tpu.memory_space<hbm>>
      %dma_start3A_1432 = tpu.memref_squeeze %dma_start3A_1431 : memref<1x16x2048xf32, #tpu.memory_space<hbm>> -> memref<16x2048xf32, #tpu.memory_space<hbm>>
      %dma_start3A_1433 = tpu.memref_slice %arg12[%cond3A_716] : memref<3x!tpu.dma_semaphore, #tpu.memory_space<semaphore_mem>> -> memref<1x!tpu.dma_semaphore, #tpu.memory_space<semaphore_mem>>
      %dma_start3A_1434 = tpu.memref_squeeze %dma_start3A_1433 : memref<1x!tpu.dma_semaphore, #tpu.memory_space<semaphore_mem>> -> memref<!tpu.dma_semaphore, #tpu.memory_space<semaphore_mem>>
      %dma_start3A_1435 = arith.constant 0 : i32
      %dma_start3A_1436 = arith.constant 0 : i32
      %dma_start3A_1437 = tpu.memref_slice %arg9[%cond3A_715, %dma_start3A_1435, %dma_start3A_1436] : memref<3x16x2048xf32, #tpu.memory_space<vmem>> -> memref<1x16x2048xf32, #tpu.memory_space<vmem>>
      %dma_start3A_1438 = tpu.memref_squeeze %dma_start3A_1437 : memref<1x16x2048xf32, #tpu.memory_space<vmem>> -> memref<16x2048xf32, #tpu.memory_space<vmem>>
      %dma_start3A_1439 = arith.constant 16 : i32
      %dma_start3A_1440 = arith.constant 0 : i32
      %dma_start3A_1441 = tpu.memref_slice %arg6[%add3A_712, %dma_start3A_1439, %dma_start3A_1440] : memref<128x64x2048xf32, #tpu.memory_space<hbm>> -> memref<1x16x2048xf32, #tpu.memory_space<hbm>>
      %dma_start3A_1442 = tpu.memref_squeeze %dma_start3A_1441 : memref<1x16x2048xf32, #tpu.memory_space<hbm>> -> memref<16x2048xf32, #tpu.memory_space<hbm>>
      tpu.enqueue_dma source(%dma_start3A_1442 : memref<16x2048xf32, #tpu.memory_space<hbm>>) target(%dma_start3A_1438 : memref<16x2048xf32, #tpu.memory_space<vmem>>) target_semaphore(%dma_start3A_1434 : memref<!tpu.dma_semaphore, #tpu.memory_space<semaphore_mem>>)
    } else {
    }
    %ne3A_719 = arith.cmpi ne, %add3A_712, %reduce_max3A_18 : i32
    %convert_element_type3A_720 = arith.extui %ne3A_719 : i1 to i32
    %cond3A_721 = arith.constant 0 : i32
    %cond3A_722 = arith.constant 0 : i32
    %cond3A_723 = arith.constant 0 : i32
    %cond3A_724 = arith.cmpi ne, %convert_element_type3A_720, %cond3A_723 : i32
    scf.if %cond3A_724 {
      %dma_start3A_1425 = arith.constant 0 : i32
      %dma_start3A_1426 = arith.constant 0 : i32
      %dma_start3A_1427 = tpu.memref_slice %arg9[%cond3A_721, %dma_start3A_1425, %dma_start3A_1426] : memref<3x16x2048xf32, #tpu.memory_space<vmem>> -> memref<1x16x2048xf32, #tpu.memory_space<vmem>>
      %dma_start3A_1428 = tpu.memref_squeeze %dma_start3A_1427 : memref<1x16x2048xf32, #tpu.memory_space<vmem>> -> memref<16x2048xf32, #tpu.memory_space<vmem>>
      %dma_start3A_1429 = arith.constant 16 : i32
      %dma_start3A_1430 = arith.constant 0 : i32
      %dma_start3A_1431 = tpu.memref_slice %arg5[%add3A_712, %dma_start3A_1429, %dma_start3A_1430] : memref<128x64x2048xf32, #tpu.memory_space<hbm>> -> memref<1x16x2048xf32, #tpu.memory_space<hbm>>
      %dma_start3A_1432 = tpu.memref_squeeze %dma_start3A_1431 : memref<1x16x2048xf32, #tpu.memory_space<hbm>> -> memref<16x2048xf32, #tpu.memory_space<hbm>>
      %dma_start3A_1433 = tpu.memref_slice %arg12[%cond3A_722] : memref<3x!tpu.dma_semaphore, #tpu.memory_space<semaphore_mem>> -> memref<1x!tpu.dma_semaphore, #tpu.memory_space<semaphore_mem>>
      %dma_start3A_1434 = tpu.memref_squeeze %dma_start3A_1433 : memref<1x!tpu.dma_semaphore, #tpu.memory_space<semaphore_mem>> -> memref<!tpu.dma_semaphore, #tpu.memory_space<semaphore_mem>>
      %dma_start3A_1435 = arith.constant 0 : i32
      %dma_start3A_1436 = arith.constant 0 : i32
      %dma_start3A_1437 = tpu.memref_slice %arg9[%cond3A_721, %dma_start3A_1435, %dma_start3A_1436] : memref<3x16x2048xf32, #tpu.memory_space<vmem>> -> memref<1x16x2048xf32, #tpu.memory_space<vmem>>
      %dma_start3A_1438 = tpu.memref_squeeze %dma_start3A_1437 : memref<1x16x2048xf32, #tpu.memory_space<vmem>> -> memref<16x2048xf32, #tpu.memory_space<vmem>>
      %dma_start3A_1439 = arith.constant 16 : i32
      %dma_start3A_1440 = arith.constant 0 : i32
      %dma_start3A_1441 = tpu.memref_slice %arg5[%add3A_712, %dma_start3A_1439, %dma_start3A_1440] : memref<128x64x2048xf32, #tpu.memory_space<hbm>> -> memref<1x16x2048xf32, #tpu.memory_space<hbm>>
      %dma_start3A_1442 = tpu.memref_squeeze %dma_start3A_1441 : memref<1x16x2048xf32, #tpu.memory_space<hbm>> -> memref<16x2048xf32, #tpu.memory_space<hbm>>
      tpu.enqueue_dma source(%dma_start3A_1442 : memref<16x2048xf32, #tpu.memory_space<hbm>>) target(%dma_start3A_1438 : memref<16x2048xf32, #tpu.memory_space<vmem>>) target_semaphore(%dma_start3A_1434 : memref<!tpu.dma_semaphore, #tpu.memory_space<semaphore_mem>>)
    } else {
    }
    %mul3A_725 = arith.constant 4 : i32
    %mul3A_726 = arith.muli %add3A, %mul3A_725 : i32
    %add3A_727 = arith.constant 2 : i32
    %add3A_728 = arith.addi %mul3A_726, %add3A_727 : i32
    %dma_wait3A_729 = arith.constant 2 : i32
    %dma_wait3A_730 = arith.constant 2 : i32
    %dma_wait3A_731 = arith.constant 0 : i32
    %dma_wait3A_732 = arith.constant 0 : i32
    %dma_wait3A_733 = tpu.memref_slice %arg9[%dma_wait3A_729, %dma_wait3A_731, %dma_wait3A_732] : memref<3x16x2048xf32, #tpu.memory_space<vmem>> -> memref<1x16x2048xf32, #tpu.memory_space<vmem>>
    %dma_wait3A_734 = tpu.memref_squeeze %dma_wait3A_733 : memref<1x16x2048xf32, #tpu.memory_space<vmem>> -> memref<16x2048xf32, #tpu.memory_space<vmem>>
    %dma_wait3A_735 = arith.constant 0 : i32
    %dma_wait3A_736 = arith.constant 0 : i32
    %dma_wait3A_737 = tpu.memref_slice %arg5[%add3A_728, %dma_wait3A_735, %dma_wait3A_736] : memref<128x64x2048xf32, #tpu.memory_space<hbm>> -> memref<1x16x2048xf32, #tpu.memory_space<hbm>>
    %dma_wait3A_738 = tpu.memref_squeeze %dma_wait3A_737 : memref<1x16x2048xf32, #tpu.memory_space<hbm>> -> memref<16x2048xf32, #tpu.memory_space<hbm>>
    %dma_wait3A_739 = tpu.memref_slice %arg12[%dma_wait3A_730] : memref<3x!tpu.dma_semaphore, #tpu.memory_space<semaphore_mem>> -> memref<1x!tpu.dma_semaphore, #tpu.memory_space<semaphore_mem>>
    %dma_wait3A_740 = tpu.memref_squeeze %dma_wait3A_739 : memref<1x!tpu.dma_semaphore, #tpu.memory_space<semaphore_mem>> -> memref<!tpu.dma_semaphore, #tpu.memory_space<semaphore_mem>>
    %dma_wait3A_741 = arith.constant 0 : i32
    %dma_wait3A_742 = arith.constant 0 : i32
    %dma_wait3A_743 = tpu.memref_slice %arg9[%dma_wait3A_729, %dma_wait3A_741, %dma_wait3A_742] : memref<3x16x2048xf32, #tpu.memory_space<vmem>> -> memref<1x16x2048xf32, #tpu.memory_space<vmem>>
    %dma_wait3A_744 = tpu.memref_squeeze %dma_wait3A_743 : memref<1x16x2048xf32, #tpu.memory_space<vmem>> -> memref<16x2048xf32, #tpu.memory_space<vmem>>
    %dma_wait3A_745 = arith.constant 0 : i32
    %dma_wait3A_746 = arith.constant 0 : i32
    %dma_wait3A_747 = tpu.memref_slice %arg5[%add3A_728, %dma_wait3A_745, %dma_wait3A_746] : memref<128x64x2048xf32, #tpu.memory_space<hbm>> -> memref<1x16x2048xf32, #tpu.memory_space<hbm>>
    %dma_wait3A_748 = tpu.memref_squeeze %dma_wait3A_747 : memref<1x16x2048xf32, #tpu.memory_space<hbm>> -> memref<16x2048xf32, #tpu.memory_space<hbm>>
    tpu.wait_dma2 semaphore(%dma_wait3A_740 : memref<!tpu.dma_semaphore, #tpu.memory_space<semaphore_mem>>) src(%dma_wait3A_748 : memref<16x2048xf32, #tpu.memory_space<hbm>>) dst(%dma_wait3A_744 : memref<16x2048xf32, #tpu.memory_space<vmem>>)
    %mul3A_749 = arith.constant 4 : i32
    %mul3A_750 = arith.muli %add3A, %mul3A_749 : i32
    %add3A_751 = arith.constant 2 : i32
    %add3A_752 = arith.addi %mul3A_750, %add3A_751 : i32
    %dma_start3A_753 = arith.constant 2 : i32
    %dma_start3A_754 = arith.constant 2 : i32
    %dma_start3A_755 = arith.constant 0 : i32
    %dma_start3A_756 = arith.constant 0 : i32
    %dma_start3A_757 = tpu.memref_slice %arg9[%dma_start3A_753, %dma_start3A_755, %dma_start3A_756] : memref<3x16x2048xf32, #tpu.memory_space<vmem>> -> memref<1x16x2048xf32, #tpu.memory_space<vmem>>
    %dma_start3A_758 = tpu.memref_squeeze %dma_start3A_757 : memref<1x16x2048xf32, #tpu.memory_space<vmem>> -> memref<16x2048xf32, #tpu.memory_space<vmem>>
    %dma_start3A_759 = arith.constant 0 : i32
    %dma_start3A_760 = arith.constant 0 : i32
    %dma_start3A_761 = tpu.memref_slice %arg8[%add3A_752, %dma_start3A_759, %dma_start3A_760] : memref<128x64x2048xf32, #tpu.memory_space<hbm>> -> memref<1x16x2048xf32, #tpu.memory_space<hbm>>
    %dma_start3A_762 = tpu.memref_squeeze %dma_start3A_761 : memref<1x16x2048xf32, #tpu.memory_space<hbm>> -> memref<16x2048xf32, #tpu.memory_space<hbm>>
    %dma_start3A_763 = tpu.memref_slice %arg13[%dma_start3A_754] : memref<3x!tpu.dma_semaphore, #tpu.memory_space<semaphore_mem>> -> memref<1x!tpu.dma_semaphore, #tpu.memory_space<semaphore_mem>>
    %dma_start3A_764 = tpu.memref_squeeze %dma_start3A_763 : memref<1x!tpu.dma_semaphore, #tpu.memory_space<semaphore_mem>> -> memref<!tpu.dma_semaphore, #tpu.memory_space<semaphore_mem>>
    %dma_start3A_765 = arith.constant 0 : i32
    %dma_start3A_766 = arith.constant 0 : i32
    %dma_start3A_767 = tpu.memref_slice %arg8[%add3A_752, %dma_start3A_765, %dma_start3A_766] : memref<128x64x2048xf32, #tpu.memory_space<hbm>> -> memref<1x16x2048xf32, #tpu.memory_space<hbm>>
    %dma_start3A_768 = tpu.memref_squeeze %dma_start3A_767 : memref<1x16x2048xf32, #tpu.memory_space<hbm>> -> memref<16x2048xf32, #tpu.memory_space<hbm>>
    %dma_start3A_769 = arith.constant 0 : i32
    %dma_start3A_770 = arith.constant 0 : i32
    %dma_start3A_771 = tpu.memref_slice %arg9[%dma_start3A_753, %dma_start3A_769, %dma_start3A_770] : memref<3x16x2048xf32, #tpu.memory_space<vmem>> -> memref<1x16x2048xf32, #tpu.memory_space<vmem>>
    %dma_start3A_772 = tpu.memref_squeeze %dma_start3A_771 : memref<1x16x2048xf32, #tpu.memory_space<vmem>> -> memref<16x2048xf32, #tpu.memory_space<vmem>>
    tpu.enqueue_dma source(%dma_start3A_772 : memref<16x2048xf32, #tpu.memory_space<vmem>>) target(%dma_start3A_768 : memref<16x2048xf32, #tpu.memory_space<hbm>>) target_semaphore(%dma_start3A_764 : memref<!tpu.dma_semaphore, #tpu.memory_space<semaphore_mem>>)
    %mul3A_773 = arith.constant 4 : i32
    %mul3A_774 = arith.muli %add3A, %mul3A_773 : i32
    %add3A_775 = arith.constant 1 : i32
    %add3A_776 = arith.addi %mul3A_774, %add3A_775 : i32
    %dma_wait3A_777 = arith.constant 1 : i32
    %dma_wait3A_778 = arith.constant 1 : i32
    %dma_wait3A_779 = arith.constant 0 : i32
    %dma_wait3A_780 = arith.constant 0 : i32
    %dma_wait3A_781 = tpu.memref_slice %arg9[%dma_wait3A_777, %dma_wait3A_779, %dma_wait3A_780] : memref<3x16x2048xf32, #tpu.memory_space<vmem>> -> memref<1x16x2048xf32, #tpu.memory_space<vmem>>
    %dma_wait3A_782 = tpu.memref_squeeze %dma_wait3A_781 : memref<1x16x2048xf32, #tpu.memory_space<vmem>> -> memref<16x2048xf32, #tpu.memory_space<vmem>>
    %dma_wait3A_783 = arith.constant 48 : i32
    %dma_wait3A_784 = arith.constant 0 : i32
    %dma_wait3A_785 = tpu.memref_slice %arg8[%add3A_776, %dma_wait3A_783, %dma_wait3A_784] : memref<128x64x2048xf32, #tpu.memory_space<hbm>> -> memref<1x16x2048xf32, #tpu.memory_space<hbm>>
    %dma_wait3A_786 = tpu.memref_squeeze %dma_wait3A_785 : memref<1x16x2048xf32, #tpu.memory_space<hbm>> -> memref<16x2048xf32, #tpu.memory_space<hbm>>
    %dma_wait3A_787 = tpu.memref_slice %arg13[%dma_wait3A_778] : memref<3x!tpu.dma_semaphore, #tpu.memory_space<semaphore_mem>> -> memref<1x!tpu.dma_semaphore, #tpu.memory_space<semaphore_mem>>
    %dma_wait3A_788 = tpu.memref_squeeze %dma_wait3A_787 : memref<1x!tpu.dma_semaphore, #tpu.memory_space<semaphore_mem>> -> memref<!tpu.dma_semaphore, #tpu.memory_space<semaphore_mem>>
    %dma_wait3A_789 = arith.constant 48 : i32
    %dma_wait3A_790 = arith.constant 0 : i32
    %dma_wait3A_791 = tpu.memref_slice %arg8[%add3A_776, %dma_wait3A_789, %dma_wait3A_790] : memref<128x64x2048xf32, #tpu.memory_space<hbm>> -> memref<1x16x2048xf32, #tpu.memory_space<hbm>>
    %dma_wait3A_792 = tpu.memref_squeeze %dma_wait3A_791 : memref<1x16x2048xf32, #tpu.memory_space<hbm>> -> memref<16x2048xf32, #tpu.memory_space<hbm>>
    %dma_wait3A_793 = arith.constant 0 : i32
    %dma_wait3A_794 = arith.constant 0 : i32
    %dma_wait3A_795 = tpu.memref_slice %arg9[%dma_wait3A_777, %dma_wait3A_793, %dma_wait3A_794] : memref<3x16x2048xf32, #tpu.memory_space<vmem>> -> memref<1x16x2048xf32, #tpu.memory_space<vmem>>
    %dma_wait3A_796 = tpu.memref_squeeze %dma_wait3A_795 : memref<1x16x2048xf32, #tpu.memory_space<vmem>> -> memref<16x2048xf32, #tpu.memory_space<vmem>>
    tpu.wait_dma2 semaphore(%dma_wait3A_788 : memref<!tpu.dma_semaphore, #tpu.memory_space<semaphore_mem>>) src(%dma_wait3A_796 : memref<16x2048xf32, #tpu.memory_space<vmem>>) dst(%dma_wait3A_792 : memref<16x2048xf32, #tpu.memory_space<hbm>>)
    %mul3A_797 = arith.constant 4 : i32
    %mul3A_798 = arith.muli %add3A, %mul3A_797 : i32
    %add3A_799 = arith.constant 2 : i32
    %add3A_800 = arith.addi %mul3A_798, %add3A_799 : i32
    %eq3A_801 = arith.cmpi eq, %add3A_800, %reduce_max3A_18 : i32
    %convert_element_type3A_802 = arith.extui %eq3A_801 : i1 to i32
    %cond3A_803 = arith.constant 1 : i32
    %cond3A_804 = arith.constant 1 : i32
    %cond3A_805 = arith.constant 0 : i32
    %cond3A_806 = arith.cmpi ne, %convert_element_type3A_802, %cond3A_805 : i32
    scf.if %cond3A_806 {
      %dma_start3A_1425 = arith.constant 0 : i32
      %dma_start3A_1426 = arith.constant 0 : i32
      %dma_start3A_1427 = tpu.memref_slice %arg9[%cond3A_803, %dma_start3A_1425, %dma_start3A_1426] : memref<3x16x2048xf32, #tpu.memory_space<vmem>> -> memref<1x16x2048xf32, #tpu.memory_space<vmem>>
      %dma_start3A_1428 = tpu.memref_squeeze %dma_start3A_1427 : memref<1x16x2048xf32, #tpu.memory_space<vmem>> -> memref<16x2048xf32, #tpu.memory_space<vmem>>
      %dma_start3A_1429 = arith.constant 32 : i32
      %dma_start3A_1430 = arith.constant 0 : i32
      %dma_start3A_1431 = tpu.memref_slice %arg6[%add3A_800, %dma_start3A_1429, %dma_start3A_1430] : memref<128x64x2048xf32, #tpu.memory_space<hbm>> -> memref<1x16x2048xf32, #tpu.memory_space<hbm>>
      %dma_start3A_1432 = tpu.memref_squeeze %dma_start3A_1431 : memref<1x16x2048xf32, #tpu.memory_space<hbm>> -> memref<16x2048xf32, #tpu.memory_space<hbm>>
      %dma_start3A_1433 = tpu.memref_slice %arg12[%cond3A_804] : memref<3x!tpu.dma_semaphore, #tpu.memory_space<semaphore_mem>> -> memref<1x!tpu.dma_semaphore, #tpu.memory_space<semaphore_mem>>
      %dma_start3A_1434 = tpu.memref_squeeze %dma_start3A_1433 : memref<1x!tpu.dma_semaphore, #tpu.memory_space<semaphore_mem>> -> memref<!tpu.dma_semaphore, #tpu.memory_space<semaphore_mem>>
      %dma_start3A_1435 = arith.constant 0 : i32
      %dma_start3A_1436 = arith.constant 0 : i32
      %dma_start3A_1437 = tpu.memref_slice %arg9[%cond3A_803, %dma_start3A_1435, %dma_start3A_1436] : memref<3x16x2048xf32, #tpu.memory_space<vmem>> -> memref<1x16x2048xf32, #tpu.memory_space<vmem>>
      %dma_start3A_1438 = tpu.memref_squeeze %dma_start3A_1437 : memref<1x16x2048xf32, #tpu.memory_space<vmem>> -> memref<16x2048xf32, #tpu.memory_space<vmem>>
      %dma_start3A_1439 = arith.constant 32 : i32
      %dma_start3A_1440 = arith.constant 0 : i32
      %dma_start3A_1441 = tpu.memref_slice %arg6[%add3A_800, %dma_start3A_1439, %dma_start3A_1440] : memref<128x64x2048xf32, #tpu.memory_space<hbm>> -> memref<1x16x2048xf32, #tpu.memory_space<hbm>>
      %dma_start3A_1442 = tpu.memref_squeeze %dma_start3A_1441 : memref<1x16x2048xf32, #tpu.memory_space<hbm>> -> memref<16x2048xf32, #tpu.memory_space<hbm>>
      tpu.enqueue_dma source(%dma_start3A_1442 : memref<16x2048xf32, #tpu.memory_space<hbm>>) target(%dma_start3A_1438 : memref<16x2048xf32, #tpu.memory_space<vmem>>) target_semaphore(%dma_start3A_1434 : memref<!tpu.dma_semaphore, #tpu.memory_space<semaphore_mem>>)
    } else {
    }
    %ne3A_807 = arith.cmpi ne, %add3A_800, %reduce_max3A_18 : i32
    %convert_element_type3A_808 = arith.extui %ne3A_807 : i1 to i32
    %cond3A_809 = arith.constant 1 : i32
    %cond3A_810 = arith.constant 1 : i32
    %cond3A_811 = arith.constant 0 : i32
    %cond3A_812 = arith.cmpi ne, %convert_element_type3A_808, %cond3A_811 : i32
    scf.if %cond3A_812 {
      %dma_start3A_1425 = arith.constant 0 : i32
      %dma_start3A_1426 = arith.constant 0 : i32
      %dma_start3A_1427 = tpu.memref_slice %arg9[%cond3A_809, %dma_start3A_1425, %dma_start3A_1426] : memref<3x16x2048xf32, #tpu.memory_space<vmem>> -> memref<1x16x2048xf32, #tpu.memory_space<vmem>>
      %dma_start3A_1428 = tpu.memref_squeeze %dma_start3A_1427 : memref<1x16x2048xf32, #tpu.memory_space<vmem>> -> memref<16x2048xf32, #tpu.memory_space<vmem>>
      %dma_start3A_1429 = arith.constant 32 : i32
      %dma_start3A_1430 = arith.constant 0 : i32
      %dma_start3A_1431 = tpu.memref_slice %arg5[%add3A_800, %dma_start3A_1429, %dma_start3A_1430] : memref<128x64x2048xf32, #tpu.memory_space<hbm>> -> memref<1x16x2048xf32, #tpu.memory_space<hbm>>
      %dma_start3A_1432 = tpu.memref_squeeze %dma_start3A_1431 : memref<1x16x2048xf32, #tpu.memory_space<hbm>> -> memref<16x2048xf32, #tpu.memory_space<hbm>>
      %dma_start3A_1433 = tpu.memref_slice %arg12[%cond3A_810] : memref<3x!tpu.dma_semaphore, #tpu.memory_space<semaphore_mem>> -> memref<1x!tpu.dma_semaphore, #tpu.memory_space<semaphore_mem>>
      %dma_start3A_1434 = tpu.memref_squeeze %dma_start3A_1433 : memref<1x!tpu.dma_semaphore, #tpu.memory_space<semaphore_mem>> -> memref<!tpu.dma_semaphore, #tpu.memory_space<semaphore_mem>>
      %dma_start3A_1435 = arith.constant 0 : i32
      %dma_start3A_1436 = arith.constant 0 : i32
      %dma_start3A_1437 = tpu.memref_slice %arg9[%cond3A_809, %dma_start3A_1435, %dma_start3A_1436] : memref<3x16x2048xf32, #tpu.memory_space<vmem>> -> memref<1x16x2048xf32, #tpu.memory_space<vmem>>
      %dma_start3A_1438 = tpu.memref_squeeze %dma_start3A_1437 : memref<1x16x2048xf32, #tpu.memory_space<vmem>> -> memref<16x2048xf32, #tpu.memory_space<vmem>>
      %dma_start3A_1439 = arith.constant 32 : i32
      %dma_start3A_1440 = arith.constant 0 : i32
      %dma_start3A_1441 = tpu.memref_slice %arg5[%add3A_800, %dma_start3A_1439, %dma_start3A_1440] : memref<128x64x2048xf32, #tpu.memory_space<hbm>> -> memref<1x16x2048xf32, #tpu.memory_space<hbm>>
      %dma_start3A_1442 = tpu.memref_squeeze %dma_start3A_1441 : memref<1x16x2048xf32, #tpu.memory_space<hbm>> -> memref<16x2048xf32, #tpu.memory_space<hbm>>
      tpu.enqueue_dma source(%dma_start3A_1442 : memref<16x2048xf32, #tpu.memory_space<hbm>>) target(%dma_start3A_1438 : memref<16x2048xf32, #tpu.memory_space<vmem>>) target_semaphore(%dma_start3A_1434 : memref<!tpu.dma_semaphore, #tpu.memory_space<semaphore_mem>>)
    } else {
    }
    %mul3A_813 = arith.constant 4 : i32
    %mul3A_814 = arith.muli %add3A, %mul3A_813 : i32
    %add3A_815 = arith.constant 2 : i32
    %add3A_816 = arith.addi %mul3A_814, %add3A_815 : i32
    %dma_wait3A_817 = arith.constant 0 : i32
    %dma_wait3A_818 = arith.constant 0 : i32
    %dma_wait3A_819 = arith.constant 0 : i32
    %dma_wait3A_820 = arith.constant 0 : i32
    %dma_wait3A_821 = tpu.memref_slice %arg9[%dma_wait3A_817, %dma_wait3A_819, %dma_wait3A_820] : memref<3x16x2048xf32, #tpu.memory_space<vmem>> -> memref<1x16x2048xf32, #tpu.memory_space<vmem>>
    %dma_wait3A_822 = tpu.memref_squeeze %dma_wait3A_821 : memref<1x16x2048xf32, #tpu.memory_space<vmem>> -> memref<16x2048xf32, #tpu.memory_space<vmem>>
    %dma_wait3A_823 = arith.constant 16 : i32
    %dma_wait3A_824 = arith.constant 0 : i32
    %dma_wait3A_825 = tpu.memref_slice %arg5[%add3A_816, %dma_wait3A_823, %dma_wait3A_824] : memref<128x64x2048xf32, #tpu.memory_space<hbm>> -> memref<1x16x2048xf32, #tpu.memory_space<hbm>>
    %dma_wait3A_826 = tpu.memref_squeeze %dma_wait3A_825 : memref<1x16x2048xf32, #tpu.memory_space<hbm>> -> memref<16x2048xf32, #tpu.memory_space<hbm>>
    %dma_wait3A_827 = tpu.memref_slice %arg12[%dma_wait3A_818] : memref<3x!tpu.dma_semaphore, #tpu.memory_space<semaphore_mem>> -> memref<1x!tpu.dma_semaphore, #tpu.memory_space<semaphore_mem>>
    %dma_wait3A_828 = tpu.memref_squeeze %dma_wait3A_827 : memref<1x!tpu.dma_semaphore, #tpu.memory_space<semaphore_mem>> -> memref<!tpu.dma_semaphore, #tpu.memory_space<semaphore_mem>>
    %dma_wait3A_829 = arith.constant 0 : i32
    %dma_wait3A_830 = arith.constant 0 : i32
    %dma_wait3A_831 = tpu.memref_slice %arg9[%dma_wait3A_817, %dma_wait3A_829, %dma_wait3A_830] : memref<3x16x2048xf32, #tpu.memory_space<vmem>> -> memref<1x16x2048xf32, #tpu.memory_space<vmem>>
    %dma_wait3A_832 = tpu.memref_squeeze %dma_wait3A_831 : memref<1x16x2048xf32, #tpu.memory_space<vmem>> -> memref<16x2048xf32, #tpu.memory_space<vmem>>
    %dma_wait3A_833 = arith.constant 16 : i32
    %dma_wait3A_834 = arith.constant 0 : i32
    %dma_wait3A_835 = tpu.memref_slice %arg5[%add3A_816, %dma_wait3A_833, %dma_wait3A_834] : memref<128x64x2048xf32, #tpu.memory_space<hbm>> -> memref<1x16x2048xf32, #tpu.memory_space<hbm>>
    %dma_wait3A_836 = tpu.memref_squeeze %dma_wait3A_835 : memref<1x16x2048xf32, #tpu.memory_space<hbm>> -> memref<16x2048xf32, #tpu.memory_space<hbm>>
    tpu.wait_dma2 semaphore(%dma_wait3A_828 : memref<!tpu.dma_semaphore, #tpu.memory_space<semaphore_mem>>) src(%dma_wait3A_836 : memref<16x2048xf32, #tpu.memory_space<hbm>>) dst(%dma_wait3A_832 : memref<16x2048xf32, #tpu.memory_space<vmem>>)
    %mul3A_837 = arith.constant 4 : i32
    %mul3A_838 = arith.muli %add3A, %mul3A_837 : i32
    %add3A_839 = arith.constant 2 : i32
    %add3A_840 = arith.addi %mul3A_838, %add3A_839 : i32
    %dma_start3A_841 = arith.constant 0 : i32
    %dma_start3A_842 = arith.constant 0 : i32
    %dma_start3A_843 = arith.constant 0 : i32
    %dma_start3A_844 = arith.constant 0 : i32
    %dma_start3A_845 = tpu.memref_slice %arg9[%dma_start3A_841, %dma_start3A_843, %dma_start3A_844] : memref<3x16x2048xf32, #tpu.memory_space<vmem>> -> memref<1x16x2048xf32, #tpu.memory_space<vmem>>
    %dma_start3A_846 = tpu.memref_squeeze %dma_start3A_845 : memref<1x16x2048xf32, #tpu.memory_space<vmem>> -> memref<16x2048xf32, #tpu.memory_space<vmem>>
    %dma_start3A_847 = arith.constant 16 : i32
    %dma_start3A_848 = arith.constant 0 : i32
    %dma_start3A_849 = tpu.memref_slice %arg8[%add3A_840, %dma_start3A_847, %dma_start3A_848] : memref<128x64x2048xf32, #tpu.memory_space<hbm>> -> memref<1x16x2048xf32, #tpu.memory_space<hbm>>
    %dma_start3A_850 = tpu.memref_squeeze %dma_start3A_849 : memref<1x16x2048xf32, #tpu.memory_space<hbm>> -> memref<16x2048xf32, #tpu.memory_space<hbm>>
    %dma_start3A_851 = tpu.memref_slice %arg13[%dma_start3A_842] : memref<3x!tpu.dma_semaphore, #tpu.memory_space<semaphore_mem>> -> memref<1x!tpu.dma_semaphore, #tpu.memory_space<semaphore_mem>>
    %dma_start3A_852 = tpu.memref_squeeze %dma_start3A_851 : memref<1x!tpu.dma_semaphore, #tpu.memory_space<semaphore_mem>> -> memref<!tpu.dma_semaphore, #tpu.memory_space<semaphore_mem>>
    %dma_start3A_853 = arith.constant 16 : i32
    %dma_start3A_854 = arith.constant 0 : i32
    %dma_start3A_855 = tpu.memref_slice %arg8[%add3A_840, %dma_start3A_853, %dma_start3A_854] : memref<128x64x2048xf32, #tpu.memory_space<hbm>> -> memref<1x16x2048xf32, #tpu.memory_space<hbm>>
    %dma_start3A_856 = tpu.memref_squeeze %dma_start3A_855 : memref<1x16x2048xf32, #tpu.memory_space<hbm>> -> memref<16x2048xf32, #tpu.memory_space<hbm>>
    %dma_start3A_857 = arith.constant 0 : i32
    %dma_start3A_858 = arith.constant 0 : i32
    %dma_start3A_859 = tpu.memref_slice %arg9[%dma_start3A_841, %dma_start3A_857, %dma_start3A_858] : memref<3x16x2048xf32, #tpu.memory_space<vmem>> -> memref<1x16x2048xf32, #tpu.memory_space<vmem>>
    %dma_start3A_860 = tpu.memref_squeeze %dma_start3A_859 : memref<1x16x2048xf32, #tpu.memory_space<vmem>> -> memref<16x2048xf32, #tpu.memory_space<vmem>>
    tpu.enqueue_dma source(%dma_start3A_860 : memref<16x2048xf32, #tpu.memory_space<vmem>>) target(%dma_start3A_856 : memref<16x2048xf32, #tpu.memory_space<hbm>>) target_semaphore(%dma_start3A_852 : memref<!tpu.dma_semaphore, #tpu.memory_space<semaphore_mem>>)
    %mul3A_861 = arith.constant 4 : i32
    %mul3A_862 = arith.muli %add3A, %mul3A_861 : i32
    %add3A_863 = arith.constant 2 : i32
    %add3A_864 = arith.addi %mul3A_862, %add3A_863 : i32
    %dma_wait3A_865 = arith.constant 2 : i32
    %dma_wait3A_866 = arith.constant 2 : i32
    %dma_wait3A_867 = arith.constant 0 : i32
    %dma_wait3A_868 = arith.constant 0 : i32
    %dma_wait3A_869 = tpu.memref_slice %arg9[%dma_wait3A_865, %dma_wait3A_867, %dma_wait3A_868] : memref<3x16x2048xf32, #tpu.memory_space<vmem>> -> memref<1x16x2048xf32, #tpu.memory_space<vmem>>
    %dma_wait3A_870 = tpu.memref_squeeze %dma_wait3A_869 : memref<1x16x2048xf32, #tpu.memory_space<vmem>> -> memref<16x2048xf32, #tpu.memory_space<vmem>>
    %dma_wait3A_871 = arith.constant 0 : i32
    %dma_wait3A_872 = arith.constant 0 : i32
    %dma_wait3A_873 = tpu.memref_slice %arg8[%add3A_864, %dma_wait3A_871, %dma_wait3A_872] : memref<128x64x2048xf32, #tpu.memory_space<hbm>> -> memref<1x16x2048xf32, #tpu.memory_space<hbm>>
    %dma_wait3A_874 = tpu.memref_squeeze %dma_wait3A_873 : memref<1x16x2048xf32, #tpu.memory_space<hbm>> -> memref<16x2048xf32, #tpu.memory_space<hbm>>
    %dma_wait3A_875 = tpu.memref_slice %arg13[%dma_wait3A_866] : memref<3x!tpu.dma_semaphore, #tpu.memory_space<semaphore_mem>> -> memref<1x!tpu.dma_semaphore, #tpu.memory_space<semaphore_mem>>
    %dma_wait3A_876 = tpu.memref_squeeze %dma_wait3A_875 : memref<1x!tpu.dma_semaphore, #tpu.memory_space<semaphore_mem>> -> memref<!tpu.dma_semaphore, #tpu.memory_space<semaphore_mem>>
    %dma_wait3A_877 = arith.constant 0 : i32
    %dma_wait3A_878 = arith.constant 0 : i32
    %dma_wait3A_879 = tpu.memref_slice %arg8[%add3A_864, %dma_wait3A_877, %dma_wait3A_878] : memref<128x64x2048xf32, #tpu.memory_space<hbm>> -> memref<1x16x2048xf32, #tpu.memory_space<hbm>>
    %dma_wait3A_880 = tpu.memref_squeeze %dma_wait3A_879 : memref<1x16x2048xf32, #tpu.memory_space<hbm>> -> memref<16x2048xf32, #tpu.memory_space<hbm>>
    %dma_wait3A_881 = arith.constant 0 : i32
    %dma_wait3A_882 = arith.constant 0 : i32
    %dma_wait3A_883 = tpu.memref_slice %arg9[%dma_wait3A_865, %dma_wait3A_881, %dma_wait3A_882] : memref<3x16x2048xf32, #tpu.memory_space<vmem>> -> memref<1x16x2048xf32, #tpu.memory_space<vmem>>
    %dma_wait3A_884 = tpu.memref_squeeze %dma_wait3A_883 : memref<1x16x2048xf32, #tpu.memory_space<vmem>> -> memref<16x2048xf32, #tpu.memory_space<vmem>>
    tpu.wait_dma2 semaphore(%dma_wait3A_876 : memref<!tpu.dma_semaphore, #tpu.memory_space<semaphore_mem>>) src(%dma_wait3A_884 : memref<16x2048xf32, #tpu.memory_space<vmem>>) dst(%dma_wait3A_880 : memref<16x2048xf32, #tpu.memory_space<hbm>>)
    %mul3A_885 = arith.constant 4 : i32
    %mul3A_886 = arith.muli %add3A, %mul3A_885 : i32
    %add3A_887 = arith.constant 2 : i32
    %add3A_888 = arith.addi %mul3A_886, %add3A_887 : i32
    %eq3A_889 = arith.cmpi eq, %add3A_888, %reduce_max3A_18 : i32
    %convert_element_type3A_890 = arith.extui %eq3A_889 : i1 to i32
    %cond3A_891 = arith.constant 2 : i32
    %cond3A_892 = arith.constant 2 : i32
    %cond3A_893 = arith.constant 0 : i32
    %cond3A_894 = arith.cmpi ne, %convert_element_type3A_890, %cond3A_893 : i32
    scf.if %cond3A_894 {
      %dma_start3A_1425 = arith.constant 0 : i32
      %dma_start3A_1426 = arith.constant 0 : i32
      %dma_start3A_1427 = tpu.memref_slice %arg9[%cond3A_891, %dma_start3A_1425, %dma_start3A_1426] : memref<3x16x2048xf32, #tpu.memory_space<vmem>> -> memref<1x16x2048xf32, #tpu.memory_space<vmem>>
      %dma_start3A_1428 = tpu.memref_squeeze %dma_start3A_1427 : memref<1x16x2048xf32, #tpu.memory_space<vmem>> -> memref<16x2048xf32, #tpu.memory_space<vmem>>
      %dma_start3A_1429 = arith.constant 48 : i32
      %dma_start3A_1430 = arith.constant 0 : i32
      %dma_start3A_1431 = tpu.memref_slice %arg6[%add3A_888, %dma_start3A_1429, %dma_start3A_1430] : memref<128x64x2048xf32, #tpu.memory_space<hbm>> -> memref<1x16x2048xf32, #tpu.memory_space<hbm>>
      %dma_start3A_1432 = tpu.memref_squeeze %dma_start3A_1431 : memref<1x16x2048xf32, #tpu.memory_space<hbm>> -> memref<16x2048xf32, #tpu.memory_space<hbm>>
      %dma_start3A_1433 = tpu.memref_slice %arg12[%cond3A_892] : memref<3x!tpu.dma_semaphore, #tpu.memory_space<semaphore_mem>> -> memref<1x!tpu.dma_semaphore, #tpu.memory_space<semaphore_mem>>
      %dma_start3A_1434 = tpu.memref_squeeze %dma_start3A_1433 : memref<1x!tpu.dma_semaphore, #tpu.memory_space<semaphore_mem>> -> memref<!tpu.dma_semaphore, #tpu.memory_space<semaphore_mem>>
      %dma_start3A_1435 = arith.constant 0 : i32
      %dma_start3A_1436 = arith.constant 0 : i32
      %dma_start3A_1437 = tpu.memref_slice %arg9[%cond3A_891, %dma_start3A_1435, %dma_start3A_1436] : memref<3x16x2048xf32, #tpu.memory_space<vmem>> -> memref<1x16x2048xf32, #tpu.memory_space<vmem>>
      %dma_start3A_1438 = tpu.memref_squeeze %dma_start3A_1437 : memref<1x16x2048xf32, #tpu.memory_space<vmem>> -> memref<16x2048xf32, #tpu.memory_space<vmem>>
      %dma_start3A_1439 = arith.constant 48 : i32
      %dma_start3A_1440 = arith.constant 0 : i32
      %dma_start3A_1441 = tpu.memref_slice %arg6[%add3A_888, %dma_start3A_1439, %dma_start3A_1440] : memref<128x64x2048xf32, #tpu.memory_space<hbm>> -> memref<1x16x2048xf32, #tpu.memory_space<hbm>>
      %dma_start3A_1442 = tpu.memref_squeeze %dma_start3A_1441 : memref<1x16x2048xf32, #tpu.memory_space<hbm>> -> memref<16x2048xf32, #tpu.memory_space<hbm>>
      tpu.enqueue_dma source(%dma_start3A_1442 : memref<16x2048xf32, #tpu.memory_space<hbm>>) target(%dma_start3A_1438 : memref<16x2048xf32, #tpu.memory_space<vmem>>) target_semaphore(%dma_start3A_1434 : memref<!tpu.dma_semaphore, #tpu.memory_space<semaphore_mem>>)
    } else {
    }
    %ne3A_895 = arith.cmpi ne, %add3A_888, %reduce_max3A_18 : i32
    %convert_element_type3A_896 = arith.extui %ne3A_895 : i1 to i32
    %cond3A_897 = arith.constant 2 : i32
    %cond3A_898 = arith.constant 2 : i32
    %cond3A_899 = arith.constant 0 : i32
    %cond3A_900 = arith.cmpi ne, %convert_element_type3A_896, %cond3A_899 : i32
    scf.if %cond3A_900 {
      %dma_start3A_1425 = arith.constant 0 : i32
      %dma_start3A_1426 = arith.constant 0 : i32
      %dma_start3A_1427 = tpu.memref_slice %arg9[%cond3A_897, %dma_start3A_1425, %dma_start3A_1426] : memref<3x16x2048xf32, #tpu.memory_space<vmem>> -> memref<1x16x2048xf32, #tpu.memory_space<vmem>>
      %dma_start3A_1428 = tpu.memref_squeeze %dma_start3A_1427 : memref<1x16x2048xf32, #tpu.memory_space<vmem>> -> memref<16x2048xf32, #tpu.memory_space<vmem>>
      %dma_start3A_1429 = arith.constant 48 : i32
      %dma_start3A_1430 = arith.constant 0 : i32
      %dma_start3A_1431 = tpu.memref_slice %arg5[%add3A_888, %dma_start3A_1429, %dma_start3A_1430] : memref<128x64x2048xf32, #tpu.memory_space<hbm>> -> memref<1x16x2048xf32, #tpu.memory_space<hbm>>
      %dma_start3A_1432 = tpu.memref_squeeze %dma_start3A_1431 : memref<1x16x2048xf32, #tpu.memory_space<hbm>> -> memref<16x2048xf32, #tpu.memory_space<hbm>>
      %dma_start3A_1433 = tpu.memref_slice %arg12[%cond3A_898] : memref<3x!tpu.dma_semaphore, #tpu.memory_space<semaphore_mem>> -> memref<1x!tpu.dma_semaphore, #tpu.memory_space<semaphore_mem>>
      %dma_start3A_1434 = tpu.memref_squeeze %dma_start3A_1433 : memref<1x!tpu.dma_semaphore, #tpu.memory_space<semaphore_mem>> -> memref<!tpu.dma_semaphore, #tpu.memory_space<semaphore_mem>>
      %dma_start3A_1435 = arith.constant 0 : i32
      %dma_start3A_1436 = arith.constant 0 : i32
      %dma_start3A_1437 = tpu.memref_slice %arg9[%cond3A_897, %dma_start3A_1435, %dma_start3A_1436] : memref<3x16x2048xf32, #tpu.memory_space<vmem>> -> memref<1x16x2048xf32, #tpu.memory_space<vmem>>
      %dma_start3A_1438 = tpu.memref_squeeze %dma_start3A_1437 : memref<1x16x2048xf32, #tpu.memory_space<vmem>> -> memref<16x2048xf32, #tpu.memory_space<vmem>>
      %dma_start3A_1439 = arith.constant 48 : i32
      %dma_start3A_1440 = arith.constant 0 : i32
      %dma_start3A_1441 = tpu.memref_slice %arg5[%add3A_888, %dma_start3A_1439, %dma_start3A_1440] : memref<128x64x2048xf32, #tpu.memory_space<hbm>> -> memref<1x16x2048xf32, #tpu.memory_space<hbm>>
      %dma_start3A_1442 = tpu.memref_squeeze %dma_start3A_1441 : memref<1x16x2048xf32, #tpu.memory_space<hbm>> -> memref<16x2048xf32, #tpu.memory_space<hbm>>
      tpu.enqueue_dma source(%dma_start3A_1442 : memref<16x2048xf32, #tpu.memory_space<hbm>>) target(%dma_start3A_1438 : memref<16x2048xf32, #tpu.memory_space<vmem>>) target_semaphore(%dma_start3A_1434 : memref<!tpu.dma_semaphore, #tpu.memory_space<semaphore_mem>>)
    } else {
    }
    %mul3A_901 = arith.constant 4 : i32
    %mul3A_902 = arith.muli %add3A, %mul3A_901 : i32
    %add3A_903 = arith.constant 2 : i32
    %add3A_904 = arith.addi %mul3A_902, %add3A_903 : i32
    %dma_wait3A_905 = arith.constant 1 : i32
    %dma_wait3A_906 = arith.constant 1 : i32
    %dma_wait3A_907 = arith.constant 0 : i32
    %dma_wait3A_908 = arith.constant 0 : i32
    %dma_wait3A_909 = tpu.memref_slice %arg9[%dma_wait3A_905, %dma_wait3A_907, %dma_wait3A_908] : memref<3x16x2048xf32, #tpu.memory_space<vmem>> -> memref<1x16x2048xf32, #tpu.memory_space<vmem>>
    %dma_wait3A_910 = tpu.memref_squeeze %dma_wait3A_909 : memref<1x16x2048xf32, #tpu.memory_space<vmem>> -> memref<16x2048xf32, #tpu.memory_space<vmem>>
    %dma_wait3A_911 = arith.constant 32 : i32
    %dma_wait3A_912 = arith.constant 0 : i32
    %dma_wait3A_913 = tpu.memref_slice %arg5[%add3A_904, %dma_wait3A_911, %dma_wait3A_912] : memref<128x64x2048xf32, #tpu.memory_space<hbm>> -> memref<1x16x2048xf32, #tpu.memory_space<hbm>>
    %dma_wait3A_914 = tpu.memref_squeeze %dma_wait3A_913 : memref<1x16x2048xf32, #tpu.memory_space<hbm>> -> memref<16x2048xf32, #tpu.memory_space<hbm>>
    %dma_wait3A_915 = tpu.memref_slice %arg12[%dma_wait3A_906] : memref<3x!tpu.dma_semaphore, #tpu.memory_space<semaphore_mem>> -> memref<1x!tpu.dma_semaphore, #tpu.memory_space<semaphore_mem>>
    %dma_wait3A_916 = tpu.memref_squeeze %dma_wait3A_915 : memref<1x!tpu.dma_semaphore, #tpu.memory_space<semaphore_mem>> -> memref<!tpu.dma_semaphore, #tpu.memory_space<semaphore_mem>>
    %dma_wait3A_917 = arith.constant 0 : i32
    %dma_wait3A_918 = arith.constant 0 : i32
    %dma_wait3A_919 = tpu.memref_slice %arg9[%dma_wait3A_905, %dma_wait3A_917, %dma_wait3A_918] : memref<3x16x2048xf32, #tpu.memory_space<vmem>> -> memref<1x16x2048xf32, #tpu.memory_space<vmem>>
    %dma_wait3A_920 = tpu.memref_squeeze %dma_wait3A_919 : memref<1x16x2048xf32, #tpu.memory_space<vmem>> -> memref<16x2048xf32, #tpu.memory_space<vmem>>
    %dma_wait3A_921 = arith.constant 32 : i32
    %dma_wait3A_922 = arith.constant 0 : i32
    %dma_wait3A_923 = tpu.memref_slice %arg5[%add3A_904, %dma_wait3A_921, %dma_wait3A_922] : memref<128x64x2048xf32, #tpu.memory_space<hbm>> -> memref<1x16x2048xf32, #tpu.memory_space<hbm>>
    %dma_wait3A_924 = tpu.memref_squeeze %dma_wait3A_923 : memref<1x16x2048xf32, #tpu.memory_space<hbm>> -> memref<16x2048xf32, #tpu.memory_space<hbm>>
    tpu.wait_dma2 semaphore(%dma_wait3A_916 : memref<!tpu.dma_semaphore, #tpu.memory_space<semaphore_mem>>) src(%dma_wait3A_924 : memref<16x2048xf32, #tpu.memory_space<hbm>>) dst(%dma_wait3A_920 : memref<16x2048xf32, #tpu.memory_space<vmem>>)
    %mul3A_925 = arith.constant 4 : i32
    %mul3A_926 = arith.muli %add3A, %mul3A_925 : i32
    %add3A_927 = arith.constant 2 : i32
    %add3A_928 = arith.addi %mul3A_926, %add3A_927 : i32
    %dma_start3A_929 = arith.constant 1 : i32
    %dma_start3A_930 = arith.constant 1 : i32
    %dma_start3A_931 = arith.constant 0 : i32
    %dma_start3A_932 = arith.constant 0 : i32
    %dma_start3A_933 = tpu.memref_slice %arg9[%dma_start3A_929, %dma_start3A_931, %dma_start3A_932] : memref<3x16x2048xf32, #tpu.memory_space<vmem>> -> memref<1x16x2048xf32, #tpu.memory_space<vmem>>
    %dma_start3A_934 = tpu.memref_squeeze %dma_start3A_933 : memref<1x16x2048xf32, #tpu.memory_space<vmem>> -> memref<16x2048xf32, #tpu.memory_space<vmem>>
    %dma_start3A_935 = arith.constant 32 : i32
    %dma_start3A_936 = arith.constant 0 : i32
    %dma_start3A_937 = tpu.memref_slice %arg8[%add3A_928, %dma_start3A_935, %dma_start3A_936] : memref<128x64x2048xf32, #tpu.memory_space<hbm>> -> memref<1x16x2048xf32, #tpu.memory_space<hbm>>
    %dma_start3A_938 = tpu.memref_squeeze %dma_start3A_937 : memref<1x16x2048xf32, #tpu.memory_space<hbm>> -> memref<16x2048xf32, #tpu.memory_space<hbm>>
    %dma_start3A_939 = tpu.memref_slice %arg13[%dma_start3A_930] : memref<3x!tpu.dma_semaphore, #tpu.memory_space<semaphore_mem>> -> memref<1x!tpu.dma_semaphore, #tpu.memory_space<semaphore_mem>>
    %dma_start3A_940 = tpu.memref_squeeze %dma_start3A_939 : memref<1x!tpu.dma_semaphore, #tpu.memory_space<semaphore_mem>> -> memref<!tpu.dma_semaphore, #tpu.memory_space<semaphore_mem>>
    %dma_start3A_941 = arith.constant 32 : i32
    %dma_start3A_942 = arith.constant 0 : i32
    %dma_start3A_943 = tpu.memref_slice %arg8[%add3A_928, %dma_start3A_941, %dma_start3A_942] : memref<128x64x2048xf32, #tpu.memory_space<hbm>> -> memref<1x16x2048xf32, #tpu.memory_space<hbm>>
    %dma_start3A_944 = tpu.memref_squeeze %dma_start3A_943 : memref<1x16x2048xf32, #tpu.memory_space<hbm>> -> memref<16x2048xf32, #tpu.memory_space<hbm>>
    %dma_start3A_945 = arith.constant 0 : i32
    %dma_start3A_946 = arith.constant 0 : i32
    %dma_start3A_947 = tpu.memref_slice %arg9[%dma_start3A_929, %dma_start3A_945, %dma_start3A_946] : memref<3x16x2048xf32, #tpu.memory_space<vmem>> -> memref<1x16x2048xf32, #tpu.memory_space<vmem>>
    %dma_start3A_948 = tpu.memref_squeeze %dma_start3A_947 : memref<1x16x2048xf32, #tpu.memory_space<vmem>> -> memref<16x2048xf32, #tpu.memory_space<vmem>>
    tpu.enqueue_dma source(%dma_start3A_948 : memref<16x2048xf32, #tpu.memory_space<vmem>>) target(%dma_start3A_944 : memref<16x2048xf32, #tpu.memory_space<hbm>>) target_semaphore(%dma_start3A_940 : memref<!tpu.dma_semaphore, #tpu.memory_space<semaphore_mem>>)
    %mul3A_949 = arith.constant 4 : i32
    %mul3A_950 = arith.muli %add3A, %mul3A_949 : i32
    %add3A_951 = arith.constant 2 : i32
    %add3A_952 = arith.addi %mul3A_950, %add3A_951 : i32
    %dma_wait3A_953 = arith.constant 0 : i32
    %dma_wait3A_954 = arith.constant 0 : i32
    %dma_wait3A_955 = arith.constant 0 : i32
    %dma_wait3A_956 = arith.constant 0 : i32
    %dma_wait3A_957 = tpu.memref_slice %arg9[%dma_wait3A_953, %dma_wait3A_955, %dma_wait3A_956] : memref<3x16x2048xf32, #tpu.memory_space<vmem>> -> memref<1x16x2048xf32, #tpu.memory_space<vmem>>
    %dma_wait3A_958 = tpu.memref_squeeze %dma_wait3A_957 : memref<1x16x2048xf32, #tpu.memory_space<vmem>> -> memref<16x2048xf32, #tpu.memory_space<vmem>>
    %dma_wait3A_959 = arith.constant 16 : i32
    %dma_wait3A_960 = arith.constant 0 : i32
    %dma_wait3A_961 = tpu.memref_slice %arg8[%add3A_952, %dma_wait3A_959, %dma_wait3A_960] : memref<128x64x2048xf32, #tpu.memory_space<hbm>> -> memref<1x16x2048xf32, #tpu.memory_space<hbm>>
    %dma_wait3A_962 = tpu.memref_squeeze %dma_wait3A_961 : memref<1x16x2048xf32, #tpu.memory_space<hbm>> -> memref<16x2048xf32, #tpu.memory_space<hbm>>
    %dma_wait3A_963 = tpu.memref_slice %arg13[%dma_wait3A_954] : memref<3x!tpu.dma_semaphore, #tpu.memory_space<semaphore_mem>> -> memref<1x!tpu.dma_semaphore, #tpu.memory_space<semaphore_mem>>
    %dma_wait3A_964 = tpu.memref_squeeze %dma_wait3A_963 : memref<1x!tpu.dma_semaphore, #tpu.memory_space<semaphore_mem>> -> memref<!tpu.dma_semaphore, #tpu.memory_space<semaphore_mem>>
    %dma_wait3A_965 = arith.constant 16 : i32
    %dma_wait3A_966 = arith.constant 0 : i32
    %dma_wait3A_967 = tpu.memref_slice %arg8[%add3A_952, %dma_wait3A_965, %dma_wait3A_966] : memref<128x64x2048xf32, #tpu.memory_space<hbm>> -> memref<1x16x2048xf32, #tpu.memory_space<hbm>>
    %dma_wait3A_968 = tpu.memref_squeeze %dma_wait3A_967 : memref<1x16x2048xf32, #tpu.memory_space<hbm>> -> memref<16x2048xf32, #tpu.memory_space<hbm>>
    %dma_wait3A_969 = arith.constant 0 : i32
    %dma_wait3A_970 = arith.constant 0 : i32
    %dma_wait3A_971 = tpu.memref_slice %arg9[%dma_wait3A_953, %dma_wait3A_969, %dma_wait3A_970] : memref<3x16x2048xf32, #tpu.memory_space<vmem>> -> memref<1x16x2048xf32, #tpu.memory_space<vmem>>
    %dma_wait3A_972 = tpu.memref_squeeze %dma_wait3A_971 : memref<1x16x2048xf32, #tpu.memory_space<vmem>> -> memref<16x2048xf32, #tpu.memory_space<vmem>>
    tpu.wait_dma2 semaphore(%dma_wait3A_964 : memref<!tpu.dma_semaphore, #tpu.memory_space<semaphore_mem>>) src(%dma_wait3A_972 : memref<16x2048xf32, #tpu.memory_space<vmem>>) dst(%dma_wait3A_968 : memref<16x2048xf32, #tpu.memory_space<hbm>>)
    %mul3A_973 = arith.constant 4 : i32
    %mul3A_974 = arith.muli %add3A, %mul3A_973 : i32
    %add3A_975 = arith.constant 3 : i32
    %add3A_976 = arith.addi %mul3A_974, %add3A_975 : i32
    %eq3A_977 = arith.cmpi eq, %add3A_976, %reduce_max3A_18 : i32
    %convert_element_type3A_978 = arith.extui %eq3A_977 : i1 to i32
    %cond3A_979 = arith.constant 0 : i32
    %cond3A_980 = arith.constant 0 : i32
    %cond3A_981 = arith.constant 0 : i32
    %cond3A_982 = arith.cmpi ne, %convert_element_type3A_978, %cond3A_981 : i32
    scf.if %cond3A_982 {
      %dma_start3A_1425 = arith.constant 0 : i32
      %dma_start3A_1426 = arith.constant 0 : i32
      %dma_start3A_1427 = tpu.memref_slice %arg9[%cond3A_979, %dma_start3A_1425, %dma_start3A_1426] : memref<3x16x2048xf32, #tpu.memory_space<vmem>> -> memref<1x16x2048xf32, #tpu.memory_space<vmem>>
      %dma_start3A_1428 = tpu.memref_squeeze %dma_start3A_1427 : memref<1x16x2048xf32, #tpu.memory_space<vmem>> -> memref<16x2048xf32, #tpu.memory_space<vmem>>
      %dma_start3A_1429 = arith.constant 0 : i32
      %dma_start3A_1430 = arith.constant 0 : i32
      %dma_start3A_1431 = tpu.memref_slice %arg6[%add3A_976, %dma_start3A_1429, %dma_start3A_1430] : memref<128x64x2048xf32, #tpu.memory_space<hbm>> -> memref<1x16x2048xf32, #tpu.memory_space<hbm>>
      %dma_start3A_1432 = tpu.memref_squeeze %dma_start3A_1431 : memref<1x16x2048xf32, #tpu.memory_space<hbm>> -> memref<16x2048xf32, #tpu.memory_space<hbm>>
      %dma_start3A_1433 = tpu.memref_slice %arg12[%cond3A_980] : memref<3x!tpu.dma_semaphore, #tpu.memory_space<semaphore_mem>> -> memref<1x!tpu.dma_semaphore, #tpu.memory_space<semaphore_mem>>
      %dma_start3A_1434 = tpu.memref_squeeze %dma_start3A_1433 : memref<1x!tpu.dma_semaphore, #tpu.memory_space<semaphore_mem>> -> memref<!tpu.dma_semaphore, #tpu.memory_space<semaphore_mem>>
      %dma_start3A_1435 = arith.constant 0 : i32
      %dma_start3A_1436 = arith.constant 0 : i32
      %dma_start3A_1437 = tpu.memref_slice %arg9[%cond3A_979, %dma_start3A_1435, %dma_start3A_1436] : memref<3x16x2048xf32, #tpu.memory_space<vmem>> -> memref<1x16x2048xf32, #tpu.memory_space<vmem>>
      %dma_start3A_1438 = tpu.memref_squeeze %dma_start3A_1437 : memref<1x16x2048xf32, #tpu.memory_space<vmem>> -> memref<16x2048xf32, #tpu.memory_space<vmem>>
      %dma_start3A_1439 = arith.constant 0 : i32
      %dma_start3A_1440 = arith.constant 0 : i32
      %dma_start3A_1441 = tpu.memref_slice %arg6[%add3A_976, %dma_start3A_1439, %dma_start3A_1440] : memref<128x64x2048xf32, #tpu.memory_space<hbm>> -> memref<1x16x2048xf32, #tpu.memory_space<hbm>>
      %dma_start3A_1442 = tpu.memref_squeeze %dma_start3A_1441 : memref<1x16x2048xf32, #tpu.memory_space<hbm>> -> memref<16x2048xf32, #tpu.memory_space<hbm>>
      tpu.enqueue_dma source(%dma_start3A_1442 : memref<16x2048xf32, #tpu.memory_space<hbm>>) target(%dma_start3A_1438 : memref<16x2048xf32, #tpu.memory_space<vmem>>) target_semaphore(%dma_start3A_1434 : memref<!tpu.dma_semaphore, #tpu.memory_space<semaphore_mem>>)
    } else {
    }
    %ne3A_983 = arith.cmpi ne, %add3A_976, %reduce_max3A_18 : i32
    %convert_element_type3A_984 = arith.extui %ne3A_983 : i1 to i32
    %cond3A_985 = arith.constant 0 : i32
    %cond3A_986 = arith.constant 0 : i32
    %cond3A_987 = arith.constant 0 : i32
    %cond3A_988 = arith.cmpi ne, %convert_element_type3A_984, %cond3A_987 : i32
    scf.if %cond3A_988 {
      %dma_start3A_1425 = arith.constant 0 : i32
      %dma_start3A_1426 = arith.constant 0 : i32
      %dma_start3A_1427 = tpu.memref_slice %arg9[%cond3A_985, %dma_start3A_1425, %dma_start3A_1426] : memref<3x16x2048xf32, #tpu.memory_space<vmem>> -> memref<1x16x2048xf32, #tpu.memory_space<vmem>>
      %dma_start3A_1428 = tpu.memref_squeeze %dma_start3A_1427 : memref<1x16x2048xf32, #tpu.memory_space<vmem>> -> memref<16x2048xf32, #tpu.memory_space<vmem>>
      %dma_start3A_1429 = arith.constant 0 : i32
      %dma_start3A_1430 = arith.constant 0 : i32
      %dma_start3A_1431 = tpu.memref_slice %arg5[%add3A_976, %dma_start3A_1429, %dma_start3A_1430] : memref<128x64x2048xf32, #tpu.memory_space<hbm>> -> memref<1x16x2048xf32, #tpu.memory_space<hbm>>
      %dma_start3A_1432 = tpu.memref_squeeze %dma_start3A_1431 : memref<1x16x2048xf32, #tpu.memory_space<hbm>> -> memref<16x2048xf32, #tpu.memory_space<hbm>>
      %dma_start3A_1433 = tpu.memref_slice %arg12[%cond3A_986] : memref<3x!tpu.dma_semaphore, #tpu.memory_space<semaphore_mem>> -> memref<1x!tpu.dma_semaphore, #tpu.memory_space<semaphore_mem>>
      %dma_start3A_1434 = tpu.memref_squeeze %dma_start3A_1433 : memref<1x!tpu.dma_semaphore, #tpu.memory_space<semaphore_mem>> -> memref<!tpu.dma_semaphore, #tpu.memory_space<semaphore_mem>>
      %dma_start3A_1435 = arith.constant 0 : i32
      %dma_start3A_1436 = arith.constant 0 : i32
      %dma_start3A_1437 = tpu.memref_slice %arg9[%cond3A_985, %dma_start3A_1435, %dma_start3A_1436] : memref<3x16x2048xf32, #tpu.memory_space<vmem>> -> memref<1x16x2048xf32, #tpu.memory_space<vmem>>
      %dma_start3A_1438 = tpu.memref_squeeze %dma_start3A_1437 : memref<1x16x2048xf32, #tpu.memory_space<vmem>> -> memref<16x2048xf32, #tpu.memory_space<vmem>>
      %dma_start3A_1439 = arith.constant 0 : i32
      %dma_start3A_1440 = arith.constant 0 : i32
      %dma_start3A_1441 = tpu.memref_slice %arg5[%add3A_976, %dma_start3A_1439, %dma_start3A_1440] : memref<128x64x2048xf32, #tpu.memory_space<hbm>> -> memref<1x16x2048xf32, #tpu.memory_space<hbm>>
      %dma_start3A_1442 = tpu.memref_squeeze %dma_start3A_1441 : memref<1x16x2048xf32, #tpu.memory_space<hbm>> -> memref<16x2048xf32, #tpu.memory_space<hbm>>
      tpu.enqueue_dma source(%dma_start3A_1442 : memref<16x2048xf32, #tpu.memory_space<hbm>>) target(%dma_start3A_1438 : memref<16x2048xf32, #tpu.memory_space<vmem>>) target_semaphore(%dma_start3A_1434 : memref<!tpu.dma_semaphore, #tpu.memory_space<semaphore_mem>>)
    } else {
    }
    %mul3A_989 = arith.constant 4 : i32
    %mul3A_990 = arith.muli %add3A, %mul3A_989 : i32
    %add3A_991 = arith.constant 2 : i32
    %add3A_992 = arith.addi %mul3A_990, %add3A_991 : i32
    %dma_wait3A_993 = arith.constant 2 : i32
    %dma_wait3A_994 = arith.constant 2 : i32
    %dma_wait3A_995 = arith.constant 0 : i32
    %dma_wait3A_996 = arith.constant 0 : i32
    %dma_wait3A_997 = tpu.memref_slice %arg9[%dma_wait3A_993, %dma_wait3A_995, %dma_wait3A_996] : memref<3x16x2048xf32, #tpu.memory_space<vmem>> -> memref<1x16x2048xf32, #tpu.memory_space<vmem>>
    %dma_wait3A_998 = tpu.memref_squeeze %dma_wait3A_997 : memref<1x16x2048xf32, #tpu.memory_space<vmem>> -> memref<16x2048xf32, #tpu.memory_space<vmem>>
    %dma_wait3A_999 = arith.constant 48 : i32
    %dma_wait3A_1000 = arith.constant 0 : i32
    %dma_wait3A_1001 = tpu.memref_slice %arg5[%add3A_992, %dma_wait3A_999, %dma_wait3A_1000] : memref<128x64x2048xf32, #tpu.memory_space<hbm>> -> memref<1x16x2048xf32, #tpu.memory_space<hbm>>
    %dma_wait3A_1002 = tpu.memref_squeeze %dma_wait3A_1001 : memref<1x16x2048xf32, #tpu.memory_space<hbm>> -> memref<16x2048xf32, #tpu.memory_space<hbm>>
    %dma_wait3A_1003 = tpu.memref_slice %arg12[%dma_wait3A_994] : memref<3x!tpu.dma_semaphore, #tpu.memory_space<semaphore_mem>> -> memref<1x!tpu.dma_semaphore, #tpu.memory_space<semaphore_mem>>
    %dma_wait3A_1004 = tpu.memref_squeeze %dma_wait3A_1003 : memref<1x!tpu.dma_semaphore, #tpu.memory_space<semaphore_mem>> -> memref<!tpu.dma_semaphore, #tpu.memory_space<semaphore_mem>>
    %dma_wait3A_1005 = arith.constant 0 : i32
    %dma_wait3A_1006 = arith.constant 0 : i32
    %dma_wait3A_1007 = tpu.memref_slice %arg9[%dma_wait3A_993, %dma_wait3A_1005, %dma_wait3A_1006] : memref<3x16x2048xf32, #tpu.memory_space<vmem>> -> memref<1x16x2048xf32, #tpu.memory_space<vmem>>
    %dma_wait3A_1008 = tpu.memref_squeeze %dma_wait3A_1007 : memref<1x16x2048xf32, #tpu.memory_space<vmem>> -> memref<16x2048xf32, #tpu.memory_space<vmem>>
    %dma_wait3A_1009 = arith.constant 48 : i32
    %dma_wait3A_1010 = arith.constant 0 : i32
    %dma_wait3A_1011 = tpu.memref_slice %arg5[%add3A_992, %dma_wait3A_1009, %dma_wait3A_1010] : memref<128x64x2048xf32, #tpu.memory_space<hbm>> -> memref<1x16x2048xf32, #tpu.memory_space<hbm>>
    %dma_wait3A_1012 = tpu.memref_squeeze %dma_wait3A_1011 : memref<1x16x2048xf32, #tpu.memory_space<hbm>> -> memref<16x2048xf32, #tpu.memory_space<hbm>>
    tpu.wait_dma2 semaphore(%dma_wait3A_1004 : memref<!tpu.dma_semaphore, #tpu.memory_space<semaphore_mem>>) src(%dma_wait3A_1012 : memref<16x2048xf32, #tpu.memory_space<hbm>>) dst(%dma_wait3A_1008 : memref<16x2048xf32, #tpu.memory_space<vmem>>)
    %mul3A_1013 = arith.constant 4 : i32
    %mul3A_1014 = arith.muli %add3A, %mul3A_1013 : i32
    %add3A_1015 = arith.constant 2 : i32
    %add3A_1016 = arith.addi %mul3A_1014, %add3A_1015 : i32
    %dma_start3A_1017 = arith.constant 2 : i32
    %dma_start3A_1018 = arith.constant 2 : i32
    %dma_start3A_1019 = arith.constant 0 : i32
    %dma_start3A_1020 = arith.constant 0 : i32
    %dma_start3A_1021 = tpu.memref_slice %arg9[%dma_start3A_1017, %dma_start3A_1019, %dma_start3A_1020] : memref<3x16x2048xf32, #tpu.memory_space<vmem>> -> memref<1x16x2048xf32, #tpu.memory_space<vmem>>
    %dma_start3A_1022 = tpu.memref_squeeze %dma_start3A_1021 : memref<1x16x2048xf32, #tpu.memory_space<vmem>> -> memref<16x2048xf32, #tpu.memory_space<vmem>>
    %dma_start3A_1023 = arith.constant 48 : i32
    %dma_start3A_1024 = arith.constant 0 : i32
    %dma_start3A_1025 = tpu.memref_slice %arg8[%add3A_1016, %dma_start3A_1023, %dma_start3A_1024] : memref<128x64x2048xf32, #tpu.memory_space<hbm>> -> memref<1x16x2048xf32, #tpu.memory_space<hbm>>
    %dma_start3A_1026 = tpu.memref_squeeze %dma_start3A_1025 : memref<1x16x2048xf32, #tpu.memory_space<hbm>> -> memref<16x2048xf32, #tpu.memory_space<hbm>>
    %dma_start3A_1027 = tpu.memref_slice %arg13[%dma_start3A_1018] : memref<3x!tpu.dma_semaphore, #tpu.memory_space<semaphore_mem>> -> memref<1x!tpu.dma_semaphore, #tpu.memory_space<semaphore_mem>>
    %dma_start3A_1028 = tpu.memref_squeeze %dma_start3A_1027 : memref<1x!tpu.dma_semaphore, #tpu.memory_space<semaphore_mem>> -> memref<!tpu.dma_semaphore, #tpu.memory_space<semaphore_mem>>
    %dma_start3A_1029 = arith.constant 48 : i32
    %dma_start3A_1030 = arith.constant 0 : i32
    %dma_start3A_1031 = tpu.memref_slice %arg8[%add3A_1016, %dma_start3A_1029, %dma_start3A_1030] : memref<128x64x2048xf32, #tpu.memory_space<hbm>> -> memref<1x16x2048xf32, #tpu.memory_space<hbm>>
    %dma_start3A_1032 = tpu.memref_squeeze %dma_start3A_1031 : memref<1x16x2048xf32, #tpu.memory_space<hbm>> -> memref<16x2048xf32, #tpu.memory_space<hbm>>
    %dma_start3A_1033 = arith.constant 0 : i32
    %dma_start3A_1034 = arith.constant 0 : i32
    %dma_start3A_1035 = tpu.memref_slice %arg9[%dma_start3A_1017, %dma_start3A_1033, %dma_start3A_1034] : memref<3x16x2048xf32, #tpu.memory_space<vmem>> -> memref<1x16x2048xf32, #tpu.memory_space<vmem>>
    %dma_start3A_1036 = tpu.memref_squeeze %dma_start3A_1035 : memref<1x16x2048xf32, #tpu.memory_space<vmem>> -> memref<16x2048xf32, #tpu.memory_space<vmem>>
    tpu.enqueue_dma source(%dma_start3A_1036 : memref<16x2048xf32, #tpu.memory_space<vmem>>) target(%dma_start3A_1032 : memref<16x2048xf32, #tpu.memory_space<hbm>>) target_semaphore(%dma_start3A_1028 : memref<!tpu.dma_semaphore, #tpu.memory_space<semaphore_mem>>)
    %mul3A_1037 = arith.constant 4 : i32
    %mul3A_1038 = arith.muli %add3A, %mul3A_1037 : i32
    %add3A_1039 = arith.constant 2 : i32
    %add3A_1040 = arith.addi %mul3A_1038, %add3A_1039 : i32
    %dma_wait3A_1041 = arith.constant 1 : i32
    %dma_wait3A_1042 = arith.constant 1 : i32
    %dma_wait3A_1043 = arith.constant 0 : i32
    %dma_wait3A_1044 = arith.constant 0 : i32
    %dma_wait3A_1045 = tpu.memref_slice %arg9[%dma_wait3A_1041, %dma_wait3A_1043, %dma_wait3A_1044] : memref<3x16x2048xf32, #tpu.memory_space<vmem>> -> memref<1x16x2048xf32, #tpu.memory_space<vmem>>
    %dma_wait3A_1046 = tpu.memref_squeeze %dma_wait3A_1045 : memref<1x16x2048xf32, #tpu.memory_space<vmem>> -> memref<16x2048xf32, #tpu.memory_space<vmem>>
    %dma_wait3A_1047 = arith.constant 32 : i32
    %dma_wait3A_1048 = arith.constant 0 : i32
    %dma_wait3A_1049 = tpu.memref_slice %arg8[%add3A_1040, %dma_wait3A_1047, %dma_wait3A_1048] : memref<128x64x2048xf32, #tpu.memory_space<hbm>> -> memref<1x16x2048xf32, #tpu.memory_space<hbm>>
    %dma_wait3A_1050 = tpu.memref_squeeze %dma_wait3A_1049 : memref<1x16x2048xf32, #tpu.memory_space<hbm>> -> memref<16x2048xf32, #tpu.memory_space<hbm>>
    %dma_wait3A_1051 = tpu.memref_slice %arg13[%dma_wait3A_1042] : memref<3x!tpu.dma_semaphore, #tpu.memory_space<semaphore_mem>> -> memref<1x!tpu.dma_semaphore, #tpu.memory_space<semaphore_mem>>
    %dma_wait3A_1052 = tpu.memref_squeeze %dma_wait3A_1051 : memref<1x!tpu.dma_semaphore, #tpu.memory_space<semaphore_mem>> -> memref<!tpu.dma_semaphore, #tpu.memory_space<semaphore_mem>>
    %dma_wait3A_1053 = arith.constant 32 : i32
    %dma_wait3A_1054 = arith.constant 0 : i32
    %dma_wait3A_1055 = tpu.memref_slice %arg8[%add3A_1040, %dma_wait3A_1053, %dma_wait3A_1054] : memref<128x64x2048xf32, #tpu.memory_space<hbm>> -> memref<1x16x2048xf32, #tpu.memory_space<hbm>>
    %dma_wait3A_1056 = tpu.memref_squeeze %dma_wait3A_1055 : memref<1x16x2048xf32, #tpu.memory_space<hbm>> -> memref<16x2048xf32, #tpu.memory_space<hbm>>
    %dma_wait3A_1057 = arith.constant 0 : i32
    %dma_wait3A_1058 = arith.constant 0 : i32
    %dma_wait3A_1059 = tpu.memref_slice %arg9[%dma_wait3A_1041, %dma_wait3A_1057, %dma_wait3A_1058] : memref<3x16x2048xf32, #tpu.memory_space<vmem>> -> memref<1x16x2048xf32, #tpu.memory_space<vmem>>
    %dma_wait3A_1060 = tpu.memref_squeeze %dma_wait3A_1059 : memref<1x16x2048xf32, #tpu.memory_space<vmem>> -> memref<16x2048xf32, #tpu.memory_space<vmem>>
    tpu.wait_dma2 semaphore(%dma_wait3A_1052 : memref<!tpu.dma_semaphore, #tpu.memory_space<semaphore_mem>>) src(%dma_wait3A_1060 : memref<16x2048xf32, #tpu.memory_space<vmem>>) dst(%dma_wait3A_1056 : memref<16x2048xf32, #tpu.memory_space<hbm>>)
    %mul3A_1061 = arith.constant 4 : i32
    %mul3A_1062 = arith.muli %add3A, %mul3A_1061 : i32
    %add3A_1063 = arith.constant 3 : i32
    %add3A_1064 = arith.addi %mul3A_1062, %add3A_1063 : i32
    %eq3A_1065 = arith.cmpi eq, %add3A_1064, %reduce_max3A_18 : i32
    %convert_element_type3A_1066 = arith.extui %eq3A_1065 : i1 to i32
    %cond3A_1067 = arith.constant 1 : i32
    %cond3A_1068 = arith.constant 1 : i32
    %cond3A_1069 = arith.constant 0 : i32
    %cond3A_1070 = arith.cmpi ne, %convert_element_type3A_1066, %cond3A_1069 : i32
    scf.if %cond3A_1070 {
      %dma_start3A_1425 = arith.constant 0 : i32
      %dma_start3A_1426 = arith.constant 0 : i32
      %dma_start3A_1427 = tpu.memref_slice %arg9[%cond3A_1067, %dma_start3A_1425, %dma_start3A_1426] : memref<3x16x2048xf32, #tpu.memory_space<vmem>> -> memref<1x16x2048xf32, #tpu.memory_space<vmem>>
      %dma_start3A_1428 = tpu.memref_squeeze %dma_start3A_1427 : memref<1x16x2048xf32, #tpu.memory_space<vmem>> -> memref<16x2048xf32, #tpu.memory_space<vmem>>
      %dma_start3A_1429 = arith.constant 16 : i32
      %dma_start3A_1430 = arith.constant 0 : i32
      %dma_start3A_1431 = tpu.memref_slice %arg6[%add3A_1064, %dma_start3A_1429, %dma_start3A_1430] : memref<128x64x2048xf32, #tpu.memory_space<hbm>> -> memref<1x16x2048xf32, #tpu.memory_space<hbm>>
      %dma_start3A_1432 = tpu.memref_squeeze %dma_start3A_1431 : memref<1x16x2048xf32, #tpu.memory_space<hbm>> -> memref<16x2048xf32, #tpu.memory_space<hbm>>
      %dma_start3A_1433 = tpu.memref_slice %arg12[%cond3A_1068] : memref<3x!tpu.dma_semaphore, #tpu.memory_space<semaphore_mem>> -> memref<1x!tpu.dma_semaphore, #tpu.memory_space<semaphore_mem>>
      %dma_start3A_1434 = tpu.memref_squeeze %dma_start3A_1433 : memref<1x!tpu.dma_semaphore, #tpu.memory_space<semaphore_mem>> -> memref<!tpu.dma_semaphore, #tpu.memory_space<semaphore_mem>>
      %dma_start3A_1435 = arith.constant 0 : i32
      %dma_start3A_1436 = arith.constant 0 : i32
      %dma_start3A_1437 = tpu.memref_slice %arg9[%cond3A_1067, %dma_start3A_1435, %dma_start3A_1436] : memref<3x16x2048xf32, #tpu.memory_space<vmem>> -> memref<1x16x2048xf32, #tpu.memory_space<vmem>>
      %dma_start3A_1438 = tpu.memref_squeeze %dma_start3A_1437 : memref<1x16x2048xf32, #tpu.memory_space<vmem>> -> memref<16x2048xf32, #tpu.memory_space<vmem>>
      %dma_start3A_1439 = arith.constant 16 : i32
      %dma_start3A_1440 = arith.constant 0 : i32
      %dma_start3A_1441 = tpu.memref_slice %arg6[%add3A_1064, %dma_start3A_1439, %dma_start3A_1440] : memref<128x64x2048xf32, #tpu.memory_space<hbm>> -> memref<1x16x2048xf32, #tpu.memory_space<hbm>>
      %dma_start3A_1442 = tpu.memref_squeeze %dma_start3A_1441 : memref<1x16x2048xf32, #tpu.memory_space<hbm>> -> memref<16x2048xf32, #tpu.memory_space<hbm>>
      tpu.enqueue_dma source(%dma_start3A_1442 : memref<16x2048xf32, #tpu.memory_space<hbm>>) target(%dma_start3A_1438 : memref<16x2048xf32, #tpu.memory_space<vmem>>) target_semaphore(%dma_start3A_1434 : memref<!tpu.dma_semaphore, #tpu.memory_space<semaphore_mem>>)
    } else {
    }
    %ne3A_1071 = arith.cmpi ne, %add3A_1064, %reduce_max3A_18 : i32
    %convert_element_type3A_1072 = arith.extui %ne3A_1071 : i1 to i32
    %cond3A_1073 = arith.constant 1 : i32
    %cond3A_1074 = arith.constant 1 : i32
    %cond3A_1075 = arith.constant 0 : i32
    %cond3A_1076 = arith.cmpi ne, %convert_element_type3A_1072, %cond3A_1075 : i32
    scf.if %cond3A_1076 {
      %dma_start3A_1425 = arith.constant 0 : i32
      %dma_start3A_1426 = arith.constant 0 : i32
      %dma_start3A_1427 = tpu.memref_slice %arg9[%cond3A_1073, %dma_start3A_1425, %dma_start3A_1426] : memref<3x16x2048xf32, #tpu.memory_space<vmem>> -> memref<1x16x2048xf32, #tpu.memory_space<vmem>>
      %dma_start3A_1428 = tpu.memref_squeeze %dma_start3A_1427 : memref<1x16x2048xf32, #tpu.memory_space<vmem>> -> memref<16x2048xf32, #tpu.memory_space<vmem>>
      %dma_start3A_1429 = arith.constant 16 : i32
      %dma_start3A_1430 = arith.constant 0 : i32
      %dma_start3A_1431 = tpu.memref_slice %arg5[%add3A_1064, %dma_start3A_1429, %dma_start3A_1430] : memref<128x64x2048xf32, #tpu.memory_space<hbm>> -> memref<1x16x2048xf32, #tpu.memory_space<hbm>>
      %dma_start3A_1432 = tpu.memref_squeeze %dma_start3A_1431 : memref<1x16x2048xf32, #tpu.memory_space<hbm>> -> memref<16x2048xf32, #tpu.memory_space<hbm>>
      %dma_start3A_1433 = tpu.memref_slice %arg12[%cond3A_1074] : memref<3x!tpu.dma_semaphore, #tpu.memory_space<semaphore_mem>> -> memref<1x!tpu.dma_semaphore, #tpu.memory_space<semaphore_mem>>
      %dma_start3A_1434 = tpu.memref_squeeze %dma_start3A_1433 : memref<1x!tpu.dma_semaphore, #tpu.memory_space<semaphore_mem>> -> memref<!tpu.dma_semaphore, #tpu.memory_space<semaphore_mem>>
      %dma_start3A_1435 = arith.constant 0 : i32
      %dma_start3A_1436 = arith.constant 0 : i32
      %dma_start3A_1437 = tpu.memref_slice %arg9[%cond3A_1073, %dma_start3A_1435, %dma_start3A_1436] : memref<3x16x2048xf32, #tpu.memory_space<vmem>> -> memref<1x16x2048xf32, #tpu.memory_space<vmem>>
      %dma_start3A_1438 = tpu.memref_squeeze %dma_start3A_1437 : memref<1x16x2048xf32, #tpu.memory_space<vmem>> -> memref<16x2048xf32, #tpu.memory_space<vmem>>
      %dma_start3A_1439 = arith.constant 16 : i32
      %dma_start3A_1440 = arith.constant 0 : i32
      %dma_start3A_1441 = tpu.memref_slice %arg5[%add3A_1064, %dma_start3A_1439, %dma_start3A_1440] : memref<128x64x2048xf32, #tpu.memory_space<hbm>> -> memref<1x16x2048xf32, #tpu.memory_space<hbm>>
      %dma_start3A_1442 = tpu.memref_squeeze %dma_start3A_1441 : memref<1x16x2048xf32, #tpu.memory_space<hbm>> -> memref<16x2048xf32, #tpu.memory_space<hbm>>
      tpu.enqueue_dma source(%dma_start3A_1442 : memref<16x2048xf32, #tpu.memory_space<hbm>>) target(%dma_start3A_1438 : memref<16x2048xf32, #tpu.memory_space<vmem>>) target_semaphore(%dma_start3A_1434 : memref<!tpu.dma_semaphore, #tpu.memory_space<semaphore_mem>>)
    } else {
    }
    %mul3A_1077 = arith.constant 4 : i32
    %mul3A_1078 = arith.muli %add3A, %mul3A_1077 : i32
    %add3A_1079 = arith.constant 3 : i32
    %add3A_1080 = arith.addi %mul3A_1078, %add3A_1079 : i32
    %dma_wait3A_1081 = arith.constant 0 : i32
    %dma_wait3A_1082 = arith.constant 0 : i32
    %dma_wait3A_1083 = arith.constant 0 : i32
    %dma_wait3A_1084 = arith.constant 0 : i32
    %dma_wait3A_1085 = tpu.memref_slice %arg9[%dma_wait3A_1081, %dma_wait3A_1083, %dma_wait3A_1084] : memref<3x16x2048xf32, #tpu.memory_space<vmem>> -> memref<1x16x2048xf32, #tpu.memory_space<vmem>>
    %dma_wait3A_1086 = tpu.memref_squeeze %dma_wait3A_1085 : memref<1x16x2048xf32, #tpu.memory_space<vmem>> -> memref<16x2048xf32, #tpu.memory_space<vmem>>
    %dma_wait3A_1087 = arith.constant 0 : i32
    %dma_wait3A_1088 = arith.constant 0 : i32
    %dma_wait3A_1089 = tpu.memref_slice %arg5[%add3A_1080, %dma_wait3A_1087, %dma_wait3A_1088] : memref<128x64x2048xf32, #tpu.memory_space<hbm>> -> memref<1x16x2048xf32, #tpu.memory_space<hbm>>
    %dma_wait3A_1090 = tpu.memref_squeeze %dma_wait3A_1089 : memref<1x16x2048xf32, #tpu.memory_space<hbm>> -> memref<16x2048xf32, #tpu.memory_space<hbm>>
    %dma_wait3A_1091 = tpu.memref_slice %arg12[%dma_wait3A_1082] : memref<3x!tpu.dma_semaphore, #tpu.memory_space<semaphore_mem>> -> memref<1x!tpu.dma_semaphore, #tpu.memory_space<semaphore_mem>>
    %dma_wait3A_1092 = tpu.memref_squeeze %dma_wait3A_1091 : memref<1x!tpu.dma_semaphore, #tpu.memory_space<semaphore_mem>> -> memref<!tpu.dma_semaphore, #tpu.memory_space<semaphore_mem>>
    %dma_wait3A_1093 = arith.constant 0 : i32
    %dma_wait3A_1094 = arith.constant 0 : i32
    %dma_wait3A_1095 = tpu.memref_slice %arg9[%dma_wait3A_1081, %dma_wait3A_1093, %dma_wait3A_1094] : memref<3x16x2048xf32, #tpu.memory_space<vmem>> -> memref<1x16x2048xf32, #tpu.memory_space<vmem>>
    %dma_wait3A_1096 = tpu.memref_squeeze %dma_wait3A_1095 : memref<1x16x2048xf32, #tpu.memory_space<vmem>> -> memref<16x2048xf32, #tpu.memory_space<vmem>>
    %dma_wait3A_1097 = arith.constant 0 : i32
    %dma_wait3A_1098 = arith.constant 0 : i32
    %dma_wait3A_1099 = tpu.memref_slice %arg5[%add3A_1080, %dma_wait3A_1097, %dma_wait3A_1098] : memref<128x64x2048xf32, #tpu.memory_space<hbm>> -> memref<1x16x2048xf32, #tpu.memory_space<hbm>>
    %dma_wait3A_1100 = tpu.memref_squeeze %dma_wait3A_1099 : memref<1x16x2048xf32, #tpu.memory_space<hbm>> -> memref<16x2048xf32, #tpu.memory_space<hbm>>
    tpu.wait_dma2 semaphore(%dma_wait3A_1092 : memref<!tpu.dma_semaphore, #tpu.memory_space<semaphore_mem>>) src(%dma_wait3A_1100 : memref<16x2048xf32, #tpu.memory_space<hbm>>) dst(%dma_wait3A_1096 : memref<16x2048xf32, #tpu.memory_space<vmem>>)
    %mul3A_1101 = arith.constant 4 : i32
    %mul3A_1102 = arith.muli %add3A, %mul3A_1101 : i32
    %add3A_1103 = arith.constant 3 : i32
    %add3A_1104 = arith.addi %mul3A_1102, %add3A_1103 : i32
    %dma_start3A_1105 = arith.constant 0 : i32
    %dma_start3A_1106 = arith.constant 0 : i32
    %dma_start3A_1107 = arith.constant 0 : i32
    %dma_start3A_1108 = arith.constant 0 : i32
    %dma_start3A_1109 = tpu.memref_slice %arg9[%dma_start3A_1105, %dma_start3A_1107, %dma_start3A_1108] : memref<3x16x2048xf32, #tpu.memory_space<vmem>> -> memref<1x16x2048xf32, #tpu.memory_space<vmem>>
    %dma_start3A_1110 = tpu.memref_squeeze %dma_start3A_1109 : memref<1x16x2048xf32, #tpu.memory_space<vmem>> -> memref<16x2048xf32, #tpu.memory_space<vmem>>
    %dma_start3A_1111 = arith.constant 0 : i32
    %dma_start3A_1112 = arith.constant 0 : i32
    %dma_start3A_1113 = tpu.memref_slice %arg8[%add3A_1104, %dma_start3A_1111, %dma_start3A_1112] : memref<128x64x2048xf32, #tpu.memory_space<hbm>> -> memref<1x16x2048xf32, #tpu.memory_space<hbm>>
    %dma_start3A_1114 = tpu.memref_squeeze %dma_start3A_1113 : memref<1x16x2048xf32, #tpu.memory_space<hbm>> -> memref<16x2048xf32, #tpu.memory_space<hbm>>
    %dma_start3A_1115 = tpu.memref_slice %arg13[%dma_start3A_1106] : memref<3x!tpu.dma_semaphore, #tpu.memory_space<semaphore_mem>> -> memref<1x!tpu.dma_semaphore, #tpu.memory_space<semaphore_mem>>
    %dma_start3A_1116 = tpu.memref_squeeze %dma_start3A_1115 : memref<1x!tpu.dma_semaphore, #tpu.memory_space<semaphore_mem>> -> memref<!tpu.dma_semaphore, #tpu.memory_space<semaphore_mem>>
    %dma_start3A_1117 = arith.constant 0 : i32
    %dma_start3A_1118 = arith.constant 0 : i32
    %dma_start3A_1119 = tpu.memref_slice %arg8[%add3A_1104, %dma_start3A_1117, %dma_start3A_1118] : memref<128x64x2048xf32, #tpu.memory_space<hbm>> -> memref<1x16x2048xf32, #tpu.memory_space<hbm>>
    %dma_start3A_1120 = tpu.memref_squeeze %dma_start3A_1119 : memref<1x16x2048xf32, #tpu.memory_space<hbm>> -> memref<16x2048xf32, #tpu.memory_space<hbm>>
    %dma_start3A_1121 = arith.constant 0 : i32
    %dma_start3A_1122 = arith.constant 0 : i32
    %dma_start3A_1123 = tpu.memref_slice %arg9[%dma_start3A_1105, %dma_start3A_1121, %dma_start3A_1122] : memref<3x16x2048xf32, #tpu.memory_space<vmem>> -> memref<1x16x2048xf32, #tpu.memory_space<vmem>>
    %dma_start3A_1124 = tpu.memref_squeeze %dma_start3A_1123 : memref<1x16x2048xf32, #tpu.memory_space<vmem>> -> memref<16x2048xf32, #tpu.memory_space<vmem>>
    tpu.enqueue_dma source(%dma_start3A_1124 : memref<16x2048xf32, #tpu.memory_space<vmem>>) target(%dma_start3A_1120 : memref<16x2048xf32, #tpu.memory_space<hbm>>) target_semaphore(%dma_start3A_1116 : memref<!tpu.dma_semaphore, #tpu.memory_space<semaphore_mem>>)
    %mul3A_1125 = arith.constant 4 : i32
    %mul3A_1126 = arith.muli %add3A, %mul3A_1125 : i32
    %add3A_1127 = arith.constant 2 : i32
    %add3A_1128 = arith.addi %mul3A_1126, %add3A_1127 : i32
    %dma_wait3A_1129 = arith.constant 2 : i32
    %dma_wait3A_1130 = arith.constant 2 : i32
    %dma_wait3A_1131 = arith.constant 0 : i32
    %dma_wait3A_1132 = arith.constant 0 : i32
    %dma_wait3A_1133 = tpu.memref_slice %arg9[%dma_wait3A_1129, %dma_wait3A_1131, %dma_wait3A_1132] : memref<3x16x2048xf32, #tpu.memory_space<vmem>> -> memref<1x16x2048xf32, #tpu.memory_space<vmem>>
    %dma_wait3A_1134 = tpu.memref_squeeze %dma_wait3A_1133 : memref<1x16x2048xf32, #tpu.memory_space<vmem>> -> memref<16x2048xf32, #tpu.memory_space<vmem>>
    %dma_wait3A_1135 = arith.constant 48 : i32
    %dma_wait3A_1136 = arith.constant 0 : i32
    %dma_wait3A_1137 = tpu.memref_slice %arg8[%add3A_1128, %dma_wait3A_1135, %dma_wait3A_1136] : memref<128x64x2048xf32, #tpu.memory_space<hbm>> -> memref<1x16x2048xf32, #tpu.memory_space<hbm>>
    %dma_wait3A_1138 = tpu.memref_squeeze %dma_wait3A_1137 : memref<1x16x2048xf32, #tpu.memory_space<hbm>> -> memref<16x2048xf32, #tpu.memory_space<hbm>>
    %dma_wait3A_1139 = tpu.memref_slice %arg13[%dma_wait3A_1130] : memref<3x!tpu.dma_semaphore, #tpu.memory_space<semaphore_mem>> -> memref<1x!tpu.dma_semaphore, #tpu.memory_space<semaphore_mem>>
    %dma_wait3A_1140 = tpu.memref_squeeze %dma_wait3A_1139 : memref<1x!tpu.dma_semaphore, #tpu.memory_space<semaphore_mem>> -> memref<!tpu.dma_semaphore, #tpu.memory_space<semaphore_mem>>
    %dma_wait3A_1141 = arith.constant 48 : i32
    %dma_wait3A_1142 = arith.constant 0 : i32
    %dma_wait3A_1143 = tpu.memref_slice %arg8[%add3A_1128, %dma_wait3A_1141, %dma_wait3A_1142] : memref<128x64x2048xf32, #tpu.memory_space<hbm>> -> memref<1x16x2048xf32, #tpu.memory_space<hbm>>
    %dma_wait3A_1144 = tpu.memref_squeeze %dma_wait3A_1143 : memref<1x16x2048xf32, #tpu.memory_space<hbm>> -> memref<16x2048xf32, #tpu.memory_space<hbm>>
    %dma_wait3A_1145 = arith.constant 0 : i32
    %dma_wait3A_1146 = arith.constant 0 : i32
    %dma_wait3A_1147 = tpu.memref_slice %arg9[%dma_wait3A_1129, %dma_wait3A_1145, %dma_wait3A_1146] : memref<3x16x2048xf32, #tpu.memory_space<vmem>> -> memref<1x16x2048xf32, #tpu.memory_space<vmem>>
    %dma_wait3A_1148 = tpu.memref_squeeze %dma_wait3A_1147 : memref<1x16x2048xf32, #tpu.memory_space<vmem>> -> memref<16x2048xf32, #tpu.memory_space<vmem>>
    tpu.wait_dma2 semaphore(%dma_wait3A_1140 : memref<!tpu.dma_semaphore, #tpu.memory_space<semaphore_mem>>) src(%dma_wait3A_1148 : memref<16x2048xf32, #tpu.memory_space<vmem>>) dst(%dma_wait3A_1144 : memref<16x2048xf32, #tpu.memory_space<hbm>>)
    %mul3A_1149 = arith.constant 4 : i32
    %mul3A_1150 = arith.muli %add3A, %mul3A_1149 : i32
    %add3A_1151 = arith.constant 3 : i32
    %add3A_1152 = arith.addi %mul3A_1150, %add3A_1151 : i32
    %eq3A_1153 = arith.cmpi eq, %add3A_1152, %reduce_max3A_18 : i32
    %convert_element_type3A_1154 = arith.extui %eq3A_1153 : i1 to i32
    %cond3A_1155 = arith.constant 2 : i32
    %cond3A_1156 = arith.constant 2 : i32
    %cond3A_1157 = arith.constant 0 : i32
    %cond3A_1158 = arith.cmpi ne, %convert_element_type3A_1154, %cond3A_1157 : i32
    scf.if %cond3A_1158 {
      %dma_start3A_1425 = arith.constant 0 : i32
      %dma_start3A_1426 = arith.constant 0 : i32
      %dma_start3A_1427 = tpu.memref_slice %arg9[%cond3A_1155, %dma_start3A_1425, %dma_start3A_1426] : memref<3x16x2048xf32, #tpu.memory_space<vmem>> -> memref<1x16x2048xf32, #tpu.memory_space<vmem>>
      %dma_start3A_1428 = tpu.memref_squeeze %dma_start3A_1427 : memref<1x16x2048xf32, #tpu.memory_space<vmem>> -> memref<16x2048xf32, #tpu.memory_space<vmem>>
      %dma_start3A_1429 = arith.constant 32 : i32
      %dma_start3A_1430 = arith.constant 0 : i32
      %dma_start3A_1431 = tpu.memref_slice %arg6[%add3A_1152, %dma_start3A_1429, %dma_start3A_1430] : memref<128x64x2048xf32, #tpu.memory_space<hbm>> -> memref<1x16x2048xf32, #tpu.memory_space<hbm>>
      %dma_start3A_1432 = tpu.memref_squeeze %dma_start3A_1431 : memref<1x16x2048xf32, #tpu.memory_space<hbm>> -> memref<16x2048xf32, #tpu.memory_space<hbm>>
      %dma_start3A_1433 = tpu.memref_slice %arg12[%cond3A_1156] : memref<3x!tpu.dma_semaphore, #tpu.memory_space<semaphore_mem>> -> memref<1x!tpu.dma_semaphore, #tpu.memory_space<semaphore_mem>>
      %dma_start3A_1434 = tpu.memref_squeeze %dma_start3A_1433 : memref<1x!tpu.dma_semaphore, #tpu.memory_space<semaphore_mem>> -> memref<!tpu.dma_semaphore, #tpu.memory_space<semaphore_mem>>
      %dma_start3A_1435 = arith.constant 0 : i32
      %dma_start3A_1436 = arith.constant 0 : i32
      %dma_start3A_1437 = tpu.memref_slice %arg9[%cond3A_1155, %dma_start3A_1435, %dma_start3A_1436] : memref<3x16x2048xf32, #tpu.memory_space<vmem>> -> memref<1x16x2048xf32, #tpu.memory_space<vmem>>
      %dma_start3A_1438 = tpu.memref_squeeze %dma_start3A_1437 : memref<1x16x2048xf32, #tpu.memory_space<vmem>> -> memref<16x2048xf32, #tpu.memory_space<vmem>>
      %dma_start3A_1439 = arith.constant 32 : i32
      %dma_start3A_1440 = arith.constant 0 : i32
      %dma_start3A_1441 = tpu.memref_slice %arg6[%add3A_1152, %dma_start3A_1439, %dma_start3A_1440] : memref<128x64x2048xf32, #tpu.memory_space<hbm>> -> memref<1x16x2048xf32, #tpu.memory_space<hbm>>
      %dma_start3A_1442 = tpu.memref_squeeze %dma_start3A_1441 : memref<1x16x2048xf32, #tpu.memory_space<hbm>> -> memref<16x2048xf32, #tpu.memory_space<hbm>>
      tpu.enqueue_dma source(%dma_start3A_1442 : memref<16x2048xf32, #tpu.memory_space<hbm>>) target(%dma_start3A_1438 : memref<16x2048xf32, #tpu.memory_space<vmem>>) target_semaphore(%dma_start3A_1434 : memref<!tpu.dma_semaphore, #tpu.memory_space<semaphore_mem>>)
    } else {
    }
    %ne3A_1159 = arith.cmpi ne, %add3A_1152, %reduce_max3A_18 : i32
    %convert_element_type3A_1160 = arith.extui %ne3A_1159 : i1 to i32
    %cond3A_1161 = arith.constant 2 : i32
    %cond3A_1162 = arith.constant 2 : i32
    %cond3A_1163 = arith.constant 0 : i32
    %cond3A_1164 = arith.cmpi ne, %convert_element_type3A_1160, %cond3A_1163 : i32
    scf.if %cond3A_1164 {
      %dma_start3A_1425 = arith.constant 0 : i32
      %dma_start3A_1426 = arith.constant 0 : i32
      %dma_start3A_1427 = tpu.memref_slice %arg9[%cond3A_1161, %dma_start3A_1425, %dma_start3A_1426] : memref<3x16x2048xf32, #tpu.memory_space<vmem>> -> memref<1x16x2048xf32, #tpu.memory_space<vmem>>
      %dma_start3A_1428 = tpu.memref_squeeze %dma_start3A_1427 : memref<1x16x2048xf32, #tpu.memory_space<vmem>> -> memref<16x2048xf32, #tpu.memory_space<vmem>>
      %dma_start3A_1429 = arith.constant 32 : i32
      %dma_start3A_1430 = arith.constant 0 : i32
      %dma_start3A_1431 = tpu.memref_slice %arg5[%add3A_1152, %dma_start3A_1429, %dma_start3A_1430] : memref<128x64x2048xf32, #tpu.memory_space<hbm>> -> memref<1x16x2048xf32, #tpu.memory_space<hbm>>
      %dma_start3A_1432 = tpu.memref_squeeze %dma_start3A_1431 : memref<1x16x2048xf32, #tpu.memory_space<hbm>> -> memref<16x2048xf32, #tpu.memory_space<hbm>>
      %dma_start3A_1433 = tpu.memref_slice %arg12[%cond3A_1162] : memref<3x!tpu.dma_semaphore, #tpu.memory_space<semaphore_mem>> -> memref<1x!tpu.dma_semaphore, #tpu.memory_space<semaphore_mem>>
      %dma_start3A_1434 = tpu.memref_squeeze %dma_start3A_1433 : memref<1x!tpu.dma_semaphore, #tpu.memory_space<semaphore_mem>> -> memref<!tpu.dma_semaphore, #tpu.memory_space<semaphore_mem>>
      %dma_start3A_1435 = arith.constant 0 : i32
      %dma_start3A_1436 = arith.constant 0 : i32
      %dma_start3A_1437 = tpu.memref_slice %arg9[%cond3A_1161, %dma_start3A_1435, %dma_start3A_1436] : memref<3x16x2048xf32, #tpu.memory_space<vmem>> -> memref<1x16x2048xf32, #tpu.memory_space<vmem>>
      %dma_start3A_1438 = tpu.memref_squeeze %dma_start3A_1437 : memref<1x16x2048xf32, #tpu.memory_space<vmem>> -> memref<16x2048xf32, #tpu.memory_space<vmem>>
      %dma_start3A_1439 = arith.constant 32 : i32
      %dma_start3A_1440 = arith.constant 0 : i32
      %dma_start3A_1441 = tpu.memref_slice %arg5[%add3A_1152, %dma_start3A_1439, %dma_start3A_1440] : memref<128x64x2048xf32, #tpu.memory_space<hbm>> -> memref<1x16x2048xf32, #tpu.memory_space<hbm>>
      %dma_start3A_1442 = tpu.memref_squeeze %dma_start3A_1441 : memref<1x16x2048xf32, #tpu.memory_space<hbm>> -> memref<16x2048xf32, #tpu.memory_space<hbm>>
      tpu.enqueue_dma source(%dma_start3A_1442 : memref<16x2048xf32, #tpu.memory_space<hbm>>) target(%dma_start3A_1438 : memref<16x2048xf32, #tpu.memory_space<vmem>>) target_semaphore(%dma_start3A_1434 : memref<!tpu.dma_semaphore, #tpu.memory_space<semaphore_mem>>)
    } else {
    }
    %mul3A_1165 = arith.constant 4 : i32
    %mul3A_1166 = arith.muli %add3A, %mul3A_1165 : i32
    %add3A_1167 = arith.constant 3 : i32
    %add3A_1168 = arith.addi %mul3A_1166, %add3A_1167 : i32
    %dma_wait3A_1169 = arith.constant 1 : i32
    %dma_wait3A_1170 = arith.constant 1 : i32
    %dma_wait3A_1171 = arith.constant 0 : i32
    %dma_wait3A_1172 = arith.constant 0 : i32
    %dma_wait3A_1173 = tpu.memref_slice %arg9[%dma_wait3A_1169, %dma_wait3A_1171, %dma_wait3A_1172] : memref<3x16x2048xf32, #tpu.memory_space<vmem>> -> memref<1x16x2048xf32, #tpu.memory_space<vmem>>
    %dma_wait3A_1174 = tpu.memref_squeeze %dma_wait3A_1173 : memref<1x16x2048xf32, #tpu.memory_space<vmem>> -> memref<16x2048xf32, #tpu.memory_space<vmem>>
    %dma_wait3A_1175 = arith.constant 16 : i32
    %dma_wait3A_1176 = arith.constant 0 : i32
    %dma_wait3A_1177 = tpu.memref_slice %arg5[%add3A_1168, %dma_wait3A_1175, %dma_wait3A_1176] : memref<128x64x2048xf32, #tpu.memory_space<hbm>> -> memref<1x16x2048xf32, #tpu.memory_space<hbm>>
    %dma_wait3A_1178 = tpu.memref_squeeze %dma_wait3A_1177 : memref<1x16x2048xf32, #tpu.memory_space<hbm>> -> memref<16x2048xf32, #tpu.memory_space<hbm>>
    %dma_wait3A_1179 = tpu.memref_slice %arg12[%dma_wait3A_1170] : memref<3x!tpu.dma_semaphore, #tpu.memory_space<semaphore_mem>> -> memref<1x!tpu.dma_semaphore, #tpu.memory_space<semaphore_mem>>
    %dma_wait3A_1180 = tpu.memref_squeeze %dma_wait3A_1179 : memref<1x!tpu.dma_semaphore, #tpu.memory_space<semaphore_mem>> -> memref<!tpu.dma_semaphore, #tpu.memory_space<semaphore_mem>>
    %dma_wait3A_1181 = arith.constant 0 : i32
    %dma_wait3A_1182 = arith.constant 0 : i32
    %dma_wait3A_1183 = tpu.memref_slice %arg9[%dma_wait3A_1169, %dma_wait3A_1181, %dma_wait3A_1182] : memref<3x16x2048xf32, #tpu.memory_space<vmem>> -> memref<1x16x2048xf32, #tpu.memory_space<vmem>>
    %dma_wait3A_1184 = tpu.memref_squeeze %dma_wait3A_1183 : memref<1x16x2048xf32, #tpu.memory_space<vmem>> -> memref<16x2048xf32, #tpu.memory_space<vmem>>
    %dma_wait3A_1185 = arith.constant 16 : i32
    %dma_wait3A_1186 = arith.constant 0 : i32
    %dma_wait3A_1187 = tpu.memref_slice %arg5[%add3A_1168, %dma_wait3A_1185, %dma_wait3A_1186] : memref<128x64x2048xf32, #tpu.memory_space<hbm>> -> memref<1x16x2048xf32, #tpu.memory_space<hbm>>
    %dma_wait3A_1188 = tpu.memref_squeeze %dma_wait3A_1187 : memref<1x16x2048xf32, #tpu.memory_space<hbm>> -> memref<16x2048xf32, #tpu.memory_space<hbm>>
    tpu.wait_dma2 semaphore(%dma_wait3A_1180 : memref<!tpu.dma_semaphore, #tpu.memory_space<semaphore_mem>>) src(%dma_wait3A_1188 : memref<16x2048xf32, #tpu.memory_space<hbm>>) dst(%dma_wait3A_1184 : memref<16x2048xf32, #tpu.memory_space<vmem>>)
    %mul3A_1189 = arith.constant 4 : i32
    %mul3A_1190 = arith.muli %add3A, %mul3A_1189 : i32
    %add3A_1191 = arith.constant 3 : i32
    %add3A_1192 = arith.addi %mul3A_1190, %add3A_1191 : i32
    %dma_start3A_1193 = arith.constant 1 : i32
    %dma_start3A_1194 = arith.constant 1 : i32
    %dma_start3A_1195 = arith.constant 0 : i32
    %dma_start3A_1196 = arith.constant 0 : i32
    %dma_start3A_1197 = tpu.memref_slice %arg9[%dma_start3A_1193, %dma_start3A_1195, %dma_start3A_1196] : memref<3x16x2048xf32, #tpu.memory_space<vmem>> -> memref<1x16x2048xf32, #tpu.memory_space<vmem>>
    %dma_start3A_1198 = tpu.memref_squeeze %dma_start3A_1197 : memref<1x16x2048xf32, #tpu.memory_space<vmem>> -> memref<16x2048xf32, #tpu.memory_space<vmem>>
    %dma_start3A_1199 = arith.constant 16 : i32
    %dma_start3A_1200 = arith.constant 0 : i32
    %dma_start3A_1201 = tpu.memref_slice %arg8[%add3A_1192, %dma_start3A_1199, %dma_start3A_1200] : memref<128x64x2048xf32, #tpu.memory_space<hbm>> -> memref<1x16x2048xf32, #tpu.memory_space<hbm>>
    %dma_start3A_1202 = tpu.memref_squeeze %dma_start3A_1201 : memref<1x16x2048xf32, #tpu.memory_space<hbm>> -> memref<16x2048xf32, #tpu.memory_space<hbm>>
    %dma_start3A_1203 = tpu.memref_slice %arg13[%dma_start3A_1194] : memref<3x!tpu.dma_semaphore, #tpu.memory_space<semaphore_mem>> -> memref<1x!tpu.dma_semaphore, #tpu.memory_space<semaphore_mem>>
    %dma_start3A_1204 = tpu.memref_squeeze %dma_start3A_1203 : memref<1x!tpu.dma_semaphore, #tpu.memory_space<semaphore_mem>> -> memref<!tpu.dma_semaphore, #tpu.memory_space<semaphore_mem>>
    %dma_start3A_1205 = arith.constant 16 : i32
    %dma_start3A_1206 = arith.constant 0 : i32
    %dma_start3A_1207 = tpu.memref_slice %arg8[%add3A_1192, %dma_start3A_1205, %dma_start3A_1206] : memref<128x64x2048xf32, #tpu.memory_space<hbm>> -> memref<1x16x2048xf32, #tpu.memory_space<hbm>>
    %dma_start3A_1208 = tpu.memref_squeeze %dma_start3A_1207 : memref<1x16x2048xf32, #tpu.memory_space<hbm>> -> memref<16x2048xf32, #tpu.memory_space<hbm>>
    %dma_start3A_1209 = arith.constant 0 : i32
    %dma_start3A_1210 = arith.constant 0 : i32
    %dma_start3A_1211 = tpu.memref_slice %arg9[%dma_start3A_1193, %dma_start3A_1209, %dma_start3A_1210] : memref<3x16x2048xf32, #tpu.memory_space<vmem>> -> memref<1x16x2048xf32, #tpu.memory_space<vmem>>
    %dma_start3A_1212 = tpu.memref_squeeze %dma_start3A_1211 : memref<1x16x2048xf32, #tpu.memory_space<vmem>> -> memref<16x2048xf32, #tpu.memory_space<vmem>>
    tpu.enqueue_dma source(%dma_start3A_1212 : memref<16x2048xf32, #tpu.memory_space<vmem>>) target(%dma_start3A_1208 : memref<16x2048xf32, #tpu.memory_space<hbm>>) target_semaphore(%dma_start3A_1204 : memref<!tpu.dma_semaphore, #tpu.memory_space<semaphore_mem>>)
    %mul3A_1213 = arith.constant 4 : i32
    %mul3A_1214 = arith.muli %add3A, %mul3A_1213 : i32
    %add3A_1215 = arith.constant 3 : i32
    %add3A_1216 = arith.addi %mul3A_1214, %add3A_1215 : i32
    %dma_wait3A_1217 = arith.constant 0 : i32
    %dma_wait3A_1218 = arith.constant 0 : i32
    %dma_wait3A_1219 = arith.constant 0 : i32
    %dma_wait3A_1220 = arith.constant 0 : i32
    %dma_wait3A_1221 = tpu.memref_slice %arg9[%dma_wait3A_1217, %dma_wait3A_1219, %dma_wait3A_1220] : memref<3x16x2048xf32, #tpu.memory_space<vmem>> -> memref<1x16x2048xf32, #tpu.memory_space<vmem>>
    %dma_wait3A_1222 = tpu.memref_squeeze %dma_wait3A_1221 : memref<1x16x2048xf32, #tpu.memory_space<vmem>> -> memref<16x2048xf32, #tpu.memory_space<vmem>>
    %dma_wait3A_1223 = arith.constant 0 : i32
    %dma_wait3A_1224 = arith.constant 0 : i32
    %dma_wait3A_1225 = tpu.memref_slice %arg8[%add3A_1216, %dma_wait3A_1223, %dma_wait3A_1224] : memref<128x64x2048xf32, #tpu.memory_space<hbm>> -> memref<1x16x2048xf32, #tpu.memory_space<hbm>>
    %dma_wait3A_1226 = tpu.memref_squeeze %dma_wait3A_1225 : memref<1x16x2048xf32, #tpu.memory_space<hbm>> -> memref<16x2048xf32, #tpu.memory_space<hbm>>
    %dma_wait3A_1227 = tpu.memref_slice %arg13[%dma_wait3A_1218] : memref<3x!tpu.dma_semaphore, #tpu.memory_space<semaphore_mem>> -> memref<1x!tpu.dma_semaphore, #tpu.memory_space<semaphore_mem>>
    %dma_wait3A_1228 = tpu.memref_squeeze %dma_wait3A_1227 : memref<1x!tpu.dma_semaphore, #tpu.memory_space<semaphore_mem>> -> memref<!tpu.dma_semaphore, #tpu.memory_space<semaphore_mem>>
    %dma_wait3A_1229 = arith.constant 0 : i32
    %dma_wait3A_1230 = arith.constant 0 : i32
    %dma_wait3A_1231 = tpu.memref_slice %arg8[%add3A_1216, %dma_wait3A_1229, %dma_wait3A_1230] : memref<128x64x2048xf32, #tpu.memory_space<hbm>> -> memref<1x16x2048xf32, #tpu.memory_space<hbm>>
    %dma_wait3A_1232 = tpu.memref_squeeze %dma_wait3A_1231 : memref<1x16x2048xf32, #tpu.memory_space<hbm>> -> memref<16x2048xf32, #tpu.memory_space<hbm>>
    %dma_wait3A_1233 = arith.constant 0 : i32
    %dma_wait3A_1234 = arith.constant 0 : i32
    %dma_wait3A_1235 = tpu.memref_slice %arg9[%dma_wait3A_1217, %dma_wait3A_1233, %dma_wait3A_1234] : memref<3x16x2048xf32, #tpu.memory_space<vmem>> -> memref<1x16x2048xf32, #tpu.memory_space<vmem>>
    %dma_wait3A_1236 = tpu.memref_squeeze %dma_wait3A_1235 : memref<1x16x2048xf32, #tpu.memory_space<vmem>> -> memref<16x2048xf32, #tpu.memory_space<vmem>>
    tpu.wait_dma2 semaphore(%dma_wait3A_1228 : memref<!tpu.dma_semaphore, #tpu.memory_space<semaphore_mem>>) src(%dma_wait3A_1236 : memref<16x2048xf32, #tpu.memory_space<vmem>>) dst(%dma_wait3A_1232 : memref<16x2048xf32, #tpu.memory_space<hbm>>)
    %mul3A_1237 = arith.constant 4 : i32
    %mul3A_1238 = arith.muli %add3A, %mul3A_1237 : i32
    %add3A_1239 = arith.constant 3 : i32
    %add3A_1240 = arith.addi %mul3A_1238, %add3A_1239 : i32
    %eq3A_1241 = arith.cmpi eq, %add3A_1240, %reduce_max3A_18 : i32
    %convert_element_type3A_1242 = arith.extui %eq3A_1241 : i1 to i32
    %cond3A_1243 = arith.constant 0 : i32
    %cond3A_1244 = arith.constant 0 : i32
    %cond3A_1245 = arith.constant 0 : i32
    %cond3A_1246 = arith.cmpi ne, %convert_element_type3A_1242, %cond3A_1245 : i32
    scf.if %cond3A_1246 {
      %dma_start3A_1425 = arith.constant 0 : i32
      %dma_start3A_1426 = arith.constant 0 : i32
      %dma_start3A_1427 = tpu.memref_slice %arg9[%cond3A_1243, %dma_start3A_1425, %dma_start3A_1426] : memref<3x16x2048xf32, #tpu.memory_space<vmem>> -> memref<1x16x2048xf32, #tpu.memory_space<vmem>>
      %dma_start3A_1428 = tpu.memref_squeeze %dma_start3A_1427 : memref<1x16x2048xf32, #tpu.memory_space<vmem>> -> memref<16x2048xf32, #tpu.memory_space<vmem>>
      %dma_start3A_1429 = arith.constant 48 : i32
      %dma_start3A_1430 = arith.constant 0 : i32
      %dma_start3A_1431 = tpu.memref_slice %arg6[%add3A_1240, %dma_start3A_1429, %dma_start3A_1430] : memref<128x64x2048xf32, #tpu.memory_space<hbm>> -> memref<1x16x2048xf32, #tpu.memory_space<hbm>>
      %dma_start3A_1432 = tpu.memref_squeeze %dma_start3A_1431 : memref<1x16x2048xf32, #tpu.memory_space<hbm>> -> memref<16x2048xf32, #tpu.memory_space<hbm>>
      %dma_start3A_1433 = tpu.memref_slice %arg12[%cond3A_1244] : memref<3x!tpu.dma_semaphore, #tpu.memory_space<semaphore_mem>> -> memref<1x!tpu.dma_semaphore, #tpu.memory_space<semaphore_mem>>
      %dma_start3A_1434 = tpu.memref_squeeze %dma_start3A_1433 : memref<1x!tpu.dma_semaphore, #tpu.memory_space<semaphore_mem>> -> memref<!tpu.dma_semaphore, #tpu.memory_space<semaphore_mem>>
      %dma_start3A_1435 = arith.constant 0 : i32
      %dma_start3A_1436 = arith.constant 0 : i32
      %dma_start3A_1437 = tpu.memref_slice %arg9[%cond3A_1243, %dma_start3A_1435, %dma_start3A_1436] : memref<3x16x2048xf32, #tpu.memory_space<vmem>> -> memref<1x16x2048xf32, #tpu.memory_space<vmem>>
      %dma_start3A_1438 = tpu.memref_squeeze %dma_start3A_1437 : memref<1x16x2048xf32, #tpu.memory_space<vmem>> -> memref<16x2048xf32, #tpu.memory_space<vmem>>
      %dma_start3A_1439 = arith.constant 48 : i32
      %dma_start3A_1440 = arith.constant 0 : i32
      %dma_start3A_1441 = tpu.memref_slice %arg6[%add3A_1240, %dma_start3A_1439, %dma_start3A_1440] : memref<128x64x2048xf32, #tpu.memory_space<hbm>> -> memref<1x16x2048xf32, #tpu.memory_space<hbm>>
      %dma_start3A_1442 = tpu.memref_squeeze %dma_start3A_1441 : memref<1x16x2048xf32, #tpu.memory_space<hbm>> -> memref<16x2048xf32, #tpu.memory_space<hbm>>
      tpu.enqueue_dma source(%dma_start3A_1442 : memref<16x2048xf32, #tpu.memory_space<hbm>>) target(%dma_start3A_1438 : memref<16x2048xf32, #tpu.memory_space<vmem>>) target_semaphore(%dma_start3A_1434 : memref<!tpu.dma_semaphore, #tpu.memory_space<semaphore_mem>>)
    } else {
    }
    %ne3A_1247 = arith.cmpi ne, %add3A_1240, %reduce_max3A_18 : i32
    %convert_element_type3A_1248 = arith.extui %ne3A_1247 : i1 to i32
    %cond3A_1249 = arith.constant 0 : i32
    %cond3A_1250 = arith.constant 0 : i32
    %cond3A_1251 = arith.constant 0 : i32
    %cond3A_1252 = arith.cmpi ne, %convert_element_type3A_1248, %cond3A_1251 : i32
    scf.if %cond3A_1252 {
      %dma_start3A_1425 = arith.constant 0 : i32
      %dma_start3A_1426 = arith.constant 0 : i32
      %dma_start3A_1427 = tpu.memref_slice %arg9[%cond3A_1249, %dma_start3A_1425, %dma_start3A_1426] : memref<3x16x2048xf32, #tpu.memory_space<vmem>> -> memref<1x16x2048xf32, #tpu.memory_space<vmem>>
      %dma_start3A_1428 = tpu.memref_squeeze %dma_start3A_1427 : memref<1x16x2048xf32, #tpu.memory_space<vmem>> -> memref<16x2048xf32, #tpu.memory_space<vmem>>
      %dma_start3A_1429 = arith.constant 48 : i32
      %dma_start3A_1430 = arith.constant 0 : i32
      %dma_start3A_1431 = tpu.memref_slice %arg5[%add3A_1240, %dma_start3A_1429, %dma_start3A_1430] : memref<128x64x2048xf32, #tpu.memory_space<hbm>> -> memref<1x16x2048xf32, #tpu.memory_space<hbm>>
      %dma_start3A_1432 = tpu.memref_squeeze %dma_start3A_1431 : memref<1x16x2048xf32, #tpu.memory_space<hbm>> -> memref<16x2048xf32, #tpu.memory_space<hbm>>
      %dma_start3A_1433 = tpu.memref_slice %arg12[%cond3A_1250] : memref<3x!tpu.dma_semaphore, #tpu.memory_space<semaphore_mem>> -> memref<1x!tpu.dma_semaphore, #tpu.memory_space<semaphore_mem>>
      %dma_start3A_1434 = tpu.memref_squeeze %dma_start3A_1433 : memref<1x!tpu.dma_semaphore, #tpu.memory_space<semaphore_mem>> -> memref<!tpu.dma_semaphore, #tpu.memory_space<semaphore_mem>>
      %dma_start3A_1435 = arith.constant 0 : i32
      %dma_start3A_1436 = arith.constant 0 : i32
      %dma_start3A_1437 = tpu.memref_slice %arg9[%cond3A_1249, %dma_start3A_1435, %dma_start3A_1436] : memref<3x16x2048xf32, #tpu.memory_space<vmem>> -> memref<1x16x2048xf32, #tpu.memory_space<vmem>>
      %dma_start3A_1438 = tpu.memref_squeeze %dma_start3A_1437 : memref<1x16x2048xf32, #tpu.memory_space<vmem>> -> memref<16x2048xf32, #tpu.memory_space<vmem>>
      %dma_start3A_1439 = arith.constant 48 : i32
      %dma_start3A_1440 = arith.constant 0 : i32
      %dma_start3A_1441 = tpu.memref_slice %arg5[%add3A_1240, %dma_start3A_1439, %dma_start3A_1440] : memref<128x64x2048xf32, #tpu.memory_space<hbm>> -> memref<1x16x2048xf32, #tpu.memory_space<hbm>>
      %dma_start3A_1442 = tpu.memref_squeeze %dma_start3A_1441 : memref<1x16x2048xf32, #tpu.memory_space<hbm>> -> memref<16x2048xf32, #tpu.memory_space<hbm>>
      tpu.enqueue_dma source(%dma_start3A_1442 : memref<16x2048xf32, #tpu.memory_space<hbm>>) target(%dma_start3A_1438 : memref<16x2048xf32, #tpu.memory_space<vmem>>) target_semaphore(%dma_start3A_1434 : memref<!tpu.dma_semaphore, #tpu.memory_space<semaphore_mem>>)
    } else {
    }
    %mul3A_1253 = arith.constant 4 : i32
    %mul3A_1254 = arith.muli %add3A, %mul3A_1253 : i32
    %add3A_1255 = arith.constant 3 : i32
    %add3A_1256 = arith.addi %mul3A_1254, %add3A_1255 : i32
    %dma_wait3A_1257 = arith.constant 2 : i32
    %dma_wait3A_1258 = arith.constant 2 : i32
    %dma_wait3A_1259 = arith.constant 0 : i32
    %dma_wait3A_1260 = arith.constant 0 : i32
    %dma_wait3A_1261 = tpu.memref_slice %arg9[%dma_wait3A_1257, %dma_wait3A_1259, %dma_wait3A_1260] : memref<3x16x2048xf32, #tpu.memory_space<vmem>> -> memref<1x16x2048xf32, #tpu.memory_space<vmem>>
    %dma_wait3A_1262 = tpu.memref_squeeze %dma_wait3A_1261 : memref<1x16x2048xf32, #tpu.memory_space<vmem>> -> memref<16x2048xf32, #tpu.memory_space<vmem>>
    %dma_wait3A_1263 = arith.constant 32 : i32
    %dma_wait3A_1264 = arith.constant 0 : i32
    %dma_wait3A_1265 = tpu.memref_slice %arg5[%add3A_1256, %dma_wait3A_1263, %dma_wait3A_1264] : memref<128x64x2048xf32, #tpu.memory_space<hbm>> -> memref<1x16x2048xf32, #tpu.memory_space<hbm>>
    %dma_wait3A_1266 = tpu.memref_squeeze %dma_wait3A_1265 : memref<1x16x2048xf32, #tpu.memory_space<hbm>> -> memref<16x2048xf32, #tpu.memory_space<hbm>>
    %dma_wait3A_1267 = tpu.memref_slice %arg12[%dma_wait3A_1258] : memref<3x!tpu.dma_semaphore, #tpu.memory_space<semaphore_mem>> -> memref<1x!tpu.dma_semaphore, #tpu.memory_space<semaphore_mem>>
    %dma_wait3A_1268 = tpu.memref_squeeze %dma_wait3A_1267 : memref<1x!tpu.dma_semaphore, #tpu.memory_space<semaphore_mem>> -> memref<!tpu.dma_semaphore, #tpu.memory_space<semaphore_mem>>
    %dma_wait3A_1269 = arith.constant 0 : i32
    %dma_wait3A_1270 = arith.constant 0 : i32
    %dma_wait3A_1271 = tpu.memref_slice %arg9[%dma_wait3A_1257, %dma_wait3A_1269, %dma_wait3A_1270] : memref<3x16x2048xf32, #tpu.memory_space<vmem>> -> memref<1x16x2048xf32, #tpu.memory_space<vmem>>
    %dma_wait3A_1272 = tpu.memref_squeeze %dma_wait3A_1271 : memref<1x16x2048xf32, #tpu.memory_space<vmem>> -> memref<16x2048xf32, #tpu.memory_space<vmem>>
    %dma_wait3A_1273 = arith.constant 32 : i32
    %dma_wait3A_1274 = arith.constant 0 : i32
    %dma_wait3A_1275 = tpu.memref_slice %arg5[%add3A_1256, %dma_wait3A_1273, %dma_wait3A_1274] : memref<128x64x2048xf32, #tpu.memory_space<hbm>> -> memref<1x16x2048xf32, #tpu.memory_space<hbm>>
    %dma_wait3A_1276 = tpu.memref_squeeze %dma_wait3A_1275 : memref<1x16x2048xf32, #tpu.memory_space<hbm>> -> memref<16x2048xf32, #tpu.memory_space<hbm>>
    tpu.wait_dma2 semaphore(%dma_wait3A_1268 : memref<!tpu.dma_semaphore, #tpu.memory_space<semaphore_mem>>) src(%dma_wait3A_1276 : memref<16x2048xf32, #tpu.memory_space<hbm>>) dst(%dma_wait3A_1272 : memref<16x2048xf32, #tpu.memory_space<vmem>>)
    %mul3A_1277 = arith.constant 4 : i32
    %mul3A_1278 = arith.muli %add3A, %mul3A_1277 : i32
    %add3A_1279 = arith.constant 3 : i32
    %add3A_1280 = arith.addi %mul3A_1278, %add3A_1279 : i32
    %dma_start3A_1281 = arith.constant 2 : i32
    %dma_start3A_1282 = arith.constant 2 : i32
    %dma_start3A_1283 = arith.constant 0 : i32
    %dma_start3A_1284 = arith.constant 0 : i32
    %dma_start3A_1285 = tpu.memref_slice %arg9[%dma_start3A_1281, %dma_start3A_1283, %dma_start3A_1284] : memref<3x16x2048xf32, #tpu.memory_space<vmem>> -> memref<1x16x2048xf32, #tpu.memory_space<vmem>>
    %dma_start3A_1286 = tpu.memref_squeeze %dma_start3A_1285 : memref<1x16x2048xf32, #tpu.memory_space<vmem>> -> memref<16x2048xf32, #tpu.memory_space<vmem>>
    %dma_start3A_1287 = arith.constant 32 : i32
    %dma_start3A_1288 = arith.constant 0 : i32
    %dma_start3A_1289 = tpu.memref_slice %arg8[%add3A_1280, %dma_start3A_1287, %dma_start3A_1288] : memref<128x64x2048xf32, #tpu.memory_space<hbm>> -> memref<1x16x2048xf32, #tpu.memory_space<hbm>>
    %dma_start3A_1290 = tpu.memref_squeeze %dma_start3A_1289 : memref<1x16x2048xf32, #tpu.memory_space<hbm>> -> memref<16x2048xf32, #tpu.memory_space<hbm>>
    %dma_start3A_1291 = tpu.memref_slice %arg13[%dma_start3A_1282] : memref<3x!tpu.dma_semaphore, #tpu.memory_space<semaphore_mem>> -> memref<1x!tpu.dma_semaphore, #tpu.memory_space<semaphore_mem>>
    %dma_start3A_1292 = tpu.memref_squeeze %dma_start3A_1291 : memref<1x!tpu.dma_semaphore, #tpu.memory_space<semaphore_mem>> -> memref<!tpu.dma_semaphore, #tpu.memory_space<semaphore_mem>>
    %dma_start3A_1293 = arith.constant 32 : i32
    %dma_start3A_1294 = arith.constant 0 : i32
    %dma_start3A_1295 = tpu.memref_slice %arg8[%add3A_1280, %dma_start3A_1293, %dma_start3A_1294] : memref<128x64x2048xf32, #tpu.memory_space<hbm>> -> memref<1x16x2048xf32, #tpu.memory_space<hbm>>
    %dma_start3A_1296 = tpu.memref_squeeze %dma_start3A_1295 : memref<1x16x2048xf32, #tpu.memory_space<hbm>> -> memref<16x2048xf32, #tpu.memory_space<hbm>>
    %dma_start3A_1297 = arith.constant 0 : i32
    %dma_start3A_1298 = arith.constant 0 : i32
    %dma_start3A_1299 = tpu.memref_slice %arg9[%dma_start3A_1281, %dma_start3A_1297, %dma_start3A_1298] : memref<3x16x2048xf32, #tpu.memory_space<vmem>> -> memref<1x16x2048xf32, #tpu.memory_space<vmem>>
    %dma_start3A_1300 = tpu.memref_squeeze %dma_start3A_1299 : memref<1x16x2048xf32, #tpu.memory_space<vmem>> -> memref<16x2048xf32, #tpu.memory_space<vmem>>
    tpu.enqueue_dma source(%dma_start3A_1300 : memref<16x2048xf32, #tpu.memory_space<vmem>>) target(%dma_start3A_1296 : memref<16x2048xf32, #tpu.memory_space<hbm>>) target_semaphore(%dma_start3A_1292 : memref<!tpu.dma_semaphore, #tpu.memory_space<semaphore_mem>>)
    %mul3A_1301 = arith.constant 4 : i32
    %mul3A_1302 = arith.muli %add3A, %mul3A_1301 : i32
    %add3A_1303 = arith.constant 3 : i32
    %add3A_1304 = arith.addi %mul3A_1302, %add3A_1303 : i32
    %dma_wait3A_1305 = arith.constant 1 : i32
    %dma_wait3A_1306 = arith.constant 1 : i32
    %dma_wait3A_1307 = arith.constant 0 : i32
    %dma_wait3A_1308 = arith.constant 0 : i32
    %dma_wait3A_1309 = tpu.memref_slice %arg9[%dma_wait3A_1305, %dma_wait3A_1307, %dma_wait3A_1308] : memref<3x16x2048xf32, #tpu.memory_space<vmem>> -> memref<1x16x2048xf32, #tpu.memory_space<vmem>>
    %dma_wait3A_1310 = tpu.memref_squeeze %dma_wait3A_1309 : memref<1x16x2048xf32, #tpu.memory_space<vmem>> -> memref<16x2048xf32, #tpu.memory_space<vmem>>
    %dma_wait3A_1311 = arith.constant 16 : i32
    %dma_wait3A_1312 = arith.constant 0 : i32
    %dma_wait3A_1313 = tpu.memref_slice %arg8[%add3A_1304, %dma_wait3A_1311, %dma_wait3A_1312] : memref<128x64x2048xf32, #tpu.memory_space<hbm>> -> memref<1x16x2048xf32, #tpu.memory_space<hbm>>
    %dma_wait3A_1314 = tpu.memref_squeeze %dma_wait3A_1313 : memref<1x16x2048xf32, #tpu.memory_space<hbm>> -> memref<16x2048xf32, #tpu.memory_space<hbm>>
    %dma_wait3A_1315 = tpu.memref_slice %arg13[%dma_wait3A_1306] : memref<3x!tpu.dma_semaphore, #tpu.memory_space<semaphore_mem>> -> memref<1x!tpu.dma_semaphore, #tpu.memory_space<semaphore_mem>>
    %dma_wait3A_1316 = tpu.memref_squeeze %dma_wait3A_1315 : memref<1x!tpu.dma_semaphore, #tpu.memory_space<semaphore_mem>> -> memref<!tpu.dma_semaphore, #tpu.memory_space<semaphore_mem>>
    %dma_wait3A_1317 = arith.constant 16 : i32
    %dma_wait3A_1318 = arith.constant 0 : i32
    %dma_wait3A_1319 = tpu.memref_slice %arg8[%add3A_1304, %dma_wait3A_1317, %dma_wait3A_1318] : memref<128x64x2048xf32, #tpu.memory_space<hbm>> -> memref<1x16x2048xf32, #tpu.memory_space<hbm>>
    %dma_wait3A_1320 = tpu.memref_squeeze %dma_wait3A_1319 : memref<1x16x2048xf32, #tpu.memory_space<hbm>> -> memref<16x2048xf32, #tpu.memory_space<hbm>>
    %dma_wait3A_1321 = arith.constant 0 : i32
    %dma_wait3A_1322 = arith.constant 0 : i32
    %dma_wait3A_1323 = tpu.memref_slice %arg9[%dma_wait3A_1305, %dma_wait3A_1321, %dma_wait3A_1322] : memref<3x16x2048xf32, #tpu.memory_space<vmem>> -> memref<1x16x2048xf32, #tpu.memory_space<vmem>>
    %dma_wait3A_1324 = tpu.memref_squeeze %dma_wait3A_1323 : memref<1x16x2048xf32, #tpu.memory_space<vmem>> -> memref<16x2048xf32, #tpu.memory_space<vmem>>
    tpu.wait_dma2 semaphore(%dma_wait3A_1316 : memref<!tpu.dma_semaphore, #tpu.memory_space<semaphore_mem>>) src(%dma_wait3A_1324 : memref<16x2048xf32, #tpu.memory_space<vmem>>) dst(%dma_wait3A_1320 : memref<16x2048xf32, #tpu.memory_space<hbm>>)
    %mul3A_1325 = arith.constant 4 : i32
    %mul3A_1326 = arith.muli %add3A, %mul3A_1325 : i32
    %add3A_1327 = arith.constant 3 : i32
    %add3A_1328 = arith.addi %mul3A_1326, %add3A_1327 : i32
    %dma_wait3A_1329 = arith.constant 0 : i32
    %dma_wait3A_1330 = arith.constant 0 : i32
    %dma_wait3A_1331 = arith.constant 0 : i32
    %dma_wait3A_1332 = arith.constant 0 : i32
    %dma_wait3A_1333 = tpu.memref_slice %arg9[%dma_wait3A_1329, %dma_wait3A_1331, %dma_wait3A_1332] : memref<3x16x2048xf32, #tpu.memory_space<vmem>> -> memref<1x16x2048xf32, #tpu.memory_space<vmem>>
    %dma_wait3A_1334 = tpu.memref_squeeze %dma_wait3A_1333 : memref<1x16x2048xf32, #tpu.memory_space<vmem>> -> memref<16x2048xf32, #tpu.memory_space<vmem>>
    %dma_wait3A_1335 = arith.constant 48 : i32
    %dma_wait3A_1336 = arith.constant 0 : i32
    %dma_wait3A_1337 = tpu.memref_slice %arg5[%add3A_1328, %dma_wait3A_1335, %dma_wait3A_1336] : memref<128x64x2048xf32, #tpu.memory_space<hbm>> -> memref<1x16x2048xf32, #tpu.memory_space<hbm>>
    %dma_wait3A_1338 = tpu.memref_squeeze %dma_wait3A_1337 : memref<1x16x2048xf32, #tpu.memory_space<hbm>> -> memref<16x2048xf32, #tpu.memory_space<hbm>>
    %dma_wait3A_1339 = tpu.memref_slice %arg12[%dma_wait3A_1330] : memref<3x!tpu.dma_semaphore, #tpu.memory_space<semaphore_mem>> -> memref<1x!tpu.dma_semaphore, #tpu.memory_space<semaphore_mem>>
    %dma_wait3A_1340 = tpu.memref_squeeze %dma_wait3A_1339 : memref<1x!tpu.dma_semaphore, #tpu.memory_space<semaphore_mem>> -> memref<!tpu.dma_semaphore, #tpu.memory_space<semaphore_mem>>
    %dma_wait3A_1341 = arith.constant 0 : i32
    %dma_wait3A_1342 = arith.constant 0 : i32
    %dma_wait3A_1343 = tpu.memref_slice %arg9[%dma_wait3A_1329, %dma_wait3A_1341, %dma_wait3A_1342] : memref<3x16x2048xf32, #tpu.memory_space<vmem>> -> memref<1x16x2048xf32, #tpu.memory_space<vmem>>
    %dma_wait3A_1344 = tpu.memref_squeeze %dma_wait3A_1343 : memref<1x16x2048xf32, #tpu.memory_space<vmem>> -> memref<16x2048xf32, #tpu.memory_space<vmem>>
    %dma_wait3A_1345 = arith.constant 48 : i32
    %dma_wait3A_1346 = arith.constant 0 : i32
    %dma_wait3A_1347 = tpu.memref_slice %arg5[%add3A_1328, %dma_wait3A_1345, %dma_wait3A_1346] : memref<128x64x2048xf32, #tpu.memory_space<hbm>> -> memref<1x16x2048xf32, #tpu.memory_space<hbm>>
    %dma_wait3A_1348 = tpu.memref_squeeze %dma_wait3A_1347 : memref<1x16x2048xf32, #tpu.memory_space<hbm>> -> memref<16x2048xf32, #tpu.memory_space<hbm>>
    tpu.wait_dma2 semaphore(%dma_wait3A_1340 : memref<!tpu.dma_semaphore, #tpu.memory_space<semaphore_mem>>) src(%dma_wait3A_1348 : memref<16x2048xf32, #tpu.memory_space<hbm>>) dst(%dma_wait3A_1344 : memref<16x2048xf32, #tpu.memory_space<vmem>>)
    %mul3A_1349 = arith.constant 4 : i32
    %mul3A_1350 = arith.muli %add3A, %mul3A_1349 : i32
    %add3A_1351 = arith.constant 3 : i32
    %add3A_1352 = arith.addi %mul3A_1350, %add3A_1351 : i32
    %dma_start3A_1353 = arith.constant 0 : i32
    %dma_start3A_1354 = arith.constant 0 : i32
    %dma_start3A_1355 = arith.constant 0 : i32
    %dma_start3A_1356 = arith.constant 0 : i32
    %dma_start3A_1357 = tpu.memref_slice %arg9[%dma_start3A_1353, %dma_start3A_1355, %dma_start3A_1356] : memref<3x16x2048xf32, #tpu.memory_space<vmem>> -> memref<1x16x2048xf32, #tpu.memory_space<vmem>>
    %dma_start3A_1358 = tpu.memref_squeeze %dma_start3A_1357 : memref<1x16x2048xf32, #tpu.memory_space<vmem>> -> memref<16x2048xf32, #tpu.memory_space<vmem>>
    %dma_start3A_1359 = arith.constant 48 : i32
    %dma_start3A_1360 = arith.constant 0 : i32
    %dma_start3A_1361 = tpu.memref_slice %arg8[%add3A_1352, %dma_start3A_1359, %dma_start3A_1360] : memref<128x64x2048xf32, #tpu.memory_space<hbm>> -> memref<1x16x2048xf32, #tpu.memory_space<hbm>>
    %dma_start3A_1362 = tpu.memref_squeeze %dma_start3A_1361 : memref<1x16x2048xf32, #tpu.memory_space<hbm>> -> memref<16x2048xf32, #tpu.memory_space<hbm>>
    %dma_start3A_1363 = tpu.memref_slice %arg13[%dma_start3A_1354] : memref<3x!tpu.dma_semaphore, #tpu.memory_space<semaphore_mem>> -> memref<1x!tpu.dma_semaphore, #tpu.memory_space<semaphore_mem>>
    %dma_start3A_1364 = tpu.memref_squeeze %dma_start3A_1363 : memref<1x!tpu.dma_semaphore, #tpu.memory_space<semaphore_mem>> -> memref<!tpu.dma_semaphore, #tpu.memory_space<semaphore_mem>>
    %dma_start3A_1365 = arith.constant 48 : i32
    %dma_start3A_1366 = arith.constant 0 : i32
    %dma_start3A_1367 = tpu.memref_slice %arg8[%add3A_1352, %dma_start3A_1365, %dma_start3A_1366] : memref<128x64x2048xf32, #tpu.memory_space<hbm>> -> memref<1x16x2048xf32, #tpu.memory_space<hbm>>
    %dma_start3A_1368 = tpu.memref_squeeze %dma_start3A_1367 : memref<1x16x2048xf32, #tpu.memory_space<hbm>> -> memref<16x2048xf32, #tpu.memory_space<hbm>>
    %dma_start3A_1369 = arith.constant 0 : i32
    %dma_start3A_1370 = arith.constant 0 : i32
    %dma_start3A_1371 = tpu.memref_slice %arg9[%dma_start3A_1353, %dma_start3A_1369, %dma_start3A_1370] : memref<3x16x2048xf32, #tpu.memory_space<vmem>> -> memref<1x16x2048xf32, #tpu.memory_space<vmem>>
    %dma_start3A_1372 = tpu.memref_squeeze %dma_start3A_1371 : memref<1x16x2048xf32, #tpu.memory_space<vmem>> -> memref<16x2048xf32, #tpu.memory_space<vmem>>
    tpu.enqueue_dma source(%dma_start3A_1372 : memref<16x2048xf32, #tpu.memory_space<vmem>>) target(%dma_start3A_1368 : memref<16x2048xf32, #tpu.memory_space<hbm>>) target_semaphore(%dma_start3A_1364 : memref<!tpu.dma_semaphore, #tpu.memory_space<semaphore_mem>>)
    %mul3A_1373 = arith.constant 4 : i32
    %mul3A_1374 = arith.muli %add3A, %mul3A_1373 : i32
    %add3A_1375 = arith.constant 3 : i32
    %add3A_1376 = arith.addi %mul3A_1374, %add3A_1375 : i32
    %dma_wait3A_1377 = arith.constant 2 : i32
    %dma_wait3A_1378 = arith.constant 2 : i32
    %dma_wait3A_1379 = arith.constant 0 : i32
    %dma_wait3A_1380 = arith.constant 0 : i32
    %dma_wait3A_1381 = tpu.memref_slice %arg9[%dma_wait3A_1377, %dma_wait3A_1379, %dma_wait3A_1380] : memref<3x16x2048xf32, #tpu.memory_space<vmem>> -> memref<1x16x2048xf32, #tpu.memory_space<vmem>>
    %dma_wait3A_1382 = tpu.memref_squeeze %dma_wait3A_1381 : memref<1x16x2048xf32, #tpu.memory_space<vmem>> -> memref<16x2048xf32, #tpu.memory_space<vmem>>
    %dma_wait3A_1383 = arith.constant 32 : i32
    %dma_wait3A_1384 = arith.constant 0 : i32
    %dma_wait3A_1385 = tpu.memref_slice %arg8[%add3A_1376, %dma_wait3A_1383, %dma_wait3A_1384] : memref<128x64x2048xf32, #tpu.memory_space<hbm>> -> memref<1x16x2048xf32, #tpu.memory_space<hbm>>
    %dma_wait3A_1386 = tpu.memref_squeeze %dma_wait3A_1385 : memref<1x16x2048xf32, #tpu.memory_space<hbm>> -> memref<16x2048xf32, #tpu.memory_space<hbm>>
    %dma_wait3A_1387 = tpu.memref_slice %arg13[%dma_wait3A_1378] : memref<3x!tpu.dma_semaphore, #tpu.memory_space<semaphore_mem>> -> memref<1x!tpu.dma_semaphore, #tpu.memory_space<semaphore_mem>>
    %dma_wait3A_1388 = tpu.memref_squeeze %dma_wait3A_1387 : memref<1x!tpu.dma_semaphore, #tpu.memory_space<semaphore_mem>> -> memref<!tpu.dma_semaphore, #tpu.memory_space<semaphore_mem>>
    %dma_wait3A_1389 = arith.constant 32 : i32
    %dma_wait3A_1390 = arith.constant 0 : i32
    %dma_wait3A_1391 = tpu.memref_slice %arg8[%add3A_1376, %dma_wait3A_1389, %dma_wait3A_1390] : memref<128x64x2048xf32, #tpu.memory_space<hbm>> -> memref<1x16x2048xf32, #tpu.memory_space<hbm>>
    %dma_wait3A_1392 = tpu.memref_squeeze %dma_wait3A_1391 : memref<1x16x2048xf32, #tpu.memory_space<hbm>> -> memref<16x2048xf32, #tpu.memory_space<hbm>>
    %dma_wait3A_1393 = arith.constant 0 : i32
    %dma_wait3A_1394 = arith.constant 0 : i32
    %dma_wait3A_1395 = tpu.memref_slice %arg9[%dma_wait3A_1377, %dma_wait3A_1393, %dma_wait3A_1394] : memref<3x16x2048xf32, #tpu.memory_space<vmem>> -> memref<1x16x2048xf32, #tpu.memory_space<vmem>>
    %dma_wait3A_1396 = tpu.memref_squeeze %dma_wait3A_1395 : memref<1x16x2048xf32, #tpu.memory_space<vmem>> -> memref<16x2048xf32, #tpu.memory_space<vmem>>
    tpu.wait_dma2 semaphore(%dma_wait3A_1388 : memref<!tpu.dma_semaphore, #tpu.memory_space<semaphore_mem>>) src(%dma_wait3A_1396 : memref<16x2048xf32, #tpu.memory_space<vmem>>) dst(%dma_wait3A_1392 : memref<16x2048xf32, #tpu.memory_space<hbm>>)
    %mul3A_1397 = arith.constant 4 : i32
    %mul3A_1398 = arith.muli %add3A, %mul3A_1397 : i32
    %add3A_1399 = arith.constant 3 : i32
    %add3A_1400 = arith.addi %mul3A_1398, %add3A_1399 : i32
    %dma_wait3A_1401 = arith.constant 0 : i32
    %dma_wait3A_1402 = arith.constant 0 : i32
    %dma_wait3A_1403 = arith.constant 0 : i32
    %dma_wait3A_1404 = arith.constant 0 : i32
    %dma_wait3A_1405 = tpu.memref_slice %arg9[%dma_wait3A_1401, %dma_wait3A_1403, %dma_wait3A_1404] : memref<3x16x2048xf32, #tpu.memory_space<vmem>> -> memref<1x16x2048xf32, #tpu.memory_space<vmem>>
    %dma_wait3A_1406 = tpu.memref_squeeze %dma_wait3A_1405 : memref<1x16x2048xf32, #tpu.memory_space<vmem>> -> memref<16x2048xf32, #tpu.memory_space<vmem>>
    %dma_wait3A_1407 = arith.constant 48 : i32
    %dma_wait3A_1408 = arith.constant 0 : i32
    %dma_wait3A_1409 = tpu.memref_slice %arg8[%add3A_1400, %dma_wait3A_1407, %dma_wait3A_1408] : memref<128x64x2048xf32, #tpu.memory_space<hbm>> -> memref<1x16x2048xf32, #tpu.memory_space<hbm>>
    %dma_wait3A_1410 = tpu.memref_squeeze %dma_wait3A_1409 : memref<1x16x2048xf32, #tpu.memory_space<hbm>> -> memref<16x2048xf32, #tpu.memory_space<hbm>>
    %dma_wait3A_1411 = tpu.memref_slice %arg13[%dma_wait3A_1402] : memref<3x!tpu.dma_semaphore, #tpu.memory_space<semaphore_mem>> -> memref<1x!tpu.dma_semaphore, #tpu.memory_space<semaphore_mem>>
    %dma_wait3A_1412 = tpu.memref_squeeze %dma_wait3A_1411 : memref<1x!tpu.dma_semaphore, #tpu.memory_space<semaphore_mem>> -> memref<!tpu.dma_semaphore, #tpu.memory_space<semaphore_mem>>
    %dma_wait3A_1413 = arith.constant 48 : i32
    %dma_wait3A_1414 = arith.constant 0 : i32
    %dma_wait3A_1415 = tpu.memref_slice %arg8[%add3A_1400, %dma_wait3A_1413, %dma_wait3A_1414] : memref<128x64x2048xf32, #tpu.memory_space<hbm>> -> memref<1x16x2048xf32, #tpu.memory_space<hbm>>
    %dma_wait3A_1416 = tpu.memref_squeeze %dma_wait3A_1415 : memref<1x16x2048xf32, #tpu.memory_space<hbm>> -> memref<16x2048xf32, #tpu.memory_space<hbm>>
    %dma_wait3A_1417 = arith.constant 0 : i32
    %dma_wait3A_1418 = arith.constant 0 : i32
    %dma_wait3A_1419 = tpu.memref_slice %arg9[%dma_wait3A_1401, %dma_wait3A_1417, %dma_wait3A_1418] : memref<3x16x2048xf32, #tpu.memory_space<vmem>> -> memref<1x16x2048xf32, #tpu.memory_space<vmem>>
    %dma_wait3A_1420 = tpu.memref_squeeze %dma_wait3A_1419 : memref<1x16x2048xf32, #tpu.memory_space<vmem>> -> memref<16x2048xf32, #tpu.memory_space<vmem>>
    tpu.wait_dma2 semaphore(%dma_wait3A_1412 : memref<!tpu.dma_semaphore, #tpu.memory_space<semaphore_mem>>) src(%dma_wait3A_1420 : memref<16x2048xf32, #tpu.memory_space<vmem>>) dst(%dma_wait3A_1416 : memref<16x2048xf32, #tpu.memory_space<hbm>>)
    %lt3A = arith.constant 25 : i32
    %lt3A_1421 = arith.cmpi slt, %add3A, %lt3A : i32
    %convert_element_type3A_1422 = arith.extui %lt3A_1421 : i1 to i32
    %cond3A_1423 = arith.constant 0 : i32
    %cond3A_1424 = arith.cmpi ne, %convert_element_type3A_1422, %cond3A_1423 : i32
    scf.if %cond3A_1424 {
      %mul3A_1425 = arith.constant 4000 : i32
      %mul3A_1426 = arith.muli %add3A, %mul3A_1425 : i32
      "tpu.region"() ({
        %run_scoped3A = tpu.sem_alloc : memref<!tpu.dma_semaphore, #tpu.memory_space<semaphore_mem>>
        %dma_start3A_1448 = tpu.memref_slice %arg4[%mul3A_1426] : memref<100000xi32, #tpu.memory_space<hbm>> -> memref<4000xi32, #tpu.memory_space<hbm>>
        %dma_start3A_1449 = tpu.memref_slice %arg4[%mul3A_1426] : memref<100000xi32, #tpu.memory_space<hbm>> -> memref<4000xi32, #tpu.memory_space<hbm>>
        tpu.enqueue_dma source(%dma_start3A_1449 : memref<4000xi32, #tpu.memory_space<hbm>>) target(%arg10 : memref<4000xi32, #tpu.memory_space<vmem>>) target_semaphore(%run_scoped3A : memref<!tpu.dma_semaphore, #tpu.memory_space<semaphore_mem>>)
        %dma_wait3A_1450 = tpu.memref_slice %arg4[%mul3A_1426] : memref<100000xi32, #tpu.memory_space<hbm>> -> memref<4000xi32, #tpu.memory_space<hbm>>
        %dma_wait3A_1451 = tpu.memref_slice %arg4[%mul3A_1426] : memref<100000xi32, #tpu.memory_space<hbm>> -> memref<4000xi32, #tpu.memory_space<hbm>>
        tpu.wait_dma2 semaphore(%run_scoped3A : memref<!tpu.dma_semaphore, #tpu.memory_space<semaphore_mem>>) src(%dma_wait3A_1451 : memref<4000xi32, #tpu.memory_space<hbm>>) dst(%arg10 : memref<4000xi32, #tpu.memory_space<vmem>>)
        tpu.yield
      }) : () -> ()
      %jit3A = arith.constant 4000 : i32
      %div3A = arith.divsi %reduce_max3A_8, %jit3A : i32
      %sign3A = arith.constant 0 : i32
      %sign3A_1427 = arith.cmpi sgt, %reduce_max3A_8, %sign3A : i32
      %sign3A_1428 = arith.extui %sign3A_1427 : i1 to i32
      %sign3A_1429 = arith.constant 0 : i32
      %sign3A_1430 = arith.cmpi slt, %reduce_max3A_8, %sign3A_1429 : i32
      %sign3A_1431 = arith.extui %sign3A_1430 : i1 to i32
      %sign3A_1432 = arith.subi %sign3A_1428, %sign3A_1431 : i32
      %sign3A_1433 = arith.constant 0 : i32
      %sign3A_1434 = arith.cmpi sgt, %jit3A, %sign3A_1433 : i32
      %sign3A_1435 = arith.extui %sign3A_1434 : i1 to i32
      %sign3A_1436 = arith.constant 0 : i32
      %sign3A_1437 = arith.cmpi slt, %jit3A, %sign3A_1436 : i32
      %sign3A_1438 = arith.extui %sign3A_1437 : i1 to i32
      %sign3A_1439 = arith.subi %sign3A_1435, %sign3A_1438 : i32
      %ne3A_1440 = arith.cmpi ne, %sign3A_1432, %sign3A_1439 : i32
      %rem3A = arith.remsi %reduce_max3A_8, %jit3A : i32
      %ne3A_1441 = arith.constant 0 : i32
      %ne3A_1442 = arith.cmpi ne, %rem3A, %ne3A_1441 : i32
      %and3A = arith.andi %ne3A_1440, %ne3A_1442 : i1
      %sub3A = arith.constant 1 : i32
      %sub3A_1443 = arith.subi %div3A, %sub3A : i32
      %select_n3A = arith.select %and3A, %sub3A_1443, %div3A : i32
      %eq3A_1444 = arith.cmpi eq, %add3A, %select_n3A : i32
      %convert_element_type3A_1445 = arith.extui %eq3A_1444 : i1 to i32
      %cond3A_1446 = arith.constant 0 : i32
      %cond3A_1447 = arith.cmpi ne, %convert_element_type3A_1445, %cond3A_1446 : i32
      scf.if %cond3A_1447 {
        %jit3A_1448 = arith.constant 16 : i32
        %div3A_1449 = arith.divsi %reduce_max3A_8, %jit3A_1448 : i32
        %sign3A_1450 = arith.constant 0 : i32
        %sign3A_1451 = arith.cmpi sgt, %reduce_max3A_8, %sign3A_1450 : i32
        %sign3A_1452 = arith.extui %sign3A_1451 : i1 to i32
        %sign3A_1453 = arith.constant 0 : i32
        %sign3A_1454 = arith.cmpi slt, %reduce_max3A_8, %sign3A_1453 : i32
        %sign3A_1455 = arith.extui %sign3A_1454 : i1 to i32
        %sign3A_1456 = arith.subi %sign3A_1452, %sign3A_1455 : i32
        %sign3A_1457 = arith.constant 0 : i32
        %sign3A_1458 = arith.cmpi sgt, %jit3A_1448, %sign3A_1457 : i32
        %sign3A_1459 = arith.extui %sign3A_1458 : i1 to i32
        %sign3A_1460 = arith.constant 0 : i32
        %sign3A_1461 = arith.cmpi slt, %jit3A_1448, %sign3A_1460 : i32
        %sign3A_1462 = arith.extui %sign3A_1461 : i1 to i32
        %sign3A_1463 = arith.subi %sign3A_1459, %sign3A_1462 : i32
        %ne3A_1464 = arith.cmpi ne, %sign3A_1456, %sign3A_1463 : i32
        %rem3A_1465 = arith.remsi %reduce_max3A_8, %jit3A_1448 : i32
        %ne3A_1466 = arith.constant 0 : i32
        %ne3A_1467 = arith.cmpi ne, %rem3A_1465, %ne3A_1466 : i32
        %and3A_1468 = arith.andi %ne3A_1464, %ne3A_1467 : i1
        %sub3A_1469 = arith.constant 1 : i32
        %sub3A_1470 = arith.subi %div3A_1449, %sub3A_1469 : i32
        %select_n3A_1471 = arith.select %and3A_1468, %sub3A_1470, %div3A_1449 : i32
        %mul3A_1472 = arith.constant 16 : i32
        %mul3A_1473 = arith.muli %select_n3A_1471, %mul3A_1472 : i32
        %sub3A_1474 = arith.subi %mul3A_1473, %mul3A_1426 : i32
        %multiple_of3A = tpu.assume_multiple %sub3A_1474, 8 : i32
        %get3A_1475 = arith.index_cast %multiple_of3A : i32 to index
        %get3A_1476 = tpu.vector_load %arg10[%get3A_1475] {strides = array<i32>} : memref<4000xi32, #tpu.memory_space<vmem>>, vector<16xi32>,
        %jit3A_1477 = arith.constant 16 : i32
        %div3A_1478 = arith.divsi %reduce_max3A_8, %jit3A_1477 : i32
        %sign3A_1479 = arith.constant 0 : i32
        %sign3A_1480 = arith.cmpi sgt, %reduce_max3A_8, %sign3A_1479 : i32
        %sign3A_1481 = arith.extui %sign3A_1480 : i1 to i32
        %sign3A_1482 = arith.constant 0 : i32
        %sign3A_1483 = arith.cmpi slt, %reduce_max3A_8, %sign3A_1482 : i32
        %sign3A_1484 = arith.extui %sign3A_1483 : i1 to i32
        %sign3A_1485 = arith.subi %sign3A_1481, %sign3A_1484 : i32
        %sign3A_1486 = arith.constant 0 : i32
        %sign3A_1487 = arith.cmpi sgt, %jit3A_1477, %sign3A_1486 : i32
        %sign3A_1488 = arith.extui %sign3A_1487 : i1 to i32
        %sign3A_1489 = arith.constant 0 : i32
        %sign3A_1490 = arith.cmpi slt, %jit3A_1477, %sign3A_1489 : i32
        %sign3A_1491 = arith.extui %sign3A_1490 : i1 to i32
        %sign3A_1492 = arith.subi %sign3A_1488, %sign3A_1491 : i32
        %ne3A_1493 = arith.cmpi ne, %sign3A_1485, %sign3A_1492 : i32
        %rem3A_1494 = arith.remsi %reduce_max3A_8, %jit3A_1477 : i32
        %ne3A_1495 = arith.constant 0 : i32
        %ne3A_1496 = arith.cmpi ne, %rem3A_1494, %ne3A_1495 : i32
        %and3A_1497 = arith.andi %ne3A_1493, %ne3A_1496 : i1
        %sub3A_1498 = arith.constant 1 : i32
        %sub3A_1499 = arith.subi %div3A_1478, %sub3A_1498 : i32
        %select_n3A_1500 = arith.select %and3A_1497, %sub3A_1499, %div3A_1478 : i32
        %mul3A_1501 = arith.constant 16 : i32
        %mul3A_1502 = arith.muli %select_n3A_1500, %mul3A_1501 : i32
        %sub3A_1503 = arith.subi %reduce_max3A_8, %mul3A_1502 : i32
        %iota3A = tpu.iota {dimensions = array<i32: 0>} : vector<16xi32>
        %eq3A_1504 = vector.broadcast %sub3A_1503 : i32 to vector<16xi32>
        %eq3A_1505 = arith.cmpi eq, %iota3A, %eq3A_1504 : vector<16xi32>
        %add3A_1506 = arith.constant 1 : i32
        %add3A_1507 = vector.broadcast %add3A_1506 : i32 to vector<16xi32>
        %add3A_1508 = arith.addi %get3A_1476, %add3A_1507 : vector<16xi32>
        %select_n3A_1509 = arith.select %eq3A_1505, %add3A_1508, %get3A_1476 : vector<16xi1>, vector<16xi32>
        %swap3A = arith.index_cast %multiple_of3A : i32 to index
        %swap3A_1510 = tpu.vector_load %arg10[%swap3A] {strides = array<i32>} : memref<4000xi32, #tpu.memory_space<vmem>>, vector<16xi32>,
        tpu.vector_store %arg10[%swap3A], %select_n3A_1509 {strides = array<i32>} : memref<4000xi32, #tpu.memory_space<vmem>>, vector<16xi32>,
      } else {
      }
      "tpu.region"() ({
        %run_scoped3A = tpu.sem_alloc : memref<!tpu.dma_semaphore, #tpu.memory_space<semaphore_mem>>
        %dma_start3A_1448 = tpu.memref_slice %arg7[%mul3A_1426] : memref<100000xi32, #tpu.memory_space<hbm>> -> memref<4000xi32, #tpu.memory_space<hbm>>
        %dma_start3A_1449 = tpu.memref_slice %arg7[%mul3A_1426] : memref<100000xi32, #tpu.memory_space<hbm>> -> memref<4000xi32, #tpu.memory_space<hbm>>
        tpu.enqueue_dma source(%arg10 : memref<4000xi32, #tpu.memory_space<vmem>>) target(%dma_start3A_1449 : memref<4000xi32, #tpu.memory_space<hbm>>) target_semaphore(%run_scoped3A : memref<!tpu.dma_semaphore, #tpu.memory_space<semaphore_mem>>)
        %dma_wait3A_1450 = tpu.memref_slice %arg7[%mul3A_1426] : memref<100000xi32, #tpu.memory_space<hbm>> -> memref<4000xi32, #tpu.memory_space<hbm>>
        %dma_wait3A_1451 = tpu.memref_slice %arg7[%mul3A_1426] : memref<100000xi32, #tpu.memory_space<hbm>> -> memref<4000xi32, #tpu.memory_space<hbm>>
        tpu.wait_dma2 semaphore(%run_scoped3A : memref<!tpu.dma_semaphore, #tpu.memory_space<semaphore_mem>>) src(%arg10 : memref<4000xi32, #tpu.memory_space<vmem>>) dst(%dma_wait3A_1451 : memref<4000xi32, #tpu.memory_space<hbm>>)
        tpu.yield
      }) : () -> ()
    } else {
    }
    return
  }
}

module attributes {stable_mosaic.version = 14 : i64} {
  func.func @_tc_body(%arg0: i32, %arg1: memref<1xi32, #tpu.memory_space<smem>>, %arg2: memref<200x128xf32, #tpu.memory_space<vmem>>, %arg3: memref<100000xi32, #tpu.memory_space<hbm>>, %arg4: memref<1xf32, #tpu.memory_space<smem>>, %arg5: memref<200x128xf32, #tpu.memory_space<vmem>>, %arg6: memref<128xi32, #tpu.memory_space<smem>>, %arg7: memref<!tpu.dma_semaphore, #tpu.memory_space<semaphore_mem>>) attributes {dimension_semantics = [#tpu.dimension_semantics<arbitrary>], iteration_bounds = array<i64: 1>, scalar_prefetch = 1 : i64, scratch_operands = 2 : i64, tpu.core_type = #tpu.core_type<tc>, window_params = [{transform_indices = @transform_0, window_bounds = array<i64: 200, 128>}, {}, {transform_indices = @transform_2, window_bounds = array<i64: 1>}, {transform_indices = @transform_3, window_bounds = array<i64: 200, 128>}]} {
    %get3A = arith.constant 0 : index
    %get3A_0 = memref.load %arg1[%get3A] : memref<1xi32, #tpu.memory_space<smem>>
    %jit3A = arith.constant 128 : i32
    %div3A = arith.divsi %get3A_0, %jit3A : i32
    %sign3A = arith.constant 0 : i32
    %sign3A_1 = arith.cmpi sgt, %get3A_0, %sign3A : i32
    %sign3A_2 = arith.extui %sign3A_1 : i1 to i32
    %sign3A_3 = arith.constant 0 : i32
    %sign3A_4 = arith.cmpi slt, %get3A_0, %sign3A_3 : i32
    %sign3A_5 = arith.extui %sign3A_4 : i1 to i32
    %sign3A_6 = arith.subi %sign3A_2, %sign3A_5 : i32
    %sign3A_7 = arith.constant 0 : i32
    %sign3A_8 = arith.cmpi sgt, %jit3A, %sign3A_7 : i32
    %sign3A_9 = arith.extui %sign3A_8 : i1 to i32
    %sign3A_10 = arith.constant 0 : i32
    %sign3A_11 = arith.cmpi slt, %jit3A, %sign3A_10 : i32
    %sign3A_12 = arith.extui %sign3A_11 : i1 to i32
    %sign3A_13 = arith.subi %sign3A_9, %sign3A_12 : i32
    %ne3A = arith.cmpi ne, %sign3A_6, %sign3A_13 : i32
    %rem3A = arith.remsi %get3A_0, %jit3A : i32
    %ne3A_14 = arith.constant 0 : i32
    %ne3A_15 = arith.cmpi ne, %rem3A, %ne3A_14 : i32
    %and3A = arith.andi %ne3A, %ne3A_15 : i1
    %sub3A = arith.constant 1 : i32
    %sub3A_16 = arith.subi %div3A, %sub3A : i32
    %select_n3A = arith.select %and3A, %sub3A_16, %div3A : i32
    %mul3A = arith.constant 128 : i32
    %mul3A_17 = arith.muli %select_n3A, %mul3A : i32
    %multiple_of3A = tpu.assume_multiple %mul3A_17, 128 : i32
    %dma_start3A = tpu.memref_slice %arg3[%multiple_of3A] : memref<100000xi32, #tpu.memory_space<hbm>> -> memref<128xi32, #tpu.memory_space<hbm>>
    tpu.enqueue_dma source(%dma_start3A : memref<128xi32, #tpu.memory_space<hbm>>) target(%arg6 : memref<128xi32, #tpu.memory_space<smem>>) target_semaphore(%arg7 : memref<!tpu.dma_semaphore, #tpu.memory_space<semaphore_mem>>)
    %dma_wait3A = tpu.memref_slice %arg3[%multiple_of3A] : memref<100000xi32, #tpu.memory_space<hbm>> -> memref<128xi32, #tpu.memory_space<hbm>>
    tpu.wait_dma2 semaphore(%arg7 : memref<!tpu.dma_semaphore, #tpu.memory_space<semaphore_mem>>) src(%dma_wait3A : memref<128xi32, #tpu.memory_space<hbm>>) dst(%arg6 : memref<128xi32, #tpu.memory_space<smem>>)
    %sub3A_18 = arith.subi %get3A_0, %multiple_of3A : i32
    %get3A_19 = arith.index_cast %sub3A_18 : i32 to index
    %get3A_20 = memref.load %arg6[%get3A_19] : memref<128xi32, #tpu.memory_space<smem>>
    %jit3A_21 = arith.constant 128 : i32
    %div3A_22 = arith.divsi %get3A_0, %jit3A_21 : i32
    %sign3A_23 = arith.constant 0 : i32
    %sign3A_24 = arith.cmpi sgt, %get3A_0, %sign3A_23 : i32
    %sign3A_25 = arith.extui %sign3A_24 : i1 to i32
    %sign3A_26 = arith.constant 0 : i32
    %sign3A_27 = arith.cmpi slt, %get3A_0, %sign3A_26 : i32
    %sign3A_28 = arith.extui %sign3A_27 : i1 to i32
    %sign3A_29 = arith.subi %sign3A_25, %sign3A_28 : i32
    %sign3A_30 = arith.constant 0 : i32
    %sign3A_31 = arith.cmpi sgt, %jit3A_21, %sign3A_30 : i32
    %sign3A_32 = arith.extui %sign3A_31 : i1 to i32
    %sign3A_33 = arith.constant 0 : i32
    %sign3A_34 = arith.cmpi slt, %jit3A_21, %sign3A_33 : i32
    %sign3A_35 = arith.extui %sign3A_34 : i1 to i32
    %sign3A_36 = arith.subi %sign3A_32, %sign3A_35 : i32
    %ne3A_37 = arith.cmpi ne, %sign3A_29, %sign3A_36 : i32
    %rem3A_38 = arith.remsi %get3A_0, %jit3A_21 : i32
    %ne3A_39 = arith.constant 0 : i32
    %ne3A_40 = arith.cmpi ne, %rem3A_38, %ne3A_39 : i32
    %and3A_41 = arith.andi %ne3A_37, %ne3A_40 : i1
    %sub3A_42 = arith.constant 1 : i32
    %sub3A_43 = arith.subi %div3A_22, %sub3A_42 : i32
    %select_n3A_44 = arith.select %and3A_41, %sub3A_43, %div3A_22 : i32
    %mul3A_45 = arith.constant 128 : i32
    %mul3A_46 = arith.muli %select_n3A_44, %mul3A_45 : i32
    %sub3A_47 = arith.subi %get3A_0, %mul3A_46 : i32
    %iota3A = tpu.iota {dimensions = array<i32: 0>} : vector<200x128xi32>
    %iota3A_48 = tpu.iota {dimensions = array<i32: 1>} : vector<200x128xi32>
    %eq3A = vector.broadcast %get3A_20 : i32 to vector<200x128xi32>
    %eq3A_49 = arith.cmpi eq, %iota3A, %eq3A : vector<200x128xi32>
    %eq3A_50 = vector.broadcast %sub3A_47 : i32 to vector<200x128xi32>
    %eq3A_51 = arith.cmpi eq, %iota3A_48, %eq3A_50 : vector<200x128xi32>
    %and3A_52 = arith.andi %eq3A_49, %eq3A_51 : vector<200x128xi1>
    %get3A_53 = arith.constant 0 : index
    %get3A_54 = memref.load %arg4[%get3A_53] : memref<1xf32, #tpu.memory_space<smem>>
    %get3A_55 = arith.constant 0 : index
    %get3A_56 = arith.constant 0 : index
    %get3A_57 = vector.load %arg2[%get3A_55, %get3A_56] : memref<200x128xf32, #tpu.memory_space<vmem>>, vector<200x128xf32>
    %broadcast_in_dim3A = vector.broadcast %get3A_54 : f32 to vector<200x128xf32>
    %select_n3A_58 = arith.select %and3A_52, %broadcast_in_dim3A, %get3A_57 : vector<200x128xi1>, vector<200x128xf32>
    %swap3A = arith.constant 0 : index
    %swap3A_59 = arith.constant 0 : index
    %swap3A_60 = vector.load %arg5[%swap3A, %swap3A_59] : memref<200x128xf32, #tpu.memory_space<vmem>>, vector<200x128xf32>
    tpu.vector_store %arg5[%swap3A, %swap3A_59], %select_n3A_58 {strides = array<i32>} : memref<200x128xf32, #tpu.memory_space<vmem>>, vector<200x128xf32>,
    return
  }
  func.func @transform_0(%arg0: i32, %arg1: memref<1xi32, #tpu.memory_space<smem>>) -> (i32, i32) {
    %get3A = arith.constant 0 : index
    %get3A_0 = memref.load %arg1[%get3A] : memref<1xi32, #tpu.memory_space<smem>>
    %jit3A = arith.constant 128 : i32
    %div3A = arith.divsi %get3A_0, %jit3A : i32
    %sign3A = arith.constant 0 : i32
    %sign3A_1 = arith.cmpi sgt, %get3A_0, %sign3A : i32
    %sign3A_2 = arith.extui %sign3A_1 : i1 to i32
    %sign3A_3 = arith.constant 0 : i32
    %sign3A_4 = arith.cmpi slt, %get3A_0, %sign3A_3 : i32
    %sign3A_5 = arith.extui %sign3A_4 : i1 to i32
    %sign3A_6 = arith.subi %sign3A_2, %sign3A_5 : i32
    %sign3A_7 = arith.constant 0 : i32
    %sign3A_8 = arith.cmpi sgt, %jit3A, %sign3A_7 : i32
    %sign3A_9 = arith.extui %sign3A_8 : i1 to i32
    %sign3A_10 = arith.constant 0 : i32
    %sign3A_11 = arith.cmpi slt, %jit3A, %sign3A_10 : i32
    %sign3A_12 = arith.extui %sign3A_11 : i1 to i32
    %sign3A_13 = arith.subi %sign3A_9, %sign3A_12 : i32
    %ne3A = arith.cmpi ne, %sign3A_6, %sign3A_13 : i32
    %rem3A = arith.remsi %get3A_0, %jit3A : i32
    %ne3A_14 = arith.constant 0 : i32
    %ne3A_15 = arith.cmpi ne, %rem3A, %ne3A_14 : i32
    %and3A = arith.andi %ne3A, %ne3A_15 : i1
    %sub3A = arith.constant 1 : i32
    %sub3A_16 = arith.subi %div3A, %sub3A : i32
    %select_n3A = arith.select %and3A, %sub3A_16, %div3A : i32
    %c0_i32 = arith.constant 0 : i32
    %c0_i32_17 = arith.constant 0 : i32
    return %c0_i32, %select_n3A : i32, i32
  }
  func.func @transform_2(%arg0: i32, %arg1: memref<1xi32, #tpu.memory_space<smem>>) -> i32 {
    %c0_i32 = arith.constant 0 : i32
    %c0_i32_0 = arith.constant 0 : i32
    return %c0_i32 : i32
  }
  func.func @transform_3(%arg0: i32, %arg1: memref<1xi32, #tpu.memory_space<smem>>) -> (i32, i32) {
    %get3A = arith.constant 0 : index
    %get3A_0 = memref.load %arg1[%get3A] : memref<1xi32, #tpu.memory_space<smem>>
    %jit3A = arith.constant 128 : i32
    %div3A = arith.divsi %get3A_0, %jit3A : i32
    %sign3A = arith.constant 0 : i32
    %sign3A_1 = arith.cmpi sgt, %get3A_0, %sign3A : i32
    %sign3A_2 = arith.extui %sign3A_1 : i1 to i32
    %sign3A_3 = arith.constant 0 : i32
    %sign3A_4 = arith.cmpi slt, %get3A_0, %sign3A_3 : i32
    %sign3A_5 = arith.extui %sign3A_4 : i1 to i32
    %sign3A_6 = arith.subi %sign3A_2, %sign3A_5 : i32
    %sign3A_7 = arith.constant 0 : i32
    %sign3A_8 = arith.cmpi sgt, %jit3A, %sign3A_7 : i32
    %sign3A_9 = arith.extui %sign3A_8 : i1 to i32
    %sign3A_10 = arith.constant 0 : i32
    %sign3A_11 = arith.cmpi slt, %jit3A, %sign3A_10 : i32
    %sign3A_12 = arith.extui %sign3A_11 : i1 to i32
    %sign3A_13 = arith.subi %sign3A_9, %sign3A_12 : i32
    %ne3A = arith.cmpi ne, %sign3A_6, %sign3A_13 : i32
    %rem3A = arith.remsi %get3A_0, %jit3A : i32
    %ne3A_14 = arith.constant 0 : i32
    %ne3A_15 = arith.cmpi ne, %rem3A, %ne3A_14 : i32
    %and3A = arith.andi %ne3A, %ne3A_15 : i1
    %sub3A = arith.constant 1 : i32
    %sub3A_16 = arith.subi %div3A, %sub3A : i32
    %select_n3A = arith.select %and3A, %sub3A_16, %div3A : i32
    %c0_i32 = arith.constant 0 : i32
    %c0_i32_17 = arith.constant 0 : i32
    return %c0_i32, %select_n3A : i32, i32
  }
}

</mosaic_0001>

<sc_bundles>
// kernel: kernel.4.cloned.1.call-start
scs
__scs_entry_jumppad:
0x0: {  	(pc) =	sbr.rel $0x88, $3  }
0x1: {  	(tag) =	ssettag $0x0;
	lr =	simm.s32 $0x1  }
0x2: {  	[smem:$0x3F9A] =	sst lr;
	_ =	strace $0xD0000000  }
0x3: {  	_ = 	snop  }
0x4: {  	_ = 	snop  }
0x5: {  	_ = 	snop  }
0x6: {  	_ = 	snop  }
0x7: {  	_ = 	snop  }
__scs_overlays_trampoline_lowered:
0x8: {  	[smem:$0x3FA9] =	sst s0  }
0x9: {  	[smem:$0x3FAA] =	sst s1  }
0xa: {  	[smem:$0x3FAB] =	sst s2  }
0xb: {  	[smem:$0x3FAC] =	sst s3  }
0xc: {  	[smem:$0x3FAD] =	sst s4  }
0xd: {  	[smem:$0x3FAE] =	sst s5  }
0xe: {  	[smem:$0x3FAF] =	sst s6  }
0xf: {  	[smem:$0x3FB0] =	sst s7  }
0x10: {  	[smem:$0x3FB1] =	sst s8  }
0x11: {  	[smem:$0x3FB2] =	sst s9;
	s0 =	simm.s32 @!p0 $0x0  }
0x12: {  	s1 =	sld [smem:$0x3F98];
	s0 =	simm.s32 @p0 $0x1  }
0x13: {  	[smem:$0x3FB3] =	sst s0;
	s0 =	simm.s32 @!p1 $0x0  }
0x14: {  	s2 =	sld [smem:$0x3F97];
	s0 =	simm.s32 @p1 $0x1  }
0x15: {  	[smem:$0x3FB4] =	sst s0;
	s0 =	simm.s32 @!p2 $0x0  }
0x16: {  	s3 =	sld [smem:$0x3FDB];
	s0 =	simm.s32 @p2 $0x1  }
0x17: {  	s4 =	simm.s32 $0x1BF5;
	[smem:$0x3FB6] =	sst s0  }
0x18: {  	s0 =	sld [smem:$0x3F99];
	_ =	swait.ge [sflag:s4], $0x0  }
0x19: {  	s7 =	sld [smem:$0x3F9A]  }
0x1a: {  	s8 =	sadd.s32 $0xFFFFE003, lr  }
0x1b: {  	s9 =	sadd.s32 $0xFFFFFEF7, lr;
	s5 =	simm.s32 $0xFFFFFFFF;
	p2 =	slt.u32 s8, $0xFFFFF086  }
0x1c: {  	p1 =	slt.u32 s9, $0xF7A;
	s5 =	simm.s32 @!p2 $0x0  }
0x1d: {  	s5 =	simm.s32 @p1 $0x1;
	p0 =	seq.s32 s7, s2  }
0x1e: {  	s7 =	smul.u32 @!p0 $0xF7A, s2;
	p2 =	seq.s32 @!p0 s5, $0x0  }
0x1f: {  	s9 =	smul.u32 $0xF7A, s1;
	s8 =	simm.s32 @!p0 $0x1BF5;
	p2 =	por !p2, p0  }
0x20: {  	[sflag:s8] =	ssyncset.s32 @!p0 $0xFFFFF086;
	s6 =	sadd.s32 @!p0 s3, s7;
	s7 =	simm.s32 @!p0 $0x108  }
0x21: {  	s3 =	sadd.s32 s3, s9;
	s6 =	sadd.s32 @!p0 $0x88, s6;
	s7 =	simm.s32 @p2 $0x1082  }
0x22: {  	[simem:s7], [sflag:s8] =	dma.local @!p0 [hbm:s6], $0xF7A  }
0x23: {  	s9 =	sor.u32 $0xD0000000, s2;
	s6 =	simm.s32 $0x108;
	_ =	swait.ge @!p0 [sflag:s8], $0x0  }
0x24: {  	s3 =	sadd.s32 $0x88, s3;
	s6 =	simm.s32 @!p1 $0x1082;
	[sflag:s4] =	ssyncset.s32 $0xFFFFF086  }
0x25: {  	[simem:s6], [sflag:s4] =	dma.local [hbm:s3], $0xF7A  }
0x26: {  	[smem:$0x3F9A] =	sst s1;
	(tag) =	ssettag s2;
	_ =	strace s9  }
0x27: {  	s1 =	sld [smem:$0x3FAA]  }
0x28: {  	s2 =	sld [smem:$0x3FAB]  }
0x29: {  	s4 =	sld [smem:$0x3FAD]  }
0x2a: {  	p0 =	seq.s32 s5, $0x0;
	s5 =	sld [smem:$0x3FAE]  }
0x2b: {  	s6 =	sld [smem:$0x3FAF]  }
0x2c: {  	s7 =	sld [smem:$0x3FB0]  }
0x2d: {  	s3 =	simm.s32 $0x108;
	s8 =	sld [smem:$0x3FB1]  }
0x2e: {  	s3 =	simm.s32 @!p0 $0x1082;
	s9 =	sld [smem:$0x3FB2]  }
0x2f: {  	lr =	sadd.s32 s0, s3;
	s0 =	sld [smem:$0x3FA9]  }
0x30: {  	s3 =	sld [smem:$0x3FAC]  }
0x31: {  	[smem:$0x3FB5] =	sst s10  }
0x32: {  	s10 =	sld [smem:$0x3FB3];
	_ =	sdelay $0x3  }
0x33: {  	p0 =	seq.s32 s10, $0x1;
	s10 =	sld [smem:$0x3FB5];
	_ =	sdelay $0x3  }
0x34: {  	[smem:$0x3FB5] =	sst s10  }
0x35: {  	s10 =	sld [smem:$0x3FB4];
	_ =	sdelay $0x3  }
0x36: {  	p1 =	seq.s32 s10, $0x1;
	s10 =	sld [smem:$0x3FB5];
	_ =	sdelay $0x3  }
0x37: {  	[smem:$0x3FB5] =	sst s10  }
0x38: {  	s10 =	sld [smem:$0x3FB6]  }
0x39: {  	_ = 	snop;
	(pc) =	sbr.ind lr, $3  }
0x3a: {  	_ = 	snop  }
0x3b: {  	_ = 	snop  }
0x3c: {  	p2 =	seq.s32 s10, $0x1;
	s10 =	sld [smem:$0x3FB5]  }
0x3d: {  	_ =	shalt  }
0x3e: {  	_ =	shalt  }
0x3f: {  	_ =	shalt  }
0x40: {  	_ =	shalt  }
0x41: {  	_ =	shalt  }
0x42: {  	_ =	shalt  }
0x43: {  	_ =	shalt  }
0x44: {  	_ =	shalt  }
0x45: {  	_ =	shalt  }
0x46: {  	_ =	shalt  }
0x47: {  	_ =	shalt  }
0x48: {  	_ =	shalt  }
0x49: {  	_ =	shalt  }
0x4a: {  	_ =	shalt  }
0x4b: {  	_ =	shalt  }
0x4c: {  	_ =	shalt  }
0x4d: {  	_ =	shalt  }
0x4e: {  	_ =	shalt  }
0x4f: {  	_ =	shalt  }
0x50: {  	_ =	shalt  }
0x51: {  	_ =	shalt  }
0x52: {  	_ =	shalt  }
0x53: {  	_ =	shalt  }
0x54: {  	_ =	shalt  }
0x55: {  	_ =	shalt  }
0x56: {  	_ =	shalt  }
0x57: {  	_ =	shalt  }
0x58: {  	_ =	shalt  }
0x59: {  	_ =	shalt  }
0x5a: {  	_ =	shalt  }
0x5b: {  	_ =	shalt  }
0x5c: {  	_ =	shalt  }
0x5d: {  	_ =	shalt  }
0x5e: {  	_ =	shalt  }
0x5f: {  	_ =	shalt  }
0x60: {  	_ =	shalt  }
0x61: {  	_ =	shalt  }
0x62: {  	_ =	shalt  }
0x63: {  	_ =	shalt  }
0x64: {  	_ =	shalt  }
0x65: {  	_ =	shalt  }
0x66: {  	_ =	shalt  }
0x67: {  	_ =	shalt  }
0x68: {  	_ =	shalt  }
0x69: {  	_ =	shalt  }
0x6a: {  	_ =	shalt  }
0x6b: {  	_ =	shalt  }
0x6c: {  	_ =	shalt  }
0x6d: {  	_ =	shalt  }
0x6e: {  	_ =	shalt  }
0x6f: {  	_ =	shalt  }
0x70: {  	_ =	shalt  }
0x71: {  	_ =	shalt  }
0x72: {  	_ =	shalt  }
0x73: {  	_ =	shalt  }
0x74: {  	_ =	shalt  }
0x75: {  	_ =	shalt  }
0x76: {  	_ =	shalt  }
0x77: {  	_ =	shalt  }
0x78: {  	_ =	shalt  }
0x79: {  	_ =	shalt  }
0x7a: {  	_ =	shalt  }
0x7b: {  	_ =	shalt  }
0x7c: {  	_ =	shalt  }
0x7d: {  	_ =	shalt  }
0x7e: {  	_ =	shalt  }
0x7f: {  	_ =	shalt  }
0x80: {  	_ =	shalt  }
0x81: {  	_ =	shalt  }
0x82: {  	_ =	shalt  }
0x83: {  	_ =	shalt  }
0x84: {  	_ =	shalt  }
0x85: {  	_ =	shalt  }
0x86: {  	_ =	shalt  }
0x87: {  	_ =	shalt  }
.Lfunc_end0:
.L_simem_size_0:
called_computation_lowered:
.L_overlay_start_0:
0x88: {  	s2 =	sld [smem:$0x3FD9]  }
0x89: {  	s3 =	sld [smem:$0x3FFE];
	_ =	sdelay $0x1  }
0x8a: {  	s1 =	srdreg.scid  }
0x8b: {  	s0 =	sand.u32 $0x1, s1  }
0x8c: {  	s14 =	sshll.u32 s0, $0xA;
	s2 =	sadd.s32 s3, s2  }
0x8d: {  	s2 =	sadd.s32 s2, s14  }
0x8e: {  	[smem:$0x3FC1] =	sst s2  }
0x8f: {  	_ = 	snop  }
0x90: {  	s2 =	sld [smem:$0x3FD0]  }
0x91: {  	s15 =	sld [smem:$0x3FC8]  }
0x92: {  	s4 =	sld [smem:$0x3FC5]  }
0x93: {  	s6 =	simm.s32 $0xA;
	s7 =	simm.s32 $0x10;
	s5 =	sld [smem:$0x3FC4]  }
0x94: {  	[smem:s7], [sflag:s6] =	dma.local [hbm:s2], $0x1  }
0x95: {  	_ =	swait.eq [sflag:s6], $0x1  }
0x96: {  	[sflag:s6] =	ssyncset.done $0x0  }
0x97: {  	s16 =	sld [smem:$0x11];
	[sflag:s6] =	ssyncadd.s32 $0xFFFFFFFF  }
0x98: {  	s17 =	sld [smem:$0x12];
	(tm) =	ssettm $0x1  }
0x99: {  	s18 =	sld [smem:$0x3FFB];
	_ =	sdelay $0x3  }
0x9a: {  	_ =	strace s18  }
0x9b: {  	s7 =	sld [smem:$0x3FFC];
	_ =	sdelay $0x3  }
0x9c: {  	_ =	strace s7  }
0x9d: {  	s7 =	sld [smem:$0x3FFD];
	_ =	sdelay $0x3  }
0x9e: {  	_ =	strace s7  }
0x9f: {  	_ =	strace $0x8FFFFFFF  }
0xa0: {  	s19 =	sld [smem:$0x3FDB];
	_ =	sdelay $0x1  }
0xa1: {  	s8 =	simm.s32 $_scs_section_size  }
0xa2: {  	s9 =	simm.s32 $_size__tile_overlayer_lowered;
	s10 =	simm.s32 $_tile_overlayer_lowered  }
0xa3: {  	s22 =	simm.s32 $0x1BFF;
	s21 =	sshll.u32 s10, $0x1;
	s7 =	sadd.s32 s8, s19  }
0xa4: {  	s11 =	simm.s32 $0x0;
	s20 =	sshll.u32 s9, $0x1;
	s9 =	sadd.s32 s21, s7  }
0xa5: {  	[timem:s11], [sflag:s22] =	dma.local [hbm:s9], s20  }
0xa6: {  	_ =	swait.ge [sflag:s22], s20  }
0xa7: {  	s8 =	ssub.s32 $0x0, s20;
	[sflag:s22] =	ssyncset.done $0x0  }
0xa8: {  	[sflag:s22] =	ssyncadd.s32 s8;
	_ =	sdelay $0x1  }
0xa9: {  	s23 =	simm.s32 $0x1B8B  }
0xaa: {  	_ =	swait.ge [sflag:s23], $0x1  }
0xab: {  	[sflag:s23] =	ssyncset.done $0x0  }
0xac: {  	s25 =	simm.s32 $0x1B8E;
	s24 =	sld [smem:$0x3FFE];
	[sflag:s23] =	ssyncadd.s32 $0xFFFFFFFF  }
0xad: {  	s26 =	simm.s32 $execute0_lowered;
	[smem:$0x3FD2] =	sst s25  }
0xae: {  	s9 =	sshll.u32 s26, $0x1;
	_ =	strace $0x80000046;
	[dreg:$0x1] =	wrdreg $0xFFFFFFFF  }
0xaf: {  	s28 =	simm.s32 $_size_execute0_lowered;
	s7 =	sadd.s32 s7, s9;
	[dreg:$0x0] =	wrdreg $0x0  }
0xb0: {  	s9 =	sshll.u32 s28, $0x1;
	[dreg:$0x2] =	wrdreg s7  }
0xb1: {  	[dreg:$0x3] =	wrdreg s9  }
0xb2: {  	[dreg:$0x4] =	wrdreg $0xC0  }
0xb3: {  	_ =	task [dreg:s11], $0x5FFFF  }
0xb4: {  	[dreg:$0x1] =	wrdreg $0xFFFFFFFF  }
0xb5: {  	[dreg:$0x0] =	wrdreg $0x60  }
0xb6: {  	[dreg:$0x2] =	wrdreg s24  }
0xb7: {  	[dreg:$0x3] =	wrdreg s15  }
0xb8: {  	[dreg:$0x4] =	wrdreg s4  }
0xb9: {  	[dreg:$0x5] =	wrdreg s5  }
0xba: {  	[dreg:$0x6] =	wrdreg s16  }
0xbb: {  	[dreg:$0x7] =	wrdreg s17  }
0xbc: {  	[dreg:$0x8] =	wrdreg $0x9  }
0xbd: {  	_ =	task.clear_ibuf [dreg:s11], $0x9FFFF;
	_ =	strace $0x90000046  }
0xbe: {  	s29 =	simm.s32 $0x9;
	_ =	strace $0x80000048  }
0xbf: {  	_ =	swait.ge [sflag:s29], $0x1  }
0xc0: {  	[sflag:s29] =	ssyncadd.s32 $0xFFFFFFFF  }
0xc1: {  	_ =	strace $0x90000048  }
0xc2: {  	_ =	sfence  }
0xc3: {  	s30 =	sld [smem:$0x0];
	_ =	sdelay $0x2  }
0xc4: {  	s31 =	sshll.u32 s1, $0xD;
	s1 =	sshrl.u32 s1, $0x2  }
0xc5: {  	s3 =	sand.u32 $0x4000, s31;
	s1 =	sadd.s32 s1, s30  }
0xc6: {  	s0 =	sor.u32 s3, s0;
	s1 =	sshll.u32 s1, $0x11  }
0xc7: {  	s0 =	sor.u32 s1, s0  }
0xc8: {  	s0 =	sadd.s32 $0x8F2B, s0  }
0xc9: {  	[sflag:s0] =	ssyncadd.remote.s32 $0x1  }
0xca: {  	_ =	sfence.sel $0xFFFF  }
0xcb: {  	[dreg:$0x0] =	wrdreg $0xFFFFFFFF;
	(pc) =	sbr.abs _section_cstart, $3  }
0xcc: {  	[dreg:$0x1] =	wrdreg $0xFFFFFFFF  }
0xcd: {  	_ =	task.clear_ibuf [dreg:s11], $0x2FFFF;
	_ =	strace $0x9FFFFFFF  }
0xce: {  	(tm) =	ssettm $0x7FFFFFFF  }
0xcf: {  	_ =	shalt  }
tec
execute0_lowered:
.L_overlay_start_1:
0x0: {  	(tag) =	ssettag $0x1  }
0x1: {  	s3 =	rddreg [dreg:$0x0]  }
0x2: {  	s0 =	rddreg [dreg:$0x1]  }
0x3: {  	s20 =	rddreg [dreg:$0x2]  }
0x4: {  	s12 =	rddreg [dreg:$0x3]  }
0x5: {  	s1 =	rddreg [dreg:$0x4]  }
0x6: {  	s4 =	rddreg [dreg:$0x5]  }
0x7: {  	s2 =	simm.s32 $0x0;
	s5 =	srdreg.scid;
	s13 =	stileid.u32  }
0x8: {  	p1 =	por $0x0, $0x0;
	s28 =	simm.s32 $0x1;
	[smem:$0x7FF] =	sst s2  }
0x9: {  	s5 =	sand.u32 $0x1, s5;
	s6 =	sshll.u32 s13, $0x1;
	s7 =	sadd.s32 $0xC00, s3  }
0xa: {  	s3 =	sadd.s32 $0xE00, s3;
	s8 =	sadd.s32 $0x3000, s4;
	s18 =	sor.u32 s5, s6  }
0xb: {  	_ =	strace $0x80000047;
	[dreg:$0x7] =	wrdreg s7;
	s10 =	sshll.u32 s18, $0x10  }
0xc: {  	[dreg:$0x8] =	wrdreg s3;
	s6 =	sadd.s32 $0x1000, s4;
	s11 =	sadd.s32 s4, s10  }
0xd: {  	s3 =	sadd.s32 $0x2000, s4;
	s14 =	sadd.s32 s10, s6;
	[dreg:$0x9] =	wrdreg s11  }
0xe: {  	s5 =	ssub.s32 $0x2, s5;
	s15 =	sadd.s32 s10, s3;
	[dreg:$0xa] =	wrdreg s14  }
0xf: {  	s23 =	sshrl.u32 s5, $0x1;
	s16 =	sadd.s32 s10, s8;
	[dreg:$0xb] =	wrdreg s15  }
0x10: {  	s30 =	sshllo.u32 s18, $0x2;
	s11 =	sshll.u32 s18, $0x2;
	[dreg:$0xc] =	wrdreg s16  }
0x11: {  	s15 =	sshll.u32 s30, $0xE;
	s9 =	sor.u32 $0x1, s11;
	[dreg:$0x1e] =	wrdreg s11  }
0x12: {  	s16 =	smul.u32 $0xFA0, s18;
	s14 =	sadd.s32 s15, s6;
	[dreg:$0x1d] =	wrdreg s9  }
0x13: {  	p0 =	sgt.u32 s18, $0x18;
	s29 =	sshll.u32 s9, $0xE;
	[dreg:$0x16] =	wrdreg s14  }
0x14: {  	s5 =	ssub.s32 s5, s23;
	[smem:$0x7FC] =	sst s16;
	s17 =	sadd.s32 s4, s29  }
0x15: {  	s23 =	sadd.s32 $0x1000, s20;
	s19 =	sadd.s32 s29, s6;
	[dreg:$0xd] =	wrdreg s17  }
0x16: {  	s31 =	sor.u32 $0x2, s11;
	s21 =	sadd.s32 s29, s3;
	[dreg:$0xe] =	wrdreg s19  }
0x17: {  	s24 =	sshll.u32 s31, $0xE;
	s22 =	sadd.s32 s29, s8;
	[dreg:$0xf] =	wrdreg s21  }
0x18: {  	s7 =	smov.u32 s10;
	s25 =	sadd.s32 s4, s24;
	[dreg:$0x10] =	wrdreg s22  }
0x19: {  	s10 =	sadd.s32 $0x3000, s12;
	s26 =	sadd.s32 s24, s6;
	[dreg:$0x11] =	wrdreg s25  }
0x1a: {  	s9 =	sadd.s32 s24, s3;
	s11 =	sadd.s32 s24, s8;
	[dreg:$0x12] =	wrdreg s26  }
0x1b: {  	s4 =	sadd.s32 s4, s15;
	s3 =	sadd.s32 s15, s3;
	[dreg:$0x13] =	wrdreg s9  }
0x1c: {  	s6 =	simm.s32 $0x2;
	[dreg:$0x14] =	wrdreg s11;
	s19 =	sshrl.u32 s16, $0x3  }
0x1d: {  	[dreg:$0x15] =	wrdreg s4;
	s25 =	smax.u32 s5, $0x1;
	s0 =	sadd.s32 s0, s19  }
0x1e: {  	s26 =	sadd.s32 $0x2000, s20;
	[dreg:$0x19] =	wrdreg s0;
	s0 =	sadd.s32 $0xFFFFFFFF, s25  }
0x1f: {  	[dreg:$0x17] =	wrdreg s3;
	s17 =	sadd.s32 s15, s8;
	p2 =	sne.s32 s0, $0x0  }
.Ltmp0:
0x20: {  	s9 =	sadd.s32 $0x1000, s12;
	s21 =	sadd.s32 $0x2000, s12;
	(pc) =	sbr.rel @!p2 .LBB2_5-.Ltmp0, $4  }
0x21: {  	s16 =	sadd.s32 $0x3000, s20;
	s3 =	simm.s32 $0x7;
	s5 =	simm.s32 $0x4  }
0x22: {  	s8 =	simm.s32 $0x6;
	[dreg:$0x18] =	wrdreg s17;
	s22 =	sadd.s32 s1, s19  }
0x23: {  	s19 =	simm.s32 $0x8000;
	s17 =	simm.s32 $0x10000;
	[dreg:$0x1a] =	wrdreg s22  }
0x24: {  	s25 =	simm.s32 $0x3;
	s22 =	simm.s32 $0x5;
	[smem:$0x7FD] =	sst s0  }
0x25: {  	s0 =	rddreg [dreg:$0x7];
	s1 =	simm.s32 $0x19000  }
0x26: {  	[tilespmem:s1], [sflag:$0x7] =	stream.linear.gather [hbm4b:s0+s2], $0x80, $0x38;
	[tilespmem:$0x19080] =	vst v63  }
0x27: {  	_ =	swait.ge [sflag:s3], $0x80  }
0x28: {  	[sflag:s3] =	ssyncset.done $0x0  }
0x29: {  	s11 =	rddreg [dreg:$0x8];
	[sflag:s3] =	ssyncadd.s32 $0xFFFFFF80  }
0x2a: {  	v0 =	vld [tilespmem:$0x19000];
	[tilespmem:s1], [sflag:$0x7] =	stream.linear.gather [hbm4b:s11+s2], $0x80, $0x38  }
0x2b: {  	_ =	swait.ge [sflag:s3], $0x80  }
0x2c: {  	[sflag:s3] =	ssyncset.done $0x0  }
0x2d: {  	[sflag:s3] =	ssyncadd.s32 $0xFFFFFF80  }
0x2e: {  	v1 =	vld [tilespmem:$0x19000];
	_ =	sdelay $0x3  }
0x2f: {  	v0 =	vxor.u32 $0x80000000, v0  }
0x30: {  	(xrf0) =	vmax.scan.msk.u32 $0xffff, v0;
	v0 =	vxor.u32 $0x80000000, v1  }
0x31: {  	(xrf0) =	vmax.scan.msk.u32 $0xffff, v0;
	_ =	sdelay $0x4  }
0x32: {  	v0, _, _ =	vpop (xrf0)  }
0x33: {  	(v2sf) =	vpush v0, $0xF;
	v0, _, _ =	vpop (xrf0)  }
0x34: {  	(v2sf) =	vpush v0, $0xF;
	_ =	sdelay $0xd  }
0x35: {  	s3 =	spop (v2sf)  }
0x36: {  	s13 =	spop (v2sf)  }
0x37: {  	s1 =	rddreg [dreg:$0x1e];
	s6 =	sxor.u32 $0x80000000, s13  }
0x38: {  	s14 =	simm.s32 $0x0;
	s0 =	smov.u32 s20;
	p1 =	seq.s32 s1, s6  }
0x39: {  	s13 =	smov.u32 s7;
	s1 =	smov.u32 s23;
	s0 =	smov.u32 @p1 s12  }
0x3a: {  	s1 =	smov.u32 @p1 s9;
	s0 =	sadd.s32 s0, s7;
	s7 =	smov.u32 s26  }
0x3b: {  	[tilespmem:s14], [sflag:$0x1] =	stream.linear.gather [hbm4b:s0+s14], $0x8000, $0x38;
	[tilespmem:$0x19080] =	vst v63  }
0x3c: {  	s4 =	sadd.s32 s13, s1;
	s7 =	smov.u32 @p1 s21  }
0x3d: {  	[tilespmem:s19], [sflag:$0x2] =	stream.linear.gather [hbm4b:s4+s14], $0x8000, $0x38;
	[tilespmem:$0x19080] =	vst v63  }
0x3e: {  	[smem:$0x7F6] =	sst s21;
	s11 =	sadd.s32 s13, s7  }
0x3f: {  	[tilespmem:s17], [sflag:$0x3] =	stream.linear.gather [hbm4b:s11+s14], $0x8000, $0x38;
	[tilespmem:$0x19080] =	vst v63  }
0x40: {  	_ =	swait.ge [sflag:s28], $0x8000  }
0x41: {  	[sflag:s28] =	ssyncset.done $0x0  }
0x42: {  	s2 =	simm.s32 $0x2;
	s1 =	rddreg [dreg:$0x9];
	[sflag:s28] =	ssyncadd.s32 $0xFFFF8000  }
0x43: {  	[hbm4b:s1+s14] =	stream.linear.scatter [tilespmem:s14], [sflag:$0x4], $0x8000, $0x38;
	[tilespmem:$0x19080] =	vst v63  }
0x44: {  	_ =	swait.ge [sflag:s2], $0x8000  }
0x45: {  	[sflag:s2] =	ssyncset.done $0x0  }
0x46: {  	s4 =	rddreg [dreg:$0xa];
	[sflag:s2] =	ssyncadd.s32 $0xFFFF8000  }
0x47: {  	[hbm4b:s4+s14] =	stream.linear.scatter [tilespmem:s19], [sflag:$0x5], $0x8000, $0x38;
	[tilespmem:$0x19080] =	vst v63  }
0x48: {  	s0 =	smov.u32 s16;
	_ =	swait.ge [sflag:s5], $0x8000  }
0x49: {  	s0 =	smov.u32 @p1 s10;
	[dreg:$0x1f] =	wrdreg s13;
	[sflag:s5] =	ssyncset.done $0x0  }
0x4a: {  	s0 =	sadd.s32 s13, s0;
	[smem:$0x7F7] =	sst s10;
	[sflag:s5] =	ssyncadd.s32 $0xFFFF8000  }
0x4b: {  	[tilespmem:s14], [sflag:$0x1] =	stream.linear.gather [hbm4b:s0+s14], $0x8000, $0x38;
	[tilespmem:$0x19080] =	vst v63  }
0x4c: {  	_ =	swait.ge [sflag:s25], $0x8000  }
0x4d: {  	s7 =	rddreg [dreg:$0xb];
	[sflag:s25] =	ssyncset.done $0x0  }
0x4e: {  	s11 =	rddreg [dreg:$0x1d];
	[sflag:s25] =	ssyncadd.s32 $0xFFFF8000  }
0x4f: {  	[hbm4b:s7+s14] =	stream.linear.scatter [tilespmem:s17], [sflag:$0x6], $0x8000, $0x38;
	[tilespmem:$0x19080] =	vst v63  }
0x50: {  	s0 =	smov.u32 s20;
	p1 =	seq.s32 s11, s6;
	_ =	swait.ge [sflag:s22], $0x8000  }
0x51: {  	s0 =	smov.u32 @p1 s12;
	[sflag:s22] =	ssyncset.done $0x0  }
0x52: {  	s0 =	sadd.s32 s0, s29;
	[sflag:s22] =	ssyncadd.s32 $0xFFFF8000  }
0x53: {  	[tilespmem:s19], [sflag:$0x2] =	stream.linear.gather [hbm4b:s0+s14], $0x8000, $0x38;
	[tilespmem:$0x19080] =	vst v63  }
0x54: {  	_ =	swait.ge [sflag:s28], $0x8000  }
0x55: {  	[sflag:s28] =	ssyncset.done $0x0  }
0x56: {  	s13 =	rddreg [dreg:$0xc];
	[sflag:s28] =	ssyncadd.s32 $0xFFFF8000  }
0x57: {  	[hbm4b:s13+s14] =	stream.linear.scatter [tilespmem:s14], [sflag:$0x4], $0x8000, $0x38;
	[tilespmem:$0x19080] =	vst v63  }
0x58: {  	s0 =	smov.u32 s23;
	_ =	swait.ge [sflag:s8], $0x8000  }
0x59: {  	s0 =	smov.u32 @p1 s9;
	[sflag:s8] =	ssyncset.done $0x0  }
0x5a: {  	s0 =	sadd.s32 s29, s0;
	[sflag:s8] =	ssyncadd.s32 $0xFFFF8000  }
0x5b: {  	[tilespmem:s17], [sflag:$0x3] =	stream.linear.gather [hbm4b:s0+s14], $0x8000, $0x38;
	[tilespmem:$0x19080] =	vst v63  }
0x5c: {  	_ =	swait.ge [sflag:s2], $0x8000  }
0x5d: {  	[sflag:s2] =	ssyncset.done $0x0  }
0x5e: {  	s1 =	rddreg [dreg:$0xd];
	[sflag:s2] =	ssyncadd.s32 $0xFFFF8000  }
0x5f: {  	[hbm4b:s1+s14] =	stream.linear.scatter [tilespmem:s19], [sflag:$0x5], $0x8000, $0x38;
	[tilespmem:$0x19080] =	vst v63  }
0x60: {  	s0 =	smov.u32 s26;
	_ =	swait.ge [sflag:s5], $0x8000  }
0x61: {  	s0 =	smov.u32 @p1 s21;
	[sflag:s5] =	ssyncset.done $0x0  }
0x62: {  	s0 =	sadd.s32 s29, s0;
	[sflag:s5] =	ssyncadd.s32 $0xFFFF8000  }
0x63: {  	[tilespmem:s14], [sflag:$0x1] =	stream.linear.gather [hbm4b:s0+s14], $0x8000, $0x38;
	[tilespmem:$0x19080] =	vst v63  }
0x64: {  	_ =	swait.ge [sflag:s25], $0x8000  }
0x65: {  	[sflag:s25] =	ssyncset.done $0x0  }
0x66: {  	s4 =	rddreg [dreg:$0xe];
	[sflag:s25] =	ssyncadd.s32 $0xFFFF8000  }
0x67: {  	[hbm4b:s4+s14] =	stream.linear.scatter [tilespmem:s17], [sflag:$0x6], $0x8000, $0x38;
	[tilespmem:$0x19080] =	vst v63  }
0x68: {  	s0 =	smov.u32 s16;
	_ =	swait.ge [sflag:s22], $0x8000  }
0x69: {  	s0 =	smov.u32 @p1 s10;
	[sflag:s22] =	ssyncset.done $0x0  }
0x6a: {  	s0 =	sadd.s32 s29, s0;
	[sflag:s22] =	ssyncadd.s32 $0xFFFF8000  }
0x6b: {  	[tilespmem:s19], [sflag:$0x2] =	stream.linear.gather [hbm4b:s0+s14], $0x8000, $0x38;
	[tilespmem:$0x19080] =	vst v63  }
0x6c: {  	_ =	swait.ge [sflag:s28], $0x8000  }
0x6d: {  	[sflag:s28] =	ssyncset.done $0x0  }
0x6e: {  	s7 =	rddreg [dreg:$0xf];
	[sflag:s28] =	ssyncadd.s32 $0xFFFF8000  }
0x6f: {  	[hbm4b:s7+s14] =	stream.linear.scatter [tilespmem:s14], [sflag:$0x4], $0x8000, $0x38;
	[tilespmem:$0x19080] =	vst v63  }
0x70: {  	p1 =	seq.s32 s31, s6;
	s0 =	smov.u32 s20;
	_ =	swait.ge [sflag:s8], $0x8000  }
0x71: {  	s0 =	smov.u32 @p1 s12;
	[sflag:s8] =	ssyncset.done $0x0  }
0x72: {  	s0 =	sadd.s32 s0, s24;
	[sflag:s8] =	ssyncadd.s32 $0xFFFF8000  }
0x73: {  	[tilespmem:s17], [sflag:$0x3] =	stream.linear.gather [hbm4b:s0+s14], $0x8000, $0x38;
	[tilespmem:$0x19080] =	vst v63  }
0x74: {  	_ =	swait.ge [sflag:s2], $0x8000  }
0x75: {  	[sflag:s2] =	ssyncset.done $0x0  }
0x76: {  	s11 =	rddreg [dreg:$0x10];
	[sflag:s2] =	ssyncadd.s32 $0xFFFF8000  }
0x77: {  	[hbm4b:s11+s14] =	stream.linear.scatter [tilespmem:s19], [sflag:$0x5], $0x8000, $0x38;
	[tilespmem:$0x19080] =	vst v63  }
0x78: {  	s0 =	smov.u32 s23;
	_ =	swait.ge [sflag:s5], $0x8000  }
0x79: {  	s0 =	smov.u32 @p1 s9;
	[sflag:s5] =	ssyncset.done $0x0  }
0x7a: {  	s0 =	sadd.s32 s24, s0;
	[sflag:s5] =	ssyncadd.s32 $0xFFFF8000  }
0x7b: {  	[tilespmem:s14], [sflag:$0x1] =	stream.linear.gather [hbm4b:s0+s14], $0x8000, $0x38;
	[tilespmem:$0x19080] =	vst v63  }
0x7c: {  	_ =	swait.ge [sflag:s25], $0x8000  }
0x7d: {  	[sflag:s25] =	ssyncset.done $0x0  }
0x7e: {  	s13 =	rddreg [dreg:$0x11];
	[sflag:s25] =	ssyncadd.s32 $0xFFFF8000  }
0x7f: {  	[hbm4b:s13+s14] =	stream.linear.scatter [tilespmem:s17], [sflag:$0x6], $0x8000, $0x38;
	[tilespmem:$0x19080] =	vst v63  }
0x80: {  	s0 =	smov.u32 s26;
	_ =	swait.ge [sflag:s22], $0x8000  }
0x81: {  	s0 =	smov.u32 @p1 s21;
	[sflag:s22] =	ssyncset.done $0x0  }
0x82: {  	s0 =	sadd.s32 s24, s0;
	[sflag:s22] =	ssyncadd.s32 $0xFFFF8000  }
0x83: {  	[tilespmem:s19], [sflag:$0x2] =	stream.linear.gather [hbm4b:s0+s14], $0x8000, $0x38;
	[tilespmem:$0x19080] =	vst v63  }
0x84: {  	_ =	swait.ge [sflag:s28], $0x8000  }
0x85: {  	[sflag:s28] =	ssyncset.done $0x0  }
0x86: {  	s1 =	rddreg [dreg:$0x12];
	[sflag:s28] =	ssyncadd.s32 $0xFFFF8000  }
0x87: {  	[hbm4b:s1+s14] =	stream.linear.scatter [tilespmem:s14], [sflag:$0x4], $0x8000, $0x38;
	[tilespmem:$0x19080] =	vst v63  }
0x88: {  	s0 =	smov.u32 s16;
	_ =	swait.ge [sflag:s8], $0x8000  }
0x89: {  	s0 =	smov.u32 @p1 s10;
	[sflag:s8] =	ssyncset.done $0x0  }
0x8a: {  	s0 =	sadd.s32 s24, s0;
	[sflag:s8] =	ssyncadd.s32 $0xFFFF8000  }
0x8b: {  	[tilespmem:s17], [sflag:$0x3] =	stream.linear.gather [hbm4b:s0+s14], $0x8000, $0x38;
	[tilespmem:$0x19080] =	vst v63  }
0x8c: {  	_ =	swait.ge [sflag:s2], $0x8000  }
0x8d: {  	[sflag:s2] =	ssyncset.done $0x0  }
0x8e: {  	s4 =	rddreg [dreg:$0x13];
	[sflag:s2] =	ssyncadd.s32 $0xFFFF8000  }
0x8f: {  	[hbm4b:s4+s14] =	stream.linear.scatter [tilespmem:s19], [sflag:$0x5], $0x8000, $0x38;
	[tilespmem:$0x19080] =	vst v63  }
0x90: {  	p1 =	seq.s32 s30, s6;
	s0 =	smov.u32 s20;
	_ =	swait.ge [sflag:s5], $0x8000  }
0x91: {  	s0 =	smov.u32 @p1 s12;
	[sflag:s5] =	ssyncset.done $0x0  }
0x92: {  	s0 =	sadd.s32 s0, s15;
	[sflag:s5] =	ssyncadd.s32 $0xFFFF8000  }
0x93: {  	[tilespmem:s14], [sflag:$0x1] =	stream.linear.gather [hbm4b:s0+s14], $0x8000, $0x38;
	[tilespmem:$0x19080] =	vst v63  }
0x94: {  	_ =	swait.ge [sflag:s25], $0x8000  }
0x95: {  	[sflag:s25] =	ssyncset.done $0x0  }
0x96: {  	s7 =	rddreg [dreg:$0x14];
	[sflag:s25] =	ssyncadd.s32 $0xFFFF8000  }
0x97: {  	[hbm4b:s7+s14] =	stream.linear.scatter [tilespmem:s17], [sflag:$0x6], $0x8000, $0x38;
	[tilespmem:$0x19080] =	vst v63  }
0x98: {  	s0 =	smov.u32 s23;
	_ =	swait.ge [sflag:s22], $0x8000  }
0x99: {  	s0 =	smov.u32 @p1 s9;
	[sflag:s22] =	ssyncset.done $0x0  }
0x9a: {  	s0 =	sadd.s32 s15, s0;
	[sflag:s22] =	ssyncadd.s32 $0xFFFF8000  }
0x9b: {  	[tilespmem:s19], [sflag:$0x2] =	stream.linear.gather [hbm4b:s0+s14], $0x8000, $0x38;
	[tilespmem:$0x19080] =	vst v63  }
0x9c: {  	_ =	swait.ge [sflag:s28], $0x8000  }
0x9d: {  	[sflag:s28] =	ssyncset.done $0x0  }
0x9e: {  	s11 =	rddreg [dreg:$0x15];
	[sflag:s28] =	ssyncadd.s32 $0xFFFF8000  }
0x9f: {  	[hbm4b:s11+s14] =	stream.linear.scatter [tilespmem:s14], [sflag:$0x4], $0x8000, $0x38;
	[tilespmem:$0x19080] =	vst v63  }
0xa0: {  	s0 =	smov.u32 s26;
	_ =	swait.ge [sflag:s8], $0x8000  }
0xa1: {  	s0 =	smov.u32 @p1 s21;
	[sflag:s8] =	ssyncset.done $0x0  }
0xa2: {  	s0 =	sadd.s32 s15, s0;
	[sflag:s8] =	ssyncadd.s32 $0xFFFF8000  }
0xa3: {  	[tilespmem:s17], [sflag:$0x3] =	stream.linear.gather [hbm4b:s0+s14], $0x8000, $0x38;
	[tilespmem:$0x19080] =	vst v63  }
0xa4: {  	s6 =	smov.u32 s16;
	s0 =	sxor.u32 $0x80000000, s3;
	_ =	swait.ge [sflag:s2], $0x8000  }
0xa5: {  	s1 =	sshra.s32 @!p0 s0, $0x1F;
	s7 =	smulhi.u32 @!p0 $0x10624DD3, s0;
	[sflag:s2] =	ssyncset.done $0x0  }
0xa6: {  	s13 =	rddreg [dreg:$0x16];
	[sflag:s2] =	ssyncadd.s32 $0xFFFF8000;
	s2 =	simm.s32 $0x0  }
0xa7: {  	[hbm4b:s13+s2] =	stream.linear.scatter [tilespmem:s19], [sflag:$0x5], $0x8000, $0x38;
	[tilespmem:$0x19080] =	vst v63  }
0xa8: {  	s6 =	smov.u32 @p1 s10;
	s1 =	smul.u32 @!p0 $0x10624DD3, s1;
	_ =	swait.ge [sflag:s5], $0x8000  }
0xa9: {  	p2 =	sgt.s32 @!p0 s3, $0xFFFFFFFF;
	s6 =	sadd.s32 s15, s6;
	[sflag:s5] =	ssyncset.done $0x0  }
0xaa: {  	p1 =	slt.s32 @!p0 s0, $0x1;
	s1 =	sadd.s32 @!p0 s1, s7;
	[sflag:s5] =	ssyncadd.s32 $0xFFFF8000  }
0xab: {  	[tilespmem:s2], [sflag:$0x1] =	stream.linear.gather [hbm4b:s6+s2], $0x8000, $0x38;
	[tilespmem:$0x19080] =	vst v63  }
0xac: {  	s6 =	sshrl.u32 @!p0 s1, $0x1F;
	s1 =	sshra.s32 @!p0 s1, $0x8;
	_ =	swait.ge [sflag:s25], $0x8000  }
0xad: {  	s7 =	ssub.s32 @!p0 $0x0, s0;
	s1 =	sadd.s32 @!p0 s6, s1;
	[sflag:s25] =	ssyncset.done $0x0  }
0xae: {  	s14 =	rddreg [dreg:$0x17];
	s6 =	smul.u32 @!p0 $0xFFFFF060, s1;
	[sflag:s25] =	ssyncadd.s32 $0xFFFF8000  }
0xaf: {  	[hbm4b:s14+s2] =	stream.linear.scatter [tilespmem:s17], [sflag:$0x6], $0x8000, $0x38;
	[tilespmem:$0x19080] =	vst v63  }
0xb0: {  	p1 =	por @!p0 p2, p1;
	p2 =	sne.s32 @!p0 s6, s7  }
0xb1: {  	_ =	swait.ge [sflag:s22], $0x8000;
	p2 =	por @!p0 !p1, !p2  }
0xb2: {  	[sflag:s22] =	ssyncset.done $0x0;
	p2 =	por @!p0 !p2, !p2  }
0xb3: {  	s6 =	simm.s32 @!p0 $0x1;
	[sflag:s22] =	ssyncadd.s32 $0xFFFF8000;
	p2 =	por !p2, p0  }
0xb4: {  	_ =	swait.ge [sflag:s28], $0x8000;
	s6 =	simm.s32 @p2 $0x0  }
0xb5: {  	s1 =	ssub.s32 @!p0 s1, s6;
	[sflag:s28] =	ssyncset.done $0x0  }
0xb6: {  	s21 =	rddreg [dreg:$0x18];
	p2 =	sne.s32 @!p0 s18, s1;
	[sflag:s28] =	ssyncadd.s32 $0xFFFF8000  }
0xb7: {  	[hbm4b:s21+s2] =	stream.linear.scatter [tilespmem:s2], [sflag:$0x4], $0x8000, $0x38;
	[tilespmem:$0x19080] =	vst v63  }
0xb8: {  	p5 =	por p2, p0;
	_ =	swait.ge [sflag:s8], $0x8000  }
0xb9: {  	s4 =	simm.s32 @!p0 $0x0;
	s1 =	sand.u32 @!p5 $0xF, s3;
	[sflag:s8] =	ssyncset.done $0x0  }
0xba: {  	s7 =	simm.s32 @!p0 $0x18000;
	p3 =	sne.s32 @!p5 s1, $0x0;
	[sflag:s8] =	ssyncadd.s32 $0xFFFF8000  }
0xbb: {  	s1 =	sshra.s32 @!p5 s0, $0x1F;
	p1 =	por @!p5 !p3, !p1;
	_ =	swait.ge [sflag:s5], $0x8000  }
0xbc: {  	s1 =	sshrl.u32 @!p5 s1, $0x1C;
	p1 =	por @!p5 !p1, !p1;
	[sflag:s5] =	ssyncset.done $0x0  }
0xbd: {  	s3 =	rddreg [dreg:$0x19];
	p1 =	por @!p0 !p1, p2;
	[sflag:s5] =	ssyncadd.s32 $0xFFFF8000  }
0xbe: {  	[tilespmem:s7], [sflag:$0x7] =	stream.linear.gather @!p0 [hbm4b:s3+s4], $0xFA0, $0x38;
	[tilespmem:$0x19080] =	vst v63  }
0xbf: {  	s1 =	sadd.s32 @!p5 s1, s0;
	p1 =	por !p1, p0;
	s3 =	simm.s32 @!p5 $0x1  }
0xc0: {  	s1 =	sshrl.u32 @!p5 s1, $0x4;
	s3 =	simm.s32 @!p1 $0x0  }
0xc1: {  	s1 =	ssub.s32 @!p5 s1, s3;
	s3 =	simm.s32 @!p0 $0x7  }
0xc2: {  	_ =	swait.ge @!p0 [sflag:s3], $0xFA0  }
0xc3: {  	s25 =	sld [smem:$0x7FD];
	_ =	sdelay $0x1  }
0xc4: {  	[dreg:$0x1b] =	wrdreg s30  }
0xc5: {  	s1 =	sshll.u32 @!p5 s1, $0x4;
	[dreg:$0x1c] =	wrdreg s31;
	s5 =	sadd.s32 $0xFFFFFFFF, s25  }
0xc6: {  	s0 =	ssub.s32 @!p5 s0, s1;
	[smem:$0x7F8] =	sst s16;
	p2 =	sne.s32 s5, $0x0  }
.Ltmp1:
0xc7: {  	v1 =	vmov @!p5 s0;
	s0 =	sld [smem:$0x7FC];
	(pc) =	sbr.rel @!p2 .LBB2_2-.Ltmp1, $4  }
0xc8: {  	[smem:$0x7F9] =	sst s9  }
0xc9: {  	v0 =	vlaneseq.u32 @!p5;
	[sflag:s3] =	ssyncset.done @!p0 $0x0;
	[smem:$0x7FA] =	sst s29  }
0xca: {  	v2 =	vimm.s32 @!p5 $0x0;
	[smem:$0x7FB] =	sst s15;
	[sflag:s3] =	ssyncadd.s32 @!p0 $0xFFFFF060;
	vm0 =	veq.s32 @!p5 v1, v0;
	s0 =	ssub.s32 @!p5 s1, s0  }
0xcb: {  	p1 =	por $0x1, $0x1;
	v1 =	vsel @!p5 vm0, $0x1, v2;
	s25 =	simm.s32 $0x4;
	s1 =	rddreg [dreg:$0x1a];
	v0 =	vld @!p5 [tilespmem:s0+$0x18000]  }
.LBB2_3:
0xcc: {  	_ =	sdelay $0x3  }
0xcd: {  	v0 =	vadd.s32 @!p5 v1, v0  }
0xce: {  	[tilespmem:s0+$0x18000] =	vst @!p5 v0  }
0xcf: {  	[hbm4b:s1+s4] =	stream.linear.scatter @!p0 [tilespmem:s7], [sflag:$0x7], $0xFA0, $0x38;
	[tilespmem:$0x19080] =	vst v63  }
0xd0: {  	_ =	swait.ge @!p0 [sflag:s3], $0xFA0  }
0xd1: {  	s13 =	simm.s32 $0x19000;
	[sflag:s3] =	ssyncset.done @!p0 $0x0  }
0xd2: {  	s14 =	simm.s32 $0x7;
	s11 =	rddreg [dreg:$0x7];
	[sflag:s3] =	ssyncadd.s32 @!p0 $0xFFFFF060  }
0xd3: {  	[tilespmem:s13], [sflag:$0x7] =	stream.linear.gather [hbm4b:s11+s2], $0x80, $0x38;
	[tilespmem:$0x19080] =	vst v63  }
0xd4: {  	_ =	swait.ge [sflag:s14], $0x80  }
0xd5: {  	[sflag:s14] =	ssyncset.done $0x0  }
0xd6: {  	s15 =	rddreg [dreg:$0x8];
	[sflag:s14] =	ssyncadd.s32 $0xFFFFFF80  }
0xd7: {  	v0 =	vld [tilespmem:$0x19000];
	[tilespmem:s13], [sflag:$0x7] =	stream.linear.gather [hbm4b:s15+s2], $0x80, $0x38  }
0xd8: {  	_ =	swait.ge [sflag:s14], $0x80  }
0xd9: {  	[sflag:s14] =	ssyncset.done $0x0  }
0xda: {  	[sflag:s14] =	ssyncadd.s32 $0xFFFFFF80  }
0xdb: {  	v1 =	vld [tilespmem:$0x19000];
	_ =	sdelay $0x2  }
0xdc: {  	v0 =	vxor.u32 $0x80000000, v0  }
0xdd: {  	(xrf0) =	vmax.scan.msk.u32 $0xffff, v0  }
0xde: {  	v1 =	vxor.u32 $0x80000000, v1  }
0xdf: {  	(xrf0) =	vmax.scan.msk.u32 $0xffff, v1;
	_ =	sdelay $0x3  }
0xe0: {  	v0, _, _ =	vpop (xrf0)  }
0xe1: {  	(v2sf) =	vpush v0, $0xF  }
0xe2: {  	v0, _, _ =	vpop (xrf0)  }
0xe3: {  	(v2sf) =	vpush v0, $0xF;
	_ =	sdelay $0x9  }
0xe4: {  	s5 =	sadd.s32 $0xFFFFFFFF, s5;
	s22 =	rddreg [dreg:$0x1e]  }
0xe5: {  	s6 =	smov.u32 s20;
	s8 =	smov.u32 s24;
	s29 =	rddreg [dreg:$0x1d]  }
0xe6: {  	s24 =	smov.u32 s18;
	p2 =	sne.s32 s5, $0x0;
	s9 =	sld [smem:$0x7F9]  }
0xe7: {  	s7 =	smov.u32 s26;
	s4 =	sld [smem:$0x7F6];
	s11 =	spop (v2sf)  }
0xe8: {  	s15 =	smov.u32 s20;
	s18 =	sld [smem:$0x7F8];
	s21 =	sxor.u32 $0x80000000, s11  }
0xe9: {  	s1 =	sshra.s32 @!p0 s21, $0x1F;
	s13 =	smulhi.u32 @!p0 $0x10624DD3, s21;
	s16 =	spop (v2sf)  }
0xea: {  	p3 =	slt.s32 @!p0 s21, $0x1;
	s14 =	smul.u32 @!p0 $0x10624DD3, s1;
	s0 =	sxor.u32 $0x80000000, s16  }
0xeb: {  	s1 =	smov.u32 s23;
	s16 =	rddreg [dreg:$0x1f];
	p5 =	seq.s32 s22, s0  }
0xec: {  	p6 =	seq.s32 s29, s0;
	p4 =	seq.s32 s31, s0;
	s29 =	smov.u32 s26  }
0xed: {  	s26 =	smov.u32 s18;
	s22 =	sld [smem:$0x7F7];
	s31 =	smov.u32 s23  }
0xee: {  	s6 =	smov.u32 @p5 s12;
	s7 =	smov.u32 @p5 s4;
	s15 =	smov.u32 @p6 s12  }
0xef: {  	s1 =	smov.u32 @p6 s9;
	s31 =	smov.u32 @p4 s9;
	s3 =	sadd.s32 s6, s16  }
0xf0: {  	s6 =	smov.u32 s23;
	s10 =	sadd.s32 s16, s7;
	s7 =	smov.u32 s20  }
0xf1: {  	[tilespmem:s2], [sflag:$0x1] =	stream.linear.gather [hbm4b:s3+s2], $0x8000, $0x38;
	[tilespmem:$0x19080] =	vst v63  }
0xf2: {  	s6 =	smov.u32 @p5 s9;
	s26 =	smov.u32 @p5 s22;
	p5 =	seq.s32 s30, s0  }
0xf3: {  	s0 =	smov.u32 s29;
	s30 =	smov.u32 s18;
	s6 =	sadd.s32 s16, s6  }
0xf4: {  	[tilespmem:s19], [sflag:$0x2] =	stream.linear.gather [hbm4b:s6+s2], $0x8000, $0x38;
	[tilespmem:$0x19080] =	vst v63  }
0xf5: {  	s7 =	smov.u32 @p4 s12;
	s0 =	smov.u32 @p6 s4;
	s30 =	smov.u32 @p6 s22  }
0xf6: {  	[tilespmem:s17], [sflag:$0x3] =	stream.linear.gather [hbm4b:s10+s2], $0x8000, $0x38;
	[tilespmem:$0x19080] =	vst v63  }
0xf7: {  	s6 =	smov.u32 s29;
	s19 =	smov.u32 s12;
	s10 =	smov.u32 s20  }
0xf8: {  	s6 =	smov.u32 @p4 s4;
	_ =	swait.ge [sflag:s28], $0x8000;
	s10 =	smov.u32 @p5 s12  }
0xf9: {  	s12 =	smov.u32 s20;
	s20 =	sadd.s32 @!p0 s14, s13;
	s14 =	smov.u32 s29  }
0xfa: {  	s13 =	smov.u32 s18;
	[sflag:s28] =	ssyncset.done $0x0;
	s17 =	rddreg [dreg:$0x9]  }
0xfb: {  	[smem:$0x7F5] =	sst s10;
	s10 =	simm.s32 $0x0;
	s14 =	smov.u32 @p5 s4  }
0xfc: {  	s4 =	smov.u32 s5;
	s5 =	smov.u32 s23;
	s13 =	smov.u32 @p5 s22  }
0xfd: {  	[sflag:s28] =	ssyncadd.s32 $0xFFFF8000;
	s28 =	smov.u32 s18;
	s18 =	simm.s32 $0x8000  }
0xfe: {  	[hbm4b:s17+s2] =	stream.linear.scatter [tilespmem:s2], [sflag:$0x4], $0x8000, $0x38;
	[tilespmem:$0x19080] =	vst v63  }
0xff: {  	s28 =	smov.u32 @p4 s22;
	s2 =	simm.s32 $0x2;
	s17 =	smov.u32 s23  }
0x100: {  	s23 =	smov.u32 s29;
	s22 =	sshrl.u32 @!p0 s20, $0x1F;
	_ =	swait.ge [sflag:s2], $0x8000  }
0x101: {  	s20 =	sshra.s32 @!p0 s20, $0x8;
	p4 =	sgt.s32 @!p0 s11, $0xFFFFFFFF;
	[sflag:s2] =	ssyncset.done $0x0  }
0x102: {  	s20 =	sadd.s32 @!p0 s22, s20;
	s29 =	rddreg [dreg:$0xa];
	[sflag:s2] =	ssyncadd.s32 $0xFFFF8000  }
0x103: {  	[hbm4b:s29+s10] =	stream.linear.scatter [tilespmem:s18], [sflag:$0x5], $0x8000, $0x38;
	[tilespmem:$0x19080] =	vst v63  }
0x104: {  	s17 =	smov.u32 @p5 s9;
	s9 =	smul.u32 @!p0 $0xFFFFF060, s20;
	_ =	swait.ge [sflag:s25], $0x8000  }
0x105: {  	s22 =	ssub.s32 @!p0 $0x0, s21;
	p3 =	por @!p0 p4, p3;
	[sflag:s25] =	ssyncset.done $0x0  }
0x106: {  	s29 =	sadd.s32 s16, s26;
	p4 =	sne.s32 @!p0 s9, s22;
	[sflag:s25] =	ssyncadd.s32 $0xFFFF8000  }
0x107: {  	[tilespmem:s10], [sflag:$0x1] =	stream.linear.gather [hbm4b:s29+s10], $0x8000, $0x38;
	[tilespmem:$0x19080] =	vst v63  }
0x108: {  	s22 =	simm.s32 $0x5;
	p4 =	por @!p0 !p3, !p4;
	s29 =	simm.s32 $0x3  }
0x109: {  	s18 =	simm.s32 @!p0 $0x1;
	p4 =	por @!p0 !p4, !p4;
	_ =	swait.ge [sflag:s29], $0x8000  }
0x10a: {  	s26 =	simm.s32 $0x10000;
	p4 =	por !p4, p0;
	[sflag:s29] =	ssyncset.done $0x0  }
0x10b: {  	s18 =	simm.s32 @p4 $0x0;
	s16 =	rddreg [dreg:$0xb];
	[sflag:s29] =	ssyncadd.s32 $0xFFFF8000  }
0x10c: {  	[hbm4b:s16+s10] =	stream.linear.scatter [tilespmem:s26], [sflag:$0x6], $0x8000, $0x38;
	[tilespmem:$0x19080] =	vst v63  }
0x10d: {  	s9 =	ssub.s32 @!p0 s20, s18;
	_ =	swait.ge [sflag:s22], $0x8000  }
0x10e: {  	s20 =	smov.u32 s12;
	s12 =	smov.u32 s19;
	s19 =	sld [smem:$0x7FA]  }
0x10f: {  	_ = 	snop  }
0x110: {  	s3 =	simm.s32 $0x1;
	[sflag:s22] =	ssyncset.done $0x0  }
0x111: {  	s16 =	simm.s32 $0x8000;
	[sflag:s22] =	ssyncadd.s32 $0xFFFF8000;
	s15 =	sadd.s32 s15, s19  }
0x112: {  	[tilespmem:s16], [sflag:$0x2] =	stream.linear.gather [hbm4b:s15+s10], $0x8000, $0x38;
	[tilespmem:$0x19080] =	vst v63  }
0x113: {  	s15 =	sld [smem:$0x7FB];
	_ =	swait.ge [sflag:s3], $0x8000  }
0x114: {  	s18 =	smov.u32 s24;
	s24 =	smov.u32 s8;
	[sflag:s3] =	ssyncset.done $0x0  }
0x115: {  	s8 =	simm.s32 $0x6;
	s26 =	rddreg [dreg:$0xc];
	[sflag:s3] =	ssyncadd.s32 $0xFFFF8000  }
0x116: {  	[hbm4b:s26+s10] =	stream.linear.scatter [tilespmem:s10], [sflag:$0x4], $0x8000, $0x38;
	[tilespmem:$0x19080] =	vst v63  }
0x117: {  	p4 =	sne.s32 @!p0 s18, s9;
	s9 =	sld [smem:$0x7FC];
	_ =	swait.ge [sflag:s8], $0x8000  }
0x118: {  	[sflag:s8] =	ssyncset.done $0x0  }
0x119: {  	s1 =	sadd.s32 s19, s1;
	s16 =	simm.s32 $0x10000;
	[sflag:s8] =	ssyncadd.s32 $0xFFFF8000  }
0x11a: {  	[tilespmem:s16], [sflag:$0x3] =	stream.linear.gather [hbm4b:s1+s10], $0x8000, $0x38;
	[tilespmem:$0x19080] =	vst v63  }
0x11b: {  	_ =	swait.ge [sflag:s2], $0x8000  }
0x11c: {  	[sflag:s2] =	ssyncset.done $0x0  }
0x11d: {  	s16 =	simm.s32 $0x8000;
	s1 =	rddreg [dreg:$0xd];
	[sflag:s2] =	ssyncadd.s32 $0xFFFF8000  }
0x11e: {  	[hbm4b:s1+s10] =	stream.linear.scatter [tilespmem:s16], [sflag:$0x5], $0x8000, $0x38;
	[tilespmem:$0x19080] =	vst v63  }
0x11f: {  	_ =	swait.ge [sflag:s25], $0x8000  }
0x120: {  	[sflag:s25] =	ssyncset.done $0x0  }
0x121: {  	s0 =	sadd.s32 s19, s0;
	[sflag:s25] =	ssyncadd.s32 $0xFFFF8000  }
0x122: {  	[tilespmem:s10], [sflag:$0x1] =	stream.linear.gather [hbm4b:s0+s10], $0x8000, $0x38;
	[tilespmem:$0x19080] =	vst v63  }
0x123: {  	_ =	swait.ge [sflag:s29], $0x8000  }
0x124: {  	[sflag:s29] =	ssyncset.done $0x0  }
0x125: {  	s16 =	simm.s32 $0x10000;
	s1 =	rddreg [dreg:$0xe];
	[sflag:s29] =	ssyncadd.s32 $0xFFFF8000  }
0x126: {  	[hbm4b:s1+s10] =	stream.linear.scatter [tilespmem:s16], [sflag:$0x6], $0x8000, $0x38;
	[tilespmem:$0x19080] =	vst v63  }
0x127: {  	_ =	swait.ge [sflag:s22], $0x8000  }
0x128: {  	[sflag:s22] =	ssyncset.done $0x0  }
0x129: {  	s16 =	sadd.s32 s19, s30;
	s19 =	simm.s32 $0x8000;
	[sflag:s22] =	ssyncadd.s32 $0xFFFF8000  }
0x12a: {  	[tilespmem:s19], [sflag:$0x2] =	stream.linear.gather [hbm4b:s16+s10], $0x8000, $0x38;
	[tilespmem:$0x19080] =	vst v63  }
0x12b: {  	_ =	swait.ge [sflag:s3], $0x8000  }
0x12c: {  	[sflag:s3] =	ssyncset.done $0x0  }
0x12d: {  	s1 =	rddreg [dreg:$0xf];
	[sflag:s3] =	ssyncadd.s32 $0xFFFF8000  }
0x12e: {  	[hbm4b:s1+s10] =	stream.linear.scatter [tilespmem:s10], [sflag:$0x4], $0x8000, $0x38;
	[tilespmem:$0x19080] =	vst v63  }
0x12f: {  	_ =	swait.ge [sflag:s8], $0x8000  }
0x130: {  	[sflag:s8] =	ssyncset.done $0x0  }
0x131: {  	s16 =	sadd.s32 s7, s24;
	s19 =	simm.s32 $0x10000;
	[sflag:s8] =	ssyncadd.s32 $0xFFFF8000  }
0x132: {  	[tilespmem:s19], [sflag:$0x3] =	stream.linear.gather [hbm4b:s16+s10], $0x8000, $0x38;
	[tilespmem:$0x19080] =	vst v63  }
0x133: {  	_ =	swait.ge [sflag:s2], $0x8000  }
0x134: {  	[sflag:s2] =	ssyncset.done $0x0  }
0x135: {  	s19 =	simm.s32 $0x8000;
	s16 =	rddreg [dreg:$0x10];
	[sflag:s2] =	ssyncadd.s32 $0xFFFF8000  }
0x136: {  	[hbm4b:s16+s10] =	stream.linear.scatter [tilespmem:s19], [sflag:$0x5], $0x8000, $0x38;
	[tilespmem:$0x19080] =	vst v63  }
0x137: {  	s30 =	rddreg [dreg:$0x1b];
	_ =	swait.ge [sflag:s25], $0x8000  }
0x138: {  	[sflag:s25] =	ssyncset.done $0x0  }
0x139: {  	s1 =	sadd.s32 s24, s31;
	[sflag:s25] =	ssyncadd.s32 $0xFFFF8000  }
0x13a: {  	[tilespmem:s10], [sflag:$0x1] =	stream.linear.gather [hbm4b:s1+s10], $0x8000, $0x38;
	[tilespmem:$0x19080] =	vst v63  }
0x13b: {  	s31 =	rddreg [dreg:$0x1c];
	_ =	swait.ge [sflag:s29], $0x8000  }
0x13c: {  	[sflag:s29] =	ssyncset.done $0x0  }
0x13d: {  	s19 =	simm.s32 $0x10000;
	s16 =	rddreg [dreg:$0x11];
	[sflag:s29] =	ssyncadd.s32 $0xFFFF8000  }
0x13e: {  	[hbm4b:s16+s10] =	stream.linear.scatter [tilespmem:s19], [sflag:$0x6], $0x8000, $0x38;
	[tilespmem:$0x19080] =	vst v63  }
0x13f: {  	_ =	swait.ge [sflag:s22], $0x8000  }
0x140: {  	[sflag:s22] =	ssyncset.done $0x0  }
0x141: {  	s16 =	sadd.s32 s24, s6;
	s19 =	simm.s32 $0x8000;
	[sflag:s22] =	ssyncadd.s32 $0xFFFF8000  }
0x142: {  	[tilespmem:s19], [sflag:$0x2] =	stream.linear.gather [hbm4b:s16+s10], $0x8000, $0x38;
	[tilespmem:$0x19080] =	vst v63  }
0x143: {  	_ =	swait.ge [sflag:s3], $0x8000  }
0x144: {  	[sflag:s3] =	ssyncset.done $0x0  }
0x145: {  	s1 =	rddreg [dreg:$0x12];
	[sflag:s3] =	ssyncadd.s32 $0xFFFF8000  }
0x146: {  	[hbm4b:s1+s10] =	stream.linear.scatter [tilespmem:s10], [sflag:$0x4], $0x8000, $0x38;
	[tilespmem:$0x19080] =	vst v63  }
0x147: {  	_ =	swait.ge [sflag:s8], $0x8000  }
0x148: {  	[sflag:s8] =	ssyncset.done $0x0  }
0x149: {  	s6 =	sadd.s32 s24, s28;
	s16 =	simm.s32 $0x10000;
	[sflag:s8] =	ssyncadd.s32 $0xFFFF8000  }
0x14a: {  	[tilespmem:s16], [sflag:$0x3] =	stream.linear.gather [hbm4b:s6+s10], $0x8000, $0x38;
	[tilespmem:$0x19080] =	vst v63  }
0x14b: {  	_ =	swait.ge [sflag:s2], $0x8000  }
0x14c: {  	[sflag:s2] =	ssyncset.done $0x0  }
0x14d: {  	s6 =	rddreg [dreg:$0x13];
	[sflag:s2] =	ssyncadd.s32 $0xFFFF8000  }
0x14e: {  	[hbm4b:s6+s10] =	stream.linear.scatter [tilespmem:s19], [sflag:$0x5], $0x8000, $0x38;
	[tilespmem:$0x19080] =	vst v63  }
0x14f: {  	_ =	swait.ge [sflag:s25], $0x8000  }
0x150: {  	s16 =	sld [smem:$0x7F5];
	_ =	sdelay $0x1  }
0x151: {  	[sflag:s25] =	ssyncset.done $0x0  }
0x152: {  	[sflag:s25] =	ssyncadd.s32 $0xFFFF8000;
	s0 =	sadd.s32 s16, s15  }
0x153: {  	[tilespmem:s10], [sflag:$0x1] =	stream.linear.gather [hbm4b:s0+s10], $0x8000, $0x38;
	[tilespmem:$0x19080] =	vst v63  }
0x154: {  	_ =	swait.ge [sflag:s29], $0x8000  }
0x155: {  	[sflag:s29] =	ssyncset.done $0x0  }
0x156: {  	s6 =	simm.s32 $0x10000;
	s1 =	rddreg [dreg:$0x14];
	[sflag:s29] =	ssyncadd.s32 $0xFFFF8000  }
0x157: {  	[hbm4b:s1+s10] =	stream.linear.scatter [tilespmem:s6], [sflag:$0x6], $0x8000, $0x38;
	[tilespmem:$0x19080] =	vst v63  }
0x158: {  	_ =	swait.ge [sflag:s22], $0x8000  }
0x159: {  	[sflag:s22] =	ssyncset.done $0x0  }
0x15a: {  	s28 =	simm.s32 $0x1;
	s16 =	sadd.s32 s15, s17;
	[sflag:s22] =	ssyncadd.s32 $0xFFFF8000  }
0x15b: {  	[tilespmem:s19], [sflag:$0x2] =	stream.linear.gather [hbm4b:s16+s10], $0x8000, $0x38;
	[tilespmem:$0x19080] =	vst v63  }
0x15c: {  	_ =	swait.ge [sflag:s28], $0x8000  }
0x15d: {  	[sflag:s28] =	ssyncset.done $0x0  }
0x15e: {  	s1 =	rddreg [dreg:$0x15];
	[sflag:s28] =	ssyncadd.s32 $0xFFFF8000  }
0x15f: {  	[hbm4b:s1+s10] =	stream.linear.scatter [tilespmem:s10], [sflag:$0x4], $0x8000, $0x38;
	[tilespmem:$0x19080] =	vst v63  }
0x160: {  	_ =	swait.ge [sflag:s8], $0x8000  }
0x161: {  	[sflag:s8] =	ssyncset.done $0x0  }
0x162: {  	s17 =	simm.s32 $0x10000;
	s6 =	sadd.s32 s15, s14;
	[sflag:s8] =	ssyncadd.s32 $0xFFFF8000  }
0x163: {  	[tilespmem:s17], [sflag:$0x3] =	stream.linear.gather [hbm4b:s6+s10], $0x8000, $0x38;
	[tilespmem:$0x19080] =	vst v63  }
0x164: {  	_ =	swait.ge [sflag:s2], $0x8000  }
0x165: {  	[sflag:s2] =	ssyncset.done $0x0  }
0x166: {  	s10 =	rddreg [dreg:$0x16];
	[sflag:s2] =	ssyncadd.s32 $0xFFFF8000;
	s2 =	simm.s32 $0x0  }
0x167: {  	[hbm4b:s10+s2] =	stream.linear.scatter [tilespmem:s19], [sflag:$0x5], $0x8000, $0x38;
	[tilespmem:$0x19080] =	vst v63  }
0x168: {  	_ =	swait.ge [sflag:s25], $0x8000  }
0x169: {  	[sflag:s25] =	ssyncset.done $0x0  }
0x16a: {  	s14 =	sadd.s32 s15, s13;
	[sflag:s25] =	ssyncadd.s32 $0xFFFF8000  }
0x16b: {  	[tilespmem:s2], [sflag:$0x1] =	stream.linear.gather [hbm4b:s14+s2], $0x8000, $0x38;
	[tilespmem:$0x19080] =	vst v63  }
0x16c: {  	_ =	swait.ge [sflag:s29], $0x8000  }
0x16d: {  	[sflag:s29] =	ssyncset.done $0x0  }
0x16e: {  	s16 =	rddreg [dreg:$0x17];
	[sflag:s29] =	ssyncadd.s32 $0xFFFF8000  }
0x16f: {  	[hbm4b:s16+s2] =	stream.linear.scatter [tilespmem:s17], [sflag:$0x6], $0x8000, $0x38;
	[tilespmem:$0x19080] =	vst v63  }
0x170: {  	_ =	swait.ge [sflag:s22], $0x8000  }
0x171: {  	p5 =	por p4, p0;
	[sflag:s22] =	ssyncset.done $0x0  }
0x172: {  	s26 =	smov.u32 s23;
	s23 =	smov.u32 s5;
	[sflag:s22] =	ssyncadd.s32 $0xFFFF8000  }
0x173: {  	s5 =	smov.u32 s4;
	s4 =	simm.s32 @!p0 $0x0;
	_ =	swait.ge [sflag:s28], $0x8000  }
0x174: {  	s7 =	simm.s32 @!p0 $0x18000;
	s1 =	sand.u32 @!p5 $0xF, s11;
	[sflag:s28] =	ssyncset.done $0x0  }
0x175: {  	p6 =	sne.s32 @!p5 s1, $0x0;
	s29 =	rddreg [dreg:$0x18];
	[sflag:s28] =	ssyncadd.s32 $0xFFFF8000  }
0x176: {  	[hbm4b:s29+s2] =	stream.linear.scatter [tilespmem:s2], [sflag:$0x4], $0x8000, $0x38;
	[tilespmem:$0x19080] =	vst v63  }
0x177: {  	s0 =	sshra.s32 @!p5 s21, $0x1F;
	p3 =	por @!p5 !p6, !p3;
	_ =	swait.ge [sflag:s8], $0x8000  }
0x178: {  	s0 =	sshrl.u32 @!p5 s0, $0x1C;
	p3 =	por @!p5 !p3, !p3;
	[sflag:s8] =	ssyncset.done $0x0  }
0x179: {  	s0 =	sadd.s32 @!p5 s0, s21;
	p3 =	por @!p0 !p3, p4;
	[sflag:s8] =	ssyncadd.s32 $0xFFFF8000  }
0x17a: {  	s6 =	simm.s32 @!p5 $0x1;
	p3 =	por !p3, p0;
	_ =	swait.ge [sflag:s25], $0x8000  }
0x17b: {  	s0 =	sshrl.u32 @!p5 s0, $0x4;
	s6 =	simm.s32 @!p3 $0x0;
	[sflag:s25] =	ssyncset.done $0x0  }
0x17c: {  	s0 =	ssub.s32 @!p5 s0, s6;
	s1 =	rddreg [dreg:$0x19];
	[sflag:s25] =	ssyncadd.s32 $0xFFFF8000  }
0x17d: {  	[tilespmem:s7], [sflag:$0x7] =	stream.linear.gather @!p0 [hbm4b:s1+s4], $0xFA0, $0x38;
	[tilespmem:$0x19080] =	vst v63  }
.Ltmp2:
0x17e: {  	s3 =	simm.s32 @!p0 $0x7;
	s1 =	sshll.u32 @!p5 s0, $0x4;
	(pc) =	sbr.rel @p2 .LBB2_3-.Ltmp2, $4  }
0x17f: {  	_ =	swait.ge @!p0 [sflag:s3], $0xFA0;
	s0 =	ssub.s32 @!p5 s1, s9;
	s1 =	ssub.s32 @!p5 s21, s1  }
0x180: {  	v2 =	vlaneseq.u32 @!p5;
	[sflag:s3] =	ssyncset.done @!p0 $0x0;
	v3 =	vmov @!p5 s1  }
0x181: {  	v1 =	vimm.s32 @!p5 $0x0;
	[sflag:s3] =	ssyncadd.s32 @!p0 $0xFFFFF060;
	vm0 =	veq.s32 @!p5 v3, v2  }
0x182: {  	s1 =	rddreg [dreg:$0x1a];
	v0 =	vld @!p5 [tilespmem:s0+$0x18000];
	v1 =	vsel @!p5 vm0, $0x1, v1  }
0x183: {  	s16 =	sld [smem:$0x7F8]  }
0x184: {  	s10 =	sld [smem:$0x7F7]  }
0x185: {  	s11 =	simm.s32 @!p0 $0x7;
	s14 =	simm.s32 @!p0 $0x0;
	s21 =	sld [smem:$0x7F6]  }
0x186: {  	s4 =	simm.s32 @!p0 $0x18000;
	s13 =	stileid.u32;
	s9 =	sld [smem:$0x7F9]  }
0x187: {  	s25 =	simm.s32 $0x3;
	s5 =	simm.s32 $0x4;
	s29 =	sld [smem:$0x7FA]  }
0x188: {  	s6 =	simm.s32 $0x2;
	s7 =	rddreg [dreg:$0x1f];
	s3 =	simm.s32 $0x7  }
.LBB2_5:
0x189: {  	p2 =	por p5, !p1  }
0x18a: {  	v0 =	vadd.s32 @!p2 v1, v0  }
0x18b: {  	p1 =	por p0, !p1;
	[tilespmem:s0+$0x18000] =	vst @!p2 v0  }
0x18c: {  	[hbm4b:s1+s14] =	stream.linear.scatter @!p1 [tilespmem:s4], [sflag:$0x7], $0xFA0, $0x38;
	[tilespmem:$0x19080] =	vst v63  }
0x18d: {  	_ =	swait.ge @!p1 [sflag:s11], $0xFA0  }
0x18e: {  	[sflag:s11] =	ssyncset.done @!p1 $0x0  }
0x18f: {  	s14 =	simm.s32 $0x19000;
	s4 =	rddreg [dreg:$0x7];
	[sflag:s11] =	ssyncadd.s32 @!p1 $0xFFFFF060  }
0x190: {  	[tilespmem:s14], [sflag:$0x7] =	stream.linear.gather [hbm4b:s4+s2], $0x80, $0x38;
	[tilespmem:$0x19080] =	vst v63  }
0x191: {  	_ =	swait.ge [sflag:s3], $0x80  }
0x192: {  	[sflag:s3] =	ssyncset.done $0x0  }
0x193: {  	s4 =	rddreg [dreg:$0x8];
	[sflag:s3] =	ssyncadd.s32 $0xFFFFFF80  }
0x194: {  	v59 =	vld [tilespmem:$0x19000];
	[tilespmem:s14], [sflag:$0x7] =	stream.linear.gather [hbm4b:s4+s2], $0x80, $0x38  }
0x195: {  	_ =	swait.ge [sflag:s3], $0x80  }
0x196: {  	[sflag:s3] =	ssyncset.done $0x0  }
0x197: {  	[sflag:s3] =	ssyncadd.s32 $0xFFFFFF80  }
0x198: {  	v60 =	vld [tilespmem:$0x19000];
	_ =	sdelay $0x3  }
0x199: {  	v0 =	vxor.u32 $0x80000000, v59  }
0x19a: {  	(xrf0) =	vmax.scan.msk.u32 $0xffff, v0;
	v61 =	vxor.u32 $0x80000000, v60  }
0x19b: {  	(xrf0) =	vmax.scan.msk.u32 $0xffff, v61;
	_ =	sdelay $0x4  }
0x19c: {  	v62, _, _ =	vpop (xrf0)  }
0x19d: {  	(v2sf) =	vpush v62, $0xF;
	v63, _, _ =	vpop (xrf0)  }
0x19e: {  	(v2sf) =	vpush v63, $0xF;
	_ =	sdelay $0xd  }
0x19f: {  	s3 =	spop (v2sf)  }
0x1a0: {  	s11 =	spop (v2sf)  }
0x1a1: {  	s14 =	rddreg [dreg:$0x1e];
	s4 =	sxor.u32 $0x80000000, s11  }
0x1a2: {  	s0 =	smov.u32 s20;
	p1 =	seq.s32 s14, s4  }
0x1a3: {  	s0 =	smov.u32 @p1 s12  }
0x1a4: {  	s0 =	sadd.s32 s0, s7  }
0x1a5: {  	[tilespmem:s2], [sflag:$0x1] =	stream.linear.gather [hbm4b:s0+s2], $0x8000, $0x38;
	[tilespmem:$0x19080] =	vst v63  }
0x1a6: {  	s0 =	smov.u32 s23  }
0x1a7: {  	s0 =	smov.u32 @p1 s9  }
0x1a8: {  	s0 =	sadd.s32 s7, s0  }
0x1a9: {  	[tilespmem:s19], [sflag:$0x2] =	stream.linear.gather [hbm4b:s0+s2], $0x8000, $0x38;
	[tilespmem:$0x19080] =	vst v63  }
0x1aa: {  	s0 =	smov.u32 s26  }
0x1ab: {  	s0 =	smov.u32 @p1 s21  }
0x1ac: {  	s0 =	sadd.s32 s7, s0  }
0x1ad: {  	[tilespmem:s17], [sflag:$0x3] =	stream.linear.gather [hbm4b:s0+s2], $0x8000, $0x38;
	[tilespmem:$0x19080] =	vst v63  }
0x1ae: {  	_ =	swait.ge [sflag:s28], $0x8000  }
0x1af: {  	[sflag:s28] =	ssyncset.done $0x0  }
0x1b0: {  	s1 =	rddreg [dreg:$0x9];
	[sflag:s28] =	ssyncadd.s32 $0xFFFF8000  }
0x1b1: {  	[hbm4b:s1+s2] =	stream.linear.scatter [tilespmem:s2], [sflag:$0x4], $0x8000, $0x38;
	[tilespmem:$0x19080] =	vst v63  }
0x1b2: {  	_ =	swait.ge [sflag:s6], $0x8000  }
0x1b3: {  	[sflag:s6] =	ssyncset.done $0x0  }
0x1b4: {  	s11 =	rddreg [dreg:$0xa];
	[sflag:s6] =	ssyncadd.s32 $0xFFFF8000  }
0x1b5: {  	[hbm4b:s11+s2] =	stream.linear.scatter [tilespmem:s19], [sflag:$0x5], $0x8000, $0x38;
	[tilespmem:$0x19080] =	vst v63  }
0x1b6: {  	s0 =	smov.u32 s16;
	_ =	swait.ge [sflag:s5], $0x8000  }
0x1b7: {  	s0 =	smov.u32 @p1 s10;
	[sflag:s5] =	ssyncset.done $0x0  }
0x1b8: {  	s0 =	sadd.s32 s7, s0;
	[sflag:s5] =	ssyncadd.s32 $0xFFFF8000  }
0x1b9: {  	[tilespmem:s2], [sflag:$0x1] =	stream.linear.gather [hbm4b:s0+s2], $0x8000, $0x38;
	[tilespmem:$0x19080] =	vst v63  }
0x1ba: {  	_ =	swait.ge [sflag:s25], $0x8000  }
0x1bb: {  	s14 =	rddreg [dreg:$0xb];
	[sflag:s25] =	ssyncset.done $0x0  }
0x1bc: {  	s1 =	rddreg [dreg:$0x1d];
	[sflag:s25] =	ssyncadd.s32 $0xFFFF8000  }
0x1bd: {  	[hbm4b:s14+s2] =	stream.linear.scatter [tilespmem:s17], [sflag:$0x6], $0x8000, $0x38;
	[tilespmem:$0x19080] =	vst v63  }
0x1be: {  	s0 =	smov.u32 s20;
	p1 =	seq.s32 s1, s4;
	_ =	swait.ge [sflag:s22], $0x8000  }
0x1bf: {  	s0 =	smov.u32 @p1 s12;
	[sflag:s22] =	ssyncset.done $0x0  }
0x1c0: {  	s0 =	sadd.s32 s0, s29;
	[sflag:s22] =	ssyncadd.s32 $0xFFFF8000  }
0x1c1: {  	[tilespmem:s19], [sflag:$0x2] =	stream.linear.gather [hbm4b:s0+s2], $0x8000, $0x38;
	[tilespmem:$0x19080] =	vst v63  }
0x1c2: {  	_ =	swait.ge [sflag:s28], $0x8000  }
0x1c3: {  	[sflag:s28] =	ssyncset.done $0x0  }
0x1c4: {  	s7 =	rddreg [dreg:$0xc];
	[sflag:s28] =	ssyncadd.s32 $0xFFFF8000  }
0x1c5: {  	[hbm4b:s7+s2] =	stream.linear.scatter [tilespmem:s2], [sflag:$0x4], $0x8000, $0x38;
	[tilespmem:$0x19080] =	vst v63  }
0x1c6: {  	s0 =	smov.u32 s23;
	_ =	swait.ge [sflag:s8], $0x8000  }
0x1c7: {  	s0 =	smov.u32 @p1 s9;
	[sflag:s8] =	ssyncset.done $0x0  }
0x1c8: {  	s0 =	sadd.s32 s29, s0;
	[sflag:s8] =	ssyncadd.s32 $0xFFFF8000  }
0x1c9: {  	[tilespmem:s17], [sflag:$0x3] =	stream.linear.gather [hbm4b:s0+s2], $0x8000, $0x38;
	[tilespmem:$0x19080] =	vst v63  }
0x1ca: {  	_ =	swait.ge [sflag:s6], $0x8000  }
0x1cb: {  	[sflag:s6] =	ssyncset.done $0x0  }
0x1cc: {  	s11 =	rddreg [dreg:$0xd];
	[sflag:s6] =	ssyncadd.s32 $0xFFFF8000  }
0x1cd: {  	[hbm4b:s11+s2] =	stream.linear.scatter [tilespmem:s19], [sflag:$0x5], $0x8000, $0x38;
	[tilespmem:$0x19080] =	vst v63  }
0x1ce: {  	s0 =	smov.u32 s26;
	_ =	swait.ge [sflag:s5], $0x8000  }
0x1cf: {  	s0 =	smov.u32 @p1 s21;
	[sflag:s5] =	ssyncset.done $0x0  }
0x1d0: {  	s0 =	sadd.s32 s29, s0;
	[sflag:s5] =	ssyncadd.s32 $0xFFFF8000  }
0x1d1: {  	[tilespmem:s2], [sflag:$0x1] =	stream.linear.gather [hbm4b:s0+s2], $0x8000, $0x38;
	[tilespmem:$0x19080] =	vst v63  }
0x1d2: {  	_ =	swait.ge [sflag:s25], $0x8000  }
0x1d3: {  	[sflag:s25] =	ssyncset.done $0x0  }
0x1d4: {  	s14 =	rddreg [dreg:$0xe];
	[sflag:s25] =	ssyncadd.s32 $0xFFFF8000  }
0x1d5: {  	[hbm4b:s14+s2] =	stream.linear.scatter [tilespmem:s17], [sflag:$0x6], $0x8000, $0x38;
	[tilespmem:$0x19080] =	vst v63  }
0x1d6: {  	s0 =	smov.u32 s16;
	_ =	swait.ge [sflag:s22], $0x8000  }
0x1d7: {  	s0 =	smov.u32 @p1 s10;
	[sflag:s22] =	ssyncset.done $0x0  }
0x1d8: {  	s0 =	sadd.s32 s29, s0;
	[sflag:s22] =	ssyncadd.s32 $0xFFFF8000  }
0x1d9: {  	[tilespmem:s19], [sflag:$0x2] =	stream.linear.gather [hbm4b:s0+s2], $0x8000, $0x38;
	[tilespmem:$0x19080] =	vst v63  }
0x1da: {  	_ =	swait.ge [sflag:s28], $0x8000  }
0x1db: {  	[sflag:s28] =	ssyncset.done $0x0  }
0x1dc: {  	s29 =	rddreg [dreg:$0xf];
	[sflag:s28] =	ssyncadd.s32 $0xFFFF8000  }
0x1dd: {  	[hbm4b:s29+s2] =	stream.linear.scatter [tilespmem:s2], [sflag:$0x4], $0x8000, $0x38;
	[tilespmem:$0x19080] =	vst v63  }
0x1de: {  	p1 =	seq.s32 s31, s4;
	s0 =	smov.u32 s20;
	_ =	swait.ge [sflag:s8], $0x8000  }
0x1df: {  	s0 =	smov.u32 @p1 s12;
	[sflag:s8] =	ssyncset.done $0x0  }
0x1e0: {  	s0 =	sadd.s32 s0, s24;
	[sflag:s8] =	ssyncadd.s32 $0xFFFF8000  }
0x1e1: {  	[tilespmem:s17], [sflag:$0x3] =	stream.linear.gather [hbm4b:s0+s2], $0x8000, $0x38;
	[tilespmem:$0x19080] =	vst v63  }
0x1e2: {  	_ =	swait.ge [sflag:s6], $0x8000  }
0x1e3: {  	[sflag:s6] =	ssyncset.done $0x0  }
0x1e4: {  	s31 =	rddreg [dreg:$0x10];
	[sflag:s6] =	ssyncadd.s32 $0xFFFF8000  }
0x1e5: {  	[hbm4b:s31+s2] =	stream.linear.scatter [tilespmem:s19], [sflag:$0x5], $0x8000, $0x38;
	[tilespmem:$0x19080] =	vst v63  }
0x1e6: {  	s0 =	smov.u32 s23;
	_ =	swait.ge [sflag:s5], $0x8000  }
0x1e7: {  	s0 =	smov.u32 @p1 s9;
	[sflag:s5] =	ssyncset.done $0x0  }
0x1e8: {  	s0 =	sadd.s32 s24, s0;
	[sflag:s5] =	ssyncadd.s32 $0xFFFF8000  }
0x1e9: {  	[tilespmem:s2], [sflag:$0x1] =	stream.linear.gather [hbm4b:s0+s2], $0x8000, $0x38;
	[tilespmem:$0x19080] =	vst v63  }
0x1ea: {  	_ =	swait.ge [sflag:s25], $0x8000  }
0x1eb: {  	[sflag:s25] =	ssyncset.done $0x0  }
0x1ec: {  	s1 =	rddreg [dreg:$0x11];
	[sflag:s25] =	ssyncadd.s32 $0xFFFF8000  }
0x1ed: {  	[hbm4b:s1+s2] =	stream.linear.scatter [tilespmem:s17], [sflag:$0x6], $0x8000, $0x38;
	[tilespmem:$0x19080] =	vst v63  }
0x1ee: {  	s0 =	smov.u32 s26;
	_ =	swait.ge [sflag:s22], $0x8000  }
0x1ef: {  	s0 =	smov.u32 @p1 s21;
	[sflag:s22] =	ssyncset.done $0x0  }
0x1f0: {  	s0 =	sadd.s32 s24, s0;
	[sflag:s22] =	ssyncadd.s32 $0xFFFF8000  }
0x1f1: {  	[tilespmem:s19], [sflag:$0x2] =	stream.linear.gather [hbm4b:s0+s2], $0x8000, $0x38;
	[tilespmem:$0x19080] =	vst v63  }
0x1f2: {  	_ =	swait.ge [sflag:s28], $0x8000  }
0x1f3: {  	[sflag:s28] =	ssyncset.done $0x0  }
0x1f4: {  	s7 =	rddreg [dreg:$0x12];
	[sflag:s28] =	ssyncadd.s32 $0xFFFF8000  }
0x1f5: {  	[hbm4b:s7+s2] =	stream.linear.scatter [tilespmem:s2], [sflag:$0x4], $0x8000, $0x38;
	[tilespmem:$0x19080] =	vst v63  }
0x1f6: {  	s0 =	smov.u32 s16;
	_ =	swait.ge [sflag:s8], $0x8000  }
0x1f7: {  	s0 =	smov.u32 @p1 s10;
	[sflag:s8] =	ssyncset.done $0x0  }
0x1f8: {  	s0 =	sadd.s32 s24, s0;
	[sflag:s8] =	ssyncadd.s32 $0xFFFF8000  }
0x1f9: {  	[tilespmem:s17], [sflag:$0x3] =	stream.linear.gather [hbm4b:s0+s2], $0x8000, $0x38;
	[tilespmem:$0x19080] =	vst v63  }
0x1fa: {  	_ =	swait.ge [sflag:s6], $0x8000  }
0x1fb: {  	[sflag:s6] =	ssyncset.done $0x0  }
0x1fc: {  	s11 =	rddreg [dreg:$0x13];
	[sflag:s6] =	ssyncadd.s32 $0xFFFF8000  }
0x1fd: {  	[hbm4b:s11+s2] =	stream.linear.scatter [tilespmem:s19], [sflag:$0x5], $0x8000, $0x38;
	[tilespmem:$0x19080] =	vst v63  }
0x1fe: {  	p1 =	seq.s32 s30, s4;
	_ =	swait.ge [sflag:s5], $0x8000  }
0x1ff: {  	s20 =	smov.u32 @p1 s12;
	[sflag:s5] =	ssyncset.done $0x0  }
0x200: {  	s12 =	sadd.s32 s20, s15;
	[sflag:s5] =	ssyncadd.s32 $0xFFFF8000  }
0x201: {  	[tilespmem:s2], [sflag:$0x1] =	stream.linear.gather [hbm4b:s12+s2], $0x8000, $0x38;
	[tilespmem:$0x19080] =	vst v63  }
0x202: {  	_ =	swait.ge [sflag:s25], $0x8000  }
0x203: {  	[sflag:s25] =	ssyncset.done $0x0  }
0x204: {  	s14 =	rddreg [dreg:$0x14];
	[sflag:s25] =	ssyncadd.s32 $0xFFFF8000  }
0x205: {  	[hbm4b:s14+s2] =	stream.linear.scatter [tilespmem:s17], [sflag:$0x6], $0x8000, $0x38;
	[tilespmem:$0x19080] =	vst v63  }
0x206: {  	_ =	swait.ge [sflag:s22], $0x8000  }
0x207: {  	s23 =	smov.u32 @p1 s9;
	[sflag:s22] =	ssyncset.done $0x0  }
0x208: {  	s20 =	sadd.s32 s15, s23;
	[sflag:s22] =	ssyncadd.s32 $0xFFFF8000  }
0x209: {  	[tilespmem:s19], [sflag:$0x2] =	stream.linear.gather [hbm4b:s20+s2], $0x8000, $0x38;
	[tilespmem:$0x19080] =	vst v63  }
0x20a: {  	_ =	swait.ge [sflag:s28], $0x8000  }
0x20b: {  	[sflag:s28] =	ssyncset.done $0x0  }
0x20c: {  	s23 =	rddreg [dreg:$0x15];
	[sflag:s28] =	ssyncadd.s32 $0xFFFF8000  }
0x20d: {  	[hbm4b:s23+s2] =	stream.linear.scatter [tilespmem:s2], [sflag:$0x4], $0x8000, $0x38;
	[tilespmem:$0x19080] =	vst v63  }
0x20e: {  	s26 =	smov.u32 @p1 s21;
	_ =	swait.ge [sflag:s8], $0x8000  }
0x20f: {  	s24 =	sadd.s32 s15, s26;
	s0 =	sxor.u32 $0x80000000, s3;
	[sflag:s8] =	ssyncset.done $0x0  }
0x210: {  	s1 =	sshra.s32 @!p0 s0, $0x1F;
	s4 =	smulhi.u32 @!p0 $0x10624DD3, s0;
	[sflag:s8] =	ssyncadd.s32 $0xFFFF8000  }
0x211: {  	[tilespmem:s17], [sflag:$0x3] =	stream.linear.gather [hbm4b:s24+s2], $0x8000, $0x38;
	[tilespmem:$0x19080] =	vst v63  }
0x212: {  	s1 =	smul.u32 @!p0 $0x10624DD3, s1;
	_ =	swait.ge [sflag:s6], $0x8000  }
0x213: {  	p2 =	sgt.s32 @!p0 s3, $0xFFFFFFFF;
	[sflag:s6] =	ssyncset.done $0x0  }
0x214: {  	s1 =	sadd.s32 @!p0 s1, s4;
	s26 =	rddreg [dreg:$0x16];
	[sflag:s6] =	ssyncadd.s32 $0xFFFF8000  }
0x215: {  	[hbm4b:s26+s2] =	stream.linear.scatter [tilespmem:s19], [sflag:$0x5], $0x8000, $0x38;
	[tilespmem:$0x19080] =	vst v63  }
0x216: {  	s6 =	sshrl.u32 @!p0 s1, $0x1F;
	s1 =	sshra.s32 @!p0 s1, $0x8;
	_ =	swait.ge [sflag:s5], $0x8000  }
0x217: {  	s16 =	smov.u32 @p1 s10;
	s1 =	sadd.s32 @!p0 s6, s1;
	[sflag:s5] =	ssyncset.done $0x0  }
0x218: {  	s29 =	sadd.s32 s15, s16;
	s4 =	smul.u32 @!p0 $0xFFFFF060, s1;
	[sflag:s5] =	ssyncadd.s32 $0xFFFF8000  }
0x219: {  	[tilespmem:s2], [sflag:$0x1] =	stream.linear.gather [hbm4b:s29+s2], $0x8000, $0x38;
	[tilespmem:$0x19080] =	vst v63  }
0x21a: {  	p1 =	slt.s32 @!p0 s0, $0x1;
	s6 =	ssub.s32 @!p0 $0x0, s0;
	_ =	swait.ge [sflag:s25], $0x8000  }
0x21b: {  	p2 =	por @!p0 p2, p1;
	p3 =	sne.s32 @!p0 s4, s6;
	[sflag:s25] =	ssyncset.done $0x0  }
0x21c: {  	p1 =	por @!p0 !p2, !p3;
	s30 =	rddreg [dreg:$0x17];
	[sflag:s25] =	ssyncadd.s32 $0xFFFF8000  }
0x21d: {  	[hbm4b:s30+s2] =	stream.linear.scatter [tilespmem:s17], [sflag:$0x6], $0x8000, $0x38;
	[tilespmem:$0x19080] =	vst v63  }
0x21e: {  	p1 =	por @!p0 !p1, !p1;
	_ =	swait.ge [sflag:s22], $0x8000  }
0x21f: {  	s4 =	simm.s32 @!p0 $0x1;
	p1 =	por !p1, p0;
	[sflag:s22] =	ssyncset.done $0x0  }
0x220: {  	s4 =	simm.s32 @p1 $0x0;
	[sflag:s22] =	ssyncadd.s32 $0xFFFF8000  }
0x221: {  	s1 =	ssub.s32 @!p0 s1, s4;
	_ =	swait.ge [sflag:s28], $0x8000  }
0x222: {  	p3 =	sne.s32 @!p0 s18, s1;
	[sflag:s28] =	ssyncset.done $0x0  }
0x223: {  	p1 =	por p3, p0;
	s31 =	rddreg [dreg:$0x18];
	[sflag:s28] =	ssyncadd.s32 $0xFFFF8000  }
0x224: {  	[hbm4b:s31+s2] =	stream.linear.scatter [tilespmem:s2], [sflag:$0x4], $0x8000, $0x38;
	[tilespmem:$0x19080] =	vst v63  }
0x225: {  	s2 =	sand.u32 @!p1 $0xF, s3;
	_ =	swait.ge [sflag:s8], $0x8000  }
0x226: {  	s4 =	simm.s32 @!p0 $0x18000;
	p4 =	sne.s32 @!p1 s2, $0x0;
	[sflag:s8] =	ssyncset.done $0x0  }
0x227: {  	s1 =	sshra.s32 @!p1 s0, $0x1F;
	p2 =	por @!p1 !p4, !p2;
	[sflag:s8] =	ssyncadd.s32 $0xFFFF8000  }
0x228: {  	s1 =	sshrl.u32 @!p1 s1, $0x1C;
	p2 =	por @!p1 !p2, !p2;
	_ =	swait.ge [sflag:s5], $0x8000  }
0x229: {  	s1 =	sadd.s32 @!p1 s1, s0;
	p2 =	por @!p0 !p2, p3;
	[sflag:s5] =	ssyncset.done $0x0  }
0x22a: {  	s2 =	rddreg [dreg:$0x19];
	[sflag:s5] =	ssyncadd.s32 $0xFFFF8000;
	s5 =	simm.s32 @!p0 $0x0  }
0x22b: {  	[tilespmem:s4], [sflag:$0x7] =	stream.linear.gather @!p0 [hbm4b:s2+s5], $0xFA0, $0x38;
	[tilespmem:$0x19080] =	vst v63  }
0x22c: {  	s3 =	simm.s32 @!p1 $0x1;
	p2 =	por !p2, p0;
	s2 =	simm.s32 @!p0 $0x7  }
0x22d: {  	s1 =	sshrl.u32 @!p1 s1, $0x4;
	s3 =	simm.s32 @!p2 $0x0;
	_ =	swait.ge @!p0 [sflag:s2], $0xFA0  }
0x22e: {  	s1 =	ssub.s32 @!p1 s1, s3;
	s3 =	sld [smem:$0x7FC];
	_ =	sdelay $0x1  }
0x22f: {  	s1 =	sshll.u32 @!p1 s1, $0x4;
	[sflag:s2] =	ssyncset.done @!p0 $0x0  }
0x230: {  	[sflag:s2] =	ssyncadd.s32 @!p0 $0xFFFFF060;
	s3 =	ssub.s32 @!p1 s1, s3  }
0x231: {  	v0 =	vld @!p1 [tilespmem:s3+$0x18000]  }
0x232: {  	s0 =	ssub.s32 @!p1 s0, s1  }
0x233: {  	v1 =	vlaneseq.u32 @!p1;
	v2 =	vmov @!p1 s0  }
0x234: {  	v3 =	vimm.s32 @!p1 $0x0;
	vm0 =	veq.s32 @!p1 v2, v1  }
0x235: {  	v1 =	vsel @!p1 vm0, $0x1, v3  }
0x236: {  	v0 =	vadd.s32 @!p1 v1, v0  }
0x237: {  	s0 =	rddreg [dreg:$0x1a];
	[tilespmem:s3+$0x18000] =	vst @!p1 v0  }
0x238: {  	[hbm4b:s0+s5] =	stream.linear.scatter @!p0 [tilespmem:s4], [sflag:$0x7], $0xFA0, $0x38;
	[tilespmem:$0x19080] =	vst v63  }
0x239: {  	_ =	swait.ge @!p0 [sflag:s2], $0xFA0  }
0x23a: {  	[sflag:s2] =	ssyncset.done @!p0 $0x0  }
0x23b: {  	[sflag:s2] =	ssyncadd.s32 @!p0 $0xFFFFF060  }
0x23c: {  	_ =	sfence.sel $0x180000  }
0x23d: {  	[bflag:$0x0] =	sbarrier.arrive $0xFFFF  }
0x23e: {  	_ =	strace $0x90000047  }
0x23f: {  	[bflag:$0x2] =	sbarrier.arrive $0xFFFF  }
0x240: {  	p0 =	sne.s32 s13, $0x0;
	s0 =	rddreg [dreg:$0x6]  }
0x241: {  	s0 =	sadd.s32 @!p0 $0x100000, s0  }
0x242: {  	[sflag:s0] =	ssyncadd.tile.s32 @!p0 $0x1;
	_ =	shalt  }
.LBB2_2:
0x243: {  	s16 =	sld [smem:$0x7F8]  }
.Ltmp3:
0x244: {  	s10 =	sld [smem:$0x7F7];
	(pc) =	sbr.rel .LBB2_5-.Ltmp3, $4  }
0x245: {  	s11 =	simm.s32 @!p0 $0x7;
	s14 =	simm.s32 @!p0 $0x0;
	s21 =	sld [smem:$0x7F6]  }
0x246: {  	s4 =	simm.s32 @!p0 $0x18000;
	s13 =	stileid.u32;
	s9 =	sld [smem:$0x7F9]  }
0x247: {  	s25 =	simm.s32 $0x3;
	s5 =	simm.s32 $0x4;
	s29 =	sld [smem:$0x7FA]  }
0x248: {  	s6 =	simm.s32 $0x2;
	s7 =	rddreg [dreg:$0x1f];
	s3 =	simm.s32 $0x7  }
.Lfunc_end2:
_tile_overlayer_lowered:
.L_overlay_start_2:
0x249: {  	(tag) =	ssettag $0x2  }
0x24a: {  	s0 =	rddreg [dreg:$0x0];
	s2 =	stileid.u32  }
0x24b: {  	s1 =	rddreg [dreg:$0x1];
	p0 =	sne.s32 s2, $0x0  }
0x24c: {  	s3 =	rddreg [dreg:$0x2];
	[bflag:$0x3] =	sbarrier.arrive $0xFFFF;
	s2 =	simm.s32 @!p0 $0x1C07  }
0x24d: {  	[timem:s3], [sflag:s2] =	dma.local @!p0 [hbm:s0], s1  }
0x24e: {  	s0 =	simm.s32 @!p0 $0x7  }
0x24f: {  	_ =	swait.ge @!p0 [sflag:s0], s1  }
0x250: {  	s1 =	ssub.s32 @!p0 $0x0, s1;
	[sflag:s0] =	ssyncset.done @!p0 $0x0  }
0x251: {  	[sflag:s0] =	ssyncadd.s32 @!p0 s1  }
0x252: {  	[bflag:$0x3] =	sbarrier.arrive $0xFFFF  }
0x253: {  	_ =	shalt  }

</sc_bundles>
